<compile_context>
chip_gen: v7x
topology: tpu7x:2x2x1
jax: 0.10.2.dev20260603
libtpu: 0.0.44.dev20260713+nightly
codegen_flags: <defaults>
</compile_context>

<pallas_src>
import functools

import jax
import jax.numpy as jnp
from jax import lax
from jax.experimental import pallas as pl
from jax.experimental.pallas import tpu as pltpu
from jax.experimental.pallas import tpu_sc as plsc

G = 4096
N = 65536
V = 131072
F = 64
D_IN = 16
D_OUT = 8
PK = 8

NC = 2
NS = 16
NW = NC * NS
L = 16

_mesh = functools.partial(
    plsc.VectorSubcoreMesh, core_axis_name="c", subcore_axis_name="s"
)
_sc_params = pltpu.CompilerParams(use_tc_tiling_on_sc=False,
                                  needs_layout_passes=False)

_BLK = 1024


def _tables_body(xq_ref, xt_ref, g_ref, wbig_ref, bbig_ref, bilt_ref,
                 wsel_ref, w2_ref, bdec_ref, xq_out, xtc_out, s_ref):
    i = pl.program_id(0)
    xq_out[...] = jax.nn.relu(
        jnp.dot(xq_ref[...], wbig_ref[...], preferred_element_type=jnp.float32)
        + bbig_ref[...]
    )
    ct_big = jnp.dot(bilt_ref[...], wsel_ref[...],
                     preferred_element_type=jnp.float32)
    xt_lat = jax.nn.relu(
        jnp.dot(xt_ref[...], wbig_ref[...], preferred_element_type=jnp.float32)
        + bbig_ref[...]
    )
    xtc_out[...] = jnp.dot(xt_lat, ct_big, preferred_element_type=jnp.float32)

    @pl.when(i == 0)
    def _():
        s_ref[...] = (
            jnp.dot(g_ref[...], w2_ref[...], preferred_element_type=jnp.float32)
            + bdec_ref[...]
        )


def _tables(xqr, xtr, g_emb, wbig, bbig, bil_t_big, wsel_big, w2, bdec2):
    nblk = (N // PK) // _BLK
    return pl.pallas_call(
        _tables_body,
        grid=(nblk,),
        in_specs=[
            pl.BlockSpec((_BLK, PK * F), lambda i: (i, 0)),
            pl.BlockSpec((_BLK, PK * F), lambda i: (i, 0)),
            pl.BlockSpec((G, D_IN), lambda i: (0, 0)),
            pl.BlockSpec((PK * F, PK * D_IN), lambda i: (0, 0)),
            pl.BlockSpec((1, PK * D_IN), lambda i: (0, 0)),
            pl.BlockSpec((PK * D_IN, PK * D_IN * D_OUT), lambda i: (0, 0)),
            pl.BlockSpec((PK * D_IN * D_OUT, PK * D_IN), lambda i: (0, 0)),
            pl.BlockSpec((D_IN, 1), lambda i: (0, 0)),
            pl.BlockSpec((1, 1), lambda i: (0, 0)),
        ],
        out_specs=[
            pl.BlockSpec((_BLK, PK * D_IN), lambda i: (i, 0)),
            pl.BlockSpec((_BLK, PK * D_IN), lambda i: (i, 0)),
            pl.BlockSpec((G, 1), lambda i: (0, 0)),
        ],
        out_shape=[
            jax.ShapeDtypeStruct((N // PK, PK * D_IN), jnp.float32),
            jax.ShapeDtypeStruct((N // PK, PK * D_IN), jnp.float32),
            jax.ShapeDtypeStruct((G, 1), jnp.float32),
        ],
    )(xqr, xtr, g_emb, wbig, bbig, bil_t_big, wsel_big, w2, bdec2)


_UG_PER_W = G // NW


def _u_gather_body(xqp_hbm, uidx_hbm, out_hbm, idx_v, pidx_v, rows_v, out_v,
                   sem):
    wid = lax.axis_index("s") * NC + lax.axis_index("c")
    base = wid * _UG_PER_W
    pltpu.sync_copy(uidx_hbm.at[pl.ds(base, _UG_PER_W)], idx_v)
    for t in range(_UG_PER_W // L):
        u = idx_v[pl.ds(t * L, L)]
        pidx_v[pl.ds(t * L, L)] = u // PK
    pltpu.async_copy(xqp_hbm.at[pidx_v], rows_v, sem).wait()
    lane = jnp.arange(L, dtype=jnp.int32)
    for t in range(_UG_PER_W // L):
        u = idx_v[pl.ds(t * L, L)]
        lbase = (u % PK) * D_IN
        rows16 = lane + t * L
        for d in range(D_IN):
            val = plsc.load_gather(rows_v, [rows16, lbase + d])
            plsc.store_scatter(out_v, [rows16, jnp.full((L,), d, jnp.int32)],
                               val)
    pltpu.sync_copy(out_v, out_hbm.at[pl.ds(base, _UG_PER_W)])


_u_gather = pl.kernel(
    _u_gather_body,
    out_type=jax.ShapeDtypeStruct((G, D_IN), jnp.float32),
    mesh=_mesh(),
    compiler_params=_sc_params,
    scratch_types=[
        pltpu.VMEM((_UG_PER_W,), jnp.int32),
        pltpu.VMEM((_UG_PER_W,), jnp.int32),
        pltpu.VMEM((_UG_PER_W, PK * D_IN), jnp.float32),
        pltpu.VMEM((_UG_PER_W, D_IN), jnp.float32),
        pltpu.SemaphoreType.DMA,
    ],
)


_R_PER_W = V // NW
_SUB = 256
_NSUB = _R_PER_W // _SUB


def _main_body(xtc_hbm, latq_hbm, s_hbm, vidx_hbm, vcor_hbm, out_hbm,
               s_v, idx_v, cor_v, rows_v, qrows_v, out_v, semr, semq):
    wid = lax.axis_index("s") * NC + lax.axis_index("c")
    base = wid * _R_PER_W
    pltpu.sync_copy(vidx_hbm.at[pl.ds(base, _R_PER_W)], idx_v)
    pltpu.sync_copy(vcor_hbm.at[pl.ds(base, _R_PER_W)], cor_v)

    def copies(j, p):
        boff = p * _SUB
        rc = pltpu.make_async_copy(
            xtc_hbm.at[idx_v.at[pl.ds(j * _SUB, _SUB)]],
            rows_v.at[pl.ds(boff, _SUB)], semr.at[p])
        qc = pltpu.make_async_copy(
            latq_hbm.at[cor_v.at[pl.ds(j * _SUB, _SUB)]],
            qrows_v.at[pl.ds(boff, _SUB)], semq.at[p])
        return rc, qc

    rc0, qc0 = copies(0, 0)
    rc0.start()
    qc0.start()
    pltpu.sync_copy(s_hbm, s_v)

    lane = jnp.arange(L, dtype=jnp.int32)

    def sub(j, carry):
        p = jnp.remainder(j, 2)

        @pl.when(j + 1 < _NSUB)
        def _():
            rc, qc = copies(j + 1, 1 - p)
            rc.start()
            qc.start()

        rc, qc = copies(j, p)
        rc.wait()
        qc.wait()

        off = j * _SUB
        boff = p * _SUB
        for t in range(_SUB // L):
            r0 = t * L
            g16 = cor_v[pl.ds(off + r0, L)]
            acc = plsc.load_gather(s_v, [g16])
            rows16 = lane + boff + r0
            for d in range(D_IN):
                d16 = jnp.full((L,), d, jnp.int32)
                xt_d = plsc.load_gather(rows_v, [rows16, d16])
                q_d = plsc.load_gather(qrows_v, [rows16, d16])
                acc = acc + xt_d * q_d
            out_v[pl.ds(off + r0, L)] = acc
        return carry

    lax.fori_loop(0, _NSUB, sub, 0)
    pltpu.sync_copy(out_v, out_hbm.at[pl.ds(base, _R_PER_W)])


_main = pl.kernel(
    _main_body,
    out_type=jax.ShapeDtypeStruct((V,), jnp.float32),
    mesh=_mesh(),
    compiler_params=_sc_params,
    scratch_types=[
        pltpu.VMEM((G,), jnp.float32),
        pltpu.VMEM((_R_PER_W,), jnp.int32),
        pltpu.VMEM((_R_PER_W,), jnp.int32),
        pltpu.VMEM((2 * _SUB, D_IN), jnp.float32),
        pltpu.VMEM((2 * _SUB, D_IN), jnp.float32),
        pltpu.VMEM((_R_PER_W,), jnp.float32),
        pltpu.SemaphoreType.DMA((2,)),
        pltpu.SemaphoreType.DMA((2,)),
    ],
)


def kernel(x_q, x_t, u_idx, v_idx, v_corres, g_emb, W_enc, b_enc,
           bilinear_mat, W_dec, b_dec):
    eye8 = jnp.eye(PK, dtype=jnp.float32)
    wbig = jnp.kron(eye8, W_enc)
    bbig = jnp.tile(b_enc, PK).reshape(1, PK * D_IN)

    bil_t = jnp.transpose(bilinear_mat, (1, 0, 2)).reshape(D_IN, D_IN * D_OUT)
    wsel = jnp.kron(jnp.eye(D_IN, dtype=jnp.float32), W_dec[:D_OUT])
    bil_t_big = jnp.kron(eye8, bil_t)
    wsel_big = jnp.kron(eye8, wsel)
    w2 = W_dec[D_OUT:]
    bdec2 = b_dec.reshape(1, 1)

    xqr = x_q.reshape(N // PK, PK * F)
    xtr = x_t.reshape(N // PK, PK * F)
    xq_p, xtc_p, s = _tables(xqr, xtr, g_emb, wbig, bbig, bil_t_big,
                             wsel_big, w2, bdec2)
    lat_q = _u_gather(xq_p, u_idx)
    return _main(xtc_p.reshape(N, D_IN), lat_q, s.reshape(G), v_idx, v_corres)

# --- scband reference (transcript-rebuilt; emitter-appended) ---
"""Pipeline reference for scband-bilinear-decoder-89026082111807 (READ-ONLY COPY).

The authoritative reference and input builder live on the scoring server;
editing this copy changes nothing except your own understanding.
"""

import jax, jax.numpy as jnp
import numpy as np

G = 4096
N = 65536
V = 131072
F = 64
D_IN = 16
D_OUT = 8


def setup_inputs(seed: int = 0) -> dict:
    key = jax.random.key(seed)
    ks = jax.random.split(key, 12)
    x_q = jax.random.normal(ks[0], (N, F), dtype=jnp.float32)
    x_t = jax.random.normal(ks[1], (N, F), dtype=jnp.float32)
    u_idx = jax.random.randint(ks[2], (G,), 0, N, dtype=jnp.int32)
    v_idx = jax.random.randint(ks[3], (V,), 0, N, dtype=jnp.int32)
    v_corres = jnp.sort(jax.random.randint(ks[4], (V,), 0, G, dtype=jnp.int32))
    g_emb = jax.random.normal(ks[5], (G, D_IN), dtype=jnp.float32)
    # encoder MLP (mlp_in): Linear(F, D_IN) + ReLU
    W_enc = jax.random.normal(ks[6], (F, D_IN), dtype=jnp.float32) * 0.05
    b_enc = jnp.zeros((D_IN,), dtype=jnp.float32)
    # bilinear tensor: randn(d_in, d_in, d_out) + eye(d_in)[:, :, None]
    bilinear_mat = jax.random.normal(ks[7], (D_IN, D_IN, D_OUT), dtype=jnp.float32) + jnp.eye(D_IN, dtype=jnp.float32).reshape(D_IN, D_IN, 1)
    # decoder MLP (mlp_out): Linear(D_OUT + D_IN, 1)
    W_dec = jax.random.normal(ks[8], (D_OUT + D_IN, 1), dtype=jnp.float32) * 0.05
    b_dec = jnp.zeros((1,), dtype=jnp.float32)
    return {
        "x_q": x_q,
        "x_t": x_t,
        "u_idx": u_idx,
        "v_idx": v_idx,
        "v_corres": v_corres,
        "g_emb": g_emb,
        "W_enc": W_enc,
        "b_enc": b_enc,
        "bilinear_mat": bilinear_mat,
        "W_dec": W_dec,
        "b_dec": b_dec,
    }


def reference(x_q, x_t, u_idx, v_idx, v_corres, g_emb, W_enc, b_enc, bilinear_mat, W_dec, b_dec):
    # u_idx / v_idx are the globally-offset node indices (transform_u / transform_v_li
    # applied already); v_corres is the per-pair graph id (correspondence_li).
    g_emb_sp = jnp.take(g_emb, v_corres, axis=0)            # [V, D_IN]
    u_emb = jnp.take(x_q, u_idx, axis=0)                    # [G, F]
    v_emb = jnp.take(x_t, v_idx, axis=0)                    # [V, F]
    Xsgq_latent = jax.nn.relu(u_emb @ W_enc + b_enc)        # [G, D_IN]
    Xsgt_latent = jax.nn.relu(v_emb @ W_enc + b_enc)        # [V, D_IN]
    Xsgq_latent_corres = jnp.take(Xsgq_latent, v_corres, axis=0)  # [V, D_IN]
    A = jnp.einsum('ik,klj->ilj', Xsgq_latent_corres, bilinear_mat)  # [V, D_IN, D_OUT]
    B = Xsgt_latent[:, :, None]                             # [V, D_IN, 1]
    result = A * B
    sim_latent = result.sum(axis=1)                         # [V, D_OUT]
    sim = jnp.concatenate([sim_latent, g_emb_sp], axis=1) @ W_dec + b_dec  # [V, 1]
    return sim.reshape(-1)                                  # flat ragged scores; split by v_corres downstream

if __name__ == "__main__":
    import jax
    _d = setup_inputs()
    print(jax.jit(kernel)(*tuple(_d.values())))

</pallas_src>

<mosaic_0001>
#map = affine_map<(d0, d1) -> (0, 0)>
#map1 = affine_map<(d0, d1) -> (0)>
module attributes {stable_mosaic.version = 14 : i64} {
  func.func @_main_body(%arg0: i32, %arg1: i32, %arg2: memref<65536x16xf32, #tpu.memory_space<hbm>>, %arg3: memref<4096x16xf32, #tpu.memory_space<hbm>>, %arg4: memref<4096xf32, #tpu.memory_space<hbm>>, %arg5: memref<131072xi32, #tpu.memory_space<hbm>>, %arg6: memref<131072xi32, #tpu.memory_space<hbm>>, %arg7: memref<131072xf32, #tpu.memory_space<hbm>>, %arg8: memref<4096xf32, #tpu.memory_space<vmem>>, %arg9: memref<4096xi32, #tpu.memory_space<vmem>>, %arg10: memref<4096xi32, #tpu.memory_space<vmem>>, %arg11: memref<512x16xf32, #tpu.memory_space<vmem>>, %arg12: memref<512x16xf32, #tpu.memory_space<vmem>>, %arg13: memref<4096xf32, #tpu.memory_space<vmem>>, %arg14: memref<2x!tpu.dma_semaphore, #tpu.memory_space<semaphore_mem>>, %arg15: memref<2x!tpu.dma_semaphore, #tpu.memory_space<semaphore_mem>>) attributes {dimension_semantics = [#tpu.dimension_semantics<core_parallel>, #tpu.dimension_semantics<subcore_parallel>], iteration_bounds = array<i64: 2, 16>, scalar_prefetch = 0 : i64, scratch_operands = 8 : i64, tpu.core_type = #tpu.core_type<sc_vector_subcore>, window_params = [{transform_indices = #map}, {transform_indices = #map}, {transform_indices = #map1}, {transform_indices = #map1}, {transform_indices = #map1}, {transform_indices = #map1}]} {
    %mul3A = arith.constant 2 : i32
    %mul3A_0 = arith.muli %arg1, %mul3A : i32
    %add3A = arith.addi %mul3A_0, %arg0 : i32
    %mul3A_1 = arith.constant 4096 : i32
    %mul3A_2 = arith.muli %add3A, %mul3A_1 : i32
    "tpu.region"() ({
      %run_scoped3A = tpu.sem_alloc : memref<!tpu.dma_semaphore, #tpu.memory_space<semaphore_mem>>
      %dma_start3A_29 = tpu.memref_slice %arg5[%mul3A_2] : memref<131072xi32, #tpu.memory_space<hbm>> -> memref<4096xi32, #tpu.memory_space<hbm>>
      %dma_start3A_30 = tpu.memref_slice %arg5[%mul3A_2] : memref<131072xi32, #tpu.memory_space<hbm>> -> memref<4096xi32, #tpu.memory_space<hbm>>
      tpu.enqueue_dma source(%dma_start3A_30 : memref<4096xi32, #tpu.memory_space<hbm>>) target(%arg9 : memref<4096xi32, #tpu.memory_space<vmem>>) target_semaphore(%run_scoped3A : memref<!tpu.dma_semaphore, #tpu.memory_space<semaphore_mem>>)
      %dma_wait3A = tpu.memref_slice %arg5[%mul3A_2] : memref<131072xi32, #tpu.memory_space<hbm>> -> memref<4096xi32, #tpu.memory_space<hbm>>
      %dma_wait3A_31 = tpu.memref_slice %arg5[%mul3A_2] : memref<131072xi32, #tpu.memory_space<hbm>> -> memref<4096xi32, #tpu.memory_space<hbm>>
      tpu.wait_dma2 semaphore(%run_scoped3A : memref<!tpu.dma_semaphore, #tpu.memory_space<semaphore_mem>>) src(%dma_wait3A_31 : memref<4096xi32, #tpu.memory_space<hbm>>) dst(%arg9 : memref<4096xi32, #tpu.memory_space<vmem>>)
      tpu.yield
    }) : () -> ()
    "tpu.region"() ({
      %run_scoped3A = tpu.sem_alloc : memref<!tpu.dma_semaphore, #tpu.memory_space<semaphore_mem>>
      %dma_start3A_29 = tpu.memref_slice %arg6[%mul3A_2] : memref<131072xi32, #tpu.memory_space<hbm>> -> memref<4096xi32, #tpu.memory_space<hbm>>
      %dma_start3A_30 = tpu.memref_slice %arg6[%mul3A_2] : memref<131072xi32, #tpu.memory_space<hbm>> -> memref<4096xi32, #tpu.memory_space<hbm>>
      tpu.enqueue_dma source(%dma_start3A_30 : memref<4096xi32, #tpu.memory_space<hbm>>) target(%arg10 : memref<4096xi32, #tpu.memory_space<vmem>>) target_semaphore(%run_scoped3A : memref<!tpu.dma_semaphore, #tpu.memory_space<semaphore_mem>>)
      %dma_wait3A = tpu.memref_slice %arg6[%mul3A_2] : memref<131072xi32, #tpu.memory_space<hbm>> -> memref<4096xi32, #tpu.memory_space<hbm>>
      %dma_wait3A_31 = tpu.memref_slice %arg6[%mul3A_2] : memref<131072xi32, #tpu.memory_space<hbm>> -> memref<4096xi32, #tpu.memory_space<hbm>>
      tpu.wait_dma2 semaphore(%run_scoped3A : memref<!tpu.dma_semaphore, #tpu.memory_space<semaphore_mem>>) src(%dma_wait3A_31 : memref<4096xi32, #tpu.memory_space<hbm>>) dst(%arg10 : memref<4096xi32, #tpu.memory_space<vmem>>)
      tpu.yield
    }) : () -> ()
    %dma_start3A = arith.constant 0 : i32
    %dma_start3A_3 = arith.constant 0 : i32
    %dma_start3A_4 = arith.constant 0 : i32
    %dma_start3A_5 = tpu.memref_slice %arg11[%dma_start3A_3, %dma_start3A_4] : memref<512x16xf32, #tpu.memory_space<vmem>> -> memref<256x16xf32, #tpu.memory_space<vmem>>
    %dma_start3A_6 = arith.constant 0 : i32
    %dma_start3A_7 = tpu.memref_slice %arg9[%dma_start3A_6] : memref<4096xi32, #tpu.memory_space<vmem>> -> memref<256xi32, #tpu.memory_space<vmem>>
    %dma_start3A_8 = arith.constant 0 : i32
    %dma_start3A_9 = arith.constant 0 : i32
    %dma_start3A_10 = tpu.memref_slice %arg2[%dma_start3A_8, %dma_start3A_9] : memref<65536x16xf32, #tpu.memory_space<hbm>> -> memref<65536x16xf32, #tpu.memory_space<hbm>>
    %dma_start3A_11 = tpu.memref_slice %arg14[%dma_start3A] : memref<2x!tpu.dma_semaphore, #tpu.memory_space<semaphore_mem>> -> memref<1x!tpu.dma_semaphore, #tpu.memory_space<semaphore_mem>>
    %dma_start3A_12 = tpu.memref_squeeze %dma_start3A_11 : memref<1x!tpu.dma_semaphore, #tpu.memory_space<semaphore_mem>> -> memref<!tpu.dma_semaphore, #tpu.memory_space<semaphore_mem>>
    tpu.enqueue_indirect_dma source(%dma_start3A_10 : memref<65536x16xf32, #tpu.memory_space<hbm>>) target(%dma_start3A_5 : memref<256x16xf32, #tpu.memory_space<vmem>>) offsets(%dma_start3A_7 : memref<256xi32, #tpu.memory_space<vmem>>) semaphore(%dma_start3A_12 : memref<!tpu.dma_semaphore, #tpu.memory_space<semaphore_mem>>)
    %dma_start3A_13 = arith.constant 0 : i32
    %dma_start3A_14 = arith.constant 0 : i32
    %dma_start3A_15 = arith.constant 0 : i32
    %dma_start3A_16 = tpu.memref_slice %arg12[%dma_start3A_14, %dma_start3A_15] : memref<512x16xf32, #tpu.memory_space<vmem>> -> memref<256x16xf32, #tpu.memory_space<vmem>>
    %dma_start3A_17 = arith.constant 0 : i32
    %dma_start3A_18 = tpu.memref_slice %arg10[%dma_start3A_17] : memref<4096xi32, #tpu.memory_space<vmem>> -> memref<256xi32, #tpu.memory_space<vmem>>
    %dma_start3A_19 = arith.constant 0 : i32
    %dma_start3A_20 = arith.constant 0 : i32
    %dma_start3A_21 = tpu.memref_slice %arg3[%dma_start3A_19, %dma_start3A_20] : memref<4096x16xf32, #tpu.memory_space<hbm>> -> memref<4096x16xf32, #tpu.memory_space<hbm>>
    %dma_start3A_22 = tpu.memref_slice %arg15[%dma_start3A_13] : memref<2x!tpu.dma_semaphore, #tpu.memory_space<semaphore_mem>> -> memref<1x!tpu.dma_semaphore, #tpu.memory_space<semaphore_mem>>
    %dma_start3A_23 = tpu.memref_squeeze %dma_start3A_22 : memref<1x!tpu.dma_semaphore, #tpu.memory_space<semaphore_mem>> -> memref<!tpu.dma_semaphore, #tpu.memory_space<semaphore_mem>>
    tpu.enqueue_indirect_dma source(%dma_start3A_21 : memref<4096x16xf32, #tpu.memory_space<hbm>>) target(%dma_start3A_16 : memref<256x16xf32, #tpu.memory_space<vmem>>) offsets(%dma_start3A_18 : memref<256xi32, #tpu.memory_space<vmem>>) semaphore(%dma_start3A_23 : memref<!tpu.dma_semaphore, #tpu.memory_space<semaphore_mem>>)
    "tpu.region"() ({
      %run_scoped3A = tpu.sem_alloc : memref<!tpu.dma_semaphore, #tpu.memory_space<semaphore_mem>>
      tpu.enqueue_dma source(%arg4 : memref<4096xf32, #tpu.memory_space<hbm>>) target(%arg8 : memref<4096xf32, #tpu.memory_space<vmem>>) target_semaphore(%run_scoped3A : memref<!tpu.dma_semaphore, #tpu.memory_space<semaphore_mem>>)
      tpu.wait_dma2 semaphore(%run_scoped3A : memref<!tpu.dma_semaphore, #tpu.memory_space<semaphore_mem>>) src(%arg4 : memref<4096xf32, #tpu.memory_space<hbm>>) dst(%arg8 : memref<4096xf32, #tpu.memory_space<vmem>>)
      tpu.yield
    }) : () -> ()
    %iota3A = tpu.iota {dimensions = array<i32: 0>} : vector<16xi32>
    %scan3A = arith.constant 0 : i32
    %scan3A_24 = arith.constant 0 : i32
    %scan3A_25 = arith.constant 16 : i32
    %scan3A_26 = arith.addi %scan3A_24, %scan3A_25 : i32
    %scan3A_27 = arith.constant 1 : i32
    scf.for %scan3A_29 = %scan3A_24 to %scan3A_26 step %scan3A_27  : i32 {
      %jit3A = arith.constant 2 : i32
      %eq3A = arith.constant 0 : i32
      %eq3A_30 = arith.cmpi eq, %jit3A, %eq3A : i32
      %jit3A_31 = arith.constant 1 : i32
      %select_n3A = arith.select %eq3A_30, %jit3A_31, %jit3A : i32
      %rem3A = arith.remsi %scan3A_29, %select_n3A : i32
      %ne3A = arith.constant 0 : i32
      %ne3A_32 = arith.cmpi ne, %rem3A, %ne3A : i32
      %lt3A = arith.constant 0 : i32
      %lt3A_33 = arith.cmpi slt, %rem3A, %lt3A : i32
      %lt3A_34 = arith.constant 0 : i32
      %lt3A_35 = arith.cmpi slt, %select_n3A, %lt3A_34 : i32
      %ne3A_36 = arith.xori %lt3A_33, %lt3A_35 : i1
      %and3A = arith.andi %ne3A_36, %ne3A_32 : i1
      %add3A_37 = arith.addi %rem3A, %select_n3A : i32
      %select_n3A_38 = arith.select %and3A, %add3A_37, %rem3A : i32
      %add3A_39 = arith.constant 1 : i32
      %add3A_40 = arith.addi %scan3A_29, %add3A_39 : i32
      %lt3A_41 = arith.constant 16 : i32
      %lt3A_42 = arith.cmpi slt, %add3A_40, %lt3A_41 : i32
      %convert_element_type3A = arith.extui %lt3A_42 : i1 to i32
      %cond3A = arith.constant 0 : i32
      %cond3A_43 = arith.cmpi ne, %convert_element_type3A, %cond3A : i32
      scf.if %cond3A_43 {
        %add3A_1825 = arith.constant 1 : i32
        %add3A_1826 = arith.addi %scan3A_29, %add3A_1825 : i32
        %sub3A = arith.constant 1 : i32
        %sub3A_1827 = arith.subi %sub3A, %select_n3A_38 : i32
        %mul3A_1828 = arith.constant 256 : i32
        %mul3A_1829 = arith.muli %sub3A_1827, %mul3A_1828 : i32
        %mul3A_1830 = arith.constant 256 : i32
        %mul3A_1831 = arith.muli %add3A_1826, %mul3A_1830 : i32
        %mul3A_1832 = arith.constant 256 : i32
        %mul3A_1833 = arith.muli %add3A_1826, %mul3A_1832 : i32
        %dma_start3A_1834 = arith.constant 0 : i32
        %dma_start3A_1835 = tpu.memref_slice %arg11[%mul3A_1829, %dma_start3A_1834] : memref<512x16xf32, #tpu.memory_space<vmem>> -> memref<256x16xf32, #tpu.memory_space<vmem>>
        %dma_start3A_1836 = tpu.memref_slice %arg9[%mul3A_1831] : memref<4096xi32, #tpu.memory_space<vmem>> -> memref<256xi32, #tpu.memory_space<vmem>>
        %dma_start3A_1837 = arith.constant 0 : i32
        %dma_start3A_1838 = arith.constant 0 : i32
        %dma_start3A_1839 = tpu.memref_slice %arg2[%dma_start3A_1837, %dma_start3A_1838] : memref<65536x16xf32, #tpu.memory_space<hbm>> -> memref<65536x16xf32, #tpu.memory_space<hbm>>
        %dma_start3A_1840 = tpu.memref_slice %arg14[%sub3A_1827] : memref<2x!tpu.dma_semaphore, #tpu.memory_space<semaphore_mem>> -> memref<1x!tpu.dma_semaphore, #tpu.memory_space<semaphore_mem>>
        %dma_start3A_1841 = tpu.memref_squeeze %dma_start3A_1840 : memref<1x!tpu.dma_semaphore, #tpu.memory_space<semaphore_mem>> -> memref<!tpu.dma_semaphore, #tpu.memory_space<semaphore_mem>>
        tpu.enqueue_indirect_dma source(%dma_start3A_1839 : memref<65536x16xf32, #tpu.memory_space<hbm>>) target(%dma_start3A_1835 : memref<256x16xf32, #tpu.memory_space<vmem>>) offsets(%dma_start3A_1836 : memref<256xi32, #tpu.memory_space<vmem>>) semaphore(%dma_start3A_1841 : memref<!tpu.dma_semaphore, #tpu.memory_space<semaphore_mem>>)
        %dma_start3A_1842 = arith.constant 0 : i32
        %dma_start3A_1843 = tpu.memref_slice %arg12[%mul3A_1829, %dma_start3A_1842] : memref<512x16xf32, #tpu.memory_space<vmem>> -> memref<256x16xf32, #tpu.memory_space<vmem>>
        %dma_start3A_1844 = tpu.memref_slice %arg10[%mul3A_1833] : memref<4096xi32, #tpu.memory_space<vmem>> -> memref<256xi32, #tpu.memory_space<vmem>>
        %dma_start3A_1845 = arith.constant 0 : i32
        %dma_start3A_1846 = arith.constant 0 : i32
        %dma_start3A_1847 = tpu.memref_slice %arg3[%dma_start3A_1845, %dma_start3A_1846] : memref<4096x16xf32, #tpu.memory_space<hbm>> -> memref<4096x16xf32, #tpu.memory_space<hbm>>
        %dma_start3A_1848 = tpu.memref_slice %arg15[%sub3A_1827] : memref<2x!tpu.dma_semaphore, #tpu.memory_space<semaphore_mem>> -> memref<1x!tpu.dma_semaphore, #tpu.memory_space<semaphore_mem>>
        %dma_start3A_1849 = tpu.memref_squeeze %dma_start3A_1848 : memref<1x!tpu.dma_semaphore, #tpu.memory_space<semaphore_mem>> -> memref<!tpu.dma_semaphore, #tpu.memory_space<semaphore_mem>>
        tpu.enqueue_indirect_dma source(%dma_start3A_1847 : memref<4096x16xf32, #tpu.memory_space<hbm>>) target(%dma_start3A_1843 : memref<256x16xf32, #tpu.memory_space<vmem>>) offsets(%dma_start3A_1844 : memref<256xi32, #tpu.memory_space<vmem>>) semaphore(%dma_start3A_1849 : memref<!tpu.dma_semaphore, #tpu.memory_space<semaphore_mem>>)
      } else {
      }
      %mul3A_44 = arith.constant 256 : i32
      %mul3A_45 = arith.muli %select_n3A_38, %mul3A_44 : i32
      %mul3A_46 = arith.constant 256 : i32
      %mul3A_47 = arith.muli %scan3A_29, %mul3A_46 : i32
      %mul3A_48 = arith.constant 256 : i32
      %mul3A_49 = arith.muli %scan3A_29, %mul3A_48 : i32
      %dma_wait3A = arith.constant 0 : i32
      %dma_wait3A_50 = tpu.memref_slice %arg11[%mul3A_45, %dma_wait3A] : memref<512x16xf32, #tpu.memory_space<vmem>> -> memref<256x16xf32, #tpu.memory_space<vmem>>
      %dma_wait3A_51 = tpu.memref_slice %arg9[%mul3A_47] : memref<4096xi32, #tpu.memory_space<vmem>> -> memref<256xi32, #tpu.memory_space<vmem>>
      %dma_wait3A_52 = arith.constant 0 : i32
      %dma_wait3A_53 = arith.constant 0 : i32
      %dma_wait3A_54 = tpu.memref_slice %arg2[%dma_wait3A_52, %dma_wait3A_53] : memref<65536x16xf32, #tpu.memory_space<hbm>> -> memref<65536x16xf32, #tpu.memory_space<hbm>>
      %dma_wait3A_55 = tpu.memref_slice %arg14[%select_n3A_38] : memref<2x!tpu.dma_semaphore, #tpu.memory_space<semaphore_mem>> -> memref<1x!tpu.dma_semaphore, #tpu.memory_space<semaphore_mem>>
      %dma_wait3A_56 = tpu.memref_squeeze %dma_wait3A_55 : memref<1x!tpu.dma_semaphore, #tpu.memory_space<semaphore_mem>> -> memref<!tpu.dma_semaphore, #tpu.memory_space<semaphore_mem>>
      tpu.wait_indirect_dma semaphore(%dma_wait3A_56 : memref<!tpu.dma_semaphore, #tpu.memory_space<semaphore_mem>>) src(%dma_wait3A_54 : memref<65536x16xf32, #tpu.memory_space<hbm>>) dst(%dma_wait3A_50 : memref<256x16xf32, #tpu.memory_space<vmem>>)
      %dma_wait3A_57 = arith.constant 0 : i32
      %dma_wait3A_58 = tpu.memref_slice %arg12[%mul3A_45, %dma_wait3A_57] : memref<512x16xf32, #tpu.memory_space<vmem>> -> memref<256x16xf32, #tpu.memory_space<vmem>>
      %dma_wait3A_59 = tpu.memref_slice %arg10[%mul3A_49] : memref<4096xi32, #tpu.memory_space<vmem>> -> memref<256xi32, #tpu.memory_space<vmem>>
      %dma_wait3A_60 = arith.constant 0 : i32
      %dma_wait3A_61 = arith.constant 0 : i32
      %dma_wait3A_62 = tpu.memref_slice %arg3[%dma_wait3A_60, %dma_wait3A_61] : memref<4096x16xf32, #tpu.memory_space<hbm>> -> memref<4096x16xf32, #tpu.memory_space<hbm>>
      %dma_wait3A_63 = tpu.memref_slice %arg15[%select_n3A_38] : memref<2x!tpu.dma_semaphore, #tpu.memory_space<semaphore_mem>> -> memref<1x!tpu.dma_semaphore, #tpu.memory_space<semaphore_mem>>
      %dma_wait3A_64 = tpu.memref_squeeze %dma_wait3A_63 : memref<1x!tpu.dma_semaphore, #tpu.memory_space<semaphore_mem>> -> memref<!tpu.dma_semaphore, #tpu.memory_space<semaphore_mem>>
      tpu.wait_indirect_dma semaphore(%dma_wait3A_64 : memref<!tpu.dma_semaphore, #tpu.memory_space<semaphore_mem>>) src(%dma_wait3A_62 : memref<4096x16xf32, #tpu.memory_space<hbm>>) dst(%dma_wait3A_58 : memref<256x16xf32, #tpu.memory_space<vmem>>)
      %mul3A_65 = arith.constant 256 : i32
      %mul3A_66 = arith.muli %scan3A_29, %mul3A_65 : i32
      %mul3A_67 = arith.constant 256 : i32
      %mul3A_68 = arith.muli %select_n3A_38, %mul3A_67 : i32
      %add3A_69 = arith.constant 0 : i32
      %add3A_70 = arith.addi %mul3A_66, %add3A_69 : i32
      %get3A = arith.index_cast %add3A_70 : i32 to index
      %get3A_71 = tpu.vector_load %arg10[%get3A] {strides = array<i32>} : memref<4096xi32, #tpu.memory_space<vmem>>, vector<16xi32>,
      %gather3A = tpu.vector_load_idx %arg8[%get3A_71] : memref<4096xf32, #tpu.memory_space<vmem>>[vector<16xi32>], vector<16xf32>,
      %add3A_72 = vector.broadcast %mul3A_68 : i32 to vector<16xi32>
      %add3A_73 = arith.addi %iota3A, %add3A_72 : vector<16xi32>
      %add3A_74 = arith.constant 0 : i32
      %add3A_75 = vector.broadcast %add3A_74 : i32 to vector<16xi32>
      %add3A_76 = arith.addi %add3A_73, %add3A_75 : vector<16xi32>
      %broadcast_in_dim3A = arith.constant 0 : i32
      %broadcast_in_dim3A_77 = vector.broadcast %broadcast_in_dim3A : i32 to vector<16xi32>
      %gather3A_78 = tpu.vector_load_idx %arg11[%add3A_76, %broadcast_in_dim3A_77] : memref<512x16xf32, #tpu.memory_space<vmem>>[vector<16xi32>, vector<16xi32>], vector<16xf32>,
      %gather3A_79 = tpu.vector_load_idx %arg12[%add3A_76, %broadcast_in_dim3A_77] : memref<512x16xf32, #tpu.memory_space<vmem>>[vector<16xi32>, vector<16xi32>], vector<16xf32>,
      %mul3A_80 = arith.mulf %gather3A_78, %gather3A_79 : vector<16xf32>
      %add3A_81 = arith.addf %gather3A, %mul3A_80 : vector<16xf32>
      %broadcast_in_dim3A_82 = arith.constant 1 : i32
      %broadcast_in_dim3A_83 = vector.broadcast %broadcast_in_dim3A_82 : i32 to vector<16xi32>
      %gather3A_84 = tpu.vector_load_idx %arg11[%add3A_76, %broadcast_in_dim3A_83] : memref<512x16xf32, #tpu.memory_space<vmem>>[vector<16xi32>, vector<16xi32>], vector<16xf32>,
      %gather3A_85 = tpu.vector_load_idx %arg12[%add3A_76, %broadcast_in_dim3A_83] : memref<512x16xf32, #tpu.memory_space<vmem>>[vector<16xi32>, vector<16xi32>], vector<16xf32>,
      %mul3A_86 = arith.mulf %gather3A_84, %gather3A_85 : vector<16xf32>
      %add3A_87 = arith.addf %add3A_81, %mul3A_86 : vector<16xf32>
      %broadcast_in_dim3A_88 = arith.constant 2 : i32
      %broadcast_in_dim3A_89 = vector.broadcast %broadcast_in_dim3A_88 : i32 to vector<16xi32>
      %gather3A_90 = tpu.vector_load_idx %arg11[%add3A_76, %broadcast_in_dim3A_89] : memref<512x16xf32, #tpu.memory_space<vmem>>[vector<16xi32>, vector<16xi32>], vector<16xf32>,
      %gather3A_91 = tpu.vector_load_idx %arg12[%add3A_76, %broadcast_in_dim3A_89] : memref<512x16xf32, #tpu.memory_space<vmem>>[vector<16xi32>, vector<16xi32>], vector<16xf32>,
      %mul3A_92 = arith.mulf %gather3A_90, %gather3A_91 : vector<16xf32>
      %add3A_93 = arith.addf %add3A_87, %mul3A_92 : vector<16xf32>
      %broadcast_in_dim3A_94 = arith.constant 3 : i32
      %broadcast_in_dim3A_95 = vector.broadcast %broadcast_in_dim3A_94 : i32 to vector<16xi32>
      %gather3A_96 = tpu.vector_load_idx %arg11[%add3A_76, %broadcast_in_dim3A_95] : memref<512x16xf32, #tpu.memory_space<vmem>>[vector<16xi32>, vector<16xi32>], vector<16xf32>,
      %gather3A_97 = tpu.vector_load_idx %arg12[%add3A_76, %broadcast_in_dim3A_95] : memref<512x16xf32, #tpu.memory_space<vmem>>[vector<16xi32>, vector<16xi32>], vector<16xf32>,
      %mul3A_98 = arith.mulf %gather3A_96, %gather3A_97 : vector<16xf32>
      %add3A_99 = arith.addf %add3A_93, %mul3A_98 : vector<16xf32>
      %broadcast_in_dim3A_100 = arith.constant 4 : i32
      %broadcast_in_dim3A_101 = vector.broadcast %broadcast_in_dim3A_100 : i32 to vector<16xi32>
      %gather3A_102 = tpu.vector_load_idx %arg11[%add3A_76, %broadcast_in_dim3A_101] : memref<512x16xf32, #tpu.memory_space<vmem>>[vector<16xi32>, vector<16xi32>], vector<16xf32>,
      %gather3A_103 = tpu.vector_load_idx %arg12[%add3A_76, %broadcast_in_dim3A_101] : memref<512x16xf32, #tpu.memory_space<vmem>>[vector<16xi32>, vector<16xi32>], vector<16xf32>,
      %mul3A_104 = arith.mulf %gather3A_102, %gather3A_103 : vector<16xf32>
      %add3A_105 = arith.addf %add3A_99, %mul3A_104 : vector<16xf32>
      %broadcast_in_dim3A_106 = arith.constant 5 : i32
      %broadcast_in_dim3A_107 = vector.broadcast %broadcast_in_dim3A_106 : i32 to vector<16xi32>
      %gather3A_108 = tpu.vector_load_idx %arg11[%add3A_76, %broadcast_in_dim3A_107] : memref<512x16xf32, #tpu.memory_space<vmem>>[vector<16xi32>, vector<16xi32>], vector<16xf32>,
      %gather3A_109 = tpu.vector_load_idx %arg12[%add3A_76, %broadcast_in_dim3A_107] : memref<512x16xf32, #tpu.memory_space<vmem>>[vector<16xi32>, vector<16xi32>], vector<16xf32>,
      %mul3A_110 = arith.mulf %gather3A_108, %gather3A_109 : vector<16xf32>
      %add3A_111 = arith.addf %add3A_105, %mul3A_110 : vector<16xf32>
      %broadcast_in_dim3A_112 = arith.constant 6 : i32
      %broadcast_in_dim3A_113 = vector.broadcast %broadcast_in_dim3A_112 : i32 to vector<16xi32>
      %gather3A_114 = tpu.vector_load_idx %arg11[%add3A_76, %broadcast_in_dim3A_113] : memref<512x16xf32, #tpu.memory_space<vmem>>[vector<16xi32>, vector<16xi32>], vector<16xf32>,
      %gather3A_115 = tpu.vector_load_idx %arg12[%add3A_76, %broadcast_in_dim3A_113] : memref<512x16xf32, #tpu.memory_space<vmem>>[vector<16xi32>, vector<16xi32>], vector<16xf32>,
      %mul3A_116 = arith.mulf %gather3A_114, %gather3A_115 : vector<16xf32>
      %add3A_117 = arith.addf %add3A_111, %mul3A_116 : vector<16xf32>
      %broadcast_in_dim3A_118 = arith.constant 7 : i32
      %broadcast_in_dim3A_119 = vector.broadcast %broadcast_in_dim3A_118 : i32 to vector<16xi32>
      %gather3A_120 = tpu.vector_load_idx %arg11[%add3A_76, %broadcast_in_dim3A_119] : memref<512x16xf32, #tpu.memory_space<vmem>>[vector<16xi32>, vector<16xi32>], vector<16xf32>,
      %gather3A_121 = tpu.vector_load_idx %arg12[%add3A_76, %broadcast_in_dim3A_119] : memref<512x16xf32, #tpu.memory_space<vmem>>[vector<16xi32>, vector<16xi32>], vector<16xf32>,
      %mul3A_122 = arith.mulf %gather3A_120, %gather3A_121 : vector<16xf32>
      %add3A_123 = arith.addf %add3A_117, %mul3A_122 : vector<16xf32>
      %broadcast_in_dim3A_124 = arith.constant 8 : i32
      %broadcast_in_dim3A_125 = vector.broadcast %broadcast_in_dim3A_124 : i32 to vector<16xi32>
      %gather3A_126 = tpu.vector_load_idx %arg11[%add3A_76, %broadcast_in_dim3A_125] : memref<512x16xf32, #tpu.memory_space<vmem>>[vector<16xi32>, vector<16xi32>], vector<16xf32>,
      %gather3A_127 = tpu.vector_load_idx %arg12[%add3A_76, %broadcast_in_dim3A_125] : memref<512x16xf32, #tpu.memory_space<vmem>>[vector<16xi32>, vector<16xi32>], vector<16xf32>,
      %mul3A_128 = arith.mulf %gather3A_126, %gather3A_127 : vector<16xf32>
      %add3A_129 = arith.addf %add3A_123, %mul3A_128 : vector<16xf32>
      %broadcast_in_dim3A_130 = arith.constant 9 : i32
      %broadcast_in_dim3A_131 = vector.broadcast %broadcast_in_dim3A_130 : i32 to vector<16xi32>
      %gather3A_132 = tpu.vector_load_idx %arg11[%add3A_76, %broadcast_in_dim3A_131] : memref<512x16xf32, #tpu.memory_space<vmem>>[vector<16xi32>, vector<16xi32>], vector<16xf32>,
      %gather3A_133 = tpu.vector_load_idx %arg12[%add3A_76, %broadcast_in_dim3A_131] : memref<512x16xf32, #tpu.memory_space<vmem>>[vector<16xi32>, vector<16xi32>], vector<16xf32>,
      %mul3A_134 = arith.mulf %gather3A_132, %gather3A_133 : vector<16xf32>
      %add3A_135 = arith.addf %add3A_129, %mul3A_134 : vector<16xf32>
      %broadcast_in_dim3A_136 = arith.constant 10 : i32
      %broadcast_in_dim3A_137 = vector.broadcast %broadcast_in_dim3A_136 : i32 to vector<16xi32>
      %gather3A_138 = tpu.vector_load_idx %arg11[%add3A_76, %broadcast_in_dim3A_137] : memref<512x16xf32, #tpu.memory_space<vmem>>[vector<16xi32>, vector<16xi32>], vector<16xf32>,
      %gather3A_139 = tpu.vector_load_idx %arg12[%add3A_76, %broadcast_in_dim3A_137] : memref<512x16xf32, #tpu.memory_space<vmem>>[vector<16xi32>, vector<16xi32>], vector<16xf32>,
      %mul3A_140 = arith.mulf %gather3A_138, %gather3A_139 : vector<16xf32>
      %add3A_141 = arith.addf %add3A_135, %mul3A_140 : vector<16xf32>
      %broadcast_in_dim3A_142 = arith.constant 11 : i32
      %broadcast_in_dim3A_143 = vector.broadcast %broadcast_in_dim3A_142 : i32 to vector<16xi32>
      %gather3A_144 = tpu.vector_load_idx %arg11[%add3A_76, %broadcast_in_dim3A_143] : memref<512x16xf32, #tpu.memory_space<vmem>>[vector<16xi32>, vector<16xi32>], vector<16xf32>,
      %gather3A_145 = tpu.vector_load_idx %arg12[%add3A_76, %broadcast_in_dim3A_143] : memref<512x16xf32, #tpu.memory_space<vmem>>[vector<16xi32>, vector<16xi32>], vector<16xf32>,
      %mul3A_146 = arith.mulf %gather3A_144, %gather3A_145 : vector<16xf32>
      %add3A_147 = arith.addf %add3A_141, %mul3A_146 : vector<16xf32>
      %broadcast_in_dim3A_148 = arith.constant 12 : i32
      %broadcast_in_dim3A_149 = vector.broadcast %broadcast_in_dim3A_148 : i32 to vector<16xi32>
      %gather3A_150 = tpu.vector_load_idx %arg11[%add3A_76, %broadcast_in_dim3A_149] : memref<512x16xf32, #tpu.memory_space<vmem>>[vector<16xi32>, vector<16xi32>], vector<16xf32>,
      %gather3A_151 = tpu.vector_load_idx %arg12[%add3A_76, %broadcast_in_dim3A_149] : memref<512x16xf32, #tpu.memory_space<vmem>>[vector<16xi32>, vector<16xi32>], vector<16xf32>,
      %mul3A_152 = arith.mulf %gather3A_150, %gather3A_151 : vector<16xf32>
      %add3A_153 = arith.addf %add3A_147, %mul3A_152 : vector<16xf32>
      %broadcast_in_dim3A_154 = arith.constant 13 : i32
      %broadcast_in_dim3A_155 = vector.broadcast %broadcast_in_dim3A_154 : i32 to vector<16xi32>
      %gather3A_156 = tpu.vector_load_idx %arg11[%add3A_76, %broadcast_in_dim3A_155] : memref<512x16xf32, #tpu.memory_space<vmem>>[vector<16xi32>, vector<16xi32>], vector<16xf32>,
      %gather3A_157 = tpu.vector_load_idx %arg12[%add3A_76, %broadcast_in_dim3A_155] : memref<512x16xf32, #tpu.memory_space<vmem>>[vector<16xi32>, vector<16xi32>], vector<16xf32>,
      %mul3A_158 = arith.mulf %gather3A_156, %gather3A_157 : vector<16xf32>
      %add3A_159 = arith.addf %add3A_153, %mul3A_158 : vector<16xf32>
      %broadcast_in_dim3A_160 = arith.constant 14 : i32
      %broadcast_in_dim3A_161 = vector.broadcast %broadcast_in_dim3A_160 : i32 to vector<16xi32>
      %gather3A_162 = tpu.vector_load_idx %arg11[%add3A_76, %broadcast_in_dim3A_161] : memref<512x16xf32, #tpu.memory_space<vmem>>[vector<16xi32>, vector<16xi32>], vector<16xf32>,
      %gather3A_163 = tpu.vector_load_idx %arg12[%add3A_76, %broadcast_in_dim3A_161] : memref<512x16xf32, #tpu.memory_space<vmem>>[vector<16xi32>, vector<16xi32>], vector<16xf32>,
      %mul3A_164 = arith.mulf %gather3A_162, %gather3A_163 : vector<16xf32>
      %add3A_165 = arith.addf %add3A_159, %mul3A_164 : vector<16xf32>
      %broadcast_in_dim3A_166 = arith.constant 15 : i32
      %broadcast_in_dim3A_167 = vector.broadcast %broadcast_in_dim3A_166 : i32 to vector<16xi32>
      %gather3A_168 = tpu.vector_load_idx %arg11[%add3A_76, %broadcast_in_dim3A_167] : memref<512x16xf32, #tpu.memory_space<vmem>>[vector<16xi32>, vector<16xi32>], vector<16xf32>,
      %gather3A_169 = tpu.vector_load_idx %arg12[%add3A_76, %broadcast_in_dim3A_167] : memref<512x16xf32, #tpu.memory_space<vmem>>[vector<16xi32>, vector<16xi32>], vector<16xf32>,
      %mul3A_170 = arith.mulf %gather3A_168, %gather3A_169 : vector<16xf32>
      %add3A_171 = arith.addf %add3A_165, %mul3A_170 : vector<16xf32>
      %add3A_172 = arith.constant 0 : i32
      %add3A_173 = arith.addi %mul3A_66, %add3A_172 : i32
      %swap3A = arith.index_cast %add3A_173 : i32 to index
      %swap3A_174 = tpu.vector_load %arg13[%swap3A] {strides = array<i32>} : memref<4096xf32, #tpu.memory_space<vmem>>, vector<16xf32>,
      tpu.vector_store %arg13[%swap3A], %add3A_171 {strides = array<i32>} : memref<4096xf32, #tpu.memory_space<vmem>>, vector<16xf32>,
      %add3A_175 = arith.constant 16 : i32
      %add3A_176 = arith.addi %mul3A_66, %add3A_175 : i32
      %get3A_177 = arith.index_cast %add3A_176 : i32 to index
      %get3A_178 = tpu.vector_load %arg10[%get3A_177] {strides = array<i32>} : memref<4096xi32, #tpu.memory_space<vmem>>, vector<16xi32>,
      %gather3A_179 = tpu.vector_load_idx %arg8[%get3A_178] : memref<4096xf32, #tpu.memory_space<vmem>>[vector<16xi32>], vector<16xf32>,
      %add3A_180 = vector.broadcast %mul3A_68 : i32 to vector<16xi32>
      %add3A_181 = arith.addi %iota3A, %add3A_180 : vector<16xi32>
      %add3A_182 = arith.constant 16 : i32
      %add3A_183 = vector.broadcast %add3A_182 : i32 to vector<16xi32>
      %add3A_184 = arith.addi %add3A_181, %add3A_183 : vector<16xi32>
      %broadcast_in_dim3A_185 = arith.constant 0 : i32
      %broadcast_in_dim3A_186 = vector.broadcast %broadcast_in_dim3A_185 : i32 to vector<16xi32>
      %gather3A_187 = tpu.vector_load_idx %arg11[%add3A_184, %broadcast_in_dim3A_186] : memref<512x16xf32, #tpu.memory_space<vmem>>[vector<16xi32>, vector<16xi32>], vector<16xf32>,
      %gather3A_188 = tpu.vector_load_idx %arg12[%add3A_184, %broadcast_in_dim3A_186] : memref<512x16xf32, #tpu.memory_space<vmem>>[vector<16xi32>, vector<16xi32>], vector<16xf32>,
      %mul3A_189 = arith.mulf %gather3A_187, %gather3A_188 : vector<16xf32>
      %add3A_190 = arith.addf %gather3A_179, %mul3A_189 : vector<16xf32>
      %broadcast_in_dim3A_191 = arith.constant 1 : i32
      %broadcast_in_dim3A_192 = vector.broadcast %broadcast_in_dim3A_191 : i32 to vector<16xi32>
      %gather3A_193 = tpu.vector_load_idx %arg11[%add3A_184, %broadcast_in_dim3A_192] : memref<512x16xf32, #tpu.memory_space<vmem>>[vector<16xi32>, vector<16xi32>], vector<16xf32>,
      %gather3A_194 = tpu.vector_load_idx %arg12[%add3A_184, %broadcast_in_dim3A_192] : memref<512x16xf32, #tpu.memory_space<vmem>>[vector<16xi32>, vector<16xi32>], vector<16xf32>,
      %mul3A_195 = arith.mulf %gather3A_193, %gather3A_194 : vector<16xf32>
      %add3A_196 = arith.addf %add3A_190, %mul3A_195 : vector<16xf32>
      %broadcast_in_dim3A_197 = arith.constant 2 : i32
      %broadcast_in_dim3A_198 = vector.broadcast %broadcast_in_dim3A_197 : i32 to vector<16xi32>
      %gather3A_199 = tpu.vector_load_idx %arg11[%add3A_184, %broadcast_in_dim3A_198] : memref<512x16xf32, #tpu.memory_space<vmem>>[vector<16xi32>, vector<16xi32>], vector<16xf32>,
      %gather3A_200 = tpu.vector_load_idx %arg12[%add3A_184, %broadcast_in_dim3A_198] : memref<512x16xf32, #tpu.memory_space<vmem>>[vector<16xi32>, vector<16xi32>], vector<16xf32>,
      %mul3A_201 = arith.mulf %gather3A_199, %gather3A_200 : vector<16xf32>
      %add3A_202 = arith.addf %add3A_196, %mul3A_201 : vector<16xf32>
      %broadcast_in_dim3A_203 = arith.constant 3 : i32
      %broadcast_in_dim3A_204 = vector.broadcast %broadcast_in_dim3A_203 : i32 to vector<16xi32>
      %gather3A_205 = tpu.vector_load_idx %arg11[%add3A_184, %broadcast_in_dim3A_204] : memref<512x16xf32, #tpu.memory_space<vmem>>[vector<16xi32>, vector<16xi32>], vector<16xf32>,
      %gather3A_206 = tpu.vector_load_idx %arg12[%add3A_184, %broadcast_in_dim3A_204] : memref<512x16xf32, #tpu.memory_space<vmem>>[vector<16xi32>, vector<16xi32>], vector<16xf32>,
      %mul3A_207 = arith.mulf %gather3A_205, %gather3A_206 : vector<16xf32>
      %add3A_208 = arith.addf %add3A_202, %mul3A_207 : vector<16xf32>
      %broadcast_in_dim3A_209 = arith.constant 4 : i32
      %broadcast_in_dim3A_210 = vector.broadcast %broadcast_in_dim3A_209 : i32 to vector<16xi32>
      %gather3A_211 = tpu.vector_load_idx %arg11[%add3A_184, %broadcast_in_dim3A_210] : memref<512x16xf32, #tpu.memory_space<vmem>>[vector<16xi32>, vector<16xi32>], vector<16xf32>,
      %gather3A_212 = tpu.vector_load_idx %arg12[%add3A_184, %broadcast_in_dim3A_210] : memref<512x16xf32, #tpu.memory_space<vmem>>[vector<16xi32>, vector<16xi32>], vector<16xf32>,
      %mul3A_213 = arith.mulf %gather3A_211, %gather3A_212 : vector<16xf32>
      %add3A_214 = arith.addf %add3A_208, %mul3A_213 : vector<16xf32>
      %broadcast_in_dim3A_215 = arith.constant 5 : i32
      %broadcast_in_dim3A_216 = vector.broadcast %broadcast_in_dim3A_215 : i32 to vector<16xi32>
      %gather3A_217 = tpu.vector_load_idx %arg11[%add3A_184, %broadcast_in_dim3A_216] : memref<512x16xf32, #tpu.memory_space<vmem>>[vector<16xi32>, vector<16xi32>], vector<16xf32>,
      %gather3A_218 = tpu.vector_load_idx %arg12[%add3A_184, %broadcast_in_dim3A_216] : memref<512x16xf32, #tpu.memory_space<vmem>>[vector<16xi32>, vector<16xi32>], vector<16xf32>,
      %mul3A_219 = arith.mulf %gather3A_217, %gather3A_218 : vector<16xf32>
      %add3A_220 = arith.addf %add3A_214, %mul3A_219 : vector<16xf32>
      %broadcast_in_dim3A_221 = arith.constant 6 : i32
      %broadcast_in_dim3A_222 = vector.broadcast %broadcast_in_dim3A_221 : i32 to vector<16xi32>
      %gather3A_223 = tpu.vector_load_idx %arg11[%add3A_184, %broadcast_in_dim3A_222] : memref<512x16xf32, #tpu.memory_space<vmem>>[vector<16xi32>, vector<16xi32>], vector<16xf32>,
      %gather3A_224 = tpu.vector_load_idx %arg12[%add3A_184, %broadcast_in_dim3A_222] : memref<512x16xf32, #tpu.memory_space<vmem>>[vector<16xi32>, vector<16xi32>], vector<16xf32>,
      %mul3A_225 = arith.mulf %gather3A_223, %gather3A_224 : vector<16xf32>
      %add3A_226 = arith.addf %add3A_220, %mul3A_225 : vector<16xf32>
      %broadcast_in_dim3A_227 = arith.constant 7 : i32
      %broadcast_in_dim3A_228 = vector.broadcast %broadcast_in_dim3A_227 : i32 to vector<16xi32>
      %gather3A_229 = tpu.vector_load_idx %arg11[%add3A_184, %broadcast_in_dim3A_228] : memref<512x16xf32, #tpu.memory_space<vmem>>[vector<16xi32>, vector<16xi32>], vector<16xf32>,
      %gather3A_230 = tpu.vector_load_idx %arg12[%add3A_184, %broadcast_in_dim3A_228] : memref<512x16xf32, #tpu.memory_space<vmem>>[vector<16xi32>, vector<16xi32>], vector<16xf32>,
      %mul3A_231 = arith.mulf %gather3A_229, %gather3A_230 : vector<16xf32>
      %add3A_232 = arith.addf %add3A_226, %mul3A_231 : vector<16xf32>
      %broadcast_in_dim3A_233 = arith.constant 8 : i32
      %broadcast_in_dim3A_234 = vector.broadcast %broadcast_in_dim3A_233 : i32 to vector<16xi32>
      %gather3A_235 = tpu.vector_load_idx %arg11[%add3A_184, %broadcast_in_dim3A_234] : memref<512x16xf32, #tpu.memory_space<vmem>>[vector<16xi32>, vector<16xi32>], vector<16xf32>,
      %gather3A_236 = tpu.vector_load_idx %arg12[%add3A_184, %broadcast_in_dim3A_234] : memref<512x16xf32, #tpu.memory_space<vmem>>[vector<16xi32>, vector<16xi32>], vector<16xf32>,
      %mul3A_237 = arith.mulf %gather3A_235, %gather3A_236 : vector<16xf32>
      %add3A_238 = arith.addf %add3A_232, %mul3A_237 : vector<16xf32>
      %broadcast_in_dim3A_239 = arith.constant 9 : i32
      %broadcast_in_dim3A_240 = vector.broadcast %broadcast_in_dim3A_239 : i32 to vector<16xi32>
      %gather3A_241 = tpu.vector_load_idx %arg11[%add3A_184, %broadcast_in_dim3A_240] : memref<512x16xf32, #tpu.memory_space<vmem>>[vector<16xi32>, vector<16xi32>], vector<16xf32>,
      %gather3A_242 = tpu.vector_load_idx %arg12[%add3A_184, %broadcast_in_dim3A_240] : memref<512x16xf32, #tpu.memory_space<vmem>>[vector<16xi32>, vector<16xi32>], vector<16xf32>,
      %mul3A_243 = arith.mulf %gather3A_241, %gather3A_242 : vector<16xf32>
      %add3A_244 = arith.addf %add3A_238, %mul3A_243 : vector<16xf32>
      %broadcast_in_dim3A_245 = arith.constant 10 : i32
      %broadcast_in_dim3A_246 = vector.broadcast %broadcast_in_dim3A_245 : i32 to vector<16xi32>
      %gather3A_247 = tpu.vector_load_idx %arg11[%add3A_184, %broadcast_in_dim3A_246] : memref<512x16xf32, #tpu.memory_space<vmem>>[vector<16xi32>, vector<16xi32>], vector<16xf32>,
      %gather3A_248 = tpu.vector_load_idx %arg12[%add3A_184, %broadcast_in_dim3A_246] : memref<512x16xf32, #tpu.memory_space<vmem>>[vector<16xi32>, vector<16xi32>], vector<16xf32>,
      %mul3A_249 = arith.mulf %gather3A_247, %gather3A_248 : vector<16xf32>
      %add3A_250 = arith.addf %add3A_244, %mul3A_249 : vector<16xf32>
      %broadcast_in_dim3A_251 = arith.constant 11 : i32
      %broadcast_in_dim3A_252 = vector.broadcast %broadcast_in_dim3A_251 : i32 to vector<16xi32>
      %gather3A_253 = tpu.vector_load_idx %arg11[%add3A_184, %broadcast_in_dim3A_252] : memref<512x16xf32, #tpu.memory_space<vmem>>[vector<16xi32>, vector<16xi32>], vector<16xf32>,
      %gather3A_254 = tpu.vector_load_idx %arg12[%add3A_184, %broadcast_in_dim3A_252] : memref<512x16xf32, #tpu.memory_space<vmem>>[vector<16xi32>, vector<16xi32>], vector<16xf32>,
      %mul3A_255 = arith.mulf %gather3A_253, %gather3A_254 : vector<16xf32>
      %add3A_256 = arith.addf %add3A_250, %mul3A_255 : vector<16xf32>
      %broadcast_in_dim3A_257 = arith.constant 12 : i32
      %broadcast_in_dim3A_258 = vector.broadcast %broadcast_in_dim3A_257 : i32 to vector<16xi32>
      %gather3A_259 = tpu.vector_load_idx %arg11[%add3A_184, %broadcast_in_dim3A_258] : memref<512x16xf32, #tpu.memory_space<vmem>>[vector<16xi32>, vector<16xi32>], vector<16xf32>,
      %gather3A_260 = tpu.vector_load_idx %arg12[%add3A_184, %broadcast_in_dim3A_258] : memref<512x16xf32, #tpu.memory_space<vmem>>[vector<16xi32>, vector<16xi32>], vector<16xf32>,
      %mul3A_261 = arith.mulf %gather3A_259, %gather3A_260 : vector<16xf32>
      %add3A_262 = arith.addf %add3A_256, %mul3A_261 : vector<16xf32>
      %broadcast_in_dim3A_263 = arith.constant 13 : i32
      %broadcast_in_dim3A_264 = vector.broadcast %broadcast_in_dim3A_263 : i32 to vector<16xi32>
      %gather3A_265 = tpu.vector_load_idx %arg11[%add3A_184, %broadcast_in_dim3A_264] : memref<512x16xf32, #tpu.memory_space<vmem>>[vector<16xi32>, vector<16xi32>], vector<16xf32>,
      %gather3A_266 = tpu.vector_load_idx %arg12[%add3A_184, %broadcast_in_dim3A_264] : memref<512x16xf32, #tpu.memory_space<vmem>>[vector<16xi32>, vector<16xi32>], vector<16xf32>,
      %mul3A_267 = arith.mulf %gather3A_265, %gather3A_266 : vector<16xf32>
      %add3A_268 = arith.addf %add3A_262, %mul3A_267 : vector<16xf32>
      %broadcast_in_dim3A_269 = arith.constant 14 : i32
      %broadcast_in_dim3A_270 = vector.broadcast %broadcast_in_dim3A_269 : i32 to vector<16xi32>
      %gather3A_271 = tpu.vector_load_idx %arg11[%add3A_184, %broadcast_in_dim3A_270] : memref<512x16xf32, #tpu.memory_space<vmem>>[vector<16xi32>, vector<16xi32>], vector<16xf32>,
      %gather3A_272 = tpu.vector_load_idx %arg12[%add3A_184, %broadcast_in_dim3A_270] : memref<512x16xf32, #tpu.memory_space<vmem>>[vector<16xi32>, vector<16xi32>], vector<16xf32>,
      %mul3A_273 = arith.mulf %gather3A_271, %gather3A_272 : vector<16xf32>
      %add3A_274 = arith.addf %add3A_268, %mul3A_273 : vector<16xf32>
      %broadcast_in_dim3A_275 = arith.constant 15 : i32
      %broadcast_in_dim3A_276 = vector.broadcast %broadcast_in_dim3A_275 : i32 to vector<16xi32>
      %gather3A_277 = tpu.vector_load_idx %arg11[%add3A_184, %broadcast_in_dim3A_276] : memref<512x16xf32, #tpu.memory_space<vmem>>[vector<16xi32>, vector<16xi32>], vector<16xf32>,
      %gather3A_278 = tpu.vector_load_idx %arg12[%add3A_184, %broadcast_in_dim3A_276] : memref<512x16xf32, #tpu.memory_space<vmem>>[vector<16xi32>, vector<16xi32>], vector<16xf32>,
      %mul3A_279 = arith.mulf %gather3A_277, %gather3A_278 : vector<16xf32>
      %add3A_280 = arith.addf %add3A_274, %mul3A_279 : vector<16xf32>
      %add3A_281 = arith.constant 16 : i32
      %add3A_282 = arith.addi %mul3A_66, %add3A_281 : i32
      %swap3A_283 = arith.index_cast %add3A_282 : i32 to index
      %swap3A_284 = tpu.vector_load %arg13[%swap3A_283] {strides = array<i32>} : memref<4096xf32, #tpu.memory_space<vmem>>, vector<16xf32>,
      tpu.vector_store %arg13[%swap3A_283], %add3A_280 {strides = array<i32>} : memref<4096xf32, #tpu.memory_space<vmem>>, vector<16xf32>,
      %add3A_285 = arith.constant 32 : i32
      %add3A_286 = arith.addi %mul3A_66, %add3A_285 : i32
      %get3A_287 = arith.index_cast %add3A_286 : i32 to index
      %get3A_288 = tpu.vector_load %arg10[%get3A_287] {strides = array<i32>} : memref<4096xi32, #tpu.memory_space<vmem>>, vector<16xi32>,
      %gather3A_289 = tpu.vector_load_idx %arg8[%get3A_288] : memref<4096xf32, #tpu.memory_space<vmem>>[vector<16xi32>], vector<16xf32>,
      %add3A_290 = vector.broadcast %mul3A_68 : i32 to vector<16xi32>
      %add3A_291 = arith.addi %iota3A, %add3A_290 : vector<16xi32>
      %add3A_292 = arith.constant 32 : i32
      %add3A_293 = vector.broadcast %add3A_292 : i32 to vector<16xi32>
      %add3A_294 = arith.addi %add3A_291, %add3A_293 : vector<16xi32>
      %broadcast_in_dim3A_295 = arith.constant 0 : i32
      %broadcast_in_dim3A_296 = vector.broadcast %broadcast_in_dim3A_295 : i32 to vector<16xi32>
      %gather3A_297 = tpu.vector_load_idx %arg11[%add3A_294, %broadcast_in_dim3A_296] : memref<512x16xf32, #tpu.memory_space<vmem>>[vector<16xi32>, vector<16xi32>], vector<16xf32>,
      %gather3A_298 = tpu.vector_load_idx %arg12[%add3A_294, %broadcast_in_dim3A_296] : memref<512x16xf32, #tpu.memory_space<vmem>>[vector<16xi32>, vector<16xi32>], vector<16xf32>,
      %mul3A_299 = arith.mulf %gather3A_297, %gather3A_298 : vector<16xf32>
      %add3A_300 = arith.addf %gather3A_289, %mul3A_299 : vector<16xf32>
      %broadcast_in_dim3A_301 = arith.constant 1 : i32
      %broadcast_in_dim3A_302 = vector.broadcast %broadcast_in_dim3A_301 : i32 to vector<16xi32>
      %gather3A_303 = tpu.vector_load_idx %arg11[%add3A_294, %broadcast_in_dim3A_302] : memref<512x16xf32, #tpu.memory_space<vmem>>[vector<16xi32>, vector<16xi32>], vector<16xf32>,
      %gather3A_304 = tpu.vector_load_idx %arg12[%add3A_294, %broadcast_in_dim3A_302] : memref<512x16xf32, #tpu.memory_space<vmem>>[vector<16xi32>, vector<16xi32>], vector<16xf32>,
      %mul3A_305 = arith.mulf %gather3A_303, %gather3A_304 : vector<16xf32>
      %add3A_306 = arith.addf %add3A_300, %mul3A_305 : vector<16xf32>
      %broadcast_in_dim3A_307 = arith.constant 2 : i32
      %broadcast_in_dim3A_308 = vector.broadcast %broadcast_in_dim3A_307 : i32 to vector<16xi32>
      %gather3A_309 = tpu.vector_load_idx %arg11[%add3A_294, %broadcast_in_dim3A_308] : memref<512x16xf32, #tpu.memory_space<vmem>>[vector<16xi32>, vector<16xi32>], vector<16xf32>,
      %gather3A_310 = tpu.vector_load_idx %arg12[%add3A_294, %broadcast_in_dim3A_308] : memref<512x16xf32, #tpu.memory_space<vmem>>[vector<16xi32>, vector<16xi32>], vector<16xf32>,
      %mul3A_311 = arith.mulf %gather3A_309, %gather3A_310 : vector<16xf32>
      %add3A_312 = arith.addf %add3A_306, %mul3A_311 : vector<16xf32>
      %broadcast_in_dim3A_313 = arith.constant 3 : i32
      %broadcast_in_dim3A_314 = vector.broadcast %broadcast_in_dim3A_313 : i32 to vector<16xi32>
      %gather3A_315 = tpu.vector_load_idx %arg11[%add3A_294, %broadcast_in_dim3A_314] : memref<512x16xf32, #tpu.memory_space<vmem>>[vector<16xi32>, vector<16xi32>], vector<16xf32>,
      %gather3A_316 = tpu.vector_load_idx %arg12[%add3A_294, %broadcast_in_dim3A_314] : memref<512x16xf32, #tpu.memory_space<vmem>>[vector<16xi32>, vector<16xi32>], vector<16xf32>,
      %mul3A_317 = arith.mulf %gather3A_315, %gather3A_316 : vector<16xf32>
      %add3A_318 = arith.addf %add3A_312, %mul3A_317 : vector<16xf32>
      %broadcast_in_dim3A_319 = arith.constant 4 : i32
      %broadcast_in_dim3A_320 = vector.broadcast %broadcast_in_dim3A_319 : i32 to vector<16xi32>
      %gather3A_321 = tpu.vector_load_idx %arg11[%add3A_294, %broadcast_in_dim3A_320] : memref<512x16xf32, #tpu.memory_space<vmem>>[vector<16xi32>, vector<16xi32>], vector<16xf32>,
      %gather3A_322 = tpu.vector_load_idx %arg12[%add3A_294, %broadcast_in_dim3A_320] : memref<512x16xf32, #tpu.memory_space<vmem>>[vector<16xi32>, vector<16xi32>], vector<16xf32>,
      %mul3A_323 = arith.mulf %gather3A_321, %gather3A_322 : vector<16xf32>
      %add3A_324 = arith.addf %add3A_318, %mul3A_323 : vector<16xf32>
      %broadcast_in_dim3A_325 = arith.constant 5 : i32
      %broadcast_in_dim3A_326 = vector.broadcast %broadcast_in_dim3A_325 : i32 to vector<16xi32>
      %gather3A_327 = tpu.vector_load_idx %arg11[%add3A_294, %broadcast_in_dim3A_326] : memref<512x16xf32, #tpu.memory_space<vmem>>[vector<16xi32>, vector<16xi32>], vector<16xf32>,
      %gather3A_328 = tpu.vector_load_idx %arg12[%add3A_294, %broadcast_in_dim3A_326] : memref<512x16xf32, #tpu.memory_space<vmem>>[vector<16xi32>, vector<16xi32>], vector<16xf32>,
      %mul3A_329 = arith.mulf %gather3A_327, %gather3A_328 : vector<16xf32>
      %add3A_330 = arith.addf %add3A_324, %mul3A_329 : vector<16xf32>
      %broadcast_in_dim3A_331 = arith.constant 6 : i32
      %broadcast_in_dim3A_332 = vector.broadcast %broadcast_in_dim3A_331 : i32 to vector<16xi32>
      %gather3A_333 = tpu.vector_load_idx %arg11[%add3A_294, %broadcast_in_dim3A_332] : memref<512x16xf32, #tpu.memory_space<vmem>>[vector<16xi32>, vector<16xi32>], vector<16xf32>,
      %gather3A_334 = tpu.vector_load_idx %arg12[%add3A_294, %broadcast_in_dim3A_332] : memref<512x16xf32, #tpu.memory_space<vmem>>[vector<16xi32>, vector<16xi32>], vector<16xf32>,
      %mul3A_335 = arith.mulf %gather3A_333, %gather3A_334 : vector<16xf32>
      %add3A_336 = arith.addf %add3A_330, %mul3A_335 : vector<16xf32>
      %broadcast_in_dim3A_337 = arith.constant 7 : i32
      %broadcast_in_dim3A_338 = vector.broadcast %broadcast_in_dim3A_337 : i32 to vector<16xi32>
      %gather3A_339 = tpu.vector_load_idx %arg11[%add3A_294, %broadcast_in_dim3A_338] : memref<512x16xf32, #tpu.memory_space<vmem>>[vector<16xi32>, vector<16xi32>], vector<16xf32>,
      %gather3A_340 = tpu.vector_load_idx %arg12[%add3A_294, %broadcast_in_dim3A_338] : memref<512x16xf32, #tpu.memory_space<vmem>>[vector<16xi32>, vector<16xi32>], vector<16xf32>,
      %mul3A_341 = arith.mulf %gather3A_339, %gather3A_340 : vector<16xf32>
      %add3A_342 = arith.addf %add3A_336, %mul3A_341 : vector<16xf32>
      %broadcast_in_dim3A_343 = arith.constant 8 : i32
      %broadcast_in_dim3A_344 = vector.broadcast %broadcast_in_dim3A_343 : i32 to vector<16xi32>
      %gather3A_345 = tpu.vector_load_idx %arg11[%add3A_294, %broadcast_in_dim3A_344] : memref<512x16xf32, #tpu.memory_space<vmem>>[vector<16xi32>, vector<16xi32>], vector<16xf32>,
      %gather3A_346 = tpu.vector_load_idx %arg12[%add3A_294, %broadcast_in_dim3A_344] : memref<512x16xf32, #tpu.memory_space<vmem>>[vector<16xi32>, vector<16xi32>], vector<16xf32>,
      %mul3A_347 = arith.mulf %gather3A_345, %gather3A_346 : vector<16xf32>
      %add3A_348 = arith.addf %add3A_342, %mul3A_347 : vector<16xf32>
      %broadcast_in_dim3A_349 = arith.constant 9 : i32
      %broadcast_in_dim3A_350 = vector.broadcast %broadcast_in_dim3A_349 : i32 to vector<16xi32>
      %gather3A_351 = tpu.vector_load_idx %arg11[%add3A_294, %broadcast_in_dim3A_350] : memref<512x16xf32, #tpu.memory_space<vmem>>[vector<16xi32>, vector<16xi32>], vector<16xf32>,
      %gather3A_352 = tpu.vector_load_idx %arg12[%add3A_294, %broadcast_in_dim3A_350] : memref<512x16xf32, #tpu.memory_space<vmem>>[vector<16xi32>, vector<16xi32>], vector<16xf32>,
      %mul3A_353 = arith.mulf %gather3A_351, %gather3A_352 : vector<16xf32>
      %add3A_354 = arith.addf %add3A_348, %mul3A_353 : vector<16xf32>
      %broadcast_in_dim3A_355 = arith.constant 10 : i32
      %broadcast_in_dim3A_356 = vector.broadcast %broadcast_in_dim3A_355 : i32 to vector<16xi32>
      %gather3A_357 = tpu.vector_load_idx %arg11[%add3A_294, %broadcast_in_dim3A_356] : memref<512x16xf32, #tpu.memory_space<vmem>>[vector<16xi32>, vector<16xi32>], vector<16xf32>,
      %gather3A_358 = tpu.vector_load_idx %arg12[%add3A_294, %broadcast_in_dim3A_356] : memref<512x16xf32, #tpu.memory_space<vmem>>[vector<16xi32>, vector<16xi32>], vector<16xf32>,
      %mul3A_359 = arith.mulf %gather3A_357, %gather3A_358 : vector<16xf32>
      %add3A_360 = arith.addf %add3A_354, %mul3A_359 : vector<16xf32>
      %broadcast_in_dim3A_361 = arith.constant 11 : i32
      %broadcast_in_dim3A_362 = vector.broadcast %broadcast_in_dim3A_361 : i32 to vector<16xi32>
      %gather3A_363 = tpu.vector_load_idx %arg11[%add3A_294, %broadcast_in_dim3A_362] : memref<512x16xf32, #tpu.memory_space<vmem>>[vector<16xi32>, vector<16xi32>], vector<16xf32>,
      %gather3A_364 = tpu.vector_load_idx %arg12[%add3A_294, %broadcast_in_dim3A_362] : memref<512x16xf32, #tpu.memory_space<vmem>>[vector<16xi32>, vector<16xi32>], vector<16xf32>,
      %mul3A_365 = arith.mulf %gather3A_363, %gather3A_364 : vector<16xf32>
      %add3A_366 = arith.addf %add3A_360, %mul3A_365 : vector<16xf32>
      %broadcast_in_dim3A_367 = arith.constant 12 : i32
      %broadcast_in_dim3A_368 = vector.broadcast %broadcast_in_dim3A_367 : i32 to vector<16xi32>
      %gather3A_369 = tpu.vector_load_idx %arg11[%add3A_294, %broadcast_in_dim3A_368] : memref<512x16xf32, #tpu.memory_space<vmem>>[vector<16xi32>, vector<16xi32>], vector<16xf32>,
      %gather3A_370 = tpu.vector_load_idx %arg12[%add3A_294, %broadcast_in_dim3A_368] : memref<512x16xf32, #tpu.memory_space<vmem>>[vector<16xi32>, vector<16xi32>], vector<16xf32>,
      %mul3A_371 = arith.mulf %gather3A_369, %gather3A_370 : vector<16xf32>
      %add3A_372 = arith.addf %add3A_366, %mul3A_371 : vector<16xf32>
      %broadcast_in_dim3A_373 = arith.constant 13 : i32
      %broadcast_in_dim3A_374 = vector.broadcast %broadcast_in_dim3A_373 : i32 to vector<16xi32>
      %gather3A_375 = tpu.vector_load_idx %arg11[%add3A_294, %broadcast_in_dim3A_374] : memref<512x16xf32, #tpu.memory_space<vmem>>[vector<16xi32>, vector<16xi32>], vector<16xf32>,
      %gather3A_376 = tpu.vector_load_idx %arg12[%add3A_294, %broadcast_in_dim3A_374] : memref<512x16xf32, #tpu.memory_space<vmem>>[vector<16xi32>, vector<16xi32>], vector<16xf32>,
      %mul3A_377 = arith.mulf %gather3A_375, %gather3A_376 : vector<16xf32>
      %add3A_378 = arith.addf %add3A_372, %mul3A_377 : vector<16xf32>
      %broadcast_in_dim3A_379 = arith.constant 14 : i32
      %broadcast_in_dim3A_380 = vector.broadcast %broadcast_in_dim3A_379 : i32 to vector<16xi32>
      %gather3A_381 = tpu.vector_load_idx %arg11[%add3A_294, %broadcast_in_dim3A_380] : memref<512x16xf32, #tpu.memory_space<vmem>>[vector<16xi32>, vector<16xi32>], vector<16xf32>,
      %gather3A_382 = tpu.vector_load_idx %arg12[%add3A_294, %broadcast_in_dim3A_380] : memref<512x16xf32, #tpu.memory_space<vmem>>[vector<16xi32>, vector<16xi32>], vector<16xf32>,
      %mul3A_383 = arith.mulf %gather3A_381, %gather3A_382 : vector<16xf32>
      %add3A_384 = arith.addf %add3A_378, %mul3A_383 : vector<16xf32>
      %broadcast_in_dim3A_385 = arith.constant 15 : i32
      %broadcast_in_dim3A_386 = vector.broadcast %broadcast_in_dim3A_385 : i32 to vector<16xi32>
      %gather3A_387 = tpu.vector_load_idx %arg11[%add3A_294, %broadcast_in_dim3A_386] : memref<512x16xf32, #tpu.memory_space<vmem>>[vector<16xi32>, vector<16xi32>], vector<16xf32>,
      %gather3A_388 = tpu.vector_load_idx %arg12[%add3A_294, %broadcast_in_dim3A_386] : memref<512x16xf32, #tpu.memory_space<vmem>>[vector<16xi32>, vector<16xi32>], vector<16xf32>,
      %mul3A_389 = arith.mulf %gather3A_387, %gather3A_388 : vector<16xf32>
      %add3A_390 = arith.addf %add3A_384, %mul3A_389 : vector<16xf32>
      %add3A_391 = arith.constant 32 : i32
      %add3A_392 = arith.addi %mul3A_66, %add3A_391 : i32
      %swap3A_393 = arith.index_cast %add3A_392 : i32 to index
      %swap3A_394 = tpu.vector_load %arg13[%swap3A_393] {strides = array<i32>} : memref<4096xf32, #tpu.memory_space<vmem>>, vector<16xf32>,
      tpu.vector_store %arg13[%swap3A_393], %add3A_390 {strides = array<i32>} : memref<4096xf32, #tpu.memory_space<vmem>>, vector<16xf32>,
      %add3A_395 = arith.constant 48 : i32
      %add3A_396 = arith.addi %mul3A_66, %add3A_395 : i32
      %get3A_397 = arith.index_cast %add3A_396 : i32 to index
      %get3A_398 = tpu.vector_load %arg10[%get3A_397] {strides = array<i32>} : memref<4096xi32, #tpu.memory_space<vmem>>, vector<16xi32>,
      %gather3A_399 = tpu.vector_load_idx %arg8[%get3A_398] : memref<4096xf32, #tpu.memory_space<vmem>>[vector<16xi32>], vector<16xf32>,
      %add3A_400 = vector.broadcast %mul3A_68 : i32 to vector<16xi32>
      %add3A_401 = arith.addi %iota3A, %add3A_400 : vector<16xi32>
      %add3A_402 = arith.constant 48 : i32
      %add3A_403 = vector.broadcast %add3A_402 : i32 to vector<16xi32>
      %add3A_404 = arith.addi %add3A_401, %add3A_403 : vector<16xi32>
      %broadcast_in_dim3A_405 = arith.constant 0 : i32
      %broadcast_in_dim3A_406 = vector.broadcast %broadcast_in_dim3A_405 : i32 to vector<16xi32>
      %gather3A_407 = tpu.vector_load_idx %arg11[%add3A_404, %broadcast_in_dim3A_406] : memref<512x16xf32, #tpu.memory_space<vmem>>[vector<16xi32>, vector<16xi32>], vector<16xf32>,
      %gather3A_408 = tpu.vector_load_idx %arg12[%add3A_404, %broadcast_in_dim3A_406] : memref<512x16xf32, #tpu.memory_space<vmem>>[vector<16xi32>, vector<16xi32>], vector<16xf32>,
      %mul3A_409 = arith.mulf %gather3A_407, %gather3A_408 : vector<16xf32>
      %add3A_410 = arith.addf %gather3A_399, %mul3A_409 : vector<16xf32>
      %broadcast_in_dim3A_411 = arith.constant 1 : i32
      %broadcast_in_dim3A_412 = vector.broadcast %broadcast_in_dim3A_411 : i32 to vector<16xi32>
      %gather3A_413 = tpu.vector_load_idx %arg11[%add3A_404, %broadcast_in_dim3A_412] : memref<512x16xf32, #tpu.memory_space<vmem>>[vector<16xi32>, vector<16xi32>], vector<16xf32>,
      %gather3A_414 = tpu.vector_load_idx %arg12[%add3A_404, %broadcast_in_dim3A_412] : memref<512x16xf32, #tpu.memory_space<vmem>>[vector<16xi32>, vector<16xi32>], vector<16xf32>,
      %mul3A_415 = arith.mulf %gather3A_413, %gather3A_414 : vector<16xf32>
      %add3A_416 = arith.addf %add3A_410, %mul3A_415 : vector<16xf32>
      %broadcast_in_dim3A_417 = arith.constant 2 : i32
      %broadcast_in_dim3A_418 = vector.broadcast %broadcast_in_dim3A_417 : i32 to vector<16xi32>
      %gather3A_419 = tpu.vector_load_idx %arg11[%add3A_404, %broadcast_in_dim3A_418] : memref<512x16xf32, #tpu.memory_space<vmem>>[vector<16xi32>, vector<16xi32>], vector<16xf32>,
      %gather3A_420 = tpu.vector_load_idx %arg12[%add3A_404, %broadcast_in_dim3A_418] : memref<512x16xf32, #tpu.memory_space<vmem>>[vector<16xi32>, vector<16xi32>], vector<16xf32>,
      %mul3A_421 = arith.mulf %gather3A_419, %gather3A_420 : vector<16xf32>
      %add3A_422 = arith.addf %add3A_416, %mul3A_421 : vector<16xf32>
      %broadcast_in_dim3A_423 = arith.constant 3 : i32
      %broadcast_in_dim3A_424 = vector.broadcast %broadcast_in_dim3A_423 : i32 to vector<16xi32>
      %gather3A_425 = tpu.vector_load_idx %arg11[%add3A_404, %broadcast_in_dim3A_424] : memref<512x16xf32, #tpu.memory_space<vmem>>[vector<16xi32>, vector<16xi32>], vector<16xf32>,
      %gather3A_426 = tpu.vector_load_idx %arg12[%add3A_404, %broadcast_in_dim3A_424] : memref<512x16xf32, #tpu.memory_space<vmem>>[vector<16xi32>, vector<16xi32>], vector<16xf32>,
      %mul3A_427 = arith.mulf %gather3A_425, %gather3A_426 : vector<16xf32>
      %add3A_428 = arith.addf %add3A_422, %mul3A_427 : vector<16xf32>
      %broadcast_in_dim3A_429 = arith.constant 4 : i32
      %broadcast_in_dim3A_430 = vector.broadcast %broadcast_in_dim3A_429 : i32 to vector<16xi32>
      %gather3A_431 = tpu.vector_load_idx %arg11[%add3A_404, %broadcast_in_dim3A_430] : memref<512x16xf32, #tpu.memory_space<vmem>>[vector<16xi32>, vector<16xi32>], vector<16xf32>,
      %gather3A_432 = tpu.vector_load_idx %arg12[%add3A_404, %broadcast_in_dim3A_430] : memref<512x16xf32, #tpu.memory_space<vmem>>[vector<16xi32>, vector<16xi32>], vector<16xf32>,
      %mul3A_433 = arith.mulf %gather3A_431, %gather3A_432 : vector<16xf32>
      %add3A_434 = arith.addf %add3A_428, %mul3A_433 : vector<16xf32>
      %broadcast_in_dim3A_435 = arith.constant 5 : i32
      %broadcast_in_dim3A_436 = vector.broadcast %broadcast_in_dim3A_435 : i32 to vector<16xi32>
      %gather3A_437 = tpu.vector_load_idx %arg11[%add3A_404, %broadcast_in_dim3A_436] : memref<512x16xf32, #tpu.memory_space<vmem>>[vector<16xi32>, vector<16xi32>], vector<16xf32>,
      %gather3A_438 = tpu.vector_load_idx %arg12[%add3A_404, %broadcast_in_dim3A_436] : memref<512x16xf32, #tpu.memory_space<vmem>>[vector<16xi32>, vector<16xi32>], vector<16xf32>,
      %mul3A_439 = arith.mulf %gather3A_437, %gather3A_438 : vector<16xf32>
      %add3A_440 = arith.addf %add3A_434, %mul3A_439 : vector<16xf32>
      %broadcast_in_dim3A_441 = arith.constant 6 : i32
      %broadcast_in_dim3A_442 = vector.broadcast %broadcast_in_dim3A_441 : i32 to vector<16xi32>
      %gather3A_443 = tpu.vector_load_idx %arg11[%add3A_404, %broadcast_in_dim3A_442] : memref<512x16xf32, #tpu.memory_space<vmem>>[vector<16xi32>, vector<16xi32>], vector<16xf32>,
      %gather3A_444 = tpu.vector_load_idx %arg12[%add3A_404, %broadcast_in_dim3A_442] : memref<512x16xf32, #tpu.memory_space<vmem>>[vector<16xi32>, vector<16xi32>], vector<16xf32>,
      %mul3A_445 = arith.mulf %gather3A_443, %gather3A_444 : vector<16xf32>
      %add3A_446 = arith.addf %add3A_440, %mul3A_445 : vector<16xf32>
      %broadcast_in_dim3A_447 = arith.constant 7 : i32
      %broadcast_in_dim3A_448 = vector.broadcast %broadcast_in_dim3A_447 : i32 to vector<16xi32>
      %gather3A_449 = tpu.vector_load_idx %arg11[%add3A_404, %broadcast_in_dim3A_448] : memref<512x16xf32, #tpu.memory_space<vmem>>[vector<16xi32>, vector<16xi32>], vector<16xf32>,
      %gather3A_450 = tpu.vector_load_idx %arg12[%add3A_404, %broadcast_in_dim3A_448] : memref<512x16xf32, #tpu.memory_space<vmem>>[vector<16xi32>, vector<16xi32>], vector<16xf32>,
      %mul3A_451 = arith.mulf %gather3A_449, %gather3A_450 : vector<16xf32>
      %add3A_452 = arith.addf %add3A_446, %mul3A_451 : vector<16xf32>
      %broadcast_in_dim3A_453 = arith.constant 8 : i32
      %broadcast_in_dim3A_454 = vector.broadcast %broadcast_in_dim3A_453 : i32 to vector<16xi32>
      %gather3A_455 = tpu.vector_load_idx %arg11[%add3A_404, %broadcast_in_dim3A_454] : memref<512x16xf32, #tpu.memory_space<vmem>>[vector<16xi32>, vector<16xi32>], vector<16xf32>,
      %gather3A_456 = tpu.vector_load_idx %arg12[%add3A_404, %broadcast_in_dim3A_454] : memref<512x16xf32, #tpu.memory_space<vmem>>[vector<16xi32>, vector<16xi32>], vector<16xf32>,
      %mul3A_457 = arith.mulf %gather3A_455, %gather3A_456 : vector<16xf32>
      %add3A_458 = arith.addf %add3A_452, %mul3A_457 : vector<16xf32>
      %broadcast_in_dim3A_459 = arith.constant 9 : i32
      %broadcast_in_dim3A_460 = vector.broadcast %broadcast_in_dim3A_459 : i32 to vector<16xi32>
      %gather3A_461 = tpu.vector_load_idx %arg11[%add3A_404, %broadcast_in_dim3A_460] : memref<512x16xf32, #tpu.memory_space<vmem>>[vector<16xi32>, vector<16xi32>], vector<16xf32>,
      %gather3A_462 = tpu.vector_load_idx %arg12[%add3A_404, %broadcast_in_dim3A_460] : memref<512x16xf32, #tpu.memory_space<vmem>>[vector<16xi32>, vector<16xi32>], vector<16xf32>,
      %mul3A_463 = arith.mulf %gather3A_461, %gather3A_462 : vector<16xf32>
      %add3A_464 = arith.addf %add3A_458, %mul3A_463 : vector<16xf32>
      %broadcast_in_dim3A_465 = arith.constant 10 : i32
      %broadcast_in_dim3A_466 = vector.broadcast %broadcast_in_dim3A_465 : i32 to vector<16xi32>
      %gather3A_467 = tpu.vector_load_idx %arg11[%add3A_404, %broadcast_in_dim3A_466] : memref<512x16xf32, #tpu.memory_space<vmem>>[vector<16xi32>, vector<16xi32>], vector<16xf32>,
      %gather3A_468 = tpu.vector_load_idx %arg12[%add3A_404, %broadcast_in_dim3A_466] : memref<512x16xf32, #tpu.memory_space<vmem>>[vector<16xi32>, vector<16xi32>], vector<16xf32>,
      %mul3A_469 = arith.mulf %gather3A_467, %gather3A_468 : vector<16xf32>
      %add3A_470 = arith.addf %add3A_464, %mul3A_469 : vector<16xf32>
      %broadcast_in_dim3A_471 = arith.constant 11 : i32
      %broadcast_in_dim3A_472 = vector.broadcast %broadcast_in_dim3A_471 : i32 to vector<16xi32>
      %gather3A_473 = tpu.vector_load_idx %arg11[%add3A_404, %broadcast_in_dim3A_472] : memref<512x16xf32, #tpu.memory_space<vmem>>[vector<16xi32>, vector<16xi32>], vector<16xf32>,
      %gather3A_474 = tpu.vector_load_idx %arg12[%add3A_404, %broadcast_in_dim3A_472] : memref<512x16xf32, #tpu.memory_space<vmem>>[vector<16xi32>, vector<16xi32>], vector<16xf32>,
      %mul3A_475 = arith.mulf %gather3A_473, %gather3A_474 : vector<16xf32>
      %add3A_476 = arith.addf %add3A_470, %mul3A_475 : vector<16xf32>
      %broadcast_in_dim3A_477 = arith.constant 12 : i32
      %broadcast_in_dim3A_478 = vector.broadcast %broadcast_in_dim3A_477 : i32 to vector<16xi32>
      %gather3A_479 = tpu.vector_load_idx %arg11[%add3A_404, %broadcast_in_dim3A_478] : memref<512x16xf32, #tpu.memory_space<vmem>>[vector<16xi32>, vector<16xi32>], vector<16xf32>,
      %gather3A_480 = tpu.vector_load_idx %arg12[%add3A_404, %broadcast_in_dim3A_478] : memref<512x16xf32, #tpu.memory_space<vmem>>[vector<16xi32>, vector<16xi32>], vector<16xf32>,
      %mul3A_481 = arith.mulf %gather3A_479, %gather3A_480 : vector<16xf32>
      %add3A_482 = arith.addf %add3A_476, %mul3A_481 : vector<16xf32>
      %broadcast_in_dim3A_483 = arith.constant 13 : i32
      %broadcast_in_dim3A_484 = vector.broadcast %broadcast_in_dim3A_483 : i32 to vector<16xi32>
      %gather3A_485 = tpu.vector_load_idx %arg11[%add3A_404, %broadcast_in_dim3A_484] : memref<512x16xf32, #tpu.memory_space<vmem>>[vector<16xi32>, vector<16xi32>], vector<16xf32>,
      %gather3A_486 = tpu.vector_load_idx %arg12[%add3A_404, %broadcast_in_dim3A_484] : memref<512x16xf32, #tpu.memory_space<vmem>>[vector<16xi32>, vector<16xi32>], vector<16xf32>,
      %mul3A_487 = arith.mulf %gather3A_485, %gather3A_486 : vector<16xf32>
      %add3A_488 = arith.addf %add3A_482, %mul3A_487 : vector<16xf32>
      %broadcast_in_dim3A_489 = arith.constant 14 : i32
      %broadcast_in_dim3A_490 = vector.broadcast %broadcast_in_dim3A_489 : i32 to vector<16xi32>
      %gather3A_491 = tpu.vector_load_idx %arg11[%add3A_404, %broadcast_in_dim3A_490] : memref<512x16xf32, #tpu.memory_space<vmem>>[vector<16xi32>, vector<16xi32>], vector<16xf32>,
      %gather3A_492 = tpu.vector_load_idx %arg12[%add3A_404, %broadcast_in_dim3A_490] : memref<512x16xf32, #tpu.memory_space<vmem>>[vector<16xi32>, vector<16xi32>], vector<16xf32>,
      %mul3A_493 = arith.mulf %gather3A_491, %gather3A_492 : vector<16xf32>
      %add3A_494 = arith.addf %add3A_488, %mul3A_493 : vector<16xf32>
      %broadcast_in_dim3A_495 = arith.constant 15 : i32
      %broadcast_in_dim3A_496 = vector.broadcast %broadcast_in_dim3A_495 : i32 to vector<16xi32>
      %gather3A_497 = tpu.vector_load_idx %arg11[%add3A_404, %broadcast_in_dim3A_496] : memref<512x16xf32, #tpu.memory_space<vmem>>[vector<16xi32>, vector<16xi32>], vector<16xf32>,
      %gather3A_498 = tpu.vector_load_idx %arg12[%add3A_404, %broadcast_in_dim3A_496] : memref<512x16xf32, #tpu.memory_space<vmem>>[vector<16xi32>, vector<16xi32>], vector<16xf32>,
      %mul3A_499 = arith.mulf %gather3A_497, %gather3A_498 : vector<16xf32>
      %add3A_500 = arith.addf %add3A_494, %mul3A_499 : vector<16xf32>
      %add3A_501 = arith.constant 48 : i32
      %add3A_502 = arith.addi %mul3A_66, %add3A_501 : i32
      %swap3A_503 = arith.index_cast %add3A_502 : i32 to index
      %swap3A_504 = tpu.vector_load %arg13[%swap3A_503] {strides = array<i32>} : memref<4096xf32, #tpu.memory_space<vmem>>, vector<16xf32>,
      tpu.vector_store %arg13[%swap3A_503], %add3A_500 {strides = array<i32>} : memref<4096xf32, #tpu.memory_space<vmem>>, vector<16xf32>,
      %add3A_505 = arith.constant 64 : i32
      %add3A_506 = arith.addi %mul3A_66, %add3A_505 : i32
      %get3A_507 = arith.index_cast %add3A_506 : i32 to index
      %get3A_508 = tpu.vector_load %arg10[%get3A_507] {strides = array<i32>} : memref<4096xi32, #tpu.memory_space<vmem>>, vector<16xi32>,
      %gather3A_509 = tpu.vector_load_idx %arg8[%get3A_508] : memref<4096xf32, #tpu.memory_space<vmem>>[vector<16xi32>], vector<16xf32>,
      %add3A_510 = vector.broadcast %mul3A_68 : i32 to vector<16xi32>
      %add3A_511 = arith.addi %iota3A, %add3A_510 : vector<16xi32>
      %add3A_512 = arith.constant 64 : i32
      %add3A_513 = vector.broadcast %add3A_512 : i32 to vector<16xi32>
      %add3A_514 = arith.addi %add3A_511, %add3A_513 : vector<16xi32>
      %broadcast_in_dim3A_515 = arith.constant 0 : i32
      %broadcast_in_dim3A_516 = vector.broadcast %broadcast_in_dim3A_515 : i32 to vector<16xi32>
      %gather3A_517 = tpu.vector_load_idx %arg11[%add3A_514, %broadcast_in_dim3A_516] : memref<512x16xf32, #tpu.memory_space<vmem>>[vector<16xi32>, vector<16xi32>], vector<16xf32>,
      %gather3A_518 = tpu.vector_load_idx %arg12[%add3A_514, %broadcast_in_dim3A_516] : memref<512x16xf32, #tpu.memory_space<vmem>>[vector<16xi32>, vector<16xi32>], vector<16xf32>,
      %mul3A_519 = arith.mulf %gather3A_517, %gather3A_518 : vector<16xf32>
      %add3A_520 = arith.addf %gather3A_509, %mul3A_519 : vector<16xf32>
      %broadcast_in_dim3A_521 = arith.constant 1 : i32
      %broadcast_in_dim3A_522 = vector.broadcast %broadcast_in_dim3A_521 : i32 to vector<16xi32>
      %gather3A_523 = tpu.vector_load_idx %arg11[%add3A_514, %broadcast_in_dim3A_522] : memref<512x16xf32, #tpu.memory_space<vmem>>[vector<16xi32>, vector<16xi32>], vector<16xf32>,
      %gather3A_524 = tpu.vector_load_idx %arg12[%add3A_514, %broadcast_in_dim3A_522] : memref<512x16xf32, #tpu.memory_space<vmem>>[vector<16xi32>, vector<16xi32>], vector<16xf32>,
      %mul3A_525 = arith.mulf %gather3A_523, %gather3A_524 : vector<16xf32>
      %add3A_526 = arith.addf %add3A_520, %mul3A_525 : vector<16xf32>
      %broadcast_in_dim3A_527 = arith.constant 2 : i32
      %broadcast_in_dim3A_528 = vector.broadcast %broadcast_in_dim3A_527 : i32 to vector<16xi32>
      %gather3A_529 = tpu.vector_load_idx %arg11[%add3A_514, %broadcast_in_dim3A_528] : memref<512x16xf32, #tpu.memory_space<vmem>>[vector<16xi32>, vector<16xi32>], vector<16xf32>,
      %gather3A_530 = tpu.vector_load_idx %arg12[%add3A_514, %broadcast_in_dim3A_528] : memref<512x16xf32, #tpu.memory_space<vmem>>[vector<16xi32>, vector<16xi32>], vector<16xf32>,
      %mul3A_531 = arith.mulf %gather3A_529, %gather3A_530 : vector<16xf32>
      %add3A_532 = arith.addf %add3A_526, %mul3A_531 : vector<16xf32>
      %broadcast_in_dim3A_533 = arith.constant 3 : i32
      %broadcast_in_dim3A_534 = vector.broadcast %broadcast_in_dim3A_533 : i32 to vector<16xi32>
      %gather3A_535 = tpu.vector_load_idx %arg11[%add3A_514, %broadcast_in_dim3A_534] : memref<512x16xf32, #tpu.memory_space<vmem>>[vector<16xi32>, vector<16xi32>], vector<16xf32>,
      %gather3A_536 = tpu.vector_load_idx %arg12[%add3A_514, %broadcast_in_dim3A_534] : memref<512x16xf32, #tpu.memory_space<vmem>>[vector<16xi32>, vector<16xi32>], vector<16xf32>,
      %mul3A_537 = arith.mulf %gather3A_535, %gather3A_536 : vector<16xf32>
      %add3A_538 = arith.addf %add3A_532, %mul3A_537 : vector<16xf32>
      %broadcast_in_dim3A_539 = arith.constant 4 : i32
      %broadcast_in_dim3A_540 = vector.broadcast %broadcast_in_dim3A_539 : i32 to vector<16xi32>
      %gather3A_541 = tpu.vector_load_idx %arg11[%add3A_514, %broadcast_in_dim3A_540] : memref<512x16xf32, #tpu.memory_space<vmem>>[vector<16xi32>, vector<16xi32>], vector<16xf32>,
      %gather3A_542 = tpu.vector_load_idx %arg12[%add3A_514, %broadcast_in_dim3A_540] : memref<512x16xf32, #tpu.memory_space<vmem>>[vector<16xi32>, vector<16xi32>], vector<16xf32>,
      %mul3A_543 = arith.mulf %gather3A_541, %gather3A_542 : vector<16xf32>
      %add3A_544 = arith.addf %add3A_538, %mul3A_543 : vector<16xf32>
      %broadcast_in_dim3A_545 = arith.constant 5 : i32
      %broadcast_in_dim3A_546 = vector.broadcast %broadcast_in_dim3A_545 : i32 to vector<16xi32>
      %gather3A_547 = tpu.vector_load_idx %arg11[%add3A_514, %broadcast_in_dim3A_546] : memref<512x16xf32, #tpu.memory_space<vmem>>[vector<16xi32>, vector<16xi32>], vector<16xf32>,
      %gather3A_548 = tpu.vector_load_idx %arg12[%add3A_514, %broadcast_in_dim3A_546] : memref<512x16xf32, #tpu.memory_space<vmem>>[vector<16xi32>, vector<16xi32>], vector<16xf32>,
      %mul3A_549 = arith.mulf %gather3A_547, %gather3A_548 : vector<16xf32>
      %add3A_550 = arith.addf %add3A_544, %mul3A_549 : vector<16xf32>
      %broadcast_in_dim3A_551 = arith.constant 6 : i32
      %broadcast_in_dim3A_552 = vector.broadcast %broadcast_in_dim3A_551 : i32 to vector<16xi32>
      %gather3A_553 = tpu.vector_load_idx %arg11[%add3A_514, %broadcast_in_dim3A_552] : memref<512x16xf32, #tpu.memory_space<vmem>>[vector<16xi32>, vector<16xi32>], vector<16xf32>,
      %gather3A_554 = tpu.vector_load_idx %arg12[%add3A_514, %broadcast_in_dim3A_552] : memref<512x16xf32, #tpu.memory_space<vmem>>[vector<16xi32>, vector<16xi32>], vector<16xf32>,
      %mul3A_555 = arith.mulf %gather3A_553, %gather3A_554 : vector<16xf32>
      %add3A_556 = arith.addf %add3A_550, %mul3A_555 : vector<16xf32>
      %broadcast_in_dim3A_557 = arith.constant 7 : i32
      %broadcast_in_dim3A_558 = vector.broadcast %broadcast_in_dim3A_557 : i32 to vector<16xi32>
      %gather3A_559 = tpu.vector_load_idx %arg11[%add3A_514, %broadcast_in_dim3A_558] : memref<512x16xf32, #tpu.memory_space<vmem>>[vector<16xi32>, vector<16xi32>], vector<16xf32>,
      %gather3A_560 = tpu.vector_load_idx %arg12[%add3A_514, %broadcast_in_dim3A_558] : memref<512x16xf32, #tpu.memory_space<vmem>>[vector<16xi32>, vector<16xi32>], vector<16xf32>,
      %mul3A_561 = arith.mulf %gather3A_559, %gather3A_560 : vector<16xf32>
      %add3A_562 = arith.addf %add3A_556, %mul3A_561 : vector<16xf32>
      %broadcast_in_dim3A_563 = arith.constant 8 : i32
      %broadcast_in_dim3A_564 = vector.broadcast %broadcast_in_dim3A_563 : i32 to vector<16xi32>
      %gather3A_565 = tpu.vector_load_idx %arg11[%add3A_514, %broadcast_in_dim3A_564] : memref<512x16xf32, #tpu.memory_space<vmem>>[vector<16xi32>, vector<16xi32>], vector<16xf32>,
      %gather3A_566 = tpu.vector_load_idx %arg12[%add3A_514, %broadcast_in_dim3A_564] : memref<512x16xf32, #tpu.memory_space<vmem>>[vector<16xi32>, vector<16xi32>], vector<16xf32>,
      %mul3A_567 = arith.mulf %gather3A_565, %gather3A_566 : vector<16xf32>
      %add3A_568 = arith.addf %add3A_562, %mul3A_567 : vector<16xf32>
      %broadcast_in_dim3A_569 = arith.constant 9 : i32
      %broadcast_in_dim3A_570 = vector.broadcast %broadcast_in_dim3A_569 : i32 to vector<16xi32>
      %gather3A_571 = tpu.vector_load_idx %arg11[%add3A_514, %broadcast_in_dim3A_570] : memref<512x16xf32, #tpu.memory_space<vmem>>[vector<16xi32>, vector<16xi32>], vector<16xf32>,
      %gather3A_572 = tpu.vector_load_idx %arg12[%add3A_514, %broadcast_in_dim3A_570] : memref<512x16xf32, #tpu.memory_space<vmem>>[vector<16xi32>, vector<16xi32>], vector<16xf32>,
      %mul3A_573 = arith.mulf %gather3A_571, %gather3A_572 : vector<16xf32>
      %add3A_574 = arith.addf %add3A_568, %mul3A_573 : vector<16xf32>
      %broadcast_in_dim3A_575 = arith.constant 10 : i32
      %broadcast_in_dim3A_576 = vector.broadcast %broadcast_in_dim3A_575 : i32 to vector<16xi32>
      %gather3A_577 = tpu.vector_load_idx %arg11[%add3A_514, %broadcast_in_dim3A_576] : memref<512x16xf32, #tpu.memory_space<vmem>>[vector<16xi32>, vector<16xi32>], vector<16xf32>,
      %gather3A_578 = tpu.vector_load_idx %arg12[%add3A_514, %broadcast_in_dim3A_576] : memref<512x16xf32, #tpu.memory_space<vmem>>[vector<16xi32>, vector<16xi32>], vector<16xf32>,
      %mul3A_579 = arith.mulf %gather3A_577, %gather3A_578 : vector<16xf32>
      %add3A_580 = arith.addf %add3A_574, %mul3A_579 : vector<16xf32>
      %broadcast_in_dim3A_581 = arith.constant 11 : i32
      %broadcast_in_dim3A_582 = vector.broadcast %broadcast_in_dim3A_581 : i32 to vector<16xi32>
      %gather3A_583 = tpu.vector_load_idx %arg11[%add3A_514, %broadcast_in_dim3A_582] : memref<512x16xf32, #tpu.memory_space<vmem>>[vector<16xi32>, vector<16xi32>], vector<16xf32>,
      %gather3A_584 = tpu.vector_load_idx %arg12[%add3A_514, %broadcast_in_dim3A_582] : memref<512x16xf32, #tpu.memory_space<vmem>>[vector<16xi32>, vector<16xi32>], vector<16xf32>,
      %mul3A_585 = arith.mulf %gather3A_583, %gather3A_584 : vector<16xf32>
      %add3A_586 = arith.addf %add3A_580, %mul3A_585 : vector<16xf32>
      %broadcast_in_dim3A_587 = arith.constant 12 : i32
      %broadcast_in_dim3A_588 = vector.broadcast %broadcast_in_dim3A_587 : i32 to vector<16xi32>
      %gather3A_589 = tpu.vector_load_idx %arg11[%add3A_514, %broadcast_in_dim3A_588] : memref<512x16xf32, #tpu.memory_space<vmem>>[vector<16xi32>, vector<16xi32>], vector<16xf32>,
      %gather3A_590 = tpu.vector_load_idx %arg12[%add3A_514, %broadcast_in_dim3A_588] : memref<512x16xf32, #tpu.memory_space<vmem>>[vector<16xi32>, vector<16xi32>], vector<16xf32>,
      %mul3A_591 = arith.mulf %gather3A_589, %gather3A_590 : vector<16xf32>
      %add3A_592 = arith.addf %add3A_586, %mul3A_591 : vector<16xf32>
      %broadcast_in_dim3A_593 = arith.constant 13 : i32
      %broadcast_in_dim3A_594 = vector.broadcast %broadcast_in_dim3A_593 : i32 to vector<16xi32>
      %gather3A_595 = tpu.vector_load_idx %arg11[%add3A_514, %broadcast_in_dim3A_594] : memref<512x16xf32, #tpu.memory_space<vmem>>[vector<16xi32>, vector<16xi32>], vector<16xf32>,
      %gather3A_596 = tpu.vector_load_idx %arg12[%add3A_514, %broadcast_in_dim3A_594] : memref<512x16xf32, #tpu.memory_space<vmem>>[vector<16xi32>, vector<16xi32>], vector<16xf32>,
      %mul3A_597 = arith.mulf %gather3A_595, %gather3A_596 : vector<16xf32>
      %add3A_598 = arith.addf %add3A_592, %mul3A_597 : vector<16xf32>
      %broadcast_in_dim3A_599 = arith.constant 14 : i32
      %broadcast_in_dim3A_600 = vector.broadcast %broadcast_in_dim3A_599 : i32 to vector<16xi32>
      %gather3A_601 = tpu.vector_load_idx %arg11[%add3A_514, %broadcast_in_dim3A_600] : memref<512x16xf32, #tpu.memory_space<vmem>>[vector<16xi32>, vector<16xi32>], vector<16xf32>,
      %gather3A_602 = tpu.vector_load_idx %arg12[%add3A_514, %broadcast_in_dim3A_600] : memref<512x16xf32, #tpu.memory_space<vmem>>[vector<16xi32>, vector<16xi32>], vector<16xf32>,
      %mul3A_603 = arith.mulf %gather3A_601, %gather3A_602 : vector<16xf32>
      %add3A_604 = arith.addf %add3A_598, %mul3A_603 : vector<16xf32>
      %broadcast_in_dim3A_605 = arith.constant 15 : i32
      %broadcast_in_dim3A_606 = vector.broadcast %broadcast_in_dim3A_605 : i32 to vector<16xi32>
      %gather3A_607 = tpu.vector_load_idx %arg11[%add3A_514, %broadcast_in_dim3A_606] : memref<512x16xf32, #tpu.memory_space<vmem>>[vector<16xi32>, vector<16xi32>], vector<16xf32>,
      %gather3A_608 = tpu.vector_load_idx %arg12[%add3A_514, %broadcast_in_dim3A_606] : memref<512x16xf32, #tpu.memory_space<vmem>>[vector<16xi32>, vector<16xi32>], vector<16xf32>,
      %mul3A_609 = arith.mulf %gather3A_607, %gather3A_608 : vector<16xf32>
      %add3A_610 = arith.addf %add3A_604, %mul3A_609 : vector<16xf32>
      %add3A_611 = arith.constant 64 : i32
      %add3A_612 = arith.addi %mul3A_66, %add3A_611 : i32
      %swap3A_613 = arith.index_cast %add3A_612 : i32 to index
      %swap3A_614 = tpu.vector_load %arg13[%swap3A_613] {strides = array<i32>} : memref<4096xf32, #tpu.memory_space<vmem>>, vector<16xf32>,
      tpu.vector_store %arg13[%swap3A_613], %add3A_610 {strides = array<i32>} : memref<4096xf32, #tpu.memory_space<vmem>>, vector<16xf32>,
      %add3A_615 = arith.constant 80 : i32
      %add3A_616 = arith.addi %mul3A_66, %add3A_615 : i32
      %get3A_617 = arith.index_cast %add3A_616 : i32 to index
      %get3A_618 = tpu.vector_load %arg10[%get3A_617] {strides = array<i32>} : memref<4096xi32, #tpu.memory_space<vmem>>, vector<16xi32>,
      %gather3A_619 = tpu.vector_load_idx %arg8[%get3A_618] : memref<4096xf32, #tpu.memory_space<vmem>>[vector<16xi32>], vector<16xf32>,
      %add3A_620 = vector.broadcast %mul3A_68 : i32 to vector<16xi32>
      %add3A_621 = arith.addi %iota3A, %add3A_620 : vector<16xi32>
      %add3A_622 = arith.constant 80 : i32
      %add3A_623 = vector.broadcast %add3A_622 : i32 to vector<16xi32>
      %add3A_624 = arith.addi %add3A_621, %add3A_623 : vector<16xi32>
      %broadcast_in_dim3A_625 = arith.constant 0 : i32
      %broadcast_in_dim3A_626 = vector.broadcast %broadcast_in_dim3A_625 : i32 to vector<16xi32>
      %gather3A_627 = tpu.vector_load_idx %arg11[%add3A_624, %broadcast_in_dim3A_626] : memref<512x16xf32, #tpu.memory_space<vmem>>[vector<16xi32>, vector<16xi32>], vector<16xf32>,
      %gather3A_628 = tpu.vector_load_idx %arg12[%add3A_624, %broadcast_in_dim3A_626] : memref<512x16xf32, #tpu.memory_space<vmem>>[vector<16xi32>, vector<16xi32>], vector<16xf32>,
      %mul3A_629 = arith.mulf %gather3A_627, %gather3A_628 : vector<16xf32>
      %add3A_630 = arith.addf %gather3A_619, %mul3A_629 : vector<16xf32>
      %broadcast_in_dim3A_631 = arith.constant 1 : i32
      %broadcast_in_dim3A_632 = vector.broadcast %broadcast_in_dim3A_631 : i32 to vector<16xi32>
      %gather3A_633 = tpu.vector_load_idx %arg11[%add3A_624, %broadcast_in_dim3A_632] : memref<512x16xf32, #tpu.memory_space<vmem>>[vector<16xi32>, vector<16xi32>], vector<16xf32>,
      %gather3A_634 = tpu.vector_load_idx %arg12[%add3A_624, %broadcast_in_dim3A_632] : memref<512x16xf32, #tpu.memory_space<vmem>>[vector<16xi32>, vector<16xi32>], vector<16xf32>,
      %mul3A_635 = arith.mulf %gather3A_633, %gather3A_634 : vector<16xf32>
      %add3A_636 = arith.addf %add3A_630, %mul3A_635 : vector<16xf32>
      %broadcast_in_dim3A_637 = arith.constant 2 : i32
      %broadcast_in_dim3A_638 = vector.broadcast %broadcast_in_dim3A_637 : i32 to vector<16xi32>
      %gather3A_639 = tpu.vector_load_idx %arg11[%add3A_624, %broadcast_in_dim3A_638] : memref<512x16xf32, #tpu.memory_space<vmem>>[vector<16xi32>, vector<16xi32>], vector<16xf32>,
      %gather3A_640 = tpu.vector_load_idx %arg12[%add3A_624, %broadcast_in_dim3A_638] : memref<512x16xf32, #tpu.memory_space<vmem>>[vector<16xi32>, vector<16xi32>], vector<16xf32>,
      %mul3A_641 = arith.mulf %gather3A_639, %gather3A_640 : vector<16xf32>
      %add3A_642 = arith.addf %add3A_636, %mul3A_641 : vector<16xf32>
      %broadcast_in_dim3A_643 = arith.constant 3 : i32
      %broadcast_in_dim3A_644 = vector.broadcast %broadcast_in_dim3A_643 : i32 to vector<16xi32>
      %gather3A_645 = tpu.vector_load_idx %arg11[%add3A_624, %broadcast_in_dim3A_644] : memref<512x16xf32, #tpu.memory_space<vmem>>[vector<16xi32>, vector<16xi32>], vector<16xf32>,
      %gather3A_646 = tpu.vector_load_idx %arg12[%add3A_624, %broadcast_in_dim3A_644] : memref<512x16xf32, #tpu.memory_space<vmem>>[vector<16xi32>, vector<16xi32>], vector<16xf32>,
      %mul3A_647 = arith.mulf %gather3A_645, %gather3A_646 : vector<16xf32>
      %add3A_648 = arith.addf %add3A_642, %mul3A_647 : vector<16xf32>
      %broadcast_in_dim3A_649 = arith.constant 4 : i32
      %broadcast_in_dim3A_650 = vector.broadcast %broadcast_in_dim3A_649 : i32 to vector<16xi32>
      %gather3A_651 = tpu.vector_load_idx %arg11[%add3A_624, %broadcast_in_dim3A_650] : memref<512x16xf32, #tpu.memory_space<vmem>>[vector<16xi32>, vector<16xi32>], vector<16xf32>,
      %gather3A_652 = tpu.vector_load_idx %arg12[%add3A_624, %broadcast_in_dim3A_650] : memref<512x16xf32, #tpu.memory_space<vmem>>[vector<16xi32>, vector<16xi32>], vector<16xf32>,
      %mul3A_653 = arith.mulf %gather3A_651, %gather3A_652 : vector<16xf32>
      %add3A_654 = arith.addf %add3A_648, %mul3A_653 : vector<16xf32>
      %broadcast_in_dim3A_655 = arith.constant 5 : i32
      %broadcast_in_dim3A_656 = vector.broadcast %broadcast_in_dim3A_655 : i32 to vector<16xi32>
      %gather3A_657 = tpu.vector_load_idx %arg11[%add3A_624, %broadcast_in_dim3A_656] : memref<512x16xf32, #tpu.memory_space<vmem>>[vector<16xi32>, vector<16xi32>], vector<16xf32>,
      %gather3A_658 = tpu.vector_load_idx %arg12[%add3A_624, %broadcast_in_dim3A_656] : memref<512x16xf32, #tpu.memory_space<vmem>>[vector<16xi32>, vector<16xi32>], vector<16xf32>,
      %mul3A_659 = arith.mulf %gather3A_657, %gather3A_658 : vector<16xf32>
      %add3A_660 = arith.addf %add3A_654, %mul3A_659 : vector<16xf32>
      %broadcast_in_dim3A_661 = arith.constant 6 : i32
      %broadcast_in_dim3A_662 = vector.broadcast %broadcast_in_dim3A_661 : i32 to vector<16xi32>
      %gather3A_663 = tpu.vector_load_idx %arg11[%add3A_624, %broadcast_in_dim3A_662] : memref<512x16xf32, #tpu.memory_space<vmem>>[vector<16xi32>, vector<16xi32>], vector<16xf32>,
      %gather3A_664 = tpu.vector_load_idx %arg12[%add3A_624, %broadcast_in_dim3A_662] : memref<512x16xf32, #tpu.memory_space<vmem>>[vector<16xi32>, vector<16xi32>], vector<16xf32>,
      %mul3A_665 = arith.mulf %gather3A_663, %gather3A_664 : vector<16xf32>
      %add3A_666 = arith.addf %add3A_660, %mul3A_665 : vector<16xf32>
      %broadcast_in_dim3A_667 = arith.constant 7 : i32
      %broadcast_in_dim3A_668 = vector.broadcast %broadcast_in_dim3A_667 : i32 to vector<16xi32>
      %gather3A_669 = tpu.vector_load_idx %arg11[%add3A_624, %broadcast_in_dim3A_668] : memref<512x16xf32, #tpu.memory_space<vmem>>[vector<16xi32>, vector<16xi32>], vector<16xf32>,
      %gather3A_670 = tpu.vector_load_idx %arg12[%add3A_624, %broadcast_in_dim3A_668] : memref<512x16xf32, #tpu.memory_space<vmem>>[vector<16xi32>, vector<16xi32>], vector<16xf32>,
      %mul3A_671 = arith.mulf %gather3A_669, %gather3A_670 : vector<16xf32>
      %add3A_672 = arith.addf %add3A_666, %mul3A_671 : vector<16xf32>
      %broadcast_in_dim3A_673 = arith.constant 8 : i32
      %broadcast_in_dim3A_674 = vector.broadcast %broadcast_in_dim3A_673 : i32 to vector<16xi32>
      %gather3A_675 = tpu.vector_load_idx %arg11[%add3A_624, %broadcast_in_dim3A_674] : memref<512x16xf32, #tpu.memory_space<vmem>>[vector<16xi32>, vector<16xi32>], vector<16xf32>,
      %gather3A_676 = tpu.vector_load_idx %arg12[%add3A_624, %broadcast_in_dim3A_674] : memref<512x16xf32, #tpu.memory_space<vmem>>[vector<16xi32>, vector<16xi32>], vector<16xf32>,
      %mul3A_677 = arith.mulf %gather3A_675, %gather3A_676 : vector<16xf32>
      %add3A_678 = arith.addf %add3A_672, %mul3A_677 : vector<16xf32>
      %broadcast_in_dim3A_679 = arith.constant 9 : i32
      %broadcast_in_dim3A_680 = vector.broadcast %broadcast_in_dim3A_679 : i32 to vector<16xi32>
      %gather3A_681 = tpu.vector_load_idx %arg11[%add3A_624, %broadcast_in_dim3A_680] : memref<512x16xf32, #tpu.memory_space<vmem>>[vector<16xi32>, vector<16xi32>], vector<16xf32>,
      %gather3A_682 = tpu.vector_load_idx %arg12[%add3A_624, %broadcast_in_dim3A_680] : memref<512x16xf32, #tpu.memory_space<vmem>>[vector<16xi32>, vector<16xi32>], vector<16xf32>,
      %mul3A_683 = arith.mulf %gather3A_681, %gather3A_682 : vector<16xf32>
      %add3A_684 = arith.addf %add3A_678, %mul3A_683 : vector<16xf32>
      %broadcast_in_dim3A_685 = arith.constant 10 : i32
      %broadcast_in_dim3A_686 = vector.broadcast %broadcast_in_dim3A_685 : i32 to vector<16xi32>
      %gather3A_687 = tpu.vector_load_idx %arg11[%add3A_624, %broadcast_in_dim3A_686] : memref<512x16xf32, #tpu.memory_space<vmem>>[vector<16xi32>, vector<16xi32>], vector<16xf32>,
      %gather3A_688 = tpu.vector_load_idx %arg12[%add3A_624, %broadcast_in_dim3A_686] : memref<512x16xf32, #tpu.memory_space<vmem>>[vector<16xi32>, vector<16xi32>], vector<16xf32>,
      %mul3A_689 = arith.mulf %gather3A_687, %gather3A_688 : vector<16xf32>
      %add3A_690 = arith.addf %add3A_684, %mul3A_689 : vector<16xf32>
      %broadcast_in_dim3A_691 = arith.constant 11 : i32
      %broadcast_in_dim3A_692 = vector.broadcast %broadcast_in_dim3A_691 : i32 to vector<16xi32>
      %gather3A_693 = tpu.vector_load_idx %arg11[%add3A_624, %broadcast_in_dim3A_692] : memref<512x16xf32, #tpu.memory_space<vmem>>[vector<16xi32>, vector<16xi32>], vector<16xf32>,
      %gather3A_694 = tpu.vector_load_idx %arg12[%add3A_624, %broadcast_in_dim3A_692] : memref<512x16xf32, #tpu.memory_space<vmem>>[vector<16xi32>, vector<16xi32>], vector<16xf32>,
      %mul3A_695 = arith.mulf %gather3A_693, %gather3A_694 : vector<16xf32>
      %add3A_696 = arith.addf %add3A_690, %mul3A_695 : vector<16xf32>
      %broadcast_in_dim3A_697 = arith.constant 12 : i32
      %broadcast_in_dim3A_698 = vector.broadcast %broadcast_in_dim3A_697 : i32 to vector<16xi32>
      %gather3A_699 = tpu.vector_load_idx %arg11[%add3A_624, %broadcast_in_dim3A_698] : memref<512x16xf32, #tpu.memory_space<vmem>>[vector<16xi32>, vector<16xi32>], vector<16xf32>,
      %gather3A_700 = tpu.vector_load_idx %arg12[%add3A_624, %broadcast_in_dim3A_698] : memref<512x16xf32, #tpu.memory_space<vmem>>[vector<16xi32>, vector<16xi32>], vector<16xf32>,
      %mul3A_701 = arith.mulf %gather3A_699, %gather3A_700 : vector<16xf32>
      %add3A_702 = arith.addf %add3A_696, %mul3A_701 : vector<16xf32>
      %broadcast_in_dim3A_703 = arith.constant 13 : i32
      %broadcast_in_dim3A_704 = vector.broadcast %broadcast_in_dim3A_703 : i32 to vector<16xi32>
      %gather3A_705 = tpu.vector_load_idx %arg11[%add3A_624, %broadcast_in_dim3A_704] : memref<512x16xf32, #tpu.memory_space<vmem>>[vector<16xi32>, vector<16xi32>], vector<16xf32>,
      %gather3A_706 = tpu.vector_load_idx %arg12[%add3A_624, %broadcast_in_dim3A_704] : memref<512x16xf32, #tpu.memory_space<vmem>>[vector<16xi32>, vector<16xi32>], vector<16xf32>,
      %mul3A_707 = arith.mulf %gather3A_705, %gather3A_706 : vector<16xf32>
      %add3A_708 = arith.addf %add3A_702, %mul3A_707 : vector<16xf32>
      %broadcast_in_dim3A_709 = arith.constant 14 : i32
      %broadcast_in_dim3A_710 = vector.broadcast %broadcast_in_dim3A_709 : i32 to vector<16xi32>
      %gather3A_711 = tpu.vector_load_idx %arg11[%add3A_624, %broadcast_in_dim3A_710] : memref<512x16xf32, #tpu.memory_space<vmem>>[vector<16xi32>, vector<16xi32>], vector<16xf32>,
      %gather3A_712 = tpu.vector_load_idx %arg12[%add3A_624, %broadcast_in_dim3A_710] : memref<512x16xf32, #tpu.memory_space<vmem>>[vector<16xi32>, vector<16xi32>], vector<16xf32>,
      %mul3A_713 = arith.mulf %gather3A_711, %gather3A_712 : vector<16xf32>
      %add3A_714 = arith.addf %add3A_708, %mul3A_713 : vector<16xf32>
      %broadcast_in_dim3A_715 = arith.constant 15 : i32
      %broadcast_in_dim3A_716 = vector.broadcast %broadcast_in_dim3A_715 : i32 to vector<16xi32>
      %gather3A_717 = tpu.vector_load_idx %arg11[%add3A_624, %broadcast_in_dim3A_716] : memref<512x16xf32, #tpu.memory_space<vmem>>[vector<16xi32>, vector<16xi32>], vector<16xf32>,
      %gather3A_718 = tpu.vector_load_idx %arg12[%add3A_624, %broadcast_in_dim3A_716] : memref<512x16xf32, #tpu.memory_space<vmem>>[vector<16xi32>, vector<16xi32>], vector<16xf32>,
      %mul3A_719 = arith.mulf %gather3A_717, %gather3A_718 : vector<16xf32>
      %add3A_720 = arith.addf %add3A_714, %mul3A_719 : vector<16xf32>
      %add3A_721 = arith.constant 80 : i32
      %add3A_722 = arith.addi %mul3A_66, %add3A_721 : i32
      %swap3A_723 = arith.index_cast %add3A_722 : i32 to index
      %swap3A_724 = tpu.vector_load %arg13[%swap3A_723] {strides = array<i32>} : memref<4096xf32, #tpu.memory_space<vmem>>, vector<16xf32>,
      tpu.vector_store %arg13[%swap3A_723], %add3A_720 {strides = array<i32>} : memref<4096xf32, #tpu.memory_space<vmem>>, vector<16xf32>,
      %add3A_725 = arith.constant 96 : i32
      %add3A_726 = arith.addi %mul3A_66, %add3A_725 : i32
      %get3A_727 = arith.index_cast %add3A_726 : i32 to index
      %get3A_728 = tpu.vector_load %arg10[%get3A_727] {strides = array<i32>} : memref<4096xi32, #tpu.memory_space<vmem>>, vector<16xi32>,
      %gather3A_729 = tpu.vector_load_idx %arg8[%get3A_728] : memref<4096xf32, #tpu.memory_space<vmem>>[vector<16xi32>], vector<16xf32>,
      %add3A_730 = vector.broadcast %mul3A_68 : i32 to vector<16xi32>
      %add3A_731 = arith.addi %iota3A, %add3A_730 : vector<16xi32>
      %add3A_732 = arith.constant 96 : i32
      %add3A_733 = vector.broadcast %add3A_732 : i32 to vector<16xi32>
      %add3A_734 = arith.addi %add3A_731, %add3A_733 : vector<16xi32>
      %broadcast_in_dim3A_735 = arith.constant 0 : i32
      %broadcast_in_dim3A_736 = vector.broadcast %broadcast_in_dim3A_735 : i32 to vector<16xi32>
      %gather3A_737 = tpu.vector_load_idx %arg11[%add3A_734, %broadcast_in_dim3A_736] : memref<512x16xf32, #tpu.memory_space<vmem>>[vector<16xi32>, vector<16xi32>], vector<16xf32>,
      %gather3A_738 = tpu.vector_load_idx %arg12[%add3A_734, %broadcast_in_dim3A_736] : memref<512x16xf32, #tpu.memory_space<vmem>>[vector<16xi32>, vector<16xi32>], vector<16xf32>,
      %mul3A_739 = arith.mulf %gather3A_737, %gather3A_738 : vector<16xf32>
      %add3A_740 = arith.addf %gather3A_729, %mul3A_739 : vector<16xf32>
      %broadcast_in_dim3A_741 = arith.constant 1 : i32
      %broadcast_in_dim3A_742 = vector.broadcast %broadcast_in_dim3A_741 : i32 to vector<16xi32>
      %gather3A_743 = tpu.vector_load_idx %arg11[%add3A_734, %broadcast_in_dim3A_742] : memref<512x16xf32, #tpu.memory_space<vmem>>[vector<16xi32>, vector<16xi32>], vector<16xf32>,
      %gather3A_744 = tpu.vector_load_idx %arg12[%add3A_734, %broadcast_in_dim3A_742] : memref<512x16xf32, #tpu.memory_space<vmem>>[vector<16xi32>, vector<16xi32>], vector<16xf32>,
      %mul3A_745 = arith.mulf %gather3A_743, %gather3A_744 : vector<16xf32>
      %add3A_746 = arith.addf %add3A_740, %mul3A_745 : vector<16xf32>
      %broadcast_in_dim3A_747 = arith.constant 2 : i32
      %broadcast_in_dim3A_748 = vector.broadcast %broadcast_in_dim3A_747 : i32 to vector<16xi32>
      %gather3A_749 = tpu.vector_load_idx %arg11[%add3A_734, %broadcast_in_dim3A_748] : memref<512x16xf32, #tpu.memory_space<vmem>>[vector<16xi32>, vector<16xi32>], vector<16xf32>,
      %gather3A_750 = tpu.vector_load_idx %arg12[%add3A_734, %broadcast_in_dim3A_748] : memref<512x16xf32, #tpu.memory_space<vmem>>[vector<16xi32>, vector<16xi32>], vector<16xf32>,
      %mul3A_751 = arith.mulf %gather3A_749, %gather3A_750 : vector<16xf32>
      %add3A_752 = arith.addf %add3A_746, %mul3A_751 : vector<16xf32>
      %broadcast_in_dim3A_753 = arith.constant 3 : i32
      %broadcast_in_dim3A_754 = vector.broadcast %broadcast_in_dim3A_753 : i32 to vector<16xi32>
      %gather3A_755 = tpu.vector_load_idx %arg11[%add3A_734, %broadcast_in_dim3A_754] : memref<512x16xf32, #tpu.memory_space<vmem>>[vector<16xi32>, vector<16xi32>], vector<16xf32>,
      %gather3A_756 = tpu.vector_load_idx %arg12[%add3A_734, %broadcast_in_dim3A_754] : memref<512x16xf32, #tpu.memory_space<vmem>>[vector<16xi32>, vector<16xi32>], vector<16xf32>,
      %mul3A_757 = arith.mulf %gather3A_755, %gather3A_756 : vector<16xf32>
      %add3A_758 = arith.addf %add3A_752, %mul3A_757 : vector<16xf32>
      %broadcast_in_dim3A_759 = arith.constant 4 : i32
      %broadcast_in_dim3A_760 = vector.broadcast %broadcast_in_dim3A_759 : i32 to vector<16xi32>
      %gather3A_761 = tpu.vector_load_idx %arg11[%add3A_734, %broadcast_in_dim3A_760] : memref<512x16xf32, #tpu.memory_space<vmem>>[vector<16xi32>, vector<16xi32>], vector<16xf32>,
      %gather3A_762 = tpu.vector_load_idx %arg12[%add3A_734, %broadcast_in_dim3A_760] : memref<512x16xf32, #tpu.memory_space<vmem>>[vector<16xi32>, vector<16xi32>], vector<16xf32>,
      %mul3A_763 = arith.mulf %gather3A_761, %gather3A_762 : vector<16xf32>
      %add3A_764 = arith.addf %add3A_758, %mul3A_763 : vector<16xf32>
      %broadcast_in_dim3A_765 = arith.constant 5 : i32
      %broadcast_in_dim3A_766 = vector.broadcast %broadcast_in_dim3A_765 : i32 to vector<16xi32>
      %gather3A_767 = tpu.vector_load_idx %arg11[%add3A_734, %broadcast_in_dim3A_766] : memref<512x16xf32, #tpu.memory_space<vmem>>[vector<16xi32>, vector<16xi32>], vector<16xf32>,
      %gather3A_768 = tpu.vector_load_idx %arg12[%add3A_734, %broadcast_in_dim3A_766] : memref<512x16xf32, #tpu.memory_space<vmem>>[vector<16xi32>, vector<16xi32>], vector<16xf32>,
      %mul3A_769 = arith.mulf %gather3A_767, %gather3A_768 : vector<16xf32>
      %add3A_770 = arith.addf %add3A_764, %mul3A_769 : vector<16xf32>
      %broadcast_in_dim3A_771 = arith.constant 6 : i32
      %broadcast_in_dim3A_772 = vector.broadcast %broadcast_in_dim3A_771 : i32 to vector<16xi32>
      %gather3A_773 = tpu.vector_load_idx %arg11[%add3A_734, %broadcast_in_dim3A_772] : memref<512x16xf32, #tpu.memory_space<vmem>>[vector<16xi32>, vector<16xi32>], vector<16xf32>,
      %gather3A_774 = tpu.vector_load_idx %arg12[%add3A_734, %broadcast_in_dim3A_772] : memref<512x16xf32, #tpu.memory_space<vmem>>[vector<16xi32>, vector<16xi32>], vector<16xf32>,
      %mul3A_775 = arith.mulf %gather3A_773, %gather3A_774 : vector<16xf32>
      %add3A_776 = arith.addf %add3A_770, %mul3A_775 : vector<16xf32>
      %broadcast_in_dim3A_777 = arith.constant 7 : i32
      %broadcast_in_dim3A_778 = vector.broadcast %broadcast_in_dim3A_777 : i32 to vector<16xi32>
      %gather3A_779 = tpu.vector_load_idx %arg11[%add3A_734, %broadcast_in_dim3A_778] : memref<512x16xf32, #tpu.memory_space<vmem>>[vector<16xi32>, vector<16xi32>], vector<16xf32>,
      %gather3A_780 = tpu.vector_load_idx %arg12[%add3A_734, %broadcast_in_dim3A_778] : memref<512x16xf32, #tpu.memory_space<vmem>>[vector<16xi32>, vector<16xi32>], vector<16xf32>,
      %mul3A_781 = arith.mulf %gather3A_779, %gather3A_780 : vector<16xf32>
      %add3A_782 = arith.addf %add3A_776, %mul3A_781 : vector<16xf32>
      %broadcast_in_dim3A_783 = arith.constant 8 : i32
      %broadcast_in_dim3A_784 = vector.broadcast %broadcast_in_dim3A_783 : i32 to vector<16xi32>
      %gather3A_785 = tpu.vector_load_idx %arg11[%add3A_734, %broadcast_in_dim3A_784] : memref<512x16xf32, #tpu.memory_space<vmem>>[vector<16xi32>, vector<16xi32>], vector<16xf32>,
      %gather3A_786 = tpu.vector_load_idx %arg12[%add3A_734, %broadcast_in_dim3A_784] : memref<512x16xf32, #tpu.memory_space<vmem>>[vector<16xi32>, vector<16xi32>], vector<16xf32>,
      %mul3A_787 = arith.mulf %gather3A_785, %gather3A_786 : vector<16xf32>
      %add3A_788 = arith.addf %add3A_782, %mul3A_787 : vector<16xf32>
      %broadcast_in_dim3A_789 = arith.constant 9 : i32
      %broadcast_in_dim3A_790 = vector.broadcast %broadcast_in_dim3A_789 : i32 to vector<16xi32>
      %gather3A_791 = tpu.vector_load_idx %arg11[%add3A_734, %broadcast_in_dim3A_790] : memref<512x16xf32, #tpu.memory_space<vmem>>[vector<16xi32>, vector<16xi32>], vector<16xf32>,
      %gather3A_792 = tpu.vector_load_idx %arg12[%add3A_734, %broadcast_in_dim3A_790] : memref<512x16xf32, #tpu.memory_space<vmem>>[vector<16xi32>, vector<16xi32>], vector<16xf32>,
      %mul3A_793 = arith.mulf %gather3A_791, %gather3A_792 : vector<16xf32>
      %add3A_794 = arith.addf %add3A_788, %mul3A_793 : vector<16xf32>
      %broadcast_in_dim3A_795 = arith.constant 10 : i32
      %broadcast_in_dim3A_796 = vector.broadcast %broadcast_in_dim3A_795 : i32 to vector<16xi32>
      %gather3A_797 = tpu.vector_load_idx %arg11[%add3A_734, %broadcast_in_dim3A_796] : memref<512x16xf32, #tpu.memory_space<vmem>>[vector<16xi32>, vector<16xi32>], vector<16xf32>,
      %gather3A_798 = tpu.vector_load_idx %arg12[%add3A_734, %broadcast_in_dim3A_796] : memref<512x16xf32, #tpu.memory_space<vmem>>[vector<16xi32>, vector<16xi32>], vector<16xf32>,
      %mul3A_799 = arith.mulf %gather3A_797, %gather3A_798 : vector<16xf32>
      %add3A_800 = arith.addf %add3A_794, %mul3A_799 : vector<16xf32>
      %broadcast_in_dim3A_801 = arith.constant 11 : i32
      %broadcast_in_dim3A_802 = vector.broadcast %broadcast_in_dim3A_801 : i32 to vector<16xi32>
      %gather3A_803 = tpu.vector_load_idx %arg11[%add3A_734, %broadcast_in_dim3A_802] : memref<512x16xf32, #tpu.memory_space<vmem>>[vector<16xi32>, vector<16xi32>], vector<16xf32>,
      %gather3A_804 = tpu.vector_load_idx %arg12[%add3A_734, %broadcast_in_dim3A_802] : memref<512x16xf32, #tpu.memory_space<vmem>>[vector<16xi32>, vector<16xi32>], vector<16xf32>,
      %mul3A_805 = arith.mulf %gather3A_803, %gather3A_804 : vector<16xf32>
      %add3A_806 = arith.addf %add3A_800, %mul3A_805 : vector<16xf32>
      %broadcast_in_dim3A_807 = arith.constant 12 : i32
      %broadcast_in_dim3A_808 = vector.broadcast %broadcast_in_dim3A_807 : i32 to vector<16xi32>
      %gather3A_809 = tpu.vector_load_idx %arg11[%add3A_734, %broadcast_in_dim3A_808] : memref<512x16xf32, #tpu.memory_space<vmem>>[vector<16xi32>, vector<16xi32>], vector<16xf32>,
      %gather3A_810 = tpu.vector_load_idx %arg12[%add3A_734, %broadcast_in_dim3A_808] : memref<512x16xf32, #tpu.memory_space<vmem>>[vector<16xi32>, vector<16xi32>], vector<16xf32>,
      %mul3A_811 = arith.mulf %gather3A_809, %gather3A_810 : vector<16xf32>
      %add3A_812 = arith.addf %add3A_806, %mul3A_811 : vector<16xf32>
      %broadcast_in_dim3A_813 = arith.constant 13 : i32
      %broadcast_in_dim3A_814 = vector.broadcast %broadcast_in_dim3A_813 : i32 to vector<16xi32>
      %gather3A_815 = tpu.vector_load_idx %arg11[%add3A_734, %broadcast_in_dim3A_814] : memref<512x16xf32, #tpu.memory_space<vmem>>[vector<16xi32>, vector<16xi32>], vector<16xf32>,
      %gather3A_816 = tpu.vector_load_idx %arg12[%add3A_734, %broadcast_in_dim3A_814] : memref<512x16xf32, #tpu.memory_space<vmem>>[vector<16xi32>, vector<16xi32>], vector<16xf32>,
      %mul3A_817 = arith.mulf %gather3A_815, %gather3A_816 : vector<16xf32>
      %add3A_818 = arith.addf %add3A_812, %mul3A_817 : vector<16xf32>
      %broadcast_in_dim3A_819 = arith.constant 14 : i32
      %broadcast_in_dim3A_820 = vector.broadcast %broadcast_in_dim3A_819 : i32 to vector<16xi32>
      %gather3A_821 = tpu.vector_load_idx %arg11[%add3A_734, %broadcast_in_dim3A_820] : memref<512x16xf32, #tpu.memory_space<vmem>>[vector<16xi32>, vector<16xi32>], vector<16xf32>,
      %gather3A_822 = tpu.vector_load_idx %arg12[%add3A_734, %broadcast_in_dim3A_820] : memref<512x16xf32, #tpu.memory_space<vmem>>[vector<16xi32>, vector<16xi32>], vector<16xf32>,
      %mul3A_823 = arith.mulf %gather3A_821, %gather3A_822 : vector<16xf32>
      %add3A_824 = arith.addf %add3A_818, %mul3A_823 : vector<16xf32>
      %broadcast_in_dim3A_825 = arith.constant 15 : i32
      %broadcast_in_dim3A_826 = vector.broadcast %broadcast_in_dim3A_825 : i32 to vector<16xi32>
      %gather3A_827 = tpu.vector_load_idx %arg11[%add3A_734, %broadcast_in_dim3A_826] : memref<512x16xf32, #tpu.memory_space<vmem>>[vector<16xi32>, vector<16xi32>], vector<16xf32>,
      %gather3A_828 = tpu.vector_load_idx %arg12[%add3A_734, %broadcast_in_dim3A_826] : memref<512x16xf32, #tpu.memory_space<vmem>>[vector<16xi32>, vector<16xi32>], vector<16xf32>,
      %mul3A_829 = arith.mulf %gather3A_827, %gather3A_828 : vector<16xf32>
      %add3A_830 = arith.addf %add3A_824, %mul3A_829 : vector<16xf32>
      %add3A_831 = arith.constant 96 : i32
      %add3A_832 = arith.addi %mul3A_66, %add3A_831 : i32
      %swap3A_833 = arith.index_cast %add3A_832 : i32 to index
      %swap3A_834 = tpu.vector_load %arg13[%swap3A_833] {strides = array<i32>} : memref<4096xf32, #tpu.memory_space<vmem>>, vector<16xf32>,
      tpu.vector_store %arg13[%swap3A_833], %add3A_830 {strides = array<i32>} : memref<4096xf32, #tpu.memory_space<vmem>>, vector<16xf32>,
      %add3A_835 = arith.constant 112 : i32
      %add3A_836 = arith.addi %mul3A_66, %add3A_835 : i32
      %get3A_837 = arith.index_cast %add3A_836 : i32 to index
      %get3A_838 = tpu.vector_load %arg10[%get3A_837] {strides = array<i32>} : memref<4096xi32, #tpu.memory_space<vmem>>, vector<16xi32>,
      %gather3A_839 = tpu.vector_load_idx %arg8[%get3A_838] : memref<4096xf32, #tpu.memory_space<vmem>>[vector<16xi32>], vector<16xf32>,
      %add3A_840 = vector.broadcast %mul3A_68 : i32 to vector<16xi32>
      %add3A_841 = arith.addi %iota3A, %add3A_840 : vector<16xi32>
      %add3A_842 = arith.constant 112 : i32
      %add3A_843 = vector.broadcast %add3A_842 : i32 to vector<16xi32>
      %add3A_844 = arith.addi %add3A_841, %add3A_843 : vector<16xi32>
      %broadcast_in_dim3A_845 = arith.constant 0 : i32
      %broadcast_in_dim3A_846 = vector.broadcast %broadcast_in_dim3A_845 : i32 to vector<16xi32>
      %gather3A_847 = tpu.vector_load_idx %arg11[%add3A_844, %broadcast_in_dim3A_846] : memref<512x16xf32, #tpu.memory_space<vmem>>[vector<16xi32>, vector<16xi32>], vector<16xf32>,
      %gather3A_848 = tpu.vector_load_idx %arg12[%add3A_844, %broadcast_in_dim3A_846] : memref<512x16xf32, #tpu.memory_space<vmem>>[vector<16xi32>, vector<16xi32>], vector<16xf32>,
      %mul3A_849 = arith.mulf %gather3A_847, %gather3A_848 : vector<16xf32>
      %add3A_850 = arith.addf %gather3A_839, %mul3A_849 : vector<16xf32>
      %broadcast_in_dim3A_851 = arith.constant 1 : i32
      %broadcast_in_dim3A_852 = vector.broadcast %broadcast_in_dim3A_851 : i32 to vector<16xi32>
      %gather3A_853 = tpu.vector_load_idx %arg11[%add3A_844, %broadcast_in_dim3A_852] : memref<512x16xf32, #tpu.memory_space<vmem>>[vector<16xi32>, vector<16xi32>], vector<16xf32>,
      %gather3A_854 = tpu.vector_load_idx %arg12[%add3A_844, %broadcast_in_dim3A_852] : memref<512x16xf32, #tpu.memory_space<vmem>>[vector<16xi32>, vector<16xi32>], vector<16xf32>,
      %mul3A_855 = arith.mulf %gather3A_853, %gather3A_854 : vector<16xf32>
      %add3A_856 = arith.addf %add3A_850, %mul3A_855 : vector<16xf32>
      %broadcast_in_dim3A_857 = arith.constant 2 : i32
      %broadcast_in_dim3A_858 = vector.broadcast %broadcast_in_dim3A_857 : i32 to vector<16xi32>
      %gather3A_859 = tpu.vector_load_idx %arg11[%add3A_844, %broadcast_in_dim3A_858] : memref<512x16xf32, #tpu.memory_space<vmem>>[vector<16xi32>, vector<16xi32>], vector<16xf32>,
      %gather3A_860 = tpu.vector_load_idx %arg12[%add3A_844, %broadcast_in_dim3A_858] : memref<512x16xf32, #tpu.memory_space<vmem>>[vector<16xi32>, vector<16xi32>], vector<16xf32>,
      %mul3A_861 = arith.mulf %gather3A_859, %gather3A_860 : vector<16xf32>
      %add3A_862 = arith.addf %add3A_856, %mul3A_861 : vector<16xf32>
      %broadcast_in_dim3A_863 = arith.constant 3 : i32
      %broadcast_in_dim3A_864 = vector.broadcast %broadcast_in_dim3A_863 : i32 to vector<16xi32>
      %gather3A_865 = tpu.vector_load_idx %arg11[%add3A_844, %broadcast_in_dim3A_864] : memref<512x16xf32, #tpu.memory_space<vmem>>[vector<16xi32>, vector<16xi32>], vector<16xf32>,
      %gather3A_866 = tpu.vector_load_idx %arg12[%add3A_844, %broadcast_in_dim3A_864] : memref<512x16xf32, #tpu.memory_space<vmem>>[vector<16xi32>, vector<16xi32>], vector<16xf32>,
      %mul3A_867 = arith.mulf %gather3A_865, %gather3A_866 : vector<16xf32>
      %add3A_868 = arith.addf %add3A_862, %mul3A_867 : vector<16xf32>
      %broadcast_in_dim3A_869 = arith.constant 4 : i32
      %broadcast_in_dim3A_870 = vector.broadcast %broadcast_in_dim3A_869 : i32 to vector<16xi32>
      %gather3A_871 = tpu.vector_load_idx %arg11[%add3A_844, %broadcast_in_dim3A_870] : memref<512x16xf32, #tpu.memory_space<vmem>>[vector<16xi32>, vector<16xi32>], vector<16xf32>,
      %gather3A_872 = tpu.vector_load_idx %arg12[%add3A_844, %broadcast_in_dim3A_870] : memref<512x16xf32, #tpu.memory_space<vmem>>[vector<16xi32>, vector<16xi32>], vector<16xf32>,
      %mul3A_873 = arith.mulf %gather3A_871, %gather3A_872 : vector<16xf32>
      %add3A_874 = arith.addf %add3A_868, %mul3A_873 : vector<16xf32>
      %broadcast_in_dim3A_875 = arith.constant 5 : i32
      %broadcast_in_dim3A_876 = vector.broadcast %broadcast_in_dim3A_875 : i32 to vector<16xi32>
      %gather3A_877 = tpu.vector_load_idx %arg11[%add3A_844, %broadcast_in_dim3A_876] : memref<512x16xf32, #tpu.memory_space<vmem>>[vector<16xi32>, vector<16xi32>], vector<16xf32>,
      %gather3A_878 = tpu.vector_load_idx %arg12[%add3A_844, %broadcast_in_dim3A_876] : memref<512x16xf32, #tpu.memory_space<vmem>>[vector<16xi32>, vector<16xi32>], vector<16xf32>,
      %mul3A_879 = arith.mulf %gather3A_877, %gather3A_878 : vector<16xf32>
      %add3A_880 = arith.addf %add3A_874, %mul3A_879 : vector<16xf32>
      %broadcast_in_dim3A_881 = arith.constant 6 : i32
      %broadcast_in_dim3A_882 = vector.broadcast %broadcast_in_dim3A_881 : i32 to vector<16xi32>
      %gather3A_883 = tpu.vector_load_idx %arg11[%add3A_844, %broadcast_in_dim3A_882] : memref<512x16xf32, #tpu.memory_space<vmem>>[vector<16xi32>, vector<16xi32>], vector<16xf32>,
      %gather3A_884 = tpu.vector_load_idx %arg12[%add3A_844, %broadcast_in_dim3A_882] : memref<512x16xf32, #tpu.memory_space<vmem>>[vector<16xi32>, vector<16xi32>], vector<16xf32>,
      %mul3A_885 = arith.mulf %gather3A_883, %gather3A_884 : vector<16xf32>
      %add3A_886 = arith.addf %add3A_880, %mul3A_885 : vector<16xf32>
      %broadcast_in_dim3A_887 = arith.constant 7 : i32
      %broadcast_in_dim3A_888 = vector.broadcast %broadcast_in_dim3A_887 : i32 to vector<16xi32>
      %gather3A_889 = tpu.vector_load_idx %arg11[%add3A_844, %broadcast_in_dim3A_888] : memref<512x16xf32, #tpu.memory_space<vmem>>[vector<16xi32>, vector<16xi32>], vector<16xf32>,
      %gather3A_890 = tpu.vector_load_idx %arg12[%add3A_844, %broadcast_in_dim3A_888] : memref<512x16xf32, #tpu.memory_space<vmem>>[vector<16xi32>, vector<16xi32>], vector<16xf32>,
      %mul3A_891 = arith.mulf %gather3A_889, %gather3A_890 : vector<16xf32>
      %add3A_892 = arith.addf %add3A_886, %mul3A_891 : vector<16xf32>
      %broadcast_in_dim3A_893 = arith.constant 8 : i32
      %broadcast_in_dim3A_894 = vector.broadcast %broadcast_in_dim3A_893 : i32 to vector<16xi32>
      %gather3A_895 = tpu.vector_load_idx %arg11[%add3A_844, %broadcast_in_dim3A_894] : memref<512x16xf32, #tpu.memory_space<vmem>>[vector<16xi32>, vector<16xi32>], vector<16xf32>,
      %gather3A_896 = tpu.vector_load_idx %arg12[%add3A_844, %broadcast_in_dim3A_894] : memref<512x16xf32, #tpu.memory_space<vmem>>[vector<16xi32>, vector<16xi32>], vector<16xf32>,
      %mul3A_897 = arith.mulf %gather3A_895, %gather3A_896 : vector<16xf32>
      %add3A_898 = arith.addf %add3A_892, %mul3A_897 : vector<16xf32>
      %broadcast_in_dim3A_899 = arith.constant 9 : i32
      %broadcast_in_dim3A_900 = vector.broadcast %broadcast_in_dim3A_899 : i32 to vector<16xi32>
      %gather3A_901 = tpu.vector_load_idx %arg11[%add3A_844, %broadcast_in_dim3A_900] : memref<512x16xf32, #tpu.memory_space<vmem>>[vector<16xi32>, vector<16xi32>], vector<16xf32>,
      %gather3A_902 = tpu.vector_load_idx %arg12[%add3A_844, %broadcast_in_dim3A_900] : memref<512x16xf32, #tpu.memory_space<vmem>>[vector<16xi32>, vector<16xi32>], vector<16xf32>,
      %mul3A_903 = arith.mulf %gather3A_901, %gather3A_902 : vector<16xf32>
      %add3A_904 = arith.addf %add3A_898, %mul3A_903 : vector<16xf32>
      %broadcast_in_dim3A_905 = arith.constant 10 : i32
      %broadcast_in_dim3A_906 = vector.broadcast %broadcast_in_dim3A_905 : i32 to vector<16xi32>
      %gather3A_907 = tpu.vector_load_idx %arg11[%add3A_844, %broadcast_in_dim3A_906] : memref<512x16xf32, #tpu.memory_space<vmem>>[vector<16xi32>, vector<16xi32>], vector<16xf32>,
      %gather3A_908 = tpu.vector_load_idx %arg12[%add3A_844, %broadcast_in_dim3A_906] : memref<512x16xf32, #tpu.memory_space<vmem>>[vector<16xi32>, vector<16xi32>], vector<16xf32>,
      %mul3A_909 = arith.mulf %gather3A_907, %gather3A_908 : vector<16xf32>
      %add3A_910 = arith.addf %add3A_904, %mul3A_909 : vector<16xf32>
      %broadcast_in_dim3A_911 = arith.constant 11 : i32
      %broadcast_in_dim3A_912 = vector.broadcast %broadcast_in_dim3A_911 : i32 to vector<16xi32>
      %gather3A_913 = tpu.vector_load_idx %arg11[%add3A_844, %broadcast_in_dim3A_912] : memref<512x16xf32, #tpu.memory_space<vmem>>[vector<16xi32>, vector<16xi32>], vector<16xf32>,
      %gather3A_914 = tpu.vector_load_idx %arg12[%add3A_844, %broadcast_in_dim3A_912] : memref<512x16xf32, #tpu.memory_space<vmem>>[vector<16xi32>, vector<16xi32>], vector<16xf32>,
      %mul3A_915 = arith.mulf %gather3A_913, %gather3A_914 : vector<16xf32>
      %add3A_916 = arith.addf %add3A_910, %mul3A_915 : vector<16xf32>
      %broadcast_in_dim3A_917 = arith.constant 12 : i32
      %broadcast_in_dim3A_918 = vector.broadcast %broadcast_in_dim3A_917 : i32 to vector<16xi32>
      %gather3A_919 = tpu.vector_load_idx %arg11[%add3A_844, %broadcast_in_dim3A_918] : memref<512x16xf32, #tpu.memory_space<vmem>>[vector<16xi32>, vector<16xi32>], vector<16xf32>,
      %gather3A_920 = tpu.vector_load_idx %arg12[%add3A_844, %broadcast_in_dim3A_918] : memref<512x16xf32, #tpu.memory_space<vmem>>[vector<16xi32>, vector<16xi32>], vector<16xf32>,
      %mul3A_921 = arith.mulf %gather3A_919, %gather3A_920 : vector<16xf32>
      %add3A_922 = arith.addf %add3A_916, %mul3A_921 : vector<16xf32>
      %broadcast_in_dim3A_923 = arith.constant 13 : i32
      %broadcast_in_dim3A_924 = vector.broadcast %broadcast_in_dim3A_923 : i32 to vector<16xi32>
      %gather3A_925 = tpu.vector_load_idx %arg11[%add3A_844, %broadcast_in_dim3A_924] : memref<512x16xf32, #tpu.memory_space<vmem>>[vector<16xi32>, vector<16xi32>], vector<16xf32>,
      %gather3A_926 = tpu.vector_load_idx %arg12[%add3A_844, %broadcast_in_dim3A_924] : memref<512x16xf32, #tpu.memory_space<vmem>>[vector<16xi32>, vector<16xi32>], vector<16xf32>,
      %mul3A_927 = arith.mulf %gather3A_925, %gather3A_926 : vector<16xf32>
      %add3A_928 = arith.addf %add3A_922, %mul3A_927 : vector<16xf32>
      %broadcast_in_dim3A_929 = arith.constant 14 : i32
      %broadcast_in_dim3A_930 = vector.broadcast %broadcast_in_dim3A_929 : i32 to vector<16xi32>
      %gather3A_931 = tpu.vector_load_idx %arg11[%add3A_844, %broadcast_in_dim3A_930] : memref<512x16xf32, #tpu.memory_space<vmem>>[vector<16xi32>, vector<16xi32>], vector<16xf32>,
      %gather3A_932 = tpu.vector_load_idx %arg12[%add3A_844, %broadcast_in_dim3A_930] : memref<512x16xf32, #tpu.memory_space<vmem>>[vector<16xi32>, vector<16xi32>], vector<16xf32>,
      %mul3A_933 = arith.mulf %gather3A_931, %gather3A_932 : vector<16xf32>
      %add3A_934 = arith.addf %add3A_928, %mul3A_933 : vector<16xf32>
      %broadcast_in_dim3A_935 = arith.constant 15 : i32
      %broadcast_in_dim3A_936 = vector.broadcast %broadcast_in_dim3A_935 : i32 to vector<16xi32>
      %gather3A_937 = tpu.vector_load_idx %arg11[%add3A_844, %broadcast_in_dim3A_936] : memref<512x16xf32, #tpu.memory_space<vmem>>[vector<16xi32>, vector<16xi32>], vector<16xf32>,
      %gather3A_938 = tpu.vector_load_idx %arg12[%add3A_844, %broadcast_in_dim3A_936] : memref<512x16xf32, #tpu.memory_space<vmem>>[vector<16xi32>, vector<16xi32>], vector<16xf32>,
      %mul3A_939 = arith.mulf %gather3A_937, %gather3A_938 : vector<16xf32>
      %add3A_940 = arith.addf %add3A_934, %mul3A_939 : vector<16xf32>
      %add3A_941 = arith.constant 112 : i32
      %add3A_942 = arith.addi %mul3A_66, %add3A_941 : i32
      %swap3A_943 = arith.index_cast %add3A_942 : i32 to index
      %swap3A_944 = tpu.vector_load %arg13[%swap3A_943] {strides = array<i32>} : memref<4096xf32, #tpu.memory_space<vmem>>, vector<16xf32>,
      tpu.vector_store %arg13[%swap3A_943], %add3A_940 {strides = array<i32>} : memref<4096xf32, #tpu.memory_space<vmem>>, vector<16xf32>,
      %add3A_945 = arith.constant 128 : i32
      %add3A_946 = arith.addi %mul3A_66, %add3A_945 : i32
      %get3A_947 = arith.index_cast %add3A_946 : i32 to index
      %get3A_948 = tpu.vector_load %arg10[%get3A_947] {strides = array<i32>} : memref<4096xi32, #tpu.memory_space<vmem>>, vector<16xi32>,
      %gather3A_949 = tpu.vector_load_idx %arg8[%get3A_948] : memref<4096xf32, #tpu.memory_space<vmem>>[vector<16xi32>], vector<16xf32>,
      %add3A_950 = vector.broadcast %mul3A_68 : i32 to vector<16xi32>
      %add3A_951 = arith.addi %iota3A, %add3A_950 : vector<16xi32>
      %add3A_952 = arith.constant 128 : i32
      %add3A_953 = vector.broadcast %add3A_952 : i32 to vector<16xi32>
      %add3A_954 = arith.addi %add3A_951, %add3A_953 : vector<16xi32>
      %broadcast_in_dim3A_955 = arith.constant 0 : i32
      %broadcast_in_dim3A_956 = vector.broadcast %broadcast_in_dim3A_955 : i32 to vector<16xi32>
      %gather3A_957 = tpu.vector_load_idx %arg11[%add3A_954, %broadcast_in_dim3A_956] : memref<512x16xf32, #tpu.memory_space<vmem>>[vector<16xi32>, vector<16xi32>], vector<16xf32>,
      %gather3A_958 = tpu.vector_load_idx %arg12[%add3A_954, %broadcast_in_dim3A_956] : memref<512x16xf32, #tpu.memory_space<vmem>>[vector<16xi32>, vector<16xi32>], vector<16xf32>,
      %mul3A_959 = arith.mulf %gather3A_957, %gather3A_958 : vector<16xf32>
      %add3A_960 = arith.addf %gather3A_949, %mul3A_959 : vector<16xf32>
      %broadcast_in_dim3A_961 = arith.constant 1 : i32
      %broadcast_in_dim3A_962 = vector.broadcast %broadcast_in_dim3A_961 : i32 to vector<16xi32>
      %gather3A_963 = tpu.vector_load_idx %arg11[%add3A_954, %broadcast_in_dim3A_962] : memref<512x16xf32, #tpu.memory_space<vmem>>[vector<16xi32>, vector<16xi32>], vector<16xf32>,
      %gather3A_964 = tpu.vector_load_idx %arg12[%add3A_954, %broadcast_in_dim3A_962] : memref<512x16xf32, #tpu.memory_space<vmem>>[vector<16xi32>, vector<16xi32>], vector<16xf32>,
      %mul3A_965 = arith.mulf %gather3A_963, %gather3A_964 : vector<16xf32>
      %add3A_966 = arith.addf %add3A_960, %mul3A_965 : vector<16xf32>
      %broadcast_in_dim3A_967 = arith.constant 2 : i32
      %broadcast_in_dim3A_968 = vector.broadcast %broadcast_in_dim3A_967 : i32 to vector<16xi32>
      %gather3A_969 = tpu.vector_load_idx %arg11[%add3A_954, %broadcast_in_dim3A_968] : memref<512x16xf32, #tpu.memory_space<vmem>>[vector<16xi32>, vector<16xi32>], vector<16xf32>,
      %gather3A_970 = tpu.vector_load_idx %arg12[%add3A_954, %broadcast_in_dim3A_968] : memref<512x16xf32, #tpu.memory_space<vmem>>[vector<16xi32>, vector<16xi32>], vector<16xf32>,
      %mul3A_971 = arith.mulf %gather3A_969, %gather3A_970 : vector<16xf32>
      %add3A_972 = arith.addf %add3A_966, %mul3A_971 : vector<16xf32>
      %broadcast_in_dim3A_973 = arith.constant 3 : i32
      %broadcast_in_dim3A_974 = vector.broadcast %broadcast_in_dim3A_973 : i32 to vector<16xi32>
      %gather3A_975 = tpu.vector_load_idx %arg11[%add3A_954, %broadcast_in_dim3A_974] : memref<512x16xf32, #tpu.memory_space<vmem>>[vector<16xi32>, vector<16xi32>], vector<16xf32>,
      %gather3A_976 = tpu.vector_load_idx %arg12[%add3A_954, %broadcast_in_dim3A_974] : memref<512x16xf32, #tpu.memory_space<vmem>>[vector<16xi32>, vector<16xi32>], vector<16xf32>,
      %mul3A_977 = arith.mulf %gather3A_975, %gather3A_976 : vector<16xf32>
      %add3A_978 = arith.addf %add3A_972, %mul3A_977 : vector<16xf32>
      %broadcast_in_dim3A_979 = arith.constant 4 : i32
      %broadcast_in_dim3A_980 = vector.broadcast %broadcast_in_dim3A_979 : i32 to vector<16xi32>
      %gather3A_981 = tpu.vector_load_idx %arg11[%add3A_954, %broadcast_in_dim3A_980] : memref<512x16xf32, #tpu.memory_space<vmem>>[vector<16xi32>, vector<16xi32>], vector<16xf32>,
      %gather3A_982 = tpu.vector_load_idx %arg12[%add3A_954, %broadcast_in_dim3A_980] : memref<512x16xf32, #tpu.memory_space<vmem>>[vector<16xi32>, vector<16xi32>], vector<16xf32>,
      %mul3A_983 = arith.mulf %gather3A_981, %gather3A_982 : vector<16xf32>
      %add3A_984 = arith.addf %add3A_978, %mul3A_983 : vector<16xf32>
      %broadcast_in_dim3A_985 = arith.constant 5 : i32
      %broadcast_in_dim3A_986 = vector.broadcast %broadcast_in_dim3A_985 : i32 to vector<16xi32>
      %gather3A_987 = tpu.vector_load_idx %arg11[%add3A_954, %broadcast_in_dim3A_986] : memref<512x16xf32, #tpu.memory_space<vmem>>[vector<16xi32>, vector<16xi32>], vector<16xf32>,
      %gather3A_988 = tpu.vector_load_idx %arg12[%add3A_954, %broadcast_in_dim3A_986] : memref<512x16xf32, #tpu.memory_space<vmem>>[vector<16xi32>, vector<16xi32>], vector<16xf32>,
      %mul3A_989 = arith.mulf %gather3A_987, %gather3A_988 : vector<16xf32>
      %add3A_990 = arith.addf %add3A_984, %mul3A_989 : vector<16xf32>
      %broadcast_in_dim3A_991 = arith.constant 6 : i32
      %broadcast_in_dim3A_992 = vector.broadcast %broadcast_in_dim3A_991 : i32 to vector<16xi32>
      %gather3A_993 = tpu.vector_load_idx %arg11[%add3A_954, %broadcast_in_dim3A_992] : memref<512x16xf32, #tpu.memory_space<vmem>>[vector<16xi32>, vector<16xi32>], vector<16xf32>,
      %gather3A_994 = tpu.vector_load_idx %arg12[%add3A_954, %broadcast_in_dim3A_992] : memref<512x16xf32, #tpu.memory_space<vmem>>[vector<16xi32>, vector<16xi32>], vector<16xf32>,
      %mul3A_995 = arith.mulf %gather3A_993, %gather3A_994 : vector<16xf32>
      %add3A_996 = arith.addf %add3A_990, %mul3A_995 : vector<16xf32>
      %broadcast_in_dim3A_997 = arith.constant 7 : i32
      %broadcast_in_dim3A_998 = vector.broadcast %broadcast_in_dim3A_997 : i32 to vector<16xi32>
      %gather3A_999 = tpu.vector_load_idx %arg11[%add3A_954, %broadcast_in_dim3A_998] : memref<512x16xf32, #tpu.memory_space<vmem>>[vector<16xi32>, vector<16xi32>], vector<16xf32>,
      %gather3A_1000 = tpu.vector_load_idx %arg12[%add3A_954, %broadcast_in_dim3A_998] : memref<512x16xf32, #tpu.memory_space<vmem>>[vector<16xi32>, vector<16xi32>], vector<16xf32>,
      %mul3A_1001 = arith.mulf %gather3A_999, %gather3A_1000 : vector<16xf32>
      %add3A_1002 = arith.addf %add3A_996, %mul3A_1001 : vector<16xf32>
      %broadcast_in_dim3A_1003 = arith.constant 8 : i32
      %broadcast_in_dim3A_1004 = vector.broadcast %broadcast_in_dim3A_1003 : i32 to vector<16xi32>
      %gather3A_1005 = tpu.vector_load_idx %arg11[%add3A_954, %broadcast_in_dim3A_1004] : memref<512x16xf32, #tpu.memory_space<vmem>>[vector<16xi32>, vector<16xi32>], vector<16xf32>,
      %gather3A_1006 = tpu.vector_load_idx %arg12[%add3A_954, %broadcast_in_dim3A_1004] : memref<512x16xf32, #tpu.memory_space<vmem>>[vector<16xi32>, vector<16xi32>], vector<16xf32>,
      %mul3A_1007 = arith.mulf %gather3A_1005, %gather3A_1006 : vector<16xf32>
      %add3A_1008 = arith.addf %add3A_1002, %mul3A_1007 : vector<16xf32>
      %broadcast_in_dim3A_1009 = arith.constant 9 : i32
      %broadcast_in_dim3A_1010 = vector.broadcast %broadcast_in_dim3A_1009 : i32 to vector<16xi32>
      %gather3A_1011 = tpu.vector_load_idx %arg11[%add3A_954, %broadcast_in_dim3A_1010] : memref<512x16xf32, #tpu.memory_space<vmem>>[vector<16xi32>, vector<16xi32>], vector<16xf32>,
      %gather3A_1012 = tpu.vector_load_idx %arg12[%add3A_954, %broadcast_in_dim3A_1010] : memref<512x16xf32, #tpu.memory_space<vmem>>[vector<16xi32>, vector<16xi32>], vector<16xf32>,
      %mul3A_1013 = arith.mulf %gather3A_1011, %gather3A_1012 : vector<16xf32>
      %add3A_1014 = arith.addf %add3A_1008, %mul3A_1013 : vector<16xf32>
      %broadcast_in_dim3A_1015 = arith.constant 10 : i32
      %broadcast_in_dim3A_1016 = vector.broadcast %broadcast_in_dim3A_1015 : i32 to vector<16xi32>
      %gather3A_1017 = tpu.vector_load_idx %arg11[%add3A_954, %broadcast_in_dim3A_1016] : memref<512x16xf32, #tpu.memory_space<vmem>>[vector<16xi32>, vector<16xi32>], vector<16xf32>,
      %gather3A_1018 = tpu.vector_load_idx %arg12[%add3A_954, %broadcast_in_dim3A_1016] : memref<512x16xf32, #tpu.memory_space<vmem>>[vector<16xi32>, vector<16xi32>], vector<16xf32>,
      %mul3A_1019 = arith.mulf %gather3A_1017, %gather3A_1018 : vector<16xf32>
      %add3A_1020 = arith.addf %add3A_1014, %mul3A_1019 : vector<16xf32>
      %broadcast_in_dim3A_1021 = arith.constant 11 : i32
      %broadcast_in_dim3A_1022 = vector.broadcast %broadcast_in_dim3A_1021 : i32 to vector<16xi32>
      %gather3A_1023 = tpu.vector_load_idx %arg11[%add3A_954, %broadcast_in_dim3A_1022] : memref<512x16xf32, #tpu.memory_space<vmem>>[vector<16xi32>, vector<16xi32>], vector<16xf32>,
      %gather3A_1024 = tpu.vector_load_idx %arg12[%add3A_954, %broadcast_in_dim3A_1022] : memref<512x16xf32, #tpu.memory_space<vmem>>[vector<16xi32>, vector<16xi32>], vector<16xf32>,
      %mul3A_1025 = arith.mulf %gather3A_1023, %gather3A_1024 : vector<16xf32>
      %add3A_1026 = arith.addf %add3A_1020, %mul3A_1025 : vector<16xf32>
      %broadcast_in_dim3A_1027 = arith.constant 12 : i32
      %broadcast_in_dim3A_1028 = vector.broadcast %broadcast_in_dim3A_1027 : i32 to vector<16xi32>
      %gather3A_1029 = tpu.vector_load_idx %arg11[%add3A_954, %broadcast_in_dim3A_1028] : memref<512x16xf32, #tpu.memory_space<vmem>>[vector<16xi32>, vector<16xi32>], vector<16xf32>,
      %gather3A_1030 = tpu.vector_load_idx %arg12[%add3A_954, %broadcast_in_dim3A_1028] : memref<512x16xf32, #tpu.memory_space<vmem>>[vector<16xi32>, vector<16xi32>], vector<16xf32>,
      %mul3A_1031 = arith.mulf %gather3A_1029, %gather3A_1030 : vector<16xf32>
      %add3A_1032 = arith.addf %add3A_1026, %mul3A_1031 : vector<16xf32>
      %broadcast_in_dim3A_1033 = arith.constant 13 : i32
      %broadcast_in_dim3A_1034 = vector.broadcast %broadcast_in_dim3A_1033 : i32 to vector<16xi32>
      %gather3A_1035 = tpu.vector_load_idx %arg11[%add3A_954, %broadcast_in_dim3A_1034] : memref<512x16xf32, #tpu.memory_space<vmem>>[vector<16xi32>, vector<16xi32>], vector<16xf32>,
      %gather3A_1036 = tpu.vector_load_idx %arg12[%add3A_954, %broadcast_in_dim3A_1034] : memref<512x16xf32, #tpu.memory_space<vmem>>[vector<16xi32>, vector<16xi32>], vector<16xf32>,
      %mul3A_1037 = arith.mulf %gather3A_1035, %gather3A_1036 : vector<16xf32>
      %add3A_1038 = arith.addf %add3A_1032, %mul3A_1037 : vector<16xf32>
      %broadcast_in_dim3A_1039 = arith.constant 14 : i32
      %broadcast_in_dim3A_1040 = vector.broadcast %broadcast_in_dim3A_1039 : i32 to vector<16xi32>
      %gather3A_1041 = tpu.vector_load_idx %arg11[%add3A_954, %broadcast_in_dim3A_1040] : memref<512x16xf32, #tpu.memory_space<vmem>>[vector<16xi32>, vector<16xi32>], vector<16xf32>,
      %gather3A_1042 = tpu.vector_load_idx %arg12[%add3A_954, %broadcast_in_dim3A_1040] : memref<512x16xf32, #tpu.memory_space<vmem>>[vector<16xi32>, vector<16xi32>], vector<16xf32>,
      %mul3A_1043 = arith.mulf %gather3A_1041, %gather3A_1042 : vector<16xf32>
      %add3A_1044 = arith.addf %add3A_1038, %mul3A_1043 : vector<16xf32>
      %broadcast_in_dim3A_1045 = arith.constant 15 : i32
      %broadcast_in_dim3A_1046 = vector.broadcast %broadcast_in_dim3A_1045 : i32 to vector<16xi32>
      %gather3A_1047 = tpu.vector_load_idx %arg11[%add3A_954, %broadcast_in_dim3A_1046] : memref<512x16xf32, #tpu.memory_space<vmem>>[vector<16xi32>, vector<16xi32>], vector<16xf32>,
      %gather3A_1048 = tpu.vector_load_idx %arg12[%add3A_954, %broadcast_in_dim3A_1046] : memref<512x16xf32, #tpu.memory_space<vmem>>[vector<16xi32>, vector<16xi32>], vector<16xf32>,
      %mul3A_1049 = arith.mulf %gather3A_1047, %gather3A_1048 : vector<16xf32>
      %add3A_1050 = arith.addf %add3A_1044, %mul3A_1049 : vector<16xf32>
      %add3A_1051 = arith.constant 128 : i32
      %add3A_1052 = arith.addi %mul3A_66, %add3A_1051 : i32
      %swap3A_1053 = arith.index_cast %add3A_1052 : i32 to index
      %swap3A_1054 = tpu.vector_load %arg13[%swap3A_1053] {strides = array<i32>} : memref<4096xf32, #tpu.memory_space<vmem>>, vector<16xf32>,
      tpu.vector_store %arg13[%swap3A_1053], %add3A_1050 {strides = array<i32>} : memref<4096xf32, #tpu.memory_space<vmem>>, vector<16xf32>,
      %add3A_1055 = arith.constant 144 : i32
      %add3A_1056 = arith.addi %mul3A_66, %add3A_1055 : i32
      %get3A_1057 = arith.index_cast %add3A_1056 : i32 to index
      %get3A_1058 = tpu.vector_load %arg10[%get3A_1057] {strides = array<i32>} : memref<4096xi32, #tpu.memory_space<vmem>>, vector<16xi32>,
      %gather3A_1059 = tpu.vector_load_idx %arg8[%get3A_1058] : memref<4096xf32, #tpu.memory_space<vmem>>[vector<16xi32>], vector<16xf32>,
      %add3A_1060 = vector.broadcast %mul3A_68 : i32 to vector<16xi32>
      %add3A_1061 = arith.addi %iota3A, %add3A_1060 : vector<16xi32>
      %add3A_1062 = arith.constant 144 : i32
      %add3A_1063 = vector.broadcast %add3A_1062 : i32 to vector<16xi32>
      %add3A_1064 = arith.addi %add3A_1061, %add3A_1063 : vector<16xi32>
      %broadcast_in_dim3A_1065 = arith.constant 0 : i32
      %broadcast_in_dim3A_1066 = vector.broadcast %broadcast_in_dim3A_1065 : i32 to vector<16xi32>
      %gather3A_1067 = tpu.vector_load_idx %arg11[%add3A_1064, %broadcast_in_dim3A_1066] : memref<512x16xf32, #tpu.memory_space<vmem>>[vector<16xi32>, vector<16xi32>], vector<16xf32>,
      %gather3A_1068 = tpu.vector_load_idx %arg12[%add3A_1064, %broadcast_in_dim3A_1066] : memref<512x16xf32, #tpu.memory_space<vmem>>[vector<16xi32>, vector<16xi32>], vector<16xf32>,
      %mul3A_1069 = arith.mulf %gather3A_1067, %gather3A_1068 : vector<16xf32>
      %add3A_1070 = arith.addf %gather3A_1059, %mul3A_1069 : vector<16xf32>
      %broadcast_in_dim3A_1071 = arith.constant 1 : i32
      %broadcast_in_dim3A_1072 = vector.broadcast %broadcast_in_dim3A_1071 : i32 to vector<16xi32>
      %gather3A_1073 = tpu.vector_load_idx %arg11[%add3A_1064, %broadcast_in_dim3A_1072] : memref<512x16xf32, #tpu.memory_space<vmem>>[vector<16xi32>, vector<16xi32>], vector<16xf32>,
      %gather3A_1074 = tpu.vector_load_idx %arg12[%add3A_1064, %broadcast_in_dim3A_1072] : memref<512x16xf32, #tpu.memory_space<vmem>>[vector<16xi32>, vector<16xi32>], vector<16xf32>,
      %mul3A_1075 = arith.mulf %gather3A_1073, %gather3A_1074 : vector<16xf32>
      %add3A_1076 = arith.addf %add3A_1070, %mul3A_1075 : vector<16xf32>
      %broadcast_in_dim3A_1077 = arith.constant 2 : i32
      %broadcast_in_dim3A_1078 = vector.broadcast %broadcast_in_dim3A_1077 : i32 to vector<16xi32>
      %gather3A_1079 = tpu.vector_load_idx %arg11[%add3A_1064, %broadcast_in_dim3A_1078] : memref<512x16xf32, #tpu.memory_space<vmem>>[vector<16xi32>, vector<16xi32>], vector<16xf32>,
      %gather3A_1080 = tpu.vector_load_idx %arg12[%add3A_1064, %broadcast_in_dim3A_1078] : memref<512x16xf32, #tpu.memory_space<vmem>>[vector<16xi32>, vector<16xi32>], vector<16xf32>,
      %mul3A_1081 = arith.mulf %gather3A_1079, %gather3A_1080 : vector<16xf32>
      %add3A_1082 = arith.addf %add3A_1076, %mul3A_1081 : vector<16xf32>
      %broadcast_in_dim3A_1083 = arith.constant 3 : i32
      %broadcast_in_dim3A_1084 = vector.broadcast %broadcast_in_dim3A_1083 : i32 to vector<16xi32>
      %gather3A_1085 = tpu.vector_load_idx %arg11[%add3A_1064, %broadcast_in_dim3A_1084] : memref<512x16xf32, #tpu.memory_space<vmem>>[vector<16xi32>, vector<16xi32>], vector<16xf32>,
      %gather3A_1086 = tpu.vector_load_idx %arg12[%add3A_1064, %broadcast_in_dim3A_1084] : memref<512x16xf32, #tpu.memory_space<vmem>>[vector<16xi32>, vector<16xi32>], vector<16xf32>,
      %mul3A_1087 = arith.mulf %gather3A_1085, %gather3A_1086 : vector<16xf32>
      %add3A_1088 = arith.addf %add3A_1082, %mul3A_1087 : vector<16xf32>
      %broadcast_in_dim3A_1089 = arith.constant 4 : i32
      %broadcast_in_dim3A_1090 = vector.broadcast %broadcast_in_dim3A_1089 : i32 to vector<16xi32>
      %gather3A_1091 = tpu.vector_load_idx %arg11[%add3A_1064, %broadcast_in_dim3A_1090] : memref<512x16xf32, #tpu.memory_space<vmem>>[vector<16xi32>, vector<16xi32>], vector<16xf32>,
      %gather3A_1092 = tpu.vector_load_idx %arg12[%add3A_1064, %broadcast_in_dim3A_1090] : memref<512x16xf32, #tpu.memory_space<vmem>>[vector<16xi32>, vector<16xi32>], vector<16xf32>,
      %mul3A_1093 = arith.mulf %gather3A_1091, %gather3A_1092 : vector<16xf32>
      %add3A_1094 = arith.addf %add3A_1088, %mul3A_1093 : vector<16xf32>
      %broadcast_in_dim3A_1095 = arith.constant 5 : i32
      %broadcast_in_dim3A_1096 = vector.broadcast %broadcast_in_dim3A_1095 : i32 to vector<16xi32>
      %gather3A_1097 = tpu.vector_load_idx %arg11[%add3A_1064, %broadcast_in_dim3A_1096] : memref<512x16xf32, #tpu.memory_space<vmem>>[vector<16xi32>, vector<16xi32>], vector<16xf32>,
      %gather3A_1098 = tpu.vector_load_idx %arg12[%add3A_1064, %broadcast_in_dim3A_1096] : memref<512x16xf32, #tpu.memory_space<vmem>>[vector<16xi32>, vector<16xi32>], vector<16xf32>,
      %mul3A_1099 = arith.mulf %gather3A_1097, %gather3A_1098 : vector<16xf32>
      %add3A_1100 = arith.addf %add3A_1094, %mul3A_1099 : vector<16xf32>
      %broadcast_in_dim3A_1101 = arith.constant 6 : i32
      %broadcast_in_dim3A_1102 = vector.broadcast %broadcast_in_dim3A_1101 : i32 to vector<16xi32>
      %gather3A_1103 = tpu.vector_load_idx %arg11[%add3A_1064, %broadcast_in_dim3A_1102] : memref<512x16xf32, #tpu.memory_space<vmem>>[vector<16xi32>, vector<16xi32>], vector<16xf32>,
      %gather3A_1104 = tpu.vector_load_idx %arg12[%add3A_1064, %broadcast_in_dim3A_1102] : memref<512x16xf32, #tpu.memory_space<vmem>>[vector<16xi32>, vector<16xi32>], vector<16xf32>,
      %mul3A_1105 = arith.mulf %gather3A_1103, %gather3A_1104 : vector<16xf32>
      %add3A_1106 = arith.addf %add3A_1100, %mul3A_1105 : vector<16xf32>
      %broadcast_in_dim3A_1107 = arith.constant 7 : i32
      %broadcast_in_dim3A_1108 = vector.broadcast %broadcast_in_dim3A_1107 : i32 to vector<16xi32>
      %gather3A_1109 = tpu.vector_load_idx %arg11[%add3A_1064, %broadcast_in_dim3A_1108] : memref<512x16xf32, #tpu.memory_space<vmem>>[vector<16xi32>, vector<16xi32>], vector<16xf32>,
      %gather3A_1110 = tpu.vector_load_idx %arg12[%add3A_1064, %broadcast_in_dim3A_1108] : memref<512x16xf32, #tpu.memory_space<vmem>>[vector<16xi32>, vector<16xi32>], vector<16xf32>,
      %mul3A_1111 = arith.mulf %gather3A_1109, %gather3A_1110 : vector<16xf32>
      %add3A_1112 = arith.addf %add3A_1106, %mul3A_1111 : vector<16xf32>
      %broadcast_in_dim3A_1113 = arith.constant 8 : i32
      %broadcast_in_dim3A_1114 = vector.broadcast %broadcast_in_dim3A_1113 : i32 to vector<16xi32>
      %gather3A_1115 = tpu.vector_load_idx %arg11[%add3A_1064, %broadcast_in_dim3A_1114] : memref<512x16xf32, #tpu.memory_space<vmem>>[vector<16xi32>, vector<16xi32>], vector<16xf32>,
      %gather3A_1116 = tpu.vector_load_idx %arg12[%add3A_1064, %broadcast_in_dim3A_1114] : memref<512x16xf32, #tpu.memory_space<vmem>>[vector<16xi32>, vector<16xi32>], vector<16xf32>,
      %mul3A_1117 = arith.mulf %gather3A_1115, %gather3A_1116 : vector<16xf32>
      %add3A_1118 = arith.addf %add3A_1112, %mul3A_1117 : vector<16xf32>
      %broadcast_in_dim3A_1119 = arith.constant 9 : i32
      %broadcast_in_dim3A_1120 = vector.broadcast %broadcast_in_dim3A_1119 : i32 to vector<16xi32>
      %gather3A_1121 = tpu.vector_load_idx %arg11[%add3A_1064, %broadcast_in_dim3A_1120] : memref<512x16xf32, #tpu.memory_space<vmem>>[vector<16xi32>, vector<16xi32>], vector<16xf32>,
      %gather3A_1122 = tpu.vector_load_idx %arg12[%add3A_1064, %broadcast_in_dim3A_1120] : memref<512x16xf32, #tpu.memory_space<vmem>>[vector<16xi32>, vector<16xi32>], vector<16xf32>,
      %mul3A_1123 = arith.mulf %gather3A_1121, %gather3A_1122 : vector<16xf32>
      %add3A_1124 = arith.addf %add3A_1118, %mul3A_1123 : vector<16xf32>
      %broadcast_in_dim3A_1125 = arith.constant 10 : i32
      %broadcast_in_dim3A_1126 = vector.broadcast %broadcast_in_dim3A_1125 : i32 to vector<16xi32>
      %gather3A_1127 = tpu.vector_load_idx %arg11[%add3A_1064, %broadcast_in_dim3A_1126] : memref<512x16xf32, #tpu.memory_space<vmem>>[vector<16xi32>, vector<16xi32>], vector<16xf32>,
      %gather3A_1128 = tpu.vector_load_idx %arg12[%add3A_1064, %broadcast_in_dim3A_1126] : memref<512x16xf32, #tpu.memory_space<vmem>>[vector<16xi32>, vector<16xi32>], vector<16xf32>,
      %mul3A_1129 = arith.mulf %gather3A_1127, %gather3A_1128 : vector<16xf32>
      %add3A_1130 = arith.addf %add3A_1124, %mul3A_1129 : vector<16xf32>
      %broadcast_in_dim3A_1131 = arith.constant 11 : i32
      %broadcast_in_dim3A_1132 = vector.broadcast %broadcast_in_dim3A_1131 : i32 to vector<16xi32>
      %gather3A_1133 = tpu.vector_load_idx %arg11[%add3A_1064, %broadcast_in_dim3A_1132] : memref<512x16xf32, #tpu.memory_space<vmem>>[vector<16xi32>, vector<16xi32>], vector<16xf32>,
      %gather3A_1134 = tpu.vector_load_idx %arg12[%add3A_1064, %broadcast_in_dim3A_1132] : memref<512x16xf32, #tpu.memory_space<vmem>>[vector<16xi32>, vector<16xi32>], vector<16xf32>,
      %mul3A_1135 = arith.mulf %gather3A_1133, %gather3A_1134 : vector<16xf32>
      %add3A_1136 = arith.addf %add3A_1130, %mul3A_1135 : vector<16xf32>
      %broadcast_in_dim3A_1137 = arith.constant 12 : i32
      %broadcast_in_dim3A_1138 = vector.broadcast %broadcast_in_dim3A_1137 : i32 to vector<16xi32>
      %gather3A_1139 = tpu.vector_load_idx %arg11[%add3A_1064, %broadcast_in_dim3A_1138] : memref<512x16xf32, #tpu.memory_space<vmem>>[vector<16xi32>, vector<16xi32>], vector<16xf32>,
      %gather3A_1140 = tpu.vector_load_idx %arg12[%add3A_1064, %broadcast_in_dim3A_1138] : memref<512x16xf32, #tpu.memory_space<vmem>>[vector<16xi32>, vector<16xi32>], vector<16xf32>,
      %mul3A_1141 = arith.mulf %gather3A_1139, %gather3A_1140 : vector<16xf32>
      %add3A_1142 = arith.addf %add3A_1136, %mul3A_1141 : vector<16xf32>
      %broadcast_in_dim3A_1143 = arith.constant 13 : i32
      %broadcast_in_dim3A_1144 = vector.broadcast %broadcast_in_dim3A_1143 : i32 to vector<16xi32>
      %gather3A_1145 = tpu.vector_load_idx %arg11[%add3A_1064, %broadcast_in_dim3A_1144] : memref<512x16xf32, #tpu.memory_space<vmem>>[vector<16xi32>, vector<16xi32>], vector<16xf32>,
      %gather3A_1146 = tpu.vector_load_idx %arg12[%add3A_1064, %broadcast_in_dim3A_1144] : memref<512x16xf32, #tpu.memory_space<vmem>>[vector<16xi32>, vector<16xi32>], vector<16xf32>,
      %mul3A_1147 = arith.mulf %gather3A_1145, %gather3A_1146 : vector<16xf32>
      %add3A_1148 = arith.addf %add3A_1142, %mul3A_1147 : vector<16xf32>
      %broadcast_in_dim3A_1149 = arith.constant 14 : i32
      %broadcast_in_dim3A_1150 = vector.broadcast %broadcast_in_dim3A_1149 : i32 to vector<16xi32>
      %gather3A_1151 = tpu.vector_load_idx %arg11[%add3A_1064, %broadcast_in_dim3A_1150] : memref<512x16xf32, #tpu.memory_space<vmem>>[vector<16xi32>, vector<16xi32>], vector<16xf32>,
      %gather3A_1152 = tpu.vector_load_idx %arg12[%add3A_1064, %broadcast_in_dim3A_1150] : memref<512x16xf32, #tpu.memory_space<vmem>>[vector<16xi32>, vector<16xi32>], vector<16xf32>,
      %mul3A_1153 = arith.mulf %gather3A_1151, %gather3A_1152 : vector<16xf32>
      %add3A_1154 = arith.addf %add3A_1148, %mul3A_1153 : vector<16xf32>
      %broadcast_in_dim3A_1155 = arith.constant 15 : i32
      %broadcast_in_dim3A_1156 = vector.broadcast %broadcast_in_dim3A_1155 : i32 to vector<16xi32>
      %gather3A_1157 = tpu.vector_load_idx %arg11[%add3A_1064, %broadcast_in_dim3A_1156] : memref<512x16xf32, #tpu.memory_space<vmem>>[vector<16xi32>, vector<16xi32>], vector<16xf32>,
      %gather3A_1158 = tpu.vector_load_idx %arg12[%add3A_1064, %broadcast_in_dim3A_1156] : memref<512x16xf32, #tpu.memory_space<vmem>>[vector<16xi32>, vector<16xi32>], vector<16xf32>,
      %mul3A_1159 = arith.mulf %gather3A_1157, %gather3A_1158 : vector<16xf32>
      %add3A_1160 = arith.addf %add3A_1154, %mul3A_1159 : vector<16xf32>
      %add3A_1161 = arith.constant 144 : i32
      %add3A_1162 = arith.addi %mul3A_66, %add3A_1161 : i32
      %swap3A_1163 = arith.index_cast %add3A_1162 : i32 to index
      %swap3A_1164 = tpu.vector_load %arg13[%swap3A_1163] {strides = array<i32>} : memref<4096xf32, #tpu.memory_space<vmem>>, vector<16xf32>,
      tpu.vector_store %arg13[%swap3A_1163], %add3A_1160 {strides = array<i32>} : memref<4096xf32, #tpu.memory_space<vmem>>, vector<16xf32>,
      %add3A_1165 = arith.constant 160 : i32
      %add3A_1166 = arith.addi %mul3A_66, %add3A_1165 : i32
      %get3A_1167 = arith.index_cast %add3A_1166 : i32 to index
      %get3A_1168 = tpu.vector_load %arg10[%get3A_1167] {strides = array<i32>} : memref<4096xi32, #tpu.memory_space<vmem>>, vector<16xi32>,
      %gather3A_1169 = tpu.vector_load_idx %arg8[%get3A_1168] : memref<4096xf32, #tpu.memory_space<vmem>>[vector<16xi32>], vector<16xf32>,
      %add3A_1170 = vector.broadcast %mul3A_68 : i32 to vector<16xi32>
      %add3A_1171 = arith.addi %iota3A, %add3A_1170 : vector<16xi32>
      %add3A_1172 = arith.constant 160 : i32
      %add3A_1173 = vector.broadcast %add3A_1172 : i32 to vector<16xi32>
      %add3A_1174 = arith.addi %add3A_1171, %add3A_1173 : vector<16xi32>
      %broadcast_in_dim3A_1175 = arith.constant 0 : i32
      %broadcast_in_dim3A_1176 = vector.broadcast %broadcast_in_dim3A_1175 : i32 to vector<16xi32>
      %gather3A_1177 = tpu.vector_load_idx %arg11[%add3A_1174, %broadcast_in_dim3A_1176] : memref<512x16xf32, #tpu.memory_space<vmem>>[vector<16xi32>, vector<16xi32>], vector<16xf32>,
      %gather3A_1178 = tpu.vector_load_idx %arg12[%add3A_1174, %broadcast_in_dim3A_1176] : memref<512x16xf32, #tpu.memory_space<vmem>>[vector<16xi32>, vector<16xi32>], vector<16xf32>,
      %mul3A_1179 = arith.mulf %gather3A_1177, %gather3A_1178 : vector<16xf32>
      %add3A_1180 = arith.addf %gather3A_1169, %mul3A_1179 : vector<16xf32>
      %broadcast_in_dim3A_1181 = arith.constant 1 : i32
      %broadcast_in_dim3A_1182 = vector.broadcast %broadcast_in_dim3A_1181 : i32 to vector<16xi32>
      %gather3A_1183 = tpu.vector_load_idx %arg11[%add3A_1174, %broadcast_in_dim3A_1182] : memref<512x16xf32, #tpu.memory_space<vmem>>[vector<16xi32>, vector<16xi32>], vector<16xf32>,
      %gather3A_1184 = tpu.vector_load_idx %arg12[%add3A_1174, %broadcast_in_dim3A_1182] : memref<512x16xf32, #tpu.memory_space<vmem>>[vector<16xi32>, vector<16xi32>], vector<16xf32>,
      %mul3A_1185 = arith.mulf %gather3A_1183, %gather3A_1184 : vector<16xf32>
      %add3A_1186 = arith.addf %add3A_1180, %mul3A_1185 : vector<16xf32>
      %broadcast_in_dim3A_1187 = arith.constant 2 : i32
      %broadcast_in_dim3A_1188 = vector.broadcast %broadcast_in_dim3A_1187 : i32 to vector<16xi32>
      %gather3A_1189 = tpu.vector_load_idx %arg11[%add3A_1174, %broadcast_in_dim3A_1188] : memref<512x16xf32, #tpu.memory_space<vmem>>[vector<16xi32>, vector<16xi32>], vector<16xf32>,
      %gather3A_1190 = tpu.vector_load_idx %arg12[%add3A_1174, %broadcast_in_dim3A_1188] : memref<512x16xf32, #tpu.memory_space<vmem>>[vector<16xi32>, vector<16xi32>], vector<16xf32>,
      %mul3A_1191 = arith.mulf %gather3A_1189, %gather3A_1190 : vector<16xf32>
      %add3A_1192 = arith.addf %add3A_1186, %mul3A_1191 : vector<16xf32>
      %broadcast_in_dim3A_1193 = arith.constant 3 : i32
      %broadcast_in_dim3A_1194 = vector.broadcast %broadcast_in_dim3A_1193 : i32 to vector<16xi32>
      %gather3A_1195 = tpu.vector_load_idx %arg11[%add3A_1174, %broadcast_in_dim3A_1194] : memref<512x16xf32, #tpu.memory_space<vmem>>[vector<16xi32>, vector<16xi32>], vector<16xf32>,
      %gather3A_1196 = tpu.vector_load_idx %arg12[%add3A_1174, %broadcast_in_dim3A_1194] : memref<512x16xf32, #tpu.memory_space<vmem>>[vector<16xi32>, vector<16xi32>], vector<16xf32>,
      %mul3A_1197 = arith.mulf %gather3A_1195, %gather3A_1196 : vector<16xf32>
      %add3A_1198 = arith.addf %add3A_1192, %mul3A_1197 : vector<16xf32>
      %broadcast_in_dim3A_1199 = arith.constant 4 : i32
      %broadcast_in_dim3A_1200 = vector.broadcast %broadcast_in_dim3A_1199 : i32 to vector<16xi32>
      %gather3A_1201 = tpu.vector_load_idx %arg11[%add3A_1174, %broadcast_in_dim3A_1200] : memref<512x16xf32, #tpu.memory_space<vmem>>[vector<16xi32>, vector<16xi32>], vector<16xf32>,
      %gather3A_1202 = tpu.vector_load_idx %arg12[%add3A_1174, %broadcast_in_dim3A_1200] : memref<512x16xf32, #tpu.memory_space<vmem>>[vector<16xi32>, vector<16xi32>], vector<16xf32>,
      %mul3A_1203 = arith.mulf %gather3A_1201, %gather3A_1202 : vector<16xf32>
      %add3A_1204 = arith.addf %add3A_1198, %mul3A_1203 : vector<16xf32>
      %broadcast_in_dim3A_1205 = arith.constant 5 : i32
      %broadcast_in_dim3A_1206 = vector.broadcast %broadcast_in_dim3A_1205 : i32 to vector<16xi32>
      %gather3A_1207 = tpu.vector_load_idx %arg11[%add3A_1174, %broadcast_in_dim3A_1206] : memref<512x16xf32, #tpu.memory_space<vmem>>[vector<16xi32>, vector<16xi32>], vector<16xf32>,
      %gather3A_1208 = tpu.vector_load_idx %arg12[%add3A_1174, %broadcast_in_dim3A_1206] : memref<512x16xf32, #tpu.memory_space<vmem>>[vector<16xi32>, vector<16xi32>], vector<16xf32>,
      %mul3A_1209 = arith.mulf %gather3A_1207, %gather3A_1208 : vector<16xf32>
      %add3A_1210 = arith.addf %add3A_1204, %mul3A_1209 : vector<16xf32>
      %broadcast_in_dim3A_1211 = arith.constant 6 : i32
      %broadcast_in_dim3A_1212 = vector.broadcast %broadcast_in_dim3A_1211 : i32 to vector<16xi32>
      %gather3A_1213 = tpu.vector_load_idx %arg11[%add3A_1174, %broadcast_in_dim3A_1212] : memref<512x16xf32, #tpu.memory_space<vmem>>[vector<16xi32>, vector<16xi32>], vector<16xf32>,
      %gather3A_1214 = tpu.vector_load_idx %arg12[%add3A_1174, %broadcast_in_dim3A_1212] : memref<512x16xf32, #tpu.memory_space<vmem>>[vector<16xi32>, vector<16xi32>], vector<16xf32>,
      %mul3A_1215 = arith.mulf %gather3A_1213, %gather3A_1214 : vector<16xf32>
      %add3A_1216 = arith.addf %add3A_1210, %mul3A_1215 : vector<16xf32>
      %broadcast_in_dim3A_1217 = arith.constant 7 : i32
      %broadcast_in_dim3A_1218 = vector.broadcast %broadcast_in_dim3A_1217 : i32 to vector<16xi32>
      %gather3A_1219 = tpu.vector_load_idx %arg11[%add3A_1174, %broadcast_in_dim3A_1218] : memref<512x16xf32, #tpu.memory_space<vmem>>[vector<16xi32>, vector<16xi32>], vector<16xf32>,
      %gather3A_1220 = tpu.vector_load_idx %arg12[%add3A_1174, %broadcast_in_dim3A_1218] : memref<512x16xf32, #tpu.memory_space<vmem>>[vector<16xi32>, vector<16xi32>], vector<16xf32>,
      %mul3A_1221 = arith.mulf %gather3A_1219, %gather3A_1220 : vector<16xf32>
      %add3A_1222 = arith.addf %add3A_1216, %mul3A_1221 : vector<16xf32>
      %broadcast_in_dim3A_1223 = arith.constant 8 : i32
      %broadcast_in_dim3A_1224 = vector.broadcast %broadcast_in_dim3A_1223 : i32 to vector<16xi32>
      %gather3A_1225 = tpu.vector_load_idx %arg11[%add3A_1174, %broadcast_in_dim3A_1224] : memref<512x16xf32, #tpu.memory_space<vmem>>[vector<16xi32>, vector<16xi32>], vector<16xf32>,
      %gather3A_1226 = tpu.vector_load_idx %arg12[%add3A_1174, %broadcast_in_dim3A_1224] : memref<512x16xf32, #tpu.memory_space<vmem>>[vector<16xi32>, vector<16xi32>], vector<16xf32>,
      %mul3A_1227 = arith.mulf %gather3A_1225, %gather3A_1226 : vector<16xf32>
      %add3A_1228 = arith.addf %add3A_1222, %mul3A_1227 : vector<16xf32>
      %broadcast_in_dim3A_1229 = arith.constant 9 : i32
      %broadcast_in_dim3A_1230 = vector.broadcast %broadcast_in_dim3A_1229 : i32 to vector<16xi32>
      %gather3A_1231 = tpu.vector_load_idx %arg11[%add3A_1174, %broadcast_in_dim3A_1230] : memref<512x16xf32, #tpu.memory_space<vmem>>[vector<16xi32>, vector<16xi32>], vector<16xf32>,
      %gather3A_1232 = tpu.vector_load_idx %arg12[%add3A_1174, %broadcast_in_dim3A_1230] : memref<512x16xf32, #tpu.memory_space<vmem>>[vector<16xi32>, vector<16xi32>], vector<16xf32>,
      %mul3A_1233 = arith.mulf %gather3A_1231, %gather3A_1232 : vector<16xf32>
      %add3A_1234 = arith.addf %add3A_1228, %mul3A_1233 : vector<16xf32>
      %broadcast_in_dim3A_1235 = arith.constant 10 : i32
      %broadcast_in_dim3A_1236 = vector.broadcast %broadcast_in_dim3A_1235 : i32 to vector<16xi32>
      %gather3A_1237 = tpu.vector_load_idx %arg11[%add3A_1174, %broadcast_in_dim3A_1236] : memref<512x16xf32, #tpu.memory_space<vmem>>[vector<16xi32>, vector<16xi32>], vector<16xf32>,
      %gather3A_1238 = tpu.vector_load_idx %arg12[%add3A_1174, %broadcast_in_dim3A_1236] : memref<512x16xf32, #tpu.memory_space<vmem>>[vector<16xi32>, vector<16xi32>], vector<16xf32>,
      %mul3A_1239 = arith.mulf %gather3A_1237, %gather3A_1238 : vector<16xf32>
      %add3A_1240 = arith.addf %add3A_1234, %mul3A_1239 : vector<16xf32>
      %broadcast_in_dim3A_1241 = arith.constant 11 : i32
      %broadcast_in_dim3A_1242 = vector.broadcast %broadcast_in_dim3A_1241 : i32 to vector<16xi32>
      %gather3A_1243 = tpu.vector_load_idx %arg11[%add3A_1174, %broadcast_in_dim3A_1242] : memref<512x16xf32, #tpu.memory_space<vmem>>[vector<16xi32>, vector<16xi32>], vector<16xf32>,
      %gather3A_1244 = tpu.vector_load_idx %arg12[%add3A_1174, %broadcast_in_dim3A_1242] : memref<512x16xf32, #tpu.memory_space<vmem>>[vector<16xi32>, vector<16xi32>], vector<16xf32>,
      %mul3A_1245 = arith.mulf %gather3A_1243, %gather3A_1244 : vector<16xf32>
      %add3A_1246 = arith.addf %add3A_1240, %mul3A_1245 : vector<16xf32>
      %broadcast_in_dim3A_1247 = arith.constant 12 : i32
      %broadcast_in_dim3A_1248 = vector.broadcast %broadcast_in_dim3A_1247 : i32 to vector<16xi32>
      %gather3A_1249 = tpu.vector_load_idx %arg11[%add3A_1174, %broadcast_in_dim3A_1248] : memref<512x16xf32, #tpu.memory_space<vmem>>[vector<16xi32>, vector<16xi32>], vector<16xf32>,
      %gather3A_1250 = tpu.vector_load_idx %arg12[%add3A_1174, %broadcast_in_dim3A_1248] : memref<512x16xf32, #tpu.memory_space<vmem>>[vector<16xi32>, vector<16xi32>], vector<16xf32>,
      %mul3A_1251 = arith.mulf %gather3A_1249, %gather3A_1250 : vector<16xf32>
      %add3A_1252 = arith.addf %add3A_1246, %mul3A_1251 : vector<16xf32>
      %broadcast_in_dim3A_1253 = arith.constant 13 : i32
      %broadcast_in_dim3A_1254 = vector.broadcast %broadcast_in_dim3A_1253 : i32 to vector<16xi32>
      %gather3A_1255 = tpu.vector_load_idx %arg11[%add3A_1174, %broadcast_in_dim3A_1254] : memref<512x16xf32, #tpu.memory_space<vmem>>[vector<16xi32>, vector<16xi32>], vector<16xf32>,
      %gather3A_1256 = tpu.vector_load_idx %arg12[%add3A_1174, %broadcast_in_dim3A_1254] : memref<512x16xf32, #tpu.memory_space<vmem>>[vector<16xi32>, vector<16xi32>], vector<16xf32>,
      %mul3A_1257 = arith.mulf %gather3A_1255, %gather3A_1256 : vector<16xf32>
      %add3A_1258 = arith.addf %add3A_1252, %mul3A_1257 : vector<16xf32>
      %broadcast_in_dim3A_1259 = arith.constant 14 : i32
      %broadcast_in_dim3A_1260 = vector.broadcast %broadcast_in_dim3A_1259 : i32 to vector<16xi32>
      %gather3A_1261 = tpu.vector_load_idx %arg11[%add3A_1174, %broadcast_in_dim3A_1260] : memref<512x16xf32, #tpu.memory_space<vmem>>[vector<16xi32>, vector<16xi32>], vector<16xf32>,
      %gather3A_1262 = tpu.vector_load_idx %arg12[%add3A_1174, %broadcast_in_dim3A_1260] : memref<512x16xf32, #tpu.memory_space<vmem>>[vector<16xi32>, vector<16xi32>], vector<16xf32>,
      %mul3A_1263 = arith.mulf %gather3A_1261, %gather3A_1262 : vector<16xf32>
      %add3A_1264 = arith.addf %add3A_1258, %mul3A_1263 : vector<16xf32>
      %broadcast_in_dim3A_1265 = arith.constant 15 : i32
      %broadcast_in_dim3A_1266 = vector.broadcast %broadcast_in_dim3A_1265 : i32 to vector<16xi32>
      %gather3A_1267 = tpu.vector_load_idx %arg11[%add3A_1174, %broadcast_in_dim3A_1266] : memref<512x16xf32, #tpu.memory_space<vmem>>[vector<16xi32>, vector<16xi32>], vector<16xf32>,
      %gather3A_1268 = tpu.vector_load_idx %arg12[%add3A_1174, %broadcast_in_dim3A_1266] : memref<512x16xf32, #tpu.memory_space<vmem>>[vector<16xi32>, vector<16xi32>], vector<16xf32>,
      %mul3A_1269 = arith.mulf %gather3A_1267, %gather3A_1268 : vector<16xf32>
      %add3A_1270 = arith.addf %add3A_1264, %mul3A_1269 : vector<16xf32>
      %add3A_1271 = arith.constant 160 : i32
      %add3A_1272 = arith.addi %mul3A_66, %add3A_1271 : i32
      %swap3A_1273 = arith.index_cast %add3A_1272 : i32 to index
      %swap3A_1274 = tpu.vector_load %arg13[%swap3A_1273] {strides = array<i32>} : memref<4096xf32, #tpu.memory_space<vmem>>, vector<16xf32>,
      tpu.vector_store %arg13[%swap3A_1273], %add3A_1270 {strides = array<i32>} : memref<4096xf32, #tpu.memory_space<vmem>>, vector<16xf32>,
      %add3A_1275 = arith.constant 176 : i32
      %add3A_1276 = arith.addi %mul3A_66, %add3A_1275 : i32
      %get3A_1277 = arith.index_cast %add3A_1276 : i32 to index
      %get3A_1278 = tpu.vector_load %arg10[%get3A_1277] {strides = array<i32>} : memref<4096xi32, #tpu.memory_space<vmem>>, vector<16xi32>,
      %gather3A_1279 = tpu.vector_load_idx %arg8[%get3A_1278] : memref<4096xf32, #tpu.memory_space<vmem>>[vector<16xi32>], vector<16xf32>,
      %add3A_1280 = vector.broadcast %mul3A_68 : i32 to vector<16xi32>
      %add3A_1281 = arith.addi %iota3A, %add3A_1280 : vector<16xi32>
      %add3A_1282 = arith.constant 176 : i32
      %add3A_1283 = vector.broadcast %add3A_1282 : i32 to vector<16xi32>
      %add3A_1284 = arith.addi %add3A_1281, %add3A_1283 : vector<16xi32>
      %broadcast_in_dim3A_1285 = arith.constant 0 : i32
      %broadcast_in_dim3A_1286 = vector.broadcast %broadcast_in_dim3A_1285 : i32 to vector<16xi32>
      %gather3A_1287 = tpu.vector_load_idx %arg11[%add3A_1284, %broadcast_in_dim3A_1286] : memref<512x16xf32, #tpu.memory_space<vmem>>[vector<16xi32>, vector<16xi32>], vector<16xf32>,
      %gather3A_1288 = tpu.vector_load_idx %arg12[%add3A_1284, %broadcast_in_dim3A_1286] : memref<512x16xf32, #tpu.memory_space<vmem>>[vector<16xi32>, vector<16xi32>], vector<16xf32>,
      %mul3A_1289 = arith.mulf %gather3A_1287, %gather3A_1288 : vector<16xf32>
      %add3A_1290 = arith.addf %gather3A_1279, %mul3A_1289 : vector<16xf32>
      %broadcast_in_dim3A_1291 = arith.constant 1 : i32
      %broadcast_in_dim3A_1292 = vector.broadcast %broadcast_in_dim3A_1291 : i32 to vector<16xi32>
      %gather3A_1293 = tpu.vector_load_idx %arg11[%add3A_1284, %broadcast_in_dim3A_1292] : memref<512x16xf32, #tpu.memory_space<vmem>>[vector<16xi32>, vector<16xi32>], vector<16xf32>,
      %gather3A_1294 = tpu.vector_load_idx %arg12[%add3A_1284, %broadcast_in_dim3A_1292] : memref<512x16xf32, #tpu.memory_space<vmem>>[vector<16xi32>, vector<16xi32>], vector<16xf32>,
      %mul3A_1295 = arith.mulf %gather3A_1293, %gather3A_1294 : vector<16xf32>
      %add3A_1296 = arith.addf %add3A_1290, %mul3A_1295 : vector<16xf32>
      %broadcast_in_dim3A_1297 = arith.constant 2 : i32
      %broadcast_in_dim3A_1298 = vector.broadcast %broadcast_in_dim3A_1297 : i32 to vector<16xi32>
      %gather3A_1299 = tpu.vector_load_idx %arg11[%add3A_1284, %broadcast_in_dim3A_1298] : memref<512x16xf32, #tpu.memory_space<vmem>>[vector<16xi32>, vector<16xi32>], vector<16xf32>,
      %gather3A_1300 = tpu.vector_load_idx %arg12[%add3A_1284, %broadcast_in_dim3A_1298] : memref<512x16xf32, #tpu.memory_space<vmem>>[vector<16xi32>, vector<16xi32>], vector<16xf32>,
      %mul3A_1301 = arith.mulf %gather3A_1299, %gather3A_1300 : vector<16xf32>
      %add3A_1302 = arith.addf %add3A_1296, %mul3A_1301 : vector<16xf32>
      %broadcast_in_dim3A_1303 = arith.constant 3 : i32
      %broadcast_in_dim3A_1304 = vector.broadcast %broadcast_in_dim3A_1303 : i32 to vector<16xi32>
      %gather3A_1305 = tpu.vector_load_idx %arg11[%add3A_1284, %broadcast_in_dim3A_1304] : memref<512x16xf32, #tpu.memory_space<vmem>>[vector<16xi32>, vector<16xi32>], vector<16xf32>,
      %gather3A_1306 = tpu.vector_load_idx %arg12[%add3A_1284, %broadcast_in_dim3A_1304] : memref<512x16xf32, #tpu.memory_space<vmem>>[vector<16xi32>, vector<16xi32>], vector<16xf32>,
      %mul3A_1307 = arith.mulf %gather3A_1305, %gather3A_1306 : vector<16xf32>
      %add3A_1308 = arith.addf %add3A_1302, %mul3A_1307 : vector<16xf32>
      %broadcast_in_dim3A_1309 = arith.constant 4 : i32
      %broadcast_in_dim3A_1310 = vector.broadcast %broadcast_in_dim3A_1309 : i32 to vector<16xi32>
      %gather3A_1311 = tpu.vector_load_idx %arg11[%add3A_1284, %broadcast_in_dim3A_1310] : memref<512x16xf32, #tpu.memory_space<vmem>>[vector<16xi32>, vector<16xi32>], vector<16xf32>,
      %gather3A_1312 = tpu.vector_load_idx %arg12[%add3A_1284, %broadcast_in_dim3A_1310] : memref<512x16xf32, #tpu.memory_space<vmem>>[vector<16xi32>, vector<16xi32>], vector<16xf32>,
      %mul3A_1313 = arith.mulf %gather3A_1311, %gather3A_1312 : vector<16xf32>
      %add3A_1314 = arith.addf %add3A_1308, %mul3A_1313 : vector<16xf32>
      %broadcast_in_dim3A_1315 = arith.constant 5 : i32
      %broadcast_in_dim3A_1316 = vector.broadcast %broadcast_in_dim3A_1315 : i32 to vector<16xi32>
      %gather3A_1317 = tpu.vector_load_idx %arg11[%add3A_1284, %broadcast_in_dim3A_1316] : memref<512x16xf32, #tpu.memory_space<vmem>>[vector<16xi32>, vector<16xi32>], vector<16xf32>,
      %gather3A_1318 = tpu.vector_load_idx %arg12[%add3A_1284, %broadcast_in_dim3A_1316] : memref<512x16xf32, #tpu.memory_space<vmem>>[vector<16xi32>, vector<16xi32>], vector<16xf32>,
      %mul3A_1319 = arith.mulf %gather3A_1317, %gather3A_1318 : vector<16xf32>
      %add3A_1320 = arith.addf %add3A_1314, %mul3A_1319 : vector<16xf32>
      %broadcast_in_dim3A_1321 = arith.constant 6 : i32
      %broadcast_in_dim3A_1322 = vector.broadcast %broadcast_in_dim3A_1321 : i32 to vector<16xi32>
      %gather3A_1323 = tpu.vector_load_idx %arg11[%add3A_1284, %broadcast_in_dim3A_1322] : memref<512x16xf32, #tpu.memory_space<vmem>>[vector<16xi32>, vector<16xi32>], vector<16xf32>,
      %gather3A_1324 = tpu.vector_load_idx %arg12[%add3A_1284, %broadcast_in_dim3A_1322] : memref<512x16xf32, #tpu.memory_space<vmem>>[vector<16xi32>, vector<16xi32>], vector<16xf32>,
      %mul3A_1325 = arith.mulf %gather3A_1323, %gather3A_1324 : vector<16xf32>
      %add3A_1326 = arith.addf %add3A_1320, %mul3A_1325 : vector<16xf32>
      %broadcast_in_dim3A_1327 = arith.constant 7 : i32
      %broadcast_in_dim3A_1328 = vector.broadcast %broadcast_in_dim3A_1327 : i32 to vector<16xi32>
      %gather3A_1329 = tpu.vector_load_idx %arg11[%add3A_1284, %broadcast_in_dim3A_1328] : memref<512x16xf32, #tpu.memory_space<vmem>>[vector<16xi32>, vector<16xi32>], vector<16xf32>,
      %gather3A_1330 = tpu.vector_load_idx %arg12[%add3A_1284, %broadcast_in_dim3A_1328] : memref<512x16xf32, #tpu.memory_space<vmem>>[vector<16xi32>, vector<16xi32>], vector<16xf32>,
      %mul3A_1331 = arith.mulf %gather3A_1329, %gather3A_1330 : vector<16xf32>
      %add3A_1332 = arith.addf %add3A_1326, %mul3A_1331 : vector<16xf32>
      %broadcast_in_dim3A_1333 = arith.constant 8 : i32
      %broadcast_in_dim3A_1334 = vector.broadcast %broadcast_in_dim3A_1333 : i32 to vector<16xi32>
      %gather3A_1335 = tpu.vector_load_idx %arg11[%add3A_1284, %broadcast_in_dim3A_1334] : memref<512x16xf32, #tpu.memory_space<vmem>>[vector<16xi32>, vector<16xi32>], vector<16xf32>,
      %gather3A_1336 = tpu.vector_load_idx %arg12[%add3A_1284, %broadcast_in_dim3A_1334] : memref<512x16xf32, #tpu.memory_space<vmem>>[vector<16xi32>, vector<16xi32>], vector<16xf32>,
      %mul3A_1337 = arith.mulf %gather3A_1335, %gather3A_1336 : vector<16xf32>
      %add3A_1338 = arith.addf %add3A_1332, %mul3A_1337 : vector<16xf32>
      %broadcast_in_dim3A_1339 = arith.constant 9 : i32
      %broadcast_in_dim3A_1340 = vector.broadcast %broadcast_in_dim3A_1339 : i32 to vector<16xi32>
      %gather3A_1341 = tpu.vector_load_idx %arg11[%add3A_1284, %broadcast_in_dim3A_1340] : memref<512x16xf32, #tpu.memory_space<vmem>>[vector<16xi32>, vector<16xi32>], vector<16xf32>,
      %gather3A_1342 = tpu.vector_load_idx %arg12[%add3A_1284, %broadcast_in_dim3A_1340] : memref<512x16xf32, #tpu.memory_space<vmem>>[vector<16xi32>, vector<16xi32>], vector<16xf32>,
      %mul3A_1343 = arith.mulf %gather3A_1341, %gather3A_1342 : vector<16xf32>
      %add3A_1344 = arith.addf %add3A_1338, %mul3A_1343 : vector<16xf32>
      %broadcast_in_dim3A_1345 = arith.constant 10 : i32
      %broadcast_in_dim3A_1346 = vector.broadcast %broadcast_in_dim3A_1345 : i32 to vector<16xi32>
      %gather3A_1347 = tpu.vector_load_idx %arg11[%add3A_1284, %broadcast_in_dim3A_1346] : memref<512x16xf32, #tpu.memory_space<vmem>>[vector<16xi32>, vector<16xi32>], vector<16xf32>,
      %gather3A_1348 = tpu.vector_load_idx %arg12[%add3A_1284, %broadcast_in_dim3A_1346] : memref<512x16xf32, #tpu.memory_space<vmem>>[vector<16xi32>, vector<16xi32>], vector<16xf32>,
      %mul3A_1349 = arith.mulf %gather3A_1347, %gather3A_1348 : vector<16xf32>
      %add3A_1350 = arith.addf %add3A_1344, %mul3A_1349 : vector<16xf32>
      %broadcast_in_dim3A_1351 = arith.constant 11 : i32
      %broadcast_in_dim3A_1352 = vector.broadcast %broadcast_in_dim3A_1351 : i32 to vector<16xi32>
      %gather3A_1353 = tpu.vector_load_idx %arg11[%add3A_1284, %broadcast_in_dim3A_1352] : memref<512x16xf32, #tpu.memory_space<vmem>>[vector<16xi32>, vector<16xi32>], vector<16xf32>,
      %gather3A_1354 = tpu.vector_load_idx %arg12[%add3A_1284, %broadcast_in_dim3A_1352] : memref<512x16xf32, #tpu.memory_space<vmem>>[vector<16xi32>, vector<16xi32>], vector<16xf32>,
      %mul3A_1355 = arith.mulf %gather3A_1353, %gather3A_1354 : vector<16xf32>
      %add3A_1356 = arith.addf %add3A_1350, %mul3A_1355 : vector<16xf32>
      %broadcast_in_dim3A_1357 = arith.constant 12 : i32
      %broadcast_in_dim3A_1358 = vector.broadcast %broadcast_in_dim3A_1357 : i32 to vector<16xi32>
      %gather3A_1359 = tpu.vector_load_idx %arg11[%add3A_1284, %broadcast_in_dim3A_1358] : memref<512x16xf32, #tpu.memory_space<vmem>>[vector<16xi32>, vector<16xi32>], vector<16xf32>,
      %gather3A_1360 = tpu.vector_load_idx %arg12[%add3A_1284, %broadcast_in_dim3A_1358] : memref<512x16xf32, #tpu.memory_space<vmem>>[vector<16xi32>, vector<16xi32>], vector<16xf32>,
      %mul3A_1361 = arith.mulf %gather3A_1359, %gather3A_1360 : vector<16xf32>
      %add3A_1362 = arith.addf %add3A_1356, %mul3A_1361 : vector<16xf32>
      %broadcast_in_dim3A_1363 = arith.constant 13 : i32
      %broadcast_in_dim3A_1364 = vector.broadcast %broadcast_in_dim3A_1363 : i32 to vector<16xi32>
      %gather3A_1365 = tpu.vector_load_idx %arg11[%add3A_1284, %broadcast_in_dim3A_1364] : memref<512x16xf32, #tpu.memory_space<vmem>>[vector<16xi32>, vector<16xi32>], vector<16xf32>,
      %gather3A_1366 = tpu.vector_load_idx %arg12[%add3A_1284, %broadcast_in_dim3A_1364] : memref<512x16xf32, #tpu.memory_space<vmem>>[vector<16xi32>, vector<16xi32>], vector<16xf32>,
      %mul3A_1367 = arith.mulf %gather3A_1365, %gather3A_1366 : vector<16xf32>
      %add3A_1368 = arith.addf %add3A_1362, %mul3A_1367 : vector<16xf32>
      %broadcast_in_dim3A_1369 = arith.constant 14 : i32
      %broadcast_in_dim3A_1370 = vector.broadcast %broadcast_in_dim3A_1369 : i32 to vector<16xi32>
      %gather3A_1371 = tpu.vector_load_idx %arg11[%add3A_1284, %broadcast_in_dim3A_1370] : memref<512x16xf32, #tpu.memory_space<vmem>>[vector<16xi32>, vector<16xi32>], vector<16xf32>,
      %gather3A_1372 = tpu.vector_load_idx %arg12[%add3A_1284, %broadcast_in_dim3A_1370] : memref<512x16xf32, #tpu.memory_space<vmem>>[vector<16xi32>, vector<16xi32>], vector<16xf32>,
      %mul3A_1373 = arith.mulf %gather3A_1371, %gather3A_1372 : vector<16xf32>
      %add3A_1374 = arith.addf %add3A_1368, %mul3A_1373 : vector<16xf32>
      %broadcast_in_dim3A_1375 = arith.constant 15 : i32
      %broadcast_in_dim3A_1376 = vector.broadcast %broadcast_in_dim3A_1375 : i32 to vector<16xi32>
      %gather3A_1377 = tpu.vector_load_idx %arg11[%add3A_1284, %broadcast_in_dim3A_1376] : memref<512x16xf32, #tpu.memory_space<vmem>>[vector<16xi32>, vector<16xi32>], vector<16xf32>,
      %gather3A_1378 = tpu.vector_load_idx %arg12[%add3A_1284, %broadcast_in_dim3A_1376] : memref<512x16xf32, #tpu.memory_space<vmem>>[vector<16xi32>, vector<16xi32>], vector<16xf32>,
      %mul3A_1379 = arith.mulf %gather3A_1377, %gather3A_1378 : vector<16xf32>
      %add3A_1380 = arith.addf %add3A_1374, %mul3A_1379 : vector<16xf32>
      %add3A_1381 = arith.constant 176 : i32
      %add3A_1382 = arith.addi %mul3A_66, %add3A_1381 : i32
      %swap3A_1383 = arith.index_cast %add3A_1382 : i32 to index
      %swap3A_1384 = tpu.vector_load %arg13[%swap3A_1383] {strides = array<i32>} : memref<4096xf32, #tpu.memory_space<vmem>>, vector<16xf32>,
      tpu.vector_store %arg13[%swap3A_1383], %add3A_1380 {strides = array<i32>} : memref<4096xf32, #tpu.memory_space<vmem>>, vector<16xf32>,
      %add3A_1385 = arith.constant 192 : i32
      %add3A_1386 = arith.addi %mul3A_66, %add3A_1385 : i32
      %get3A_1387 = arith.index_cast %add3A_1386 : i32 to index
      %get3A_1388 = tpu.vector_load %arg10[%get3A_1387] {strides = array<i32>} : memref<4096xi32, #tpu.memory_space<vmem>>, vector<16xi32>,
      %gather3A_1389 = tpu.vector_load_idx %arg8[%get3A_1388] : memref<4096xf32, #tpu.memory_space<vmem>>[vector<16xi32>], vector<16xf32>,
      %add3A_1390 = vector.broadcast %mul3A_68 : i32 to vector<16xi32>
      %add3A_1391 = arith.addi %iota3A, %add3A_1390 : vector<16xi32>
      %add3A_1392 = arith.constant 192 : i32
      %add3A_1393 = vector.broadcast %add3A_1392 : i32 to vector<16xi32>
      %add3A_1394 = arith.addi %add3A_1391, %add3A_1393 : vector<16xi32>
      %broadcast_in_dim3A_1395 = arith.constant 0 : i32
      %broadcast_in_dim3A_1396 = vector.broadcast %broadcast_in_dim3A_1395 : i32 to vector<16xi32>
      %gather3A_1397 = tpu.vector_load_idx %arg11[%add3A_1394, %broadcast_in_dim3A_1396] : memref<512x16xf32, #tpu.memory_space<vmem>>[vector<16xi32>, vector<16xi32>], vector<16xf32>,
      %gather3A_1398 = tpu.vector_load_idx %arg12[%add3A_1394, %broadcast_in_dim3A_1396] : memref<512x16xf32, #tpu.memory_space<vmem>>[vector<16xi32>, vector<16xi32>], vector<16xf32>,
      %mul3A_1399 = arith.mulf %gather3A_1397, %gather3A_1398 : vector<16xf32>
      %add3A_1400 = arith.addf %gather3A_1389, %mul3A_1399 : vector<16xf32>
      %broadcast_in_dim3A_1401 = arith.constant 1 : i32
      %broadcast_in_dim3A_1402 = vector.broadcast %broadcast_in_dim3A_1401 : i32 to vector<16xi32>
      %gather3A_1403 = tpu.vector_load_idx %arg11[%add3A_1394, %broadcast_in_dim3A_1402] : memref<512x16xf32, #tpu.memory_space<vmem>>[vector<16xi32>, vector<16xi32>], vector<16xf32>,
      %gather3A_1404 = tpu.vector_load_idx %arg12[%add3A_1394, %broadcast_in_dim3A_1402] : memref<512x16xf32, #tpu.memory_space<vmem>>[vector<16xi32>, vector<16xi32>], vector<16xf32>,
      %mul3A_1405 = arith.mulf %gather3A_1403, %gather3A_1404 : vector<16xf32>
      %add3A_1406 = arith.addf %add3A_1400, %mul3A_1405 : vector<16xf32>
      %broadcast_in_dim3A_1407 = arith.constant 2 : i32
      %broadcast_in_dim3A_1408 = vector.broadcast %broadcast_in_dim3A_1407 : i32 to vector<16xi32>
      %gather3A_1409 = tpu.vector_load_idx %arg11[%add3A_1394, %broadcast_in_dim3A_1408] : memref<512x16xf32, #tpu.memory_space<vmem>>[vector<16xi32>, vector<16xi32>], vector<16xf32>,
      %gather3A_1410 = tpu.vector_load_idx %arg12[%add3A_1394, %broadcast_in_dim3A_1408] : memref<512x16xf32, #tpu.memory_space<vmem>>[vector<16xi32>, vector<16xi32>], vector<16xf32>,
      %mul3A_1411 = arith.mulf %gather3A_1409, %gather3A_1410 : vector<16xf32>
      %add3A_1412 = arith.addf %add3A_1406, %mul3A_1411 : vector<16xf32>
      %broadcast_in_dim3A_1413 = arith.constant 3 : i32
      %broadcast_in_dim3A_1414 = vector.broadcast %broadcast_in_dim3A_1413 : i32 to vector<16xi32>
      %gather3A_1415 = tpu.vector_load_idx %arg11[%add3A_1394, %broadcast_in_dim3A_1414] : memref<512x16xf32, #tpu.memory_space<vmem>>[vector<16xi32>, vector<16xi32>], vector<16xf32>,
      %gather3A_1416 = tpu.vector_load_idx %arg12[%add3A_1394, %broadcast_in_dim3A_1414] : memref<512x16xf32, #tpu.memory_space<vmem>>[vector<16xi32>, vector<16xi32>], vector<16xf32>,
      %mul3A_1417 = arith.mulf %gather3A_1415, %gather3A_1416 : vector<16xf32>
      %add3A_1418 = arith.addf %add3A_1412, %mul3A_1417 : vector<16xf32>
      %broadcast_in_dim3A_1419 = arith.constant 4 : i32
      %broadcast_in_dim3A_1420 = vector.broadcast %broadcast_in_dim3A_1419 : i32 to vector<16xi32>
      %gather3A_1421 = tpu.vector_load_idx %arg11[%add3A_1394, %broadcast_in_dim3A_1420] : memref<512x16xf32, #tpu.memory_space<vmem>>[vector<16xi32>, vector<16xi32>], vector<16xf32>,
      %gather3A_1422 = tpu.vector_load_idx %arg12[%add3A_1394, %broadcast_in_dim3A_1420] : memref<512x16xf32, #tpu.memory_space<vmem>>[vector<16xi32>, vector<16xi32>], vector<16xf32>,
      %mul3A_1423 = arith.mulf %gather3A_1421, %gather3A_1422 : vector<16xf32>
      %add3A_1424 = arith.addf %add3A_1418, %mul3A_1423 : vector<16xf32>
      %broadcast_in_dim3A_1425 = arith.constant 5 : i32
      %broadcast_in_dim3A_1426 = vector.broadcast %broadcast_in_dim3A_1425 : i32 to vector<16xi32>
      %gather3A_1427 = tpu.vector_load_idx %arg11[%add3A_1394, %broadcast_in_dim3A_1426] : memref<512x16xf32, #tpu.memory_space<vmem>>[vector<16xi32>, vector<16xi32>], vector<16xf32>,
      %gather3A_1428 = tpu.vector_load_idx %arg12[%add3A_1394, %broadcast_in_dim3A_1426] : memref<512x16xf32, #tpu.memory_space<vmem>>[vector<16xi32>, vector<16xi32>], vector<16xf32>,
      %mul3A_1429 = arith.mulf %gather3A_1427, %gather3A_1428 : vector<16xf32>
      %add3A_1430 = arith.addf %add3A_1424, %mul3A_1429 : vector<16xf32>
      %broadcast_in_dim3A_1431 = arith.constant 6 : i32
      %broadcast_in_dim3A_1432 = vector.broadcast %broadcast_in_dim3A_1431 : i32 to vector<16xi32>
      %gather3A_1433 = tpu.vector_load_idx %arg11[%add3A_1394, %broadcast_in_dim3A_1432] : memref<512x16xf32, #tpu.memory_space<vmem>>[vector<16xi32>, vector<16xi32>], vector<16xf32>,
      %gather3A_1434 = tpu.vector_load_idx %arg12[%add3A_1394, %broadcast_in_dim3A_1432] : memref<512x16xf32, #tpu.memory_space<vmem>>[vector<16xi32>, vector<16xi32>], vector<16xf32>,
      %mul3A_1435 = arith.mulf %gather3A_1433, %gather3A_1434 : vector<16xf32>
      %add3A_1436 = arith.addf %add3A_1430, %mul3A_1435 : vector<16xf32>
      %broadcast_in_dim3A_1437 = arith.constant 7 : i32
      %broadcast_in_dim3A_1438 = vector.broadcast %broadcast_in_dim3A_1437 : i32 to vector<16xi32>
      %gather3A_1439 = tpu.vector_load_idx %arg11[%add3A_1394, %broadcast_in_dim3A_1438] : memref<512x16xf32, #tpu.memory_space<vmem>>[vector<16xi32>, vector<16xi32>], vector<16xf32>,
      %gather3A_1440 = tpu.vector_load_idx %arg12[%add3A_1394, %broadcast_in_dim3A_1438] : memref<512x16xf32, #tpu.memory_space<vmem>>[vector<16xi32>, vector<16xi32>], vector<16xf32>,
      %mul3A_1441 = arith.mulf %gather3A_1439, %gather3A_1440 : vector<16xf32>
      %add3A_1442 = arith.addf %add3A_1436, %mul3A_1441 : vector<16xf32>
      %broadcast_in_dim3A_1443 = arith.constant 8 : i32
      %broadcast_in_dim3A_1444 = vector.broadcast %broadcast_in_dim3A_1443 : i32 to vector<16xi32>
      %gather3A_1445 = tpu.vector_load_idx %arg11[%add3A_1394, %broadcast_in_dim3A_1444] : memref<512x16xf32, #tpu.memory_space<vmem>>[vector<16xi32>, vector<16xi32>], vector<16xf32>,
      %gather3A_1446 = tpu.vector_load_idx %arg12[%add3A_1394, %broadcast_in_dim3A_1444] : memref<512x16xf32, #tpu.memory_space<vmem>>[vector<16xi32>, vector<16xi32>], vector<16xf32>,
      %mul3A_1447 = arith.mulf %gather3A_1445, %gather3A_1446 : vector<16xf32>
      %add3A_1448 = arith.addf %add3A_1442, %mul3A_1447 : vector<16xf32>
      %broadcast_in_dim3A_1449 = arith.constant 9 : i32
      %broadcast_in_dim3A_1450 = vector.broadcast %broadcast_in_dim3A_1449 : i32 to vector<16xi32>
      %gather3A_1451 = tpu.vector_load_idx %arg11[%add3A_1394, %broadcast_in_dim3A_1450] : memref<512x16xf32, #tpu.memory_space<vmem>>[vector<16xi32>, vector<16xi32>], vector<16xf32>,
      %gather3A_1452 = tpu.vector_load_idx %arg12[%add3A_1394, %broadcast_in_dim3A_1450] : memref<512x16xf32, #tpu.memory_space<vmem>>[vector<16xi32>, vector<16xi32>], vector<16xf32>,
      %mul3A_1453 = arith.mulf %gather3A_1451, %gather3A_1452 : vector<16xf32>
      %add3A_1454 = arith.addf %add3A_1448, %mul3A_1453 : vector<16xf32>
      %broadcast_in_dim3A_1455 = arith.constant 10 : i32
      %broadcast_in_dim3A_1456 = vector.broadcast %broadcast_in_dim3A_1455 : i32 to vector<16xi32>
      %gather3A_1457 = tpu.vector_load_idx %arg11[%add3A_1394, %broadcast_in_dim3A_1456] : memref<512x16xf32, #tpu.memory_space<vmem>>[vector<16xi32>, vector<16xi32>], vector<16xf32>,
      %gather3A_1458 = tpu.vector_load_idx %arg12[%add3A_1394, %broadcast_in_dim3A_1456] : memref<512x16xf32, #tpu.memory_space<vmem>>[vector<16xi32>, vector<16xi32>], vector<16xf32>,
      %mul3A_1459 = arith.mulf %gather3A_1457, %gather3A_1458 : vector<16xf32>
      %add3A_1460 = arith.addf %add3A_1454, %mul3A_1459 : vector<16xf32>
      %broadcast_in_dim3A_1461 = arith.constant 11 : i32
      %broadcast_in_dim3A_1462 = vector.broadcast %broadcast_in_dim3A_1461 : i32 to vector<16xi32>
      %gather3A_1463 = tpu.vector_load_idx %arg11[%add3A_1394, %broadcast_in_dim3A_1462] : memref<512x16xf32, #tpu.memory_space<vmem>>[vector<16xi32>, vector<16xi32>], vector<16xf32>,
      %gather3A_1464 = tpu.vector_load_idx %arg12[%add3A_1394, %broadcast_in_dim3A_1462] : memref<512x16xf32, #tpu.memory_space<vmem>>[vector<16xi32>, vector<16xi32>], vector<16xf32>,
      %mul3A_1465 = arith.mulf %gather3A_1463, %gather3A_1464 : vector<16xf32>
      %add3A_1466 = arith.addf %add3A_1460, %mul3A_1465 : vector<16xf32>
      %broadcast_in_dim3A_1467 = arith.constant 12 : i32
      %broadcast_in_dim3A_1468 = vector.broadcast %broadcast_in_dim3A_1467 : i32 to vector<16xi32>
      %gather3A_1469 = tpu.vector_load_idx %arg11[%add3A_1394, %broadcast_in_dim3A_1468] : memref<512x16xf32, #tpu.memory_space<vmem>>[vector<16xi32>, vector<16xi32>], vector<16xf32>,
      %gather3A_1470 = tpu.vector_load_idx %arg12[%add3A_1394, %broadcast_in_dim3A_1468] : memref<512x16xf32, #tpu.memory_space<vmem>>[vector<16xi32>, vector<16xi32>], vector<16xf32>,
      %mul3A_1471 = arith.mulf %gather3A_1469, %gather3A_1470 : vector<16xf32>
      %add3A_1472 = arith.addf %add3A_1466, %mul3A_1471 : vector<16xf32>
      %broadcast_in_dim3A_1473 = arith.constant 13 : i32
      %broadcast_in_dim3A_1474 = vector.broadcast %broadcast_in_dim3A_1473 : i32 to vector<16xi32>
      %gather3A_1475 = tpu.vector_load_idx %arg11[%add3A_1394, %broadcast_in_dim3A_1474] : memref<512x16xf32, #tpu.memory_space<vmem>>[vector<16xi32>, vector<16xi32>], vector<16xf32>,
      %gather3A_1476 = tpu.vector_load_idx %arg12[%add3A_1394, %broadcast_in_dim3A_1474] : memref<512x16xf32, #tpu.memory_space<vmem>>[vector<16xi32>, vector<16xi32>], vector<16xf32>,
      %mul3A_1477 = arith.mulf %gather3A_1475, %gather3A_1476 : vector<16xf32>
      %add3A_1478 = arith.addf %add3A_1472, %mul3A_1477 : vector<16xf32>
      %broadcast_in_dim3A_1479 = arith.constant 14 : i32
      %broadcast_in_dim3A_1480 = vector.broadcast %broadcast_in_dim3A_1479 : i32 to vector<16xi32>
      %gather3A_1481 = tpu.vector_load_idx %arg11[%add3A_1394, %broadcast_in_dim3A_1480] : memref<512x16xf32, #tpu.memory_space<vmem>>[vector<16xi32>, vector<16xi32>], vector<16xf32>,
      %gather3A_1482 = tpu.vector_load_idx %arg12[%add3A_1394, %broadcast_in_dim3A_1480] : memref<512x16xf32, #tpu.memory_space<vmem>>[vector<16xi32>, vector<16xi32>], vector<16xf32>,
      %mul3A_1483 = arith.mulf %gather3A_1481, %gather3A_1482 : vector<16xf32>
      %add3A_1484 = arith.addf %add3A_1478, %mul3A_1483 : vector<16xf32>
      %broadcast_in_dim3A_1485 = arith.constant 15 : i32
      %broadcast_in_dim3A_1486 = vector.broadcast %broadcast_in_dim3A_1485 : i32 to vector<16xi32>
      %gather3A_1487 = tpu.vector_load_idx %arg11[%add3A_1394, %broadcast_in_dim3A_1486] : memref<512x16xf32, #tpu.memory_space<vmem>>[vector<16xi32>, vector<16xi32>], vector<16xf32>,
      %gather3A_1488 = tpu.vector_load_idx %arg12[%add3A_1394, %broadcast_in_dim3A_1486] : memref<512x16xf32, #tpu.memory_space<vmem>>[vector<16xi32>, vector<16xi32>], vector<16xf32>,
      %mul3A_1489 = arith.mulf %gather3A_1487, %gather3A_1488 : vector<16xf32>
      %add3A_1490 = arith.addf %add3A_1484, %mul3A_1489 : vector<16xf32>
      %add3A_1491 = arith.constant 192 : i32
      %add3A_1492 = arith.addi %mul3A_66, %add3A_1491 : i32
      %swap3A_1493 = arith.index_cast %add3A_1492 : i32 to index
      %swap3A_1494 = tpu.vector_load %arg13[%swap3A_1493] {strides = array<i32>} : memref<4096xf32, #tpu.memory_space<vmem>>, vector<16xf32>,
      tpu.vector_store %arg13[%swap3A_1493], %add3A_1490 {strides = array<i32>} : memref<4096xf32, #tpu.memory_space<vmem>>, vector<16xf32>,
      %add3A_1495 = arith.constant 208 : i32
      %add3A_1496 = arith.addi %mul3A_66, %add3A_1495 : i32
      %get3A_1497 = arith.index_cast %add3A_1496 : i32 to index
      %get3A_1498 = tpu.vector_load %arg10[%get3A_1497] {strides = array<i32>} : memref<4096xi32, #tpu.memory_space<vmem>>, vector<16xi32>,
      %gather3A_1499 = tpu.vector_load_idx %arg8[%get3A_1498] : memref<4096xf32, #tpu.memory_space<vmem>>[vector<16xi32>], vector<16xf32>,
      %add3A_1500 = vector.broadcast %mul3A_68 : i32 to vector<16xi32>
      %add3A_1501 = arith.addi %iota3A, %add3A_1500 : vector<16xi32>
      %add3A_1502 = arith.constant 208 : i32
      %add3A_1503 = vector.broadcast %add3A_1502 : i32 to vector<16xi32>
      %add3A_1504 = arith.addi %add3A_1501, %add3A_1503 : vector<16xi32>
      %broadcast_in_dim3A_1505 = arith.constant 0 : i32
      %broadcast_in_dim3A_1506 = vector.broadcast %broadcast_in_dim3A_1505 : i32 to vector<16xi32>
      %gather3A_1507 = tpu.vector_load_idx %arg11[%add3A_1504, %broadcast_in_dim3A_1506] : memref<512x16xf32, #tpu.memory_space<vmem>>[vector<16xi32>, vector<16xi32>], vector<16xf32>,
      %gather3A_1508 = tpu.vector_load_idx %arg12[%add3A_1504, %broadcast_in_dim3A_1506] : memref<512x16xf32, #tpu.memory_space<vmem>>[vector<16xi32>, vector<16xi32>], vector<16xf32>,
      %mul3A_1509 = arith.mulf %gather3A_1507, %gather3A_1508 : vector<16xf32>
      %add3A_1510 = arith.addf %gather3A_1499, %mul3A_1509 : vector<16xf32>
      %broadcast_in_dim3A_1511 = arith.constant 1 : i32
      %broadcast_in_dim3A_1512 = vector.broadcast %broadcast_in_dim3A_1511 : i32 to vector<16xi32>
      %gather3A_1513 = tpu.vector_load_idx %arg11[%add3A_1504, %broadcast_in_dim3A_1512] : memref<512x16xf32, #tpu.memory_space<vmem>>[vector<16xi32>, vector<16xi32>], vector<16xf32>,
      %gather3A_1514 = tpu.vector_load_idx %arg12[%add3A_1504, %broadcast_in_dim3A_1512] : memref<512x16xf32, #tpu.memory_space<vmem>>[vector<16xi32>, vector<16xi32>], vector<16xf32>,
      %mul3A_1515 = arith.mulf %gather3A_1513, %gather3A_1514 : vector<16xf32>
      %add3A_1516 = arith.addf %add3A_1510, %mul3A_1515 : vector<16xf32>
      %broadcast_in_dim3A_1517 = arith.constant 2 : i32
      %broadcast_in_dim3A_1518 = vector.broadcast %broadcast_in_dim3A_1517 : i32 to vector<16xi32>
      %gather3A_1519 = tpu.vector_load_idx %arg11[%add3A_1504, %broadcast_in_dim3A_1518] : memref<512x16xf32, #tpu.memory_space<vmem>>[vector<16xi32>, vector<16xi32>], vector<16xf32>,
      %gather3A_1520 = tpu.vector_load_idx %arg12[%add3A_1504, %broadcast_in_dim3A_1518] : memref<512x16xf32, #tpu.memory_space<vmem>>[vector<16xi32>, vector<16xi32>], vector<16xf32>,
      %mul3A_1521 = arith.mulf %gather3A_1519, %gather3A_1520 : vector<16xf32>
      %add3A_1522 = arith.addf %add3A_1516, %mul3A_1521 : vector<16xf32>
      %broadcast_in_dim3A_1523 = arith.constant 3 : i32
      %broadcast_in_dim3A_1524 = vector.broadcast %broadcast_in_dim3A_1523 : i32 to vector<16xi32>
      %gather3A_1525 = tpu.vector_load_idx %arg11[%add3A_1504, %broadcast_in_dim3A_1524] : memref<512x16xf32, #tpu.memory_space<vmem>>[vector<16xi32>, vector<16xi32>], vector<16xf32>,
      %gather3A_1526 = tpu.vector_load_idx %arg12[%add3A_1504, %broadcast_in_dim3A_1524] : memref<512x16xf32, #tpu.memory_space<vmem>>[vector<16xi32>, vector<16xi32>], vector<16xf32>,
      %mul3A_1527 = arith.mulf %gather3A_1525, %gather3A_1526 : vector<16xf32>
      %add3A_1528 = arith.addf %add3A_1522, %mul3A_1527 : vector<16xf32>
      %broadcast_in_dim3A_1529 = arith.constant 4 : i32
      %broadcast_in_dim3A_1530 = vector.broadcast %broadcast_in_dim3A_1529 : i32 to vector<16xi32>
      %gather3A_1531 = tpu.vector_load_idx %arg11[%add3A_1504, %broadcast_in_dim3A_1530] : memref<512x16xf32, #tpu.memory_space<vmem>>[vector<16xi32>, vector<16xi32>], vector<16xf32>,
      %gather3A_1532 = tpu.vector_load_idx %arg12[%add3A_1504, %broadcast_in_dim3A_1530] : memref<512x16xf32, #tpu.memory_space<vmem>>[vector<16xi32>, vector<16xi32>], vector<16xf32>,
      %mul3A_1533 = arith.mulf %gather3A_1531, %gather3A_1532 : vector<16xf32>
      %add3A_1534 = arith.addf %add3A_1528, %mul3A_1533 : vector<16xf32>
      %broadcast_in_dim3A_1535 = arith.constant 5 : i32
      %broadcast_in_dim3A_1536 = vector.broadcast %broadcast_in_dim3A_1535 : i32 to vector<16xi32>
      %gather3A_1537 = tpu.vector_load_idx %arg11[%add3A_1504, %broadcast_in_dim3A_1536] : memref<512x16xf32, #tpu.memory_space<vmem>>[vector<16xi32>, vector<16xi32>], vector<16xf32>,
      %gather3A_1538 = tpu.vector_load_idx %arg12[%add3A_1504, %broadcast_in_dim3A_1536] : memref<512x16xf32, #tpu.memory_space<vmem>>[vector<16xi32>, vector<16xi32>], vector<16xf32>,
      %mul3A_1539 = arith.mulf %gather3A_1537, %gather3A_1538 : vector<16xf32>
      %add3A_1540 = arith.addf %add3A_1534, %mul3A_1539 : vector<16xf32>
      %broadcast_in_dim3A_1541 = arith.constant 6 : i32
      %broadcast_in_dim3A_1542 = vector.broadcast %broadcast_in_dim3A_1541 : i32 to vector<16xi32>
      %gather3A_1543 = tpu.vector_load_idx %arg11[%add3A_1504, %broadcast_in_dim3A_1542] : memref<512x16xf32, #tpu.memory_space<vmem>>[vector<16xi32>, vector<16xi32>], vector<16xf32>,
      %gather3A_1544 = tpu.vector_load_idx %arg12[%add3A_1504, %broadcast_in_dim3A_1542] : memref<512x16xf32, #tpu.memory_space<vmem>>[vector<16xi32>, vector<16xi32>], vector<16xf32>,
      %mul3A_1545 = arith.mulf %gather3A_1543, %gather3A_1544 : vector<16xf32>
      %add3A_1546 = arith.addf %add3A_1540, %mul3A_1545 : vector<16xf32>
      %broadcast_in_dim3A_1547 = arith.constant 7 : i32
      %broadcast_in_dim3A_1548 = vector.broadcast %broadcast_in_dim3A_1547 : i32 to vector<16xi32>
      %gather3A_1549 = tpu.vector_load_idx %arg11[%add3A_1504, %broadcast_in_dim3A_1548] : memref<512x16xf32, #tpu.memory_space<vmem>>[vector<16xi32>, vector<16xi32>], vector<16xf32>,
      %gather3A_1550 = tpu.vector_load_idx %arg12[%add3A_1504, %broadcast_in_dim3A_1548] : memref<512x16xf32, #tpu.memory_space<vmem>>[vector<16xi32>, vector<16xi32>], vector<16xf32>,
      %mul3A_1551 = arith.mulf %gather3A_1549, %gather3A_1550 : vector<16xf32>
      %add3A_1552 = arith.addf %add3A_1546, %mul3A_1551 : vector<16xf32>
      %broadcast_in_dim3A_1553 = arith.constant 8 : i32
      %broadcast_in_dim3A_1554 = vector.broadcast %broadcast_in_dim3A_1553 : i32 to vector<16xi32>
      %gather3A_1555 = tpu.vector_load_idx %arg11[%add3A_1504, %broadcast_in_dim3A_1554] : memref<512x16xf32, #tpu.memory_space<vmem>>[vector<16xi32>, vector<16xi32>], vector<16xf32>,
      %gather3A_1556 = tpu.vector_load_idx %arg12[%add3A_1504, %broadcast_in_dim3A_1554] : memref<512x16xf32, #tpu.memory_space<vmem>>[vector<16xi32>, vector<16xi32>], vector<16xf32>,
      %mul3A_1557 = arith.mulf %gather3A_1555, %gather3A_1556 : vector<16xf32>
      %add3A_1558 = arith.addf %add3A_1552, %mul3A_1557 : vector<16xf32>
      %broadcast_in_dim3A_1559 = arith.constant 9 : i32
      %broadcast_in_dim3A_1560 = vector.broadcast %broadcast_in_dim3A_1559 : i32 to vector<16xi32>
      %gather3A_1561 = tpu.vector_load_idx %arg11[%add3A_1504, %broadcast_in_dim3A_1560] : memref<512x16xf32, #tpu.memory_space<vmem>>[vector<16xi32>, vector<16xi32>], vector<16xf32>,
      %gather3A_1562 = tpu.vector_load_idx %arg12[%add3A_1504, %broadcast_in_dim3A_1560] : memref<512x16xf32, #tpu.memory_space<vmem>>[vector<16xi32>, vector<16xi32>], vector<16xf32>,
      %mul3A_1563 = arith.mulf %gather3A_1561, %gather3A_1562 : vector<16xf32>
      %add3A_1564 = arith.addf %add3A_1558, %mul3A_1563 : vector<16xf32>
      %broadcast_in_dim3A_1565 = arith.constant 10 : i32
      %broadcast_in_dim3A_1566 = vector.broadcast %broadcast_in_dim3A_1565 : i32 to vector<16xi32>
      %gather3A_1567 = tpu.vector_load_idx %arg11[%add3A_1504, %broadcast_in_dim3A_1566] : memref<512x16xf32, #tpu.memory_space<vmem>>[vector<16xi32>, vector<16xi32>], vector<16xf32>,
      %gather3A_1568 = tpu.vector_load_idx %arg12[%add3A_1504, %broadcast_in_dim3A_1566] : memref<512x16xf32, #tpu.memory_space<vmem>>[vector<16xi32>, vector<16xi32>], vector<16xf32>,
      %mul3A_1569 = arith.mulf %gather3A_1567, %gather3A_1568 : vector<16xf32>
      %add3A_1570 = arith.addf %add3A_1564, %mul3A_1569 : vector<16xf32>
      %broadcast_in_dim3A_1571 = arith.constant 11 : i32
      %broadcast_in_dim3A_1572 = vector.broadcast %broadcast_in_dim3A_1571 : i32 to vector<16xi32>
      %gather3A_1573 = tpu.vector_load_idx %arg11[%add3A_1504, %broadcast_in_dim3A_1572] : memref<512x16xf32, #tpu.memory_space<vmem>>[vector<16xi32>, vector<16xi32>], vector<16xf32>,
      %gather3A_1574 = tpu.vector_load_idx %arg12[%add3A_1504, %broadcast_in_dim3A_1572] : memref<512x16xf32, #tpu.memory_space<vmem>>[vector<16xi32>, vector<16xi32>], vector<16xf32>,
      %mul3A_1575 = arith.mulf %gather3A_1573, %gather3A_1574 : vector<16xf32>
      %add3A_1576 = arith.addf %add3A_1570, %mul3A_1575 : vector<16xf32>
      %broadcast_in_dim3A_1577 = arith.constant 12 : i32
      %broadcast_in_dim3A_1578 = vector.broadcast %broadcast_in_dim3A_1577 : i32 to vector<16xi32>
      %gather3A_1579 = tpu.vector_load_idx %arg11[%add3A_1504, %broadcast_in_dim3A_1578] : memref<512x16xf32, #tpu.memory_space<vmem>>[vector<16xi32>, vector<16xi32>], vector<16xf32>,
      %gather3A_1580 = tpu.vector_load_idx %arg12[%add3A_1504, %broadcast_in_dim3A_1578] : memref<512x16xf32, #tpu.memory_space<vmem>>[vector<16xi32>, vector<16xi32>], vector<16xf32>,
      %mul3A_1581 = arith.mulf %gather3A_1579, %gather3A_1580 : vector<16xf32>
      %add3A_1582 = arith.addf %add3A_1576, %mul3A_1581 : vector<16xf32>
      %broadcast_in_dim3A_1583 = arith.constant 13 : i32
      %broadcast_in_dim3A_1584 = vector.broadcast %broadcast_in_dim3A_1583 : i32 to vector<16xi32>
      %gather3A_1585 = tpu.vector_load_idx %arg11[%add3A_1504, %broadcast_in_dim3A_1584] : memref<512x16xf32, #tpu.memory_space<vmem>>[vector<16xi32>, vector<16xi32>], vector<16xf32>,
      %gather3A_1586 = tpu.vector_load_idx %arg12[%add3A_1504, %broadcast_in_dim3A_1584] : memref<512x16xf32, #tpu.memory_space<vmem>>[vector<16xi32>, vector<16xi32>], vector<16xf32>,
      %mul3A_1587 = arith.mulf %gather3A_1585, %gather3A_1586 : vector<16xf32>
      %add3A_1588 = arith.addf %add3A_1582, %mul3A_1587 : vector<16xf32>
      %broadcast_in_dim3A_1589 = arith.constant 14 : i32
      %broadcast_in_dim3A_1590 = vector.broadcast %broadcast_in_dim3A_1589 : i32 to vector<16xi32>
      %gather3A_1591 = tpu.vector_load_idx %arg11[%add3A_1504, %broadcast_in_dim3A_1590] : memref<512x16xf32, #tpu.memory_space<vmem>>[vector<16xi32>, vector<16xi32>], vector<16xf32>,
      %gather3A_1592 = tpu.vector_load_idx %arg12[%add3A_1504, %broadcast_in_dim3A_1590] : memref<512x16xf32, #tpu.memory_space<vmem>>[vector<16xi32>, vector<16xi32>], vector<16xf32>,
      %mul3A_1593 = arith.mulf %gather3A_1591, %gather3A_1592 : vector<16xf32>
      %add3A_1594 = arith.addf %add3A_1588, %mul3A_1593 : vector<16xf32>
      %broadcast_in_dim3A_1595 = arith.constant 15 : i32
      %broadcast_in_dim3A_1596 = vector.broadcast %broadcast_in_dim3A_1595 : i32 to vector<16xi32>
      %gather3A_1597 = tpu.vector_load_idx %arg11[%add3A_1504, %broadcast_in_dim3A_1596] : memref<512x16xf32, #tpu.memory_space<vmem>>[vector<16xi32>, vector<16xi32>], vector<16xf32>,
      %gather3A_1598 = tpu.vector_load_idx %arg12[%add3A_1504, %broadcast_in_dim3A_1596] : memref<512x16xf32, #tpu.memory_space<vmem>>[vector<16xi32>, vector<16xi32>], vector<16xf32>,
      %mul3A_1599 = arith.mulf %gather3A_1597, %gather3A_1598 : vector<16xf32>
      %add3A_1600 = arith.addf %add3A_1594, %mul3A_1599 : vector<16xf32>
      %add3A_1601 = arith.constant 208 : i32
      %add3A_1602 = arith.addi %mul3A_66, %add3A_1601 : i32
      %swap3A_1603 = arith.index_cast %add3A_1602 : i32 to index
      %swap3A_1604 = tpu.vector_load %arg13[%swap3A_1603] {strides = array<i32>} : memref<4096xf32, #tpu.memory_space<vmem>>, vector<16xf32>,
      tpu.vector_store %arg13[%swap3A_1603], %add3A_1600 {strides = array<i32>} : memref<4096xf32, #tpu.memory_space<vmem>>, vector<16xf32>,
      %add3A_1605 = arith.constant 224 : i32
      %add3A_1606 = arith.addi %mul3A_66, %add3A_1605 : i32
      %get3A_1607 = arith.index_cast %add3A_1606 : i32 to index
      %get3A_1608 = tpu.vector_load %arg10[%get3A_1607] {strides = array<i32>} : memref<4096xi32, #tpu.memory_space<vmem>>, vector<16xi32>,
      %gather3A_1609 = tpu.vector_load_idx %arg8[%get3A_1608] : memref<4096xf32, #tpu.memory_space<vmem>>[vector<16xi32>], vector<16xf32>,
      %add3A_1610 = vector.broadcast %mul3A_68 : i32 to vector<16xi32>
      %add3A_1611 = arith.addi %iota3A, %add3A_1610 : vector<16xi32>
      %add3A_1612 = arith.constant 224 : i32
      %add3A_1613 = vector.broadcast %add3A_1612 : i32 to vector<16xi32>
      %add3A_1614 = arith.addi %add3A_1611, %add3A_1613 : vector<16xi32>
      %broadcast_in_dim3A_1615 = arith.constant 0 : i32
      %broadcast_in_dim3A_1616 = vector.broadcast %broadcast_in_dim3A_1615 : i32 to vector<16xi32>
      %gather3A_1617 = tpu.vector_load_idx %arg11[%add3A_1614, %broadcast_in_dim3A_1616] : memref<512x16xf32, #tpu.memory_space<vmem>>[vector<16xi32>, vector<16xi32>], vector<16xf32>,
      %gather3A_1618 = tpu.vector_load_idx %arg12[%add3A_1614, %broadcast_in_dim3A_1616] : memref<512x16xf32, #tpu.memory_space<vmem>>[vector<16xi32>, vector<16xi32>], vector<16xf32>,
      %mul3A_1619 = arith.mulf %gather3A_1617, %gather3A_1618 : vector<16xf32>
      %add3A_1620 = arith.addf %gather3A_1609, %mul3A_1619 : vector<16xf32>
      %broadcast_in_dim3A_1621 = arith.constant 1 : i32
      %broadcast_in_dim3A_1622 = vector.broadcast %broadcast_in_dim3A_1621 : i32 to vector<16xi32>
      %gather3A_1623 = tpu.vector_load_idx %arg11[%add3A_1614, %broadcast_in_dim3A_1622] : memref<512x16xf32, #tpu.memory_space<vmem>>[vector<16xi32>, vector<16xi32>], vector<16xf32>,
      %gather3A_1624 = tpu.vector_load_idx %arg12[%add3A_1614, %broadcast_in_dim3A_1622] : memref<512x16xf32, #tpu.memory_space<vmem>>[vector<16xi32>, vector<16xi32>], vector<16xf32>,
      %mul3A_1625 = arith.mulf %gather3A_1623, %gather3A_1624 : vector<16xf32>
      %add3A_1626 = arith.addf %add3A_1620, %mul3A_1625 : vector<16xf32>
      %broadcast_in_dim3A_1627 = arith.constant 2 : i32
      %broadcast_in_dim3A_1628 = vector.broadcast %broadcast_in_dim3A_1627 : i32 to vector<16xi32>
      %gather3A_1629 = tpu.vector_load_idx %arg11[%add3A_1614, %broadcast_in_dim3A_1628] : memref<512x16xf32, #tpu.memory_space<vmem>>[vector<16xi32>, vector<16xi32>], vector<16xf32>,
      %gather3A_1630 = tpu.vector_load_idx %arg12[%add3A_1614, %broadcast_in_dim3A_1628] : memref<512x16xf32, #tpu.memory_space<vmem>>[vector<16xi32>, vector<16xi32>], vector<16xf32>,
      %mul3A_1631 = arith.mulf %gather3A_1629, %gather3A_1630 : vector<16xf32>
      %add3A_1632 = arith.addf %add3A_1626, %mul3A_1631 : vector<16xf32>
      %broadcast_in_dim3A_1633 = arith.constant 3 : i32
      %broadcast_in_dim3A_1634 = vector.broadcast %broadcast_in_dim3A_1633 : i32 to vector<16xi32>
      %gather3A_1635 = tpu.vector_load_idx %arg11[%add3A_1614, %broadcast_in_dim3A_1634] : memref<512x16xf32, #tpu.memory_space<vmem>>[vector<16xi32>, vector<16xi32>], vector<16xf32>,
      %gather3A_1636 = tpu.vector_load_idx %arg12[%add3A_1614, %broadcast_in_dim3A_1634] : memref<512x16xf32, #tpu.memory_space<vmem>>[vector<16xi32>, vector<16xi32>], vector<16xf32>,
      %mul3A_1637 = arith.mulf %gather3A_1635, %gather3A_1636 : vector<16xf32>
      %add3A_1638 = arith.addf %add3A_1632, %mul3A_1637 : vector<16xf32>
      %broadcast_in_dim3A_1639 = arith.constant 4 : i32
      %broadcast_in_dim3A_1640 = vector.broadcast %broadcast_in_dim3A_1639 : i32 to vector<16xi32>
      %gather3A_1641 = tpu.vector_load_idx %arg11[%add3A_1614, %broadcast_in_dim3A_1640] : memref<512x16xf32, #tpu.memory_space<vmem>>[vector<16xi32>, vector<16xi32>], vector<16xf32>,
      %gather3A_1642 = tpu.vector_load_idx %arg12[%add3A_1614, %broadcast_in_dim3A_1640] : memref<512x16xf32, #tpu.memory_space<vmem>>[vector<16xi32>, vector<16xi32>], vector<16xf32>,
      %mul3A_1643 = arith.mulf %gather3A_1641, %gather3A_1642 : vector<16xf32>
      %add3A_1644 = arith.addf %add3A_1638, %mul3A_1643 : vector<16xf32>
      %broadcast_in_dim3A_1645 = arith.constant 5 : i32
      %broadcast_in_dim3A_1646 = vector.broadcast %broadcast_in_dim3A_1645 : i32 to vector<16xi32>
      %gather3A_1647 = tpu.vector_load_idx %arg11[%add3A_1614, %broadcast_in_dim3A_1646] : memref<512x16xf32, #tpu.memory_space<vmem>>[vector<16xi32>, vector<16xi32>], vector<16xf32>,
      %gather3A_1648 = tpu.vector_load_idx %arg12[%add3A_1614, %broadcast_in_dim3A_1646] : memref<512x16xf32, #tpu.memory_space<vmem>>[vector<16xi32>, vector<16xi32>], vector<16xf32>,
      %mul3A_1649 = arith.mulf %gather3A_1647, %gather3A_1648 : vector<16xf32>
      %add3A_1650 = arith.addf %add3A_1644, %mul3A_1649 : vector<16xf32>
      %broadcast_in_dim3A_1651 = arith.constant 6 : i32
      %broadcast_in_dim3A_1652 = vector.broadcast %broadcast_in_dim3A_1651 : i32 to vector<16xi32>
      %gather3A_1653 = tpu.vector_load_idx %arg11[%add3A_1614, %broadcast_in_dim3A_1652] : memref<512x16xf32, #tpu.memory_space<vmem>>[vector<16xi32>, vector<16xi32>], vector<16xf32>,
      %gather3A_1654 = tpu.vector_load_idx %arg12[%add3A_1614, %broadcast_in_dim3A_1652] : memref<512x16xf32, #tpu.memory_space<vmem>>[vector<16xi32>, vector<16xi32>], vector<16xf32>,
      %mul3A_1655 = arith.mulf %gather3A_1653, %gather3A_1654 : vector<16xf32>
      %add3A_1656 = arith.addf %add3A_1650, %mul3A_1655 : vector<16xf32>
      %broadcast_in_dim3A_1657 = arith.constant 7 : i32
      %broadcast_in_dim3A_1658 = vector.broadcast %broadcast_in_dim3A_1657 : i32 to vector<16xi32>
      %gather3A_1659 = tpu.vector_load_idx %arg11[%add3A_1614, %broadcast_in_dim3A_1658] : memref<512x16xf32, #tpu.memory_space<vmem>>[vector<16xi32>, vector<16xi32>], vector<16xf32>,
      %gather3A_1660 = tpu.vector_load_idx %arg12[%add3A_1614, %broadcast_in_dim3A_1658] : memref<512x16xf32, #tpu.memory_space<vmem>>[vector<16xi32>, vector<16xi32>], vector<16xf32>,
      %mul3A_1661 = arith.mulf %gather3A_1659, %gather3A_1660 : vector<16xf32>
      %add3A_1662 = arith.addf %add3A_1656, %mul3A_1661 : vector<16xf32>
      %broadcast_in_dim3A_1663 = arith.constant 8 : i32
      %broadcast_in_dim3A_1664 = vector.broadcast %broadcast_in_dim3A_1663 : i32 to vector<16xi32>
      %gather3A_1665 = tpu.vector_load_idx %arg11[%add3A_1614, %broadcast_in_dim3A_1664] : memref<512x16xf32, #tpu.memory_space<vmem>>[vector<16xi32>, vector<16xi32>], vector<16xf32>,
      %gather3A_1666 = tpu.vector_load_idx %arg12[%add3A_1614, %broadcast_in_dim3A_1664] : memref<512x16xf32, #tpu.memory_space<vmem>>[vector<16xi32>, vector<16xi32>], vector<16xf32>,
      %mul3A_1667 = arith.mulf %gather3A_1665, %gather3A_1666 : vector<16xf32>
      %add3A_1668 = arith.addf %add3A_1662, %mul3A_1667 : vector<16xf32>
      %broadcast_in_dim3A_1669 = arith.constant 9 : i32
      %broadcast_in_dim3A_1670 = vector.broadcast %broadcast_in_dim3A_1669 : i32 to vector<16xi32>
      %gather3A_1671 = tpu.vector_load_idx %arg11[%add3A_1614, %broadcast_in_dim3A_1670] : memref<512x16xf32, #tpu.memory_space<vmem>>[vector<16xi32>, vector<16xi32>], vector<16xf32>,
      %gather3A_1672 = tpu.vector_load_idx %arg12[%add3A_1614, %broadcast_in_dim3A_1670] : memref<512x16xf32, #tpu.memory_space<vmem>>[vector<16xi32>, vector<16xi32>], vector<16xf32>,
      %mul3A_1673 = arith.mulf %gather3A_1671, %gather3A_1672 : vector<16xf32>
      %add3A_1674 = arith.addf %add3A_1668, %mul3A_1673 : vector<16xf32>
      %broadcast_in_dim3A_1675 = arith.constant 10 : i32
      %broadcast_in_dim3A_1676 = vector.broadcast %broadcast_in_dim3A_1675 : i32 to vector<16xi32>
      %gather3A_1677 = tpu.vector_load_idx %arg11[%add3A_1614, %broadcast_in_dim3A_1676] : memref<512x16xf32, #tpu.memory_space<vmem>>[vector<16xi32>, vector<16xi32>], vector<16xf32>,
      %gather3A_1678 = tpu.vector_load_idx %arg12[%add3A_1614, %broadcast_in_dim3A_1676] : memref<512x16xf32, #tpu.memory_space<vmem>>[vector<16xi32>, vector<16xi32>], vector<16xf32>,
      %mul3A_1679 = arith.mulf %gather3A_1677, %gather3A_1678 : vector<16xf32>
      %add3A_1680 = arith.addf %add3A_1674, %mul3A_1679 : vector<16xf32>
      %broadcast_in_dim3A_1681 = arith.constant 11 : i32
      %broadcast_in_dim3A_1682 = vector.broadcast %broadcast_in_dim3A_1681 : i32 to vector<16xi32>
      %gather3A_1683 = tpu.vector_load_idx %arg11[%add3A_1614, %broadcast_in_dim3A_1682] : memref<512x16xf32, #tpu.memory_space<vmem>>[vector<16xi32>, vector<16xi32>], vector<16xf32>,
      %gather3A_1684 = tpu.vector_load_idx %arg12[%add3A_1614, %broadcast_in_dim3A_1682] : memref<512x16xf32, #tpu.memory_space<vmem>>[vector<16xi32>, vector<16xi32>], vector<16xf32>,
      %mul3A_1685 = arith.mulf %gather3A_1683, %gather3A_1684 : vector<16xf32>
      %add3A_1686 = arith.addf %add3A_1680, %mul3A_1685 : vector<16xf32>
      %broadcast_in_dim3A_1687 = arith.constant 12 : i32
      %broadcast_in_dim3A_1688 = vector.broadcast %broadcast_in_dim3A_1687 : i32 to vector<16xi32>
      %gather3A_1689 = tpu.vector_load_idx %arg11[%add3A_1614, %broadcast_in_dim3A_1688] : memref<512x16xf32, #tpu.memory_space<vmem>>[vector<16xi32>, vector<16xi32>], vector<16xf32>,
      %gather3A_1690 = tpu.vector_load_idx %arg12[%add3A_1614, %broadcast_in_dim3A_1688] : memref<512x16xf32, #tpu.memory_space<vmem>>[vector<16xi32>, vector<16xi32>], vector<16xf32>,
      %mul3A_1691 = arith.mulf %gather3A_1689, %gather3A_1690 : vector<16xf32>
      %add3A_1692 = arith.addf %add3A_1686, %mul3A_1691 : vector<16xf32>
      %broadcast_in_dim3A_1693 = arith.constant 13 : i32
      %broadcast_in_dim3A_1694 = vector.broadcast %broadcast_in_dim3A_1693 : i32 to vector<16xi32>
      %gather3A_1695 = tpu.vector_load_idx %arg11[%add3A_1614, %broadcast_in_dim3A_1694] : memref<512x16xf32, #tpu.memory_space<vmem>>[vector<16xi32>, vector<16xi32>], vector<16xf32>,
      %gather3A_1696 = tpu.vector_load_idx %arg12[%add3A_1614, %broadcast_in_dim3A_1694] : memref<512x16xf32, #tpu.memory_space<vmem>>[vector<16xi32>, vector<16xi32>], vector<16xf32>,
      %mul3A_1697 = arith.mulf %gather3A_1695, %gather3A_1696 : vector<16xf32>
      %add3A_1698 = arith.addf %add3A_1692, %mul3A_1697 : vector<16xf32>
      %broadcast_in_dim3A_1699 = arith.constant 14 : i32
      %broadcast_in_dim3A_1700 = vector.broadcast %broadcast_in_dim3A_1699 : i32 to vector<16xi32>
      %gather3A_1701 = tpu.vector_load_idx %arg11[%add3A_1614, %broadcast_in_dim3A_1700] : memref<512x16xf32, #tpu.memory_space<vmem>>[vector<16xi32>, vector<16xi32>], vector<16xf32>,
      %gather3A_1702 = tpu.vector_load_idx %arg12[%add3A_1614, %broadcast_in_dim3A_1700] : memref<512x16xf32, #tpu.memory_space<vmem>>[vector<16xi32>, vector<16xi32>], vector<16xf32>,
      %mul3A_1703 = arith.mulf %gather3A_1701, %gather3A_1702 : vector<16xf32>
      %add3A_1704 = arith.addf %add3A_1698, %mul3A_1703 : vector<16xf32>
      %broadcast_in_dim3A_1705 = arith.constant 15 : i32
      %broadcast_in_dim3A_1706 = vector.broadcast %broadcast_in_dim3A_1705 : i32 to vector<16xi32>
      %gather3A_1707 = tpu.vector_load_idx %arg11[%add3A_1614, %broadcast_in_dim3A_1706] : memref<512x16xf32, #tpu.memory_space<vmem>>[vector<16xi32>, vector<16xi32>], vector<16xf32>,
      %gather3A_1708 = tpu.vector_load_idx %arg12[%add3A_1614, %broadcast_in_dim3A_1706] : memref<512x16xf32, #tpu.memory_space<vmem>>[vector<16xi32>, vector<16xi32>], vector<16xf32>,
      %mul3A_1709 = arith.mulf %gather3A_1707, %gather3A_1708 : vector<16xf32>
      %add3A_1710 = arith.addf %add3A_1704, %mul3A_1709 : vector<16xf32>
      %add3A_1711 = arith.constant 224 : i32
      %add3A_1712 = arith.addi %mul3A_66, %add3A_1711 : i32
      %swap3A_1713 = arith.index_cast %add3A_1712 : i32 to index
      %swap3A_1714 = tpu.vector_load %arg13[%swap3A_1713] {strides = array<i32>} : memref<4096xf32, #tpu.memory_space<vmem>>, vector<16xf32>,
      tpu.vector_store %arg13[%swap3A_1713], %add3A_1710 {strides = array<i32>} : memref<4096xf32, #tpu.memory_space<vmem>>, vector<16xf32>,
      %add3A_1715 = arith.constant 240 : i32
      %add3A_1716 = arith.addi %mul3A_66, %add3A_1715 : i32
      %get3A_1717 = arith.index_cast %add3A_1716 : i32 to index
      %get3A_1718 = tpu.vector_load %arg10[%get3A_1717] {strides = array<i32>} : memref<4096xi32, #tpu.memory_space<vmem>>, vector<16xi32>,
      %gather3A_1719 = tpu.vector_load_idx %arg8[%get3A_1718] : memref<4096xf32, #tpu.memory_space<vmem>>[vector<16xi32>], vector<16xf32>,
      %add3A_1720 = vector.broadcast %mul3A_68 : i32 to vector<16xi32>
      %add3A_1721 = arith.addi %iota3A, %add3A_1720 : vector<16xi32>
      %add3A_1722 = arith.constant 240 : i32
      %add3A_1723 = vector.broadcast %add3A_1722 : i32 to vector<16xi32>
      %add3A_1724 = arith.addi %add3A_1721, %add3A_1723 : vector<16xi32>
      %broadcast_in_dim3A_1725 = arith.constant 0 : i32
      %broadcast_in_dim3A_1726 = vector.broadcast %broadcast_in_dim3A_1725 : i32 to vector<16xi32>
      %gather3A_1727 = tpu.vector_load_idx %arg11[%add3A_1724, %broadcast_in_dim3A_1726] : memref<512x16xf32, #tpu.memory_space<vmem>>[vector<16xi32>, vector<16xi32>], vector<16xf32>,
      %gather3A_1728 = tpu.vector_load_idx %arg12[%add3A_1724, %broadcast_in_dim3A_1726] : memref<512x16xf32, #tpu.memory_space<vmem>>[vector<16xi32>, vector<16xi32>], vector<16xf32>,
      %mul3A_1729 = arith.mulf %gather3A_1727, %gather3A_1728 : vector<16xf32>
      %add3A_1730 = arith.addf %gather3A_1719, %mul3A_1729 : vector<16xf32>
      %broadcast_in_dim3A_1731 = arith.constant 1 : i32
      %broadcast_in_dim3A_1732 = vector.broadcast %broadcast_in_dim3A_1731 : i32 to vector<16xi32>
      %gather3A_1733 = tpu.vector_load_idx %arg11[%add3A_1724, %broadcast_in_dim3A_1732] : memref<512x16xf32, #tpu.memory_space<vmem>>[vector<16xi32>, vector<16xi32>], vector<16xf32>,
      %gather3A_1734 = tpu.vector_load_idx %arg12[%add3A_1724, %broadcast_in_dim3A_1732] : memref<512x16xf32, #tpu.memory_space<vmem>>[vector<16xi32>, vector<16xi32>], vector<16xf32>,
      %mul3A_1735 = arith.mulf %gather3A_1733, %gather3A_1734 : vector<16xf32>
      %add3A_1736 = arith.addf %add3A_1730, %mul3A_1735 : vector<16xf32>
      %broadcast_in_dim3A_1737 = arith.constant 2 : i32
      %broadcast_in_dim3A_1738 = vector.broadcast %broadcast_in_dim3A_1737 : i32 to vector<16xi32>
      %gather3A_1739 = tpu.vector_load_idx %arg11[%add3A_1724, %broadcast_in_dim3A_1738] : memref<512x16xf32, #tpu.memory_space<vmem>>[vector<16xi32>, vector<16xi32>], vector<16xf32>,
      %gather3A_1740 = tpu.vector_load_idx %arg12[%add3A_1724, %broadcast_in_dim3A_1738] : memref<512x16xf32, #tpu.memory_space<vmem>>[vector<16xi32>, vector<16xi32>], vector<16xf32>,
      %mul3A_1741 = arith.mulf %gather3A_1739, %gather3A_1740 : vector<16xf32>
      %add3A_1742 = arith.addf %add3A_1736, %mul3A_1741 : vector<16xf32>
      %broadcast_in_dim3A_1743 = arith.constant 3 : i32
      %broadcast_in_dim3A_1744 = vector.broadcast %broadcast_in_dim3A_1743 : i32 to vector<16xi32>
      %gather3A_1745 = tpu.vector_load_idx %arg11[%add3A_1724, %broadcast_in_dim3A_1744] : memref<512x16xf32, #tpu.memory_space<vmem>>[vector<16xi32>, vector<16xi32>], vector<16xf32>,
      %gather3A_1746 = tpu.vector_load_idx %arg12[%add3A_1724, %broadcast_in_dim3A_1744] : memref<512x16xf32, #tpu.memory_space<vmem>>[vector<16xi32>, vector<16xi32>], vector<16xf32>,
      %mul3A_1747 = arith.mulf %gather3A_1745, %gather3A_1746 : vector<16xf32>
      %add3A_1748 = arith.addf %add3A_1742, %mul3A_1747 : vector<16xf32>
      %broadcast_in_dim3A_1749 = arith.constant 4 : i32
      %broadcast_in_dim3A_1750 = vector.broadcast %broadcast_in_dim3A_1749 : i32 to vector<16xi32>
      %gather3A_1751 = tpu.vector_load_idx %arg11[%add3A_1724, %broadcast_in_dim3A_1750] : memref<512x16xf32, #tpu.memory_space<vmem>>[vector<16xi32>, vector<16xi32>], vector<16xf32>,
      %gather3A_1752 = tpu.vector_load_idx %arg12[%add3A_1724, %broadcast_in_dim3A_1750] : memref<512x16xf32, #tpu.memory_space<vmem>>[vector<16xi32>, vector<16xi32>], vector<16xf32>,
      %mul3A_1753 = arith.mulf %gather3A_1751, %gather3A_1752 : vector<16xf32>
      %add3A_1754 = arith.addf %add3A_1748, %mul3A_1753 : vector<16xf32>
      %broadcast_in_dim3A_1755 = arith.constant 5 : i32
      %broadcast_in_dim3A_1756 = vector.broadcast %broadcast_in_dim3A_1755 : i32 to vector<16xi32>
      %gather3A_1757 = tpu.vector_load_idx %arg11[%add3A_1724, %broadcast_in_dim3A_1756] : memref<512x16xf32, #tpu.memory_space<vmem>>[vector<16xi32>, vector<16xi32>], vector<16xf32>,
      %gather3A_1758 = tpu.vector_load_idx %arg12[%add3A_1724, %broadcast_in_dim3A_1756] : memref<512x16xf32, #tpu.memory_space<vmem>>[vector<16xi32>, vector<16xi32>], vector<16xf32>,
      %mul3A_1759 = arith.mulf %gather3A_1757, %gather3A_1758 : vector<16xf32>
      %add3A_1760 = arith.addf %add3A_1754, %mul3A_1759 : vector<16xf32>
      %broadcast_in_dim3A_1761 = arith.constant 6 : i32
      %broadcast_in_dim3A_1762 = vector.broadcast %broadcast_in_dim3A_1761 : i32 to vector<16xi32>
      %gather3A_1763 = tpu.vector_load_idx %arg11[%add3A_1724, %broadcast_in_dim3A_1762] : memref<512x16xf32, #tpu.memory_space<vmem>>[vector<16xi32>, vector<16xi32>], vector<16xf32>,
      %gather3A_1764 = tpu.vector_load_idx %arg12[%add3A_1724, %broadcast_in_dim3A_1762] : memref<512x16xf32, #tpu.memory_space<vmem>>[vector<16xi32>, vector<16xi32>], vector<16xf32>,
      %mul3A_1765 = arith.mulf %gather3A_1763, %gather3A_1764 : vector<16xf32>
      %add3A_1766 = arith.addf %add3A_1760, %mul3A_1765 : vector<16xf32>
      %broadcast_in_dim3A_1767 = arith.constant 7 : i32
      %broadcast_in_dim3A_1768 = vector.broadcast %broadcast_in_dim3A_1767 : i32 to vector<16xi32>
      %gather3A_1769 = tpu.vector_load_idx %arg11[%add3A_1724, %broadcast_in_dim3A_1768] : memref<512x16xf32, #tpu.memory_space<vmem>>[vector<16xi32>, vector<16xi32>], vector<16xf32>,
      %gather3A_1770 = tpu.vector_load_idx %arg12[%add3A_1724, %broadcast_in_dim3A_1768] : memref<512x16xf32, #tpu.memory_space<vmem>>[vector<16xi32>, vector<16xi32>], vector<16xf32>,
      %mul3A_1771 = arith.mulf %gather3A_1769, %gather3A_1770 : vector<16xf32>
      %add3A_1772 = arith.addf %add3A_1766, %mul3A_1771 : vector<16xf32>
      %broadcast_in_dim3A_1773 = arith.constant 8 : i32
      %broadcast_in_dim3A_1774 = vector.broadcast %broadcast_in_dim3A_1773 : i32 to vector<16xi32>
      %gather3A_1775 = tpu.vector_load_idx %arg11[%add3A_1724, %broadcast_in_dim3A_1774] : memref<512x16xf32, #tpu.memory_space<vmem>>[vector<16xi32>, vector<16xi32>], vector<16xf32>,
      %gather3A_1776 = tpu.vector_load_idx %arg12[%add3A_1724, %broadcast_in_dim3A_1774] : memref<512x16xf32, #tpu.memory_space<vmem>>[vector<16xi32>, vector<16xi32>], vector<16xf32>,
      %mul3A_1777 = arith.mulf %gather3A_1775, %gather3A_1776 : vector<16xf32>
      %add3A_1778 = arith.addf %add3A_1772, %mul3A_1777 : vector<16xf32>
      %broadcast_in_dim3A_1779 = arith.constant 9 : i32
      %broadcast_in_dim3A_1780 = vector.broadcast %broadcast_in_dim3A_1779 : i32 to vector<16xi32>
      %gather3A_1781 = tpu.vector_load_idx %arg11[%add3A_1724, %broadcast_in_dim3A_1780] : memref<512x16xf32, #tpu.memory_space<vmem>>[vector<16xi32>, vector<16xi32>], vector<16xf32>,
      %gather3A_1782 = tpu.vector_load_idx %arg12[%add3A_1724, %broadcast_in_dim3A_1780] : memref<512x16xf32, #tpu.memory_space<vmem>>[vector<16xi32>, vector<16xi32>], vector<16xf32>,
      %mul3A_1783 = arith.mulf %gather3A_1781, %gather3A_1782 : vector<16xf32>
      %add3A_1784 = arith.addf %add3A_1778, %mul3A_1783 : vector<16xf32>
      %broadcast_in_dim3A_1785 = arith.constant 10 : i32
      %broadcast_in_dim3A_1786 = vector.broadcast %broadcast_in_dim3A_1785 : i32 to vector<16xi32>
      %gather3A_1787 = tpu.vector_load_idx %arg11[%add3A_1724, %broadcast_in_dim3A_1786] : memref<512x16xf32, #tpu.memory_space<vmem>>[vector<16xi32>, vector<16xi32>], vector<16xf32>,
      %gather3A_1788 = tpu.vector_load_idx %arg12[%add3A_1724, %broadcast_in_dim3A_1786] : memref<512x16xf32, #tpu.memory_space<vmem>>[vector<16xi32>, vector<16xi32>], vector<16xf32>,
      %mul3A_1789 = arith.mulf %gather3A_1787, %gather3A_1788 : vector<16xf32>
      %add3A_1790 = arith.addf %add3A_1784, %mul3A_1789 : vector<16xf32>
      %broadcast_in_dim3A_1791 = arith.constant 11 : i32
      %broadcast_in_dim3A_1792 = vector.broadcast %broadcast_in_dim3A_1791 : i32 to vector<16xi32>
      %gather3A_1793 = tpu.vector_load_idx %arg11[%add3A_1724, %broadcast_in_dim3A_1792] : memref<512x16xf32, #tpu.memory_space<vmem>>[vector<16xi32>, vector<16xi32>], vector<16xf32>,
      %gather3A_1794 = tpu.vector_load_idx %arg12[%add3A_1724, %broadcast_in_dim3A_1792] : memref<512x16xf32, #tpu.memory_space<vmem>>[vector<16xi32>, vector<16xi32>], vector<16xf32>,
      %mul3A_1795 = arith.mulf %gather3A_1793, %gather3A_1794 : vector<16xf32>
      %add3A_1796 = arith.addf %add3A_1790, %mul3A_1795 : vector<16xf32>
      %broadcast_in_dim3A_1797 = arith.constant 12 : i32
      %broadcast_in_dim3A_1798 = vector.broadcast %broadcast_in_dim3A_1797 : i32 to vector<16xi32>
      %gather3A_1799 = tpu.vector_load_idx %arg11[%add3A_1724, %broadcast_in_dim3A_1798] : memref<512x16xf32, #tpu.memory_space<vmem>>[vector<16xi32>, vector<16xi32>], vector<16xf32>,
      %gather3A_1800 = tpu.vector_load_idx %arg12[%add3A_1724, %broadcast_in_dim3A_1798] : memref<512x16xf32, #tpu.memory_space<vmem>>[vector<16xi32>, vector<16xi32>], vector<16xf32>,
      %mul3A_1801 = arith.mulf %gather3A_1799, %gather3A_1800 : vector<16xf32>
      %add3A_1802 = arith.addf %add3A_1796, %mul3A_1801 : vector<16xf32>
      %broadcast_in_dim3A_1803 = arith.constant 13 : i32
      %broadcast_in_dim3A_1804 = vector.broadcast %broadcast_in_dim3A_1803 : i32 to vector<16xi32>
      %gather3A_1805 = tpu.vector_load_idx %arg11[%add3A_1724, %broadcast_in_dim3A_1804] : memref<512x16xf32, #tpu.memory_space<vmem>>[vector<16xi32>, vector<16xi32>], vector<16xf32>,
      %gather3A_1806 = tpu.vector_load_idx %arg12[%add3A_1724, %broadcast_in_dim3A_1804] : memref<512x16xf32, #tpu.memory_space<vmem>>[vector<16xi32>, vector<16xi32>], vector<16xf32>,
      %mul3A_1807 = arith.mulf %gather3A_1805, %gather3A_1806 : vector<16xf32>
      %add3A_1808 = arith.addf %add3A_1802, %mul3A_1807 : vector<16xf32>
      %broadcast_in_dim3A_1809 = arith.constant 14 : i32
      %broadcast_in_dim3A_1810 = vector.broadcast %broadcast_in_dim3A_1809 : i32 to vector<16xi32>
      %gather3A_1811 = tpu.vector_load_idx %arg11[%add3A_1724, %broadcast_in_dim3A_1810] : memref<512x16xf32, #tpu.memory_space<vmem>>[vector<16xi32>, vector<16xi32>], vector<16xf32>,
      %gather3A_1812 = tpu.vector_load_idx %arg12[%add3A_1724, %broadcast_in_dim3A_1810] : memref<512x16xf32, #tpu.memory_space<vmem>>[vector<16xi32>, vector<16xi32>], vector<16xf32>,
      %mul3A_1813 = arith.mulf %gather3A_1811, %gather3A_1812 : vector<16xf32>
      %add3A_1814 = arith.addf %add3A_1808, %mul3A_1813 : vector<16xf32>
      %broadcast_in_dim3A_1815 = arith.constant 15 : i32
      %broadcast_in_dim3A_1816 = vector.broadcast %broadcast_in_dim3A_1815 : i32 to vector<16xi32>
      %gather3A_1817 = tpu.vector_load_idx %arg11[%add3A_1724, %broadcast_in_dim3A_1816] : memref<512x16xf32, #tpu.memory_space<vmem>>[vector<16xi32>, vector<16xi32>], vector<16xf32>,
      %gather3A_1818 = tpu.vector_load_idx %arg12[%add3A_1724, %broadcast_in_dim3A_1816] : memref<512x16xf32, #tpu.memory_space<vmem>>[vector<16xi32>, vector<16xi32>], vector<16xf32>,
      %mul3A_1819 = arith.mulf %gather3A_1817, %gather3A_1818 : vector<16xf32>
      %add3A_1820 = arith.addf %add3A_1814, %mul3A_1819 : vector<16xf32>
      %add3A_1821 = arith.constant 240 : i32
      %add3A_1822 = arith.addi %mul3A_66, %add3A_1821 : i32
      %swap3A_1823 = arith.index_cast %add3A_1822 : i32 to index
      %swap3A_1824 = tpu.vector_load %arg13[%swap3A_1823] {strides = array<i32>} : memref<4096xf32, #tpu.memory_space<vmem>>, vector<16xf32>,
      tpu.vector_store %arg13[%swap3A_1823], %add3A_1820 {strides = array<i32>} : memref<4096xf32, #tpu.memory_space<vmem>>, vector<16xf32>,
    }
    %scan3A_28 = arith.constant 16 : i32
    "tpu.region"() ({
      %run_scoped3A = tpu.sem_alloc : memref<!tpu.dma_semaphore, #tpu.memory_space<semaphore_mem>>
      %dma_start3A_29 = tpu.memref_slice %arg7[%mul3A_2] : memref<131072xf32, #tpu.memory_space<hbm>> -> memref<4096xf32, #tpu.memory_space<hbm>>
      %dma_start3A_30 = tpu.memref_slice %arg7[%mul3A_2] : memref<131072xf32, #tpu.memory_space<hbm>> -> memref<4096xf32, #tpu.memory_space<hbm>>
      tpu.enqueue_dma source(%arg13 : memref<4096xf32, #tpu.memory_space<vmem>>) target(%dma_start3A_30 : memref<4096xf32, #tpu.memory_space<hbm>>) target_semaphore(%run_scoped3A : memref<!tpu.dma_semaphore, #tpu.memory_space<semaphore_mem>>)
      %dma_wait3A = tpu.memref_slice %arg7[%mul3A_2] : memref<131072xf32, #tpu.memory_space<hbm>> -> memref<4096xf32, #tpu.memory_space<hbm>>
      %dma_wait3A_31 = tpu.memref_slice %arg7[%mul3A_2] : memref<131072xf32, #tpu.memory_space<hbm>> -> memref<4096xf32, #tpu.memory_space<hbm>>
      tpu.wait_dma2 semaphore(%run_scoped3A : memref<!tpu.dma_semaphore, #tpu.memory_space<semaphore_mem>>) src(%arg13 : memref<4096xf32, #tpu.memory_space<vmem>>) dst(%dma_wait3A_31 : memref<4096xf32, #tpu.memory_space<hbm>>)
      tpu.yield
    }) : () -> ()
    return
  }
}

#map = affine_map<(d0, d1) -> (0, 0)>
#map1 = affine_map<(d0, d1) -> (0)>
module attributes {stable_mosaic.version = 14 : i64} {
  func.func @_u_gather_body(%arg0: i32, %arg1: i32, %arg2: memref<8192x128xf32, #tpu.memory_space<hbm>>, %arg3: memref<4096xi32, #tpu.memory_space<hbm>>, %arg4: memref<4096x16xf32, #tpu.memory_space<hbm>>, %arg5: memref<128xi32, #tpu.memory_space<vmem>>, %arg6: memref<128xi32, #tpu.memory_space<vmem>>, %arg7: memref<128x128xf32, #tpu.memory_space<vmem>>, %arg8: memref<128x16xf32, #tpu.memory_space<vmem>>, %arg9: memref<!tpu.dma_semaphore, #tpu.memory_space<semaphore_mem>>) attributes {dimension_semantics = [#tpu.dimension_semantics<core_parallel>, #tpu.dimension_semantics<subcore_parallel>], iteration_bounds = array<i64: 2, 16>, scalar_prefetch = 0 : i64, scratch_operands = 5 : i64, tpu.core_type = #tpu.core_type<sc_vector_subcore>, window_params = [{transform_indices = #map}, {transform_indices = #map1}, {transform_indices = #map}]} {
    %mul3A = arith.constant 2 : i32
    %mul3A_0 = arith.muli %arg1, %mul3A : i32
    %add3A = arith.addi %mul3A_0, %arg0 : i32
    %mul3A_1 = arith.constant 128 : i32
    %mul3A_2 = arith.muli %add3A, %mul3A_1 : i32
    "tpu.region"() ({
      %run_scoped3A = tpu.sem_alloc : memref<!tpu.dma_semaphore, #tpu.memory_space<semaphore_mem>>
      %dma_start3A_1281 = tpu.memref_slice %arg3[%mul3A_2] : memref<4096xi32, #tpu.memory_space<hbm>> -> memref<128xi32, #tpu.memory_space<hbm>>
      %dma_start3A_1282 = tpu.memref_slice %arg3[%mul3A_2] : memref<4096xi32, #tpu.memory_space<hbm>> -> memref<128xi32, #tpu.memory_space<hbm>>
      tpu.enqueue_dma source(%dma_start3A_1282 : memref<128xi32, #tpu.memory_space<hbm>>) target(%arg5 : memref<128xi32, #tpu.memory_space<vmem>>) target_semaphore(%run_scoped3A : memref<!tpu.dma_semaphore, #tpu.memory_space<semaphore_mem>>)
      %dma_wait3A_1283 = tpu.memref_slice %arg3[%mul3A_2] : memref<4096xi32, #tpu.memory_space<hbm>> -> memref<128xi32, #tpu.memory_space<hbm>>
      %dma_wait3A_1284 = tpu.memref_slice %arg3[%mul3A_2] : memref<4096xi32, #tpu.memory_space<hbm>> -> memref<128xi32, #tpu.memory_space<hbm>>
      tpu.wait_dma2 semaphore(%run_scoped3A : memref<!tpu.dma_semaphore, #tpu.memory_space<semaphore_mem>>) src(%dma_wait3A_1284 : memref<128xi32, #tpu.memory_space<hbm>>) dst(%arg5 : memref<128xi32, #tpu.memory_space<vmem>>)
      tpu.yield
    }) : () -> ()
    %get3A = arith.constant 0 : index
    %get3A_3 = tpu.vector_load %arg5[%get3A] {strides = array<i32>} : memref<128xi32, #tpu.memory_space<vmem>>, vector<16xi32>,
    %jit3A = arith.constant 8 : i32
    %div3A = vector.broadcast %jit3A : i32 to vector<16xi32>
    %div3A_4 = arith.divsi %get3A_3, %div3A : vector<16xi32>
    %sign3A = arith.constant 0 : i32
    %sign3A_5 = vector.broadcast %sign3A : i32 to vector<16xi32>
    %sign3A_6 = arith.cmpi sgt, %get3A_3, %sign3A_5 : vector<16xi32>
    %sign3A_7 = arith.extui %sign3A_6 : vector<16xi1> to vector<16xi32>
    %sign3A_8 = arith.constant 0 : i32
    %sign3A_9 = vector.broadcast %sign3A_8 : i32 to vector<16xi32>
    %sign3A_10 = arith.cmpi slt, %get3A_3, %sign3A_9 : vector<16xi32>
    %sign3A_11 = arith.extui %sign3A_10 : vector<16xi1> to vector<16xi32>
    %sign3A_12 = arith.subi %sign3A_7, %sign3A_11 : vector<16xi32>
    %sign3A_13 = arith.constant 0 : i32
    %sign3A_14 = arith.cmpi sgt, %jit3A, %sign3A_13 : i32
    %sign3A_15 = arith.extui %sign3A_14 : i1 to i32
    %sign3A_16 = arith.constant 0 : i32
    %sign3A_17 = arith.cmpi slt, %jit3A, %sign3A_16 : i32
    %sign3A_18 = arith.extui %sign3A_17 : i1 to i32
    %sign3A_19 = arith.subi %sign3A_15, %sign3A_18 : i32
    %ne3A = vector.broadcast %sign3A_19 : i32 to vector<16xi32>
    %ne3A_20 = arith.cmpi ne, %sign3A_12, %ne3A : vector<16xi32>
    %rem3A = vector.broadcast %jit3A : i32 to vector<16xi32>
    %rem3A_21 = arith.remsi %get3A_3, %rem3A : vector<16xi32>
    %ne3A_22 = arith.constant 0 : i32
    %ne3A_23 = vector.broadcast %ne3A_22 : i32 to vector<16xi32>
    %ne3A_24 = arith.cmpi ne, %rem3A_21, %ne3A_23 : vector<16xi32>
    %and3A = arith.andi %ne3A_20, %ne3A_24 : vector<16xi1>
    %sub3A = arith.constant 1 : i32
    %sub3A_25 = vector.broadcast %sub3A : i32 to vector<16xi32>
    %sub3A_26 = arith.subi %div3A_4, %sub3A_25 : vector<16xi32>
    %select_n3A = arith.select %and3A, %sub3A_26, %div3A_4 : vector<16xi1>, vector<16xi32>
    %swap3A = arith.constant 0 : index
    %swap3A_27 = tpu.vector_load %arg6[%swap3A] {strides = array<i32>} : memref<128xi32, #tpu.memory_space<vmem>>, vector<16xi32>,
    tpu.vector_store %arg6[%swap3A], %select_n3A {strides = array<i32>} : memref<128xi32, #tpu.memory_space<vmem>>, vector<16xi32>,
    %get3A_28 = arith.constant 16 : index
    %get3A_29 = tpu.vector_load %arg5[%get3A_28] {strides = array<i32>} : memref<128xi32, #tpu.memory_space<vmem>>, vector<16xi32>,
    %jit3A_30 = arith.constant 8 : i32
    %div3A_31 = vector.broadcast %jit3A_30 : i32 to vector<16xi32>
    %div3A_32 = arith.divsi %get3A_29, %div3A_31 : vector<16xi32>
    %sign3A_33 = arith.constant 0 : i32
    %sign3A_34 = vector.broadcast %sign3A_33 : i32 to vector<16xi32>
    %sign3A_35 = arith.cmpi sgt, %get3A_29, %sign3A_34 : vector<16xi32>
    %sign3A_36 = arith.extui %sign3A_35 : vector<16xi1> to vector<16xi32>
    %sign3A_37 = arith.constant 0 : i32
    %sign3A_38 = vector.broadcast %sign3A_37 : i32 to vector<16xi32>
    %sign3A_39 = arith.cmpi slt, %get3A_29, %sign3A_38 : vector<16xi32>
    %sign3A_40 = arith.extui %sign3A_39 : vector<16xi1> to vector<16xi32>
    %sign3A_41 = arith.subi %sign3A_36, %sign3A_40 : vector<16xi32>
    %sign3A_42 = arith.constant 0 : i32
    %sign3A_43 = arith.cmpi sgt, %jit3A_30, %sign3A_42 : i32
    %sign3A_44 = arith.extui %sign3A_43 : i1 to i32
    %sign3A_45 = arith.constant 0 : i32
    %sign3A_46 = arith.cmpi slt, %jit3A_30, %sign3A_45 : i32
    %sign3A_47 = arith.extui %sign3A_46 : i1 to i32
    %sign3A_48 = arith.subi %sign3A_44, %sign3A_47 : i32
    %ne3A_49 = vector.broadcast %sign3A_48 : i32 to vector<16xi32>
    %ne3A_50 = arith.cmpi ne, %sign3A_41, %ne3A_49 : vector<16xi32>
    %rem3A_51 = vector.broadcast %jit3A_30 : i32 to vector<16xi32>
    %rem3A_52 = arith.remsi %get3A_29, %rem3A_51 : vector<16xi32>
    %ne3A_53 = arith.constant 0 : i32
    %ne3A_54 = vector.broadcast %ne3A_53 : i32 to vector<16xi32>
    %ne3A_55 = arith.cmpi ne, %rem3A_52, %ne3A_54 : vector<16xi32>
    %and3A_56 = arith.andi %ne3A_50, %ne3A_55 : vector<16xi1>
    %sub3A_57 = arith.constant 1 : i32
    %sub3A_58 = vector.broadcast %sub3A_57 : i32 to vector<16xi32>
    %sub3A_59 = arith.subi %div3A_32, %sub3A_58 : vector<16xi32>
    %select_n3A_60 = arith.select %and3A_56, %sub3A_59, %div3A_32 : vector<16xi1>, vector<16xi32>
    %swap3A_61 = arith.constant 16 : index
    %swap3A_62 = tpu.vector_load %arg6[%swap3A_61] {strides = array<i32>} : memref<128xi32, #tpu.memory_space<vmem>>, vector<16xi32>,
    tpu.vector_store %arg6[%swap3A_61], %select_n3A_60 {strides = array<i32>} : memref<128xi32, #tpu.memory_space<vmem>>, vector<16xi32>,
    %get3A_63 = arith.constant 32 : index
    %get3A_64 = tpu.vector_load %arg5[%get3A_63] {strides = array<i32>} : memref<128xi32, #tpu.memory_space<vmem>>, vector<16xi32>,
    %jit3A_65 = arith.constant 8 : i32
    %div3A_66 = vector.broadcast %jit3A_65 : i32 to vector<16xi32>
    %div3A_67 = arith.divsi %get3A_64, %div3A_66 : vector<16xi32>
    %sign3A_68 = arith.constant 0 : i32
    %sign3A_69 = vector.broadcast %sign3A_68 : i32 to vector<16xi32>
    %sign3A_70 = arith.cmpi sgt, %get3A_64, %sign3A_69 : vector<16xi32>
    %sign3A_71 = arith.extui %sign3A_70 : vector<16xi1> to vector<16xi32>
    %sign3A_72 = arith.constant 0 : i32
    %sign3A_73 = vector.broadcast %sign3A_72 : i32 to vector<16xi32>
    %sign3A_74 = arith.cmpi slt, %get3A_64, %sign3A_73 : vector<16xi32>
    %sign3A_75 = arith.extui %sign3A_74 : vector<16xi1> to vector<16xi32>
    %sign3A_76 = arith.subi %sign3A_71, %sign3A_75 : vector<16xi32>
    %sign3A_77 = arith.constant 0 : i32
    %sign3A_78 = arith.cmpi sgt, %jit3A_65, %sign3A_77 : i32
    %sign3A_79 = arith.extui %sign3A_78 : i1 to i32
    %sign3A_80 = arith.constant 0 : i32
    %sign3A_81 = arith.cmpi slt, %jit3A_65, %sign3A_80 : i32
    %sign3A_82 = arith.extui %sign3A_81 : i1 to i32
    %sign3A_83 = arith.subi %sign3A_79, %sign3A_82 : i32
    %ne3A_84 = vector.broadcast %sign3A_83 : i32 to vector<16xi32>
    %ne3A_85 = arith.cmpi ne, %sign3A_76, %ne3A_84 : vector<16xi32>
    %rem3A_86 = vector.broadcast %jit3A_65 : i32 to vector<16xi32>
    %rem3A_87 = arith.remsi %get3A_64, %rem3A_86 : vector<16xi32>
    %ne3A_88 = arith.constant 0 : i32
    %ne3A_89 = vector.broadcast %ne3A_88 : i32 to vector<16xi32>
    %ne3A_90 = arith.cmpi ne, %rem3A_87, %ne3A_89 : vector<16xi32>
    %and3A_91 = arith.andi %ne3A_85, %ne3A_90 : vector<16xi1>
    %sub3A_92 = arith.constant 1 : i32
    %sub3A_93 = vector.broadcast %sub3A_92 : i32 to vector<16xi32>
    %sub3A_94 = arith.subi %div3A_67, %sub3A_93 : vector<16xi32>
    %select_n3A_95 = arith.select %and3A_91, %sub3A_94, %div3A_67 : vector<16xi1>, vector<16xi32>
    %swap3A_96 = arith.constant 32 : index
    %swap3A_97 = tpu.vector_load %arg6[%swap3A_96] {strides = array<i32>} : memref<128xi32, #tpu.memory_space<vmem>>, vector<16xi32>,
    tpu.vector_store %arg6[%swap3A_96], %select_n3A_95 {strides = array<i32>} : memref<128xi32, #tpu.memory_space<vmem>>, vector<16xi32>,
    %get3A_98 = arith.constant 48 : index
    %get3A_99 = tpu.vector_load %arg5[%get3A_98] {strides = array<i32>} : memref<128xi32, #tpu.memory_space<vmem>>, vector<16xi32>,
    %jit3A_100 = arith.constant 8 : i32
    %div3A_101 = vector.broadcast %jit3A_100 : i32 to vector<16xi32>
    %div3A_102 = arith.divsi %get3A_99, %div3A_101 : vector<16xi32>
    %sign3A_103 = arith.constant 0 : i32
    %sign3A_104 = vector.broadcast %sign3A_103 : i32 to vector<16xi32>
    %sign3A_105 = arith.cmpi sgt, %get3A_99, %sign3A_104 : vector<16xi32>
    %sign3A_106 = arith.extui %sign3A_105 : vector<16xi1> to vector<16xi32>
    %sign3A_107 = arith.constant 0 : i32
    %sign3A_108 = vector.broadcast %sign3A_107 : i32 to vector<16xi32>
    %sign3A_109 = arith.cmpi slt, %get3A_99, %sign3A_108 : vector<16xi32>
    %sign3A_110 = arith.extui %sign3A_109 : vector<16xi1> to vector<16xi32>
    %sign3A_111 = arith.subi %sign3A_106, %sign3A_110 : vector<16xi32>
    %sign3A_112 = arith.constant 0 : i32
    %sign3A_113 = arith.cmpi sgt, %jit3A_100, %sign3A_112 : i32
    %sign3A_114 = arith.extui %sign3A_113 : i1 to i32
    %sign3A_115 = arith.constant 0 : i32
    %sign3A_116 = arith.cmpi slt, %jit3A_100, %sign3A_115 : i32
    %sign3A_117 = arith.extui %sign3A_116 : i1 to i32
    %sign3A_118 = arith.subi %sign3A_114, %sign3A_117 : i32
    %ne3A_119 = vector.broadcast %sign3A_118 : i32 to vector<16xi32>
    %ne3A_120 = arith.cmpi ne, %sign3A_111, %ne3A_119 : vector<16xi32>
    %rem3A_121 = vector.broadcast %jit3A_100 : i32 to vector<16xi32>
    %rem3A_122 = arith.remsi %get3A_99, %rem3A_121 : vector<16xi32>
    %ne3A_123 = arith.constant 0 : i32
    %ne3A_124 = vector.broadcast %ne3A_123 : i32 to vector<16xi32>
    %ne3A_125 = arith.cmpi ne, %rem3A_122, %ne3A_124 : vector<16xi32>
    %and3A_126 = arith.andi %ne3A_120, %ne3A_125 : vector<16xi1>
    %sub3A_127 = arith.constant 1 : i32
    %sub3A_128 = vector.broadcast %sub3A_127 : i32 to vector<16xi32>
    %sub3A_129 = arith.subi %div3A_102, %sub3A_128 : vector<16xi32>
    %select_n3A_130 = arith.select %and3A_126, %sub3A_129, %div3A_102 : vector<16xi1>, vector<16xi32>
    %swap3A_131 = arith.constant 48 : index
    %swap3A_132 = tpu.vector_load %arg6[%swap3A_131] {strides = array<i32>} : memref<128xi32, #tpu.memory_space<vmem>>, vector<16xi32>,
    tpu.vector_store %arg6[%swap3A_131], %select_n3A_130 {strides = array<i32>} : memref<128xi32, #tpu.memory_space<vmem>>, vector<16xi32>,
    %get3A_133 = arith.constant 64 : index
    %get3A_134 = tpu.vector_load %arg5[%get3A_133] {strides = array<i32>} : memref<128xi32, #tpu.memory_space<vmem>>, vector<16xi32>,
    %jit3A_135 = arith.constant 8 : i32
    %div3A_136 = vector.broadcast %jit3A_135 : i32 to vector<16xi32>
    %div3A_137 = arith.divsi %get3A_134, %div3A_136 : vector<16xi32>
    %sign3A_138 = arith.constant 0 : i32
    %sign3A_139 = vector.broadcast %sign3A_138 : i32 to vector<16xi32>
    %sign3A_140 = arith.cmpi sgt, %get3A_134, %sign3A_139 : vector<16xi32>
    %sign3A_141 = arith.extui %sign3A_140 : vector<16xi1> to vector<16xi32>
    %sign3A_142 = arith.constant 0 : i32
    %sign3A_143 = vector.broadcast %sign3A_142 : i32 to vector<16xi32>
    %sign3A_144 = arith.cmpi slt, %get3A_134, %sign3A_143 : vector<16xi32>
    %sign3A_145 = arith.extui %sign3A_144 : vector<16xi1> to vector<16xi32>
    %sign3A_146 = arith.subi %sign3A_141, %sign3A_145 : vector<16xi32>
    %sign3A_147 = arith.constant 0 : i32
    %sign3A_148 = arith.cmpi sgt, %jit3A_135, %sign3A_147 : i32
    %sign3A_149 = arith.extui %sign3A_148 : i1 to i32
    %sign3A_150 = arith.constant 0 : i32
    %sign3A_151 = arith.cmpi slt, %jit3A_135, %sign3A_150 : i32
    %sign3A_152 = arith.extui %sign3A_151 : i1 to i32
    %sign3A_153 = arith.subi %sign3A_149, %sign3A_152 : i32
    %ne3A_154 = vector.broadcast %sign3A_153 : i32 to vector<16xi32>
    %ne3A_155 = arith.cmpi ne, %sign3A_146, %ne3A_154 : vector<16xi32>
    %rem3A_156 = vector.broadcast %jit3A_135 : i32 to vector<16xi32>
    %rem3A_157 = arith.remsi %get3A_134, %rem3A_156 : vector<16xi32>
    %ne3A_158 = arith.constant 0 : i32
    %ne3A_159 = vector.broadcast %ne3A_158 : i32 to vector<16xi32>
    %ne3A_160 = arith.cmpi ne, %rem3A_157, %ne3A_159 : vector<16xi32>
    %and3A_161 = arith.andi %ne3A_155, %ne3A_160 : vector<16xi1>
    %sub3A_162 = arith.constant 1 : i32
    %sub3A_163 = vector.broadcast %sub3A_162 : i32 to vector<16xi32>
    %sub3A_164 = arith.subi %div3A_137, %sub3A_163 : vector<16xi32>
    %select_n3A_165 = arith.select %and3A_161, %sub3A_164, %div3A_137 : vector<16xi1>, vector<16xi32>
    %swap3A_166 = arith.constant 64 : index
    %swap3A_167 = tpu.vector_load %arg6[%swap3A_166] {strides = array<i32>} : memref<128xi32, #tpu.memory_space<vmem>>, vector<16xi32>,
    tpu.vector_store %arg6[%swap3A_166], %select_n3A_165 {strides = array<i32>} : memref<128xi32, #tpu.memory_space<vmem>>, vector<16xi32>,
    %get3A_168 = arith.constant 80 : index
    %get3A_169 = tpu.vector_load %arg5[%get3A_168] {strides = array<i32>} : memref<128xi32, #tpu.memory_space<vmem>>, vector<16xi32>,
    %jit3A_170 = arith.constant 8 : i32
    %div3A_171 = vector.broadcast %jit3A_170 : i32 to vector<16xi32>
    %div3A_172 = arith.divsi %get3A_169, %div3A_171 : vector<16xi32>
    %sign3A_173 = arith.constant 0 : i32
    %sign3A_174 = vector.broadcast %sign3A_173 : i32 to vector<16xi32>
    %sign3A_175 = arith.cmpi sgt, %get3A_169, %sign3A_174 : vector<16xi32>
    %sign3A_176 = arith.extui %sign3A_175 : vector<16xi1> to vector<16xi32>
    %sign3A_177 = arith.constant 0 : i32
    %sign3A_178 = vector.broadcast %sign3A_177 : i32 to vector<16xi32>
    %sign3A_179 = arith.cmpi slt, %get3A_169, %sign3A_178 : vector<16xi32>
    %sign3A_180 = arith.extui %sign3A_179 : vector<16xi1> to vector<16xi32>
    %sign3A_181 = arith.subi %sign3A_176, %sign3A_180 : vector<16xi32>
    %sign3A_182 = arith.constant 0 : i32
    %sign3A_183 = arith.cmpi sgt, %jit3A_170, %sign3A_182 : i32
    %sign3A_184 = arith.extui %sign3A_183 : i1 to i32
    %sign3A_185 = arith.constant 0 : i32
    %sign3A_186 = arith.cmpi slt, %jit3A_170, %sign3A_185 : i32
    %sign3A_187 = arith.extui %sign3A_186 : i1 to i32
    %sign3A_188 = arith.subi %sign3A_184, %sign3A_187 : i32
    %ne3A_189 = vector.broadcast %sign3A_188 : i32 to vector<16xi32>
    %ne3A_190 = arith.cmpi ne, %sign3A_181, %ne3A_189 : vector<16xi32>
    %rem3A_191 = vector.broadcast %jit3A_170 : i32 to vector<16xi32>
    %rem3A_192 = arith.remsi %get3A_169, %rem3A_191 : vector<16xi32>
    %ne3A_193 = arith.constant 0 : i32
    %ne3A_194 = vector.broadcast %ne3A_193 : i32 to vector<16xi32>
    %ne3A_195 = arith.cmpi ne, %rem3A_192, %ne3A_194 : vector<16xi32>
    %and3A_196 = arith.andi %ne3A_190, %ne3A_195 : vector<16xi1>
    %sub3A_197 = arith.constant 1 : i32
    %sub3A_198 = vector.broadcast %sub3A_197 : i32 to vector<16xi32>
    %sub3A_199 = arith.subi %div3A_172, %sub3A_198 : vector<16xi32>
    %select_n3A_200 = arith.select %and3A_196, %sub3A_199, %div3A_172 : vector<16xi1>, vector<16xi32>
    %swap3A_201 = arith.constant 80 : index
    %swap3A_202 = tpu.vector_load %arg6[%swap3A_201] {strides = array<i32>} : memref<128xi32, #tpu.memory_space<vmem>>, vector<16xi32>,
    tpu.vector_store %arg6[%swap3A_201], %select_n3A_200 {strides = array<i32>} : memref<128xi32, #tpu.memory_space<vmem>>, vector<16xi32>,
    %get3A_203 = arith.constant 96 : index
    %get3A_204 = tpu.vector_load %arg5[%get3A_203] {strides = array<i32>} : memref<128xi32, #tpu.memory_space<vmem>>, vector<16xi32>,
    %jit3A_205 = arith.constant 8 : i32
    %div3A_206 = vector.broadcast %jit3A_205 : i32 to vector<16xi32>
    %div3A_207 = arith.divsi %get3A_204, %div3A_206 : vector<16xi32>
    %sign3A_208 = arith.constant 0 : i32
    %sign3A_209 = vector.broadcast %sign3A_208 : i32 to vector<16xi32>
    %sign3A_210 = arith.cmpi sgt, %get3A_204, %sign3A_209 : vector<16xi32>
    %sign3A_211 = arith.extui %sign3A_210 : vector<16xi1> to vector<16xi32>
    %sign3A_212 = arith.constant 0 : i32
    %sign3A_213 = vector.broadcast %sign3A_212 : i32 to vector<16xi32>
    %sign3A_214 = arith.cmpi slt, %get3A_204, %sign3A_213 : vector<16xi32>
    %sign3A_215 = arith.extui %sign3A_214 : vector<16xi1> to vector<16xi32>
    %sign3A_216 = arith.subi %sign3A_211, %sign3A_215 : vector<16xi32>
    %sign3A_217 = arith.constant 0 : i32
    %sign3A_218 = arith.cmpi sgt, %jit3A_205, %sign3A_217 : i32
    %sign3A_219 = arith.extui %sign3A_218 : i1 to i32
    %sign3A_220 = arith.constant 0 : i32
    %sign3A_221 = arith.cmpi slt, %jit3A_205, %sign3A_220 : i32
    %sign3A_222 = arith.extui %sign3A_221 : i1 to i32
    %sign3A_223 = arith.subi %sign3A_219, %sign3A_222 : i32
    %ne3A_224 = vector.broadcast %sign3A_223 : i32 to vector<16xi32>
    %ne3A_225 = arith.cmpi ne, %sign3A_216, %ne3A_224 : vector<16xi32>
    %rem3A_226 = vector.broadcast %jit3A_205 : i32 to vector<16xi32>
    %rem3A_227 = arith.remsi %get3A_204, %rem3A_226 : vector<16xi32>
    %ne3A_228 = arith.constant 0 : i32
    %ne3A_229 = vector.broadcast %ne3A_228 : i32 to vector<16xi32>
    %ne3A_230 = arith.cmpi ne, %rem3A_227, %ne3A_229 : vector<16xi32>
    %and3A_231 = arith.andi %ne3A_225, %ne3A_230 : vector<16xi1>
    %sub3A_232 = arith.constant 1 : i32
    %sub3A_233 = vector.broadcast %sub3A_232 : i32 to vector<16xi32>
    %sub3A_234 = arith.subi %div3A_207, %sub3A_233 : vector<16xi32>
    %select_n3A_235 = arith.select %and3A_231, %sub3A_234, %div3A_207 : vector<16xi1>, vector<16xi32>
    %swap3A_236 = arith.constant 96 : index
    %swap3A_237 = tpu.vector_load %arg6[%swap3A_236] {strides = array<i32>} : memref<128xi32, #tpu.memory_space<vmem>>, vector<16xi32>,
    tpu.vector_store %arg6[%swap3A_236], %select_n3A_235 {strides = array<i32>} : memref<128xi32, #tpu.memory_space<vmem>>, vector<16xi32>,
    %get3A_238 = arith.constant 112 : index
    %get3A_239 = tpu.vector_load %arg5[%get3A_238] {strides = array<i32>} : memref<128xi32, #tpu.memory_space<vmem>>, vector<16xi32>,
    %jit3A_240 = arith.constant 8 : i32
    %div3A_241 = vector.broadcast %jit3A_240 : i32 to vector<16xi32>
    %div3A_242 = arith.divsi %get3A_239, %div3A_241 : vector<16xi32>
    %sign3A_243 = arith.constant 0 : i32
    %sign3A_244 = vector.broadcast %sign3A_243 : i32 to vector<16xi32>
    %sign3A_245 = arith.cmpi sgt, %get3A_239, %sign3A_244 : vector<16xi32>
    %sign3A_246 = arith.extui %sign3A_245 : vector<16xi1> to vector<16xi32>
    %sign3A_247 = arith.constant 0 : i32
    %sign3A_248 = vector.broadcast %sign3A_247 : i32 to vector<16xi32>
    %sign3A_249 = arith.cmpi slt, %get3A_239, %sign3A_248 : vector<16xi32>
    %sign3A_250 = arith.extui %sign3A_249 : vector<16xi1> to vector<16xi32>
    %sign3A_251 = arith.subi %sign3A_246, %sign3A_250 : vector<16xi32>
    %sign3A_252 = arith.constant 0 : i32
    %sign3A_253 = arith.cmpi sgt, %jit3A_240, %sign3A_252 : i32
    %sign3A_254 = arith.extui %sign3A_253 : i1 to i32
    %sign3A_255 = arith.constant 0 : i32
    %sign3A_256 = arith.cmpi slt, %jit3A_240, %sign3A_255 : i32
    %sign3A_257 = arith.extui %sign3A_256 : i1 to i32
    %sign3A_258 = arith.subi %sign3A_254, %sign3A_257 : i32
    %ne3A_259 = vector.broadcast %sign3A_258 : i32 to vector<16xi32>
    %ne3A_260 = arith.cmpi ne, %sign3A_251, %ne3A_259 : vector<16xi32>
    %rem3A_261 = vector.broadcast %jit3A_240 : i32 to vector<16xi32>
    %rem3A_262 = arith.remsi %get3A_239, %rem3A_261 : vector<16xi32>
    %ne3A_263 = arith.constant 0 : i32
    %ne3A_264 = vector.broadcast %ne3A_263 : i32 to vector<16xi32>
    %ne3A_265 = arith.cmpi ne, %rem3A_262, %ne3A_264 : vector<16xi32>
    %and3A_266 = arith.andi %ne3A_260, %ne3A_265 : vector<16xi1>
    %sub3A_267 = arith.constant 1 : i32
    %sub3A_268 = vector.broadcast %sub3A_267 : i32 to vector<16xi32>
    %sub3A_269 = arith.subi %div3A_242, %sub3A_268 : vector<16xi32>
    %select_n3A_270 = arith.select %and3A_266, %sub3A_269, %div3A_242 : vector<16xi1>, vector<16xi32>
    %swap3A_271 = arith.constant 112 : index
    %swap3A_272 = tpu.vector_load %arg6[%swap3A_271] {strides = array<i32>} : memref<128xi32, #tpu.memory_space<vmem>>, vector<16xi32>,
    tpu.vector_store %arg6[%swap3A_271], %select_n3A_270 {strides = array<i32>} : memref<128xi32, #tpu.memory_space<vmem>>, vector<16xi32>,
    %dma_start3A = arith.constant 0 : i32
    %dma_start3A_273 = arith.constant 0 : i32
    %dma_start3A_274 = tpu.memref_slice %arg2[%dma_start3A, %dma_start3A_273] : memref<8192x128xf32, #tpu.memory_space<hbm>> -> memref<8192x128xf32, #tpu.memory_space<hbm>>
    tpu.enqueue_indirect_dma source(%dma_start3A_274 : memref<8192x128xf32, #tpu.memory_space<hbm>>) target(%arg7 : memref<128x128xf32, #tpu.memory_space<vmem>>) offsets(%arg6 : memref<128xi32, #tpu.memory_space<vmem>>) semaphore(%arg9 : memref<!tpu.dma_semaphore, #tpu.memory_space<semaphore_mem>>)
    %dma_wait3A = arith.constant 0 : i32
    %dma_wait3A_275 = arith.constant 0 : i32
    %dma_wait3A_276 = tpu.memref_slice %arg2[%dma_wait3A, %dma_wait3A_275] : memref<8192x128xf32, #tpu.memory_space<hbm>> -> memref<8192x128xf32, #tpu.memory_space<hbm>>
    tpu.wait_indirect_dma semaphore(%arg9 : memref<!tpu.dma_semaphore, #tpu.memory_space<semaphore_mem>>) src(%dma_wait3A_276 : memref<8192x128xf32, #tpu.memory_space<hbm>>) dst(%arg7 : memref<128x128xf32, #tpu.memory_space<vmem>>)
    %iota3A = tpu.iota {dimensions = array<i32: 0>} : vector<16xi32>
    %get3A_277 = arith.constant 0 : index
    %get3A_278 = tpu.vector_load %arg5[%get3A_277] {strides = array<i32>} : memref<128xi32, #tpu.memory_space<vmem>>, vector<16xi32>,
    %jit3A_279 = arith.constant 8 : i32
    %eq3A = arith.constant 0 : i32
    %eq3A_280 = arith.cmpi eq, %jit3A_279, %eq3A : i32
    %jit3A_281 = arith.constant 1 : i32
    %select_n3A_282 = arith.select %eq3A_280, %jit3A_281, %jit3A_279 : i32
    %rem3A_283 = vector.broadcast %select_n3A_282 : i32 to vector<16xi32>
    %rem3A_284 = arith.remsi %get3A_278, %rem3A_283 : vector<16xi32>
    %ne3A_285 = arith.constant 0 : i32
    %ne3A_286 = vector.broadcast %ne3A_285 : i32 to vector<16xi32>
    %ne3A_287 = arith.cmpi ne, %rem3A_284, %ne3A_286 : vector<16xi32>
    %lt3A = arith.constant 0 : i32
    %lt3A_288 = vector.broadcast %lt3A : i32 to vector<16xi32>
    %lt3A_289 = arith.cmpi slt, %rem3A_284, %lt3A_288 : vector<16xi32>
    %lt3A_290 = arith.constant 0 : i32
    %lt3A_291 = arith.cmpi slt, %select_n3A_282, %lt3A_290 : i32
    %ne3A_292 = vector.broadcast %lt3A_291 : i1 to vector<16xi1>
    %ne3A_293 = vector.broadcast %ne3A_292 : vector<16xi1> to vector<16xi1>
    %ne3A_294 = arith.xori %lt3A_289, %ne3A_293 : vector<16xi1>
    %and3A_295 = arith.andi %ne3A_294, %ne3A_287 : vector<16xi1>
    %add3A_296 = vector.broadcast %select_n3A_282 : i32 to vector<16xi32>
    %add3A_297 = arith.addi %rem3A_284, %add3A_296 : vector<16xi32>
    %select_n3A_298 = arith.select %and3A_295, %add3A_297, %rem3A_284 : vector<16xi1>, vector<16xi32>
    %mul3A_299 = arith.constant 16 : i32
    %mul3A_300 = vector.broadcast %mul3A_299 : i32 to vector<16xi32>
    %mul3A_301 = arith.muli %select_n3A_298, %mul3A_300 : vector<16xi32>
    %add3A_302 = arith.constant 0 : i32
    %add3A_303 = vector.broadcast %add3A_302 : i32 to vector<16xi32>
    %add3A_304 = arith.addi %iota3A, %add3A_303 : vector<16xi32>
    %add3A_305 = arith.constant 0 : i32
    %add3A_306 = vector.broadcast %add3A_305 : i32 to vector<16xi32>
    %add3A_307 = arith.addi %mul3A_301, %add3A_306 : vector<16xi32>
    %gather3A = tpu.vector_load_idx %arg7[%add3A_304, %add3A_307] : memref<128x128xf32, #tpu.memory_space<vmem>>[vector<16xi32>, vector<16xi32>], vector<16xf32>,
    %broadcast_in_dim3A = arith.constant 0 : i32
    %broadcast_in_dim3A_308 = vector.broadcast %broadcast_in_dim3A : i32 to vector<16xi32>
    tpu.vector_store_idx %arg8[%add3A_304, %broadcast_in_dim3A_308], %gather3A : memref<128x16xf32, #tpu.memory_space<vmem>>[vector<16xi32>, vector<16xi32>], vector<16xf32>,
    %add3A_309 = arith.constant 1 : i32
    %add3A_310 = vector.broadcast %add3A_309 : i32 to vector<16xi32>
    %add3A_311 = arith.addi %mul3A_301, %add3A_310 : vector<16xi32>
    %gather3A_312 = tpu.vector_load_idx %arg7[%add3A_304, %add3A_311] : memref<128x128xf32, #tpu.memory_space<vmem>>[vector<16xi32>, vector<16xi32>], vector<16xf32>,
    %broadcast_in_dim3A_313 = arith.constant 1 : i32
    %broadcast_in_dim3A_314 = vector.broadcast %broadcast_in_dim3A_313 : i32 to vector<16xi32>
    tpu.vector_store_idx %arg8[%add3A_304, %broadcast_in_dim3A_314], %gather3A_312 : memref<128x16xf32, #tpu.memory_space<vmem>>[vector<16xi32>, vector<16xi32>], vector<16xf32>,
    %add3A_315 = arith.constant 2 : i32
    %add3A_316 = vector.broadcast %add3A_315 : i32 to vector<16xi32>
    %add3A_317 = arith.addi %mul3A_301, %add3A_316 : vector<16xi32>
    %gather3A_318 = tpu.vector_load_idx %arg7[%add3A_304, %add3A_317] : memref<128x128xf32, #tpu.memory_space<vmem>>[vector<16xi32>, vector<16xi32>], vector<16xf32>,
    %broadcast_in_dim3A_319 = arith.constant 2 : i32
    %broadcast_in_dim3A_320 = vector.broadcast %broadcast_in_dim3A_319 : i32 to vector<16xi32>
    tpu.vector_store_idx %arg8[%add3A_304, %broadcast_in_dim3A_320], %gather3A_318 : memref<128x16xf32, #tpu.memory_space<vmem>>[vector<16xi32>, vector<16xi32>], vector<16xf32>,
    %add3A_321 = arith.constant 3 : i32
    %add3A_322 = vector.broadcast %add3A_321 : i32 to vector<16xi32>
    %add3A_323 = arith.addi %mul3A_301, %add3A_322 : vector<16xi32>
    %gather3A_324 = tpu.vector_load_idx %arg7[%add3A_304, %add3A_323] : memref<128x128xf32, #tpu.memory_space<vmem>>[vector<16xi32>, vector<16xi32>], vector<16xf32>,
    %broadcast_in_dim3A_325 = arith.constant 3 : i32
    %broadcast_in_dim3A_326 = vector.broadcast %broadcast_in_dim3A_325 : i32 to vector<16xi32>
    tpu.vector_store_idx %arg8[%add3A_304, %broadcast_in_dim3A_326], %gather3A_324 : memref<128x16xf32, #tpu.memory_space<vmem>>[vector<16xi32>, vector<16xi32>], vector<16xf32>,
    %add3A_327 = arith.constant 4 : i32
    %add3A_328 = vector.broadcast %add3A_327 : i32 to vector<16xi32>
    %add3A_329 = arith.addi %mul3A_301, %add3A_328 : vector<16xi32>
    %gather3A_330 = tpu.vector_load_idx %arg7[%add3A_304, %add3A_329] : memref<128x128xf32, #tpu.memory_space<vmem>>[vector<16xi32>, vector<16xi32>], vector<16xf32>,
    %broadcast_in_dim3A_331 = arith.constant 4 : i32
    %broadcast_in_dim3A_332 = vector.broadcast %broadcast_in_dim3A_331 : i32 to vector<16xi32>
    tpu.vector_store_idx %arg8[%add3A_304, %broadcast_in_dim3A_332], %gather3A_330 : memref<128x16xf32, #tpu.memory_space<vmem>>[vector<16xi32>, vector<16xi32>], vector<16xf32>,
    %add3A_333 = arith.constant 5 : i32
    %add3A_334 = vector.broadcast %add3A_333 : i32 to vector<16xi32>
    %add3A_335 = arith.addi %mul3A_301, %add3A_334 : vector<16xi32>
    %gather3A_336 = tpu.vector_load_idx %arg7[%add3A_304, %add3A_335] : memref<128x128xf32, #tpu.memory_space<vmem>>[vector<16xi32>, vector<16xi32>], vector<16xf32>,
    %broadcast_in_dim3A_337 = arith.constant 5 : i32
    %broadcast_in_dim3A_338 = vector.broadcast %broadcast_in_dim3A_337 : i32 to vector<16xi32>
    tpu.vector_store_idx %arg8[%add3A_304, %broadcast_in_dim3A_338], %gather3A_336 : memref<128x16xf32, #tpu.memory_space<vmem>>[vector<16xi32>, vector<16xi32>], vector<16xf32>,
    %add3A_339 = arith.constant 6 : i32
    %add3A_340 = vector.broadcast %add3A_339 : i32 to vector<16xi32>
    %add3A_341 = arith.addi %mul3A_301, %add3A_340 : vector<16xi32>
    %gather3A_342 = tpu.vector_load_idx %arg7[%add3A_304, %add3A_341] : memref<128x128xf32, #tpu.memory_space<vmem>>[vector<16xi32>, vector<16xi32>], vector<16xf32>,
    %broadcast_in_dim3A_343 = arith.constant 6 : i32
    %broadcast_in_dim3A_344 = vector.broadcast %broadcast_in_dim3A_343 : i32 to vector<16xi32>
    tpu.vector_store_idx %arg8[%add3A_304, %broadcast_in_dim3A_344], %gather3A_342 : memref<128x16xf32, #tpu.memory_space<vmem>>[vector<16xi32>, vector<16xi32>], vector<16xf32>,
    %add3A_345 = arith.constant 7 : i32
    %add3A_346 = vector.broadcast %add3A_345 : i32 to vector<16xi32>
    %add3A_347 = arith.addi %mul3A_301, %add3A_346 : vector<16xi32>
    %gather3A_348 = tpu.vector_load_idx %arg7[%add3A_304, %add3A_347] : memref<128x128xf32, #tpu.memory_space<vmem>>[vector<16xi32>, vector<16xi32>], vector<16xf32>,
    %broadcast_in_dim3A_349 = arith.constant 7 : i32
    %broadcast_in_dim3A_350 = vector.broadcast %broadcast_in_dim3A_349 : i32 to vector<16xi32>
    tpu.vector_store_idx %arg8[%add3A_304, %broadcast_in_dim3A_350], %gather3A_348 : memref<128x16xf32, #tpu.memory_space<vmem>>[vector<16xi32>, vector<16xi32>], vector<16xf32>,
    %add3A_351 = arith.constant 8 : i32
    %add3A_352 = vector.broadcast %add3A_351 : i32 to vector<16xi32>
    %add3A_353 = arith.addi %mul3A_301, %add3A_352 : vector<16xi32>
    %gather3A_354 = tpu.vector_load_idx %arg7[%add3A_304, %add3A_353] : memref<128x128xf32, #tpu.memory_space<vmem>>[vector<16xi32>, vector<16xi32>], vector<16xf32>,
    %broadcast_in_dim3A_355 = arith.constant 8 : i32
    %broadcast_in_dim3A_356 = vector.broadcast %broadcast_in_dim3A_355 : i32 to vector<16xi32>
    tpu.vector_store_idx %arg8[%add3A_304, %broadcast_in_dim3A_356], %gather3A_354 : memref<128x16xf32, #tpu.memory_space<vmem>>[vector<16xi32>, vector<16xi32>], vector<16xf32>,
    %add3A_357 = arith.constant 9 : i32
    %add3A_358 = vector.broadcast %add3A_357 : i32 to vector<16xi32>
    %add3A_359 = arith.addi %mul3A_301, %add3A_358 : vector<16xi32>
    %gather3A_360 = tpu.vector_load_idx %arg7[%add3A_304, %add3A_359] : memref<128x128xf32, #tpu.memory_space<vmem>>[vector<16xi32>, vector<16xi32>], vector<16xf32>,
    %broadcast_in_dim3A_361 = arith.constant 9 : i32
    %broadcast_in_dim3A_362 = vector.broadcast %broadcast_in_dim3A_361 : i32 to vector<16xi32>
    tpu.vector_store_idx %arg8[%add3A_304, %broadcast_in_dim3A_362], %gather3A_360 : memref<128x16xf32, #tpu.memory_space<vmem>>[vector<16xi32>, vector<16xi32>], vector<16xf32>,
    %add3A_363 = arith.constant 10 : i32
    %add3A_364 = vector.broadcast %add3A_363 : i32 to vector<16xi32>
    %add3A_365 = arith.addi %mul3A_301, %add3A_364 : vector<16xi32>
    %gather3A_366 = tpu.vector_load_idx %arg7[%add3A_304, %add3A_365] : memref<128x128xf32, #tpu.memory_space<vmem>>[vector<16xi32>, vector<16xi32>], vector<16xf32>,
    %broadcast_in_dim3A_367 = arith.constant 10 : i32
    %broadcast_in_dim3A_368 = vector.broadcast %broadcast_in_dim3A_367 : i32 to vector<16xi32>
    tpu.vector_store_idx %arg8[%add3A_304, %broadcast_in_dim3A_368], %gather3A_366 : memref<128x16xf32, #tpu.memory_space<vmem>>[vector<16xi32>, vector<16xi32>], vector<16xf32>,
    %add3A_369 = arith.constant 11 : i32
    %add3A_370 = vector.broadcast %add3A_369 : i32 to vector<16xi32>
    %add3A_371 = arith.addi %mul3A_301, %add3A_370 : vector<16xi32>
    %gather3A_372 = tpu.vector_load_idx %arg7[%add3A_304, %add3A_371] : memref<128x128xf32, #tpu.memory_space<vmem>>[vector<16xi32>, vector<16xi32>], vector<16xf32>,
    %broadcast_in_dim3A_373 = arith.constant 11 : i32
    %broadcast_in_dim3A_374 = vector.broadcast %broadcast_in_dim3A_373 : i32 to vector<16xi32>
    tpu.vector_store_idx %arg8[%add3A_304, %broadcast_in_dim3A_374], %gather3A_372 : memref<128x16xf32, #tpu.memory_space<vmem>>[vector<16xi32>, vector<16xi32>], vector<16xf32>,
    %add3A_375 = arith.constant 12 : i32
    %add3A_376 = vector.broadcast %add3A_375 : i32 to vector<16xi32>
    %add3A_377 = arith.addi %mul3A_301, %add3A_376 : vector<16xi32>
    %gather3A_378 = tpu.vector_load_idx %arg7[%add3A_304, %add3A_377] : memref<128x128xf32, #tpu.memory_space<vmem>>[vector<16xi32>, vector<16xi32>], vector<16xf32>,
    %broadcast_in_dim3A_379 = arith.constant 12 : i32
    %broadcast_in_dim3A_380 = vector.broadcast %broadcast_in_dim3A_379 : i32 to vector<16xi32>
    tpu.vector_store_idx %arg8[%add3A_304, %broadcast_in_dim3A_380], %gather3A_378 : memref<128x16xf32, #tpu.memory_space<vmem>>[vector<16xi32>, vector<16xi32>], vector<16xf32>,
    %add3A_381 = arith.constant 13 : i32
    %add3A_382 = vector.broadcast %add3A_381 : i32 to vector<16xi32>
    %add3A_383 = arith.addi %mul3A_301, %add3A_382 : vector<16xi32>
    %gather3A_384 = tpu.vector_load_idx %arg7[%add3A_304, %add3A_383] : memref<128x128xf32, #tpu.memory_space<vmem>>[vector<16xi32>, vector<16xi32>], vector<16xf32>,
    %broadcast_in_dim3A_385 = arith.constant 13 : i32
    %broadcast_in_dim3A_386 = vector.broadcast %broadcast_in_dim3A_385 : i32 to vector<16xi32>
    tpu.vector_store_idx %arg8[%add3A_304, %broadcast_in_dim3A_386], %gather3A_384 : memref<128x16xf32, #tpu.memory_space<vmem>>[vector<16xi32>, vector<16xi32>], vector<16xf32>,
    %add3A_387 = arith.constant 14 : i32
    %add3A_388 = vector.broadcast %add3A_387 : i32 to vector<16xi32>
    %add3A_389 = arith.addi %mul3A_301, %add3A_388 : vector<16xi32>
    %gather3A_390 = tpu.vector_load_idx %arg7[%add3A_304, %add3A_389] : memref<128x128xf32, #tpu.memory_space<vmem>>[vector<16xi32>, vector<16xi32>], vector<16xf32>,
    %broadcast_in_dim3A_391 = arith.constant 14 : i32
    %broadcast_in_dim3A_392 = vector.broadcast %broadcast_in_dim3A_391 : i32 to vector<16xi32>
    tpu.vector_store_idx %arg8[%add3A_304, %broadcast_in_dim3A_392], %gather3A_390 : memref<128x16xf32, #tpu.memory_space<vmem>>[vector<16xi32>, vector<16xi32>], vector<16xf32>,
    %add3A_393 = arith.constant 15 : i32
    %add3A_394 = vector.broadcast %add3A_393 : i32 to vector<16xi32>
    %add3A_395 = arith.addi %mul3A_301, %add3A_394 : vector<16xi32>
    %gather3A_396 = tpu.vector_load_idx %arg7[%add3A_304, %add3A_395] : memref<128x128xf32, #tpu.memory_space<vmem>>[vector<16xi32>, vector<16xi32>], vector<16xf32>,
    %broadcast_in_dim3A_397 = arith.constant 15 : i32
    %broadcast_in_dim3A_398 = vector.broadcast %broadcast_in_dim3A_397 : i32 to vector<16xi32>
    tpu.vector_store_idx %arg8[%add3A_304, %broadcast_in_dim3A_398], %gather3A_396 : memref<128x16xf32, #tpu.memory_space<vmem>>[vector<16xi32>, vector<16xi32>], vector<16xf32>,
    %get3A_399 = arith.constant 16 : index
    %get3A_400 = tpu.vector_load %arg5[%get3A_399] {strides = array<i32>} : memref<128xi32, #tpu.memory_space<vmem>>, vector<16xi32>,
    %jit3A_401 = arith.constant 8 : i32
    %eq3A_402 = arith.constant 0 : i32
    %eq3A_403 = arith.cmpi eq, %jit3A_401, %eq3A_402 : i32
    %jit3A_404 = arith.constant 1 : i32
    %select_n3A_405 = arith.select %eq3A_403, %jit3A_404, %jit3A_401 : i32
    %rem3A_406 = vector.broadcast %select_n3A_405 : i32 to vector<16xi32>
    %rem3A_407 = arith.remsi %get3A_400, %rem3A_406 : vector<16xi32>
    %ne3A_408 = arith.constant 0 : i32
    %ne3A_409 = vector.broadcast %ne3A_408 : i32 to vector<16xi32>
    %ne3A_410 = arith.cmpi ne, %rem3A_407, %ne3A_409 : vector<16xi32>
    %lt3A_411 = arith.constant 0 : i32
    %lt3A_412 = vector.broadcast %lt3A_411 : i32 to vector<16xi32>
    %lt3A_413 = arith.cmpi slt, %rem3A_407, %lt3A_412 : vector<16xi32>
    %lt3A_414 = arith.constant 0 : i32
    %lt3A_415 = arith.cmpi slt, %select_n3A_405, %lt3A_414 : i32
    %ne3A_416 = vector.broadcast %lt3A_415 : i1 to vector<16xi1>
    %ne3A_417 = vector.broadcast %ne3A_416 : vector<16xi1> to vector<16xi1>
    %ne3A_418 = arith.xori %lt3A_413, %ne3A_417 : vector<16xi1>
    %and3A_419 = arith.andi %ne3A_418, %ne3A_410 : vector<16xi1>
    %add3A_420 = vector.broadcast %select_n3A_405 : i32 to vector<16xi32>
    %add3A_421 = arith.addi %rem3A_407, %add3A_420 : vector<16xi32>
    %select_n3A_422 = arith.select %and3A_419, %add3A_421, %rem3A_407 : vector<16xi1>, vector<16xi32>
    %mul3A_423 = arith.constant 16 : i32
    %mul3A_424 = vector.broadcast %mul3A_423 : i32 to vector<16xi32>
    %mul3A_425 = arith.muli %select_n3A_422, %mul3A_424 : vector<16xi32>
    %add3A_426 = arith.constant 16 : i32
    %add3A_427 = vector.broadcast %add3A_426 : i32 to vector<16xi32>
    %add3A_428 = arith.addi %iota3A, %add3A_427 : vector<16xi32>
    %add3A_429 = arith.constant 0 : i32
    %add3A_430 = vector.broadcast %add3A_429 : i32 to vector<16xi32>
    %add3A_431 = arith.addi %mul3A_425, %add3A_430 : vector<16xi32>
    %gather3A_432 = tpu.vector_load_idx %arg7[%add3A_428, %add3A_431] : memref<128x128xf32, #tpu.memory_space<vmem>>[vector<16xi32>, vector<16xi32>], vector<16xf32>,
    %broadcast_in_dim3A_433 = arith.constant 0 : i32
    %broadcast_in_dim3A_434 = vector.broadcast %broadcast_in_dim3A_433 : i32 to vector<16xi32>
    tpu.vector_store_idx %arg8[%add3A_428, %broadcast_in_dim3A_434], %gather3A_432 : memref<128x16xf32, #tpu.memory_space<vmem>>[vector<16xi32>, vector<16xi32>], vector<16xf32>,
    %add3A_435 = arith.constant 1 : i32
    %add3A_436 = vector.broadcast %add3A_435 : i32 to vector<16xi32>
    %add3A_437 = arith.addi %mul3A_425, %add3A_436 : vector<16xi32>
    %gather3A_438 = tpu.vector_load_idx %arg7[%add3A_428, %add3A_437] : memref<128x128xf32, #tpu.memory_space<vmem>>[vector<16xi32>, vector<16xi32>], vector<16xf32>,
    %broadcast_in_dim3A_439 = arith.constant 1 : i32
    %broadcast_in_dim3A_440 = vector.broadcast %broadcast_in_dim3A_439 : i32 to vector<16xi32>
    tpu.vector_store_idx %arg8[%add3A_428, %broadcast_in_dim3A_440], %gather3A_438 : memref<128x16xf32, #tpu.memory_space<vmem>>[vector<16xi32>, vector<16xi32>], vector<16xf32>,
    %add3A_441 = arith.constant 2 : i32
    %add3A_442 = vector.broadcast %add3A_441 : i32 to vector<16xi32>
    %add3A_443 = arith.addi %mul3A_425, %add3A_442 : vector<16xi32>
    %gather3A_444 = tpu.vector_load_idx %arg7[%add3A_428, %add3A_443] : memref<128x128xf32, #tpu.memory_space<vmem>>[vector<16xi32>, vector<16xi32>], vector<16xf32>,
    %broadcast_in_dim3A_445 = arith.constant 2 : i32
    %broadcast_in_dim3A_446 = vector.broadcast %broadcast_in_dim3A_445 : i32 to vector<16xi32>
    tpu.vector_store_idx %arg8[%add3A_428, %broadcast_in_dim3A_446], %gather3A_444 : memref<128x16xf32, #tpu.memory_space<vmem>>[vector<16xi32>, vector<16xi32>], vector<16xf32>,
    %add3A_447 = arith.constant 3 : i32
    %add3A_448 = vector.broadcast %add3A_447 : i32 to vector<16xi32>
    %add3A_449 = arith.addi %mul3A_425, %add3A_448 : vector<16xi32>
    %gather3A_450 = tpu.vector_load_idx %arg7[%add3A_428, %add3A_449] : memref<128x128xf32, #tpu.memory_space<vmem>>[vector<16xi32>, vector<16xi32>], vector<16xf32>,
    %broadcast_in_dim3A_451 = arith.constant 3 : i32
    %broadcast_in_dim3A_452 = vector.broadcast %broadcast_in_dim3A_451 : i32 to vector<16xi32>
    tpu.vector_store_idx %arg8[%add3A_428, %broadcast_in_dim3A_452], %gather3A_450 : memref<128x16xf32, #tpu.memory_space<vmem>>[vector<16xi32>, vector<16xi32>], vector<16xf32>,
    %add3A_453 = arith.constant 4 : i32
    %add3A_454 = vector.broadcast %add3A_453 : i32 to vector<16xi32>
    %add3A_455 = arith.addi %mul3A_425, %add3A_454 : vector<16xi32>
    %gather3A_456 = tpu.vector_load_idx %arg7[%add3A_428, %add3A_455] : memref<128x128xf32, #tpu.memory_space<vmem>>[vector<16xi32>, vector<16xi32>], vector<16xf32>,
    %broadcast_in_dim3A_457 = arith.constant 4 : i32
    %broadcast_in_dim3A_458 = vector.broadcast %broadcast_in_dim3A_457 : i32 to vector<16xi32>
    tpu.vector_store_idx %arg8[%add3A_428, %broadcast_in_dim3A_458], %gather3A_456 : memref<128x16xf32, #tpu.memory_space<vmem>>[vector<16xi32>, vector<16xi32>], vector<16xf32>,
    %add3A_459 = arith.constant 5 : i32
    %add3A_460 = vector.broadcast %add3A_459 : i32 to vector<16xi32>
    %add3A_461 = arith.addi %mul3A_425, %add3A_460 : vector<16xi32>
    %gather3A_462 = tpu.vector_load_idx %arg7[%add3A_428, %add3A_461] : memref<128x128xf32, #tpu.memory_space<vmem>>[vector<16xi32>, vector<16xi32>], vector<16xf32>,
    %broadcast_in_dim3A_463 = arith.constant 5 : i32
    %broadcast_in_dim3A_464 = vector.broadcast %broadcast_in_dim3A_463 : i32 to vector<16xi32>
    tpu.vector_store_idx %arg8[%add3A_428, %broadcast_in_dim3A_464], %gather3A_462 : memref<128x16xf32, #tpu.memory_space<vmem>>[vector<16xi32>, vector<16xi32>], vector<16xf32>,
    %add3A_465 = arith.constant 6 : i32
    %add3A_466 = vector.broadcast %add3A_465 : i32 to vector<16xi32>
    %add3A_467 = arith.addi %mul3A_425, %add3A_466 : vector<16xi32>
    %gather3A_468 = tpu.vector_load_idx %arg7[%add3A_428, %add3A_467] : memref<128x128xf32, #tpu.memory_space<vmem>>[vector<16xi32>, vector<16xi32>], vector<16xf32>,
    %broadcast_in_dim3A_469 = arith.constant 6 : i32
    %broadcast_in_dim3A_470 = vector.broadcast %broadcast_in_dim3A_469 : i32 to vector<16xi32>
    tpu.vector_store_idx %arg8[%add3A_428, %broadcast_in_dim3A_470], %gather3A_468 : memref<128x16xf32, #tpu.memory_space<vmem>>[vector<16xi32>, vector<16xi32>], vector<16xf32>,
    %add3A_471 = arith.constant 7 : i32
    %add3A_472 = vector.broadcast %add3A_471 : i32 to vector<16xi32>
    %add3A_473 = arith.addi %mul3A_425, %add3A_472 : vector<16xi32>
    %gather3A_474 = tpu.vector_load_idx %arg7[%add3A_428, %add3A_473] : memref<128x128xf32, #tpu.memory_space<vmem>>[vector<16xi32>, vector<16xi32>], vector<16xf32>,
    %broadcast_in_dim3A_475 = arith.constant 7 : i32
    %broadcast_in_dim3A_476 = vector.broadcast %broadcast_in_dim3A_475 : i32 to vector<16xi32>
    tpu.vector_store_idx %arg8[%add3A_428, %broadcast_in_dim3A_476], %gather3A_474 : memref<128x16xf32, #tpu.memory_space<vmem>>[vector<16xi32>, vector<16xi32>], vector<16xf32>,
    %add3A_477 = arith.constant 8 : i32
    %add3A_478 = vector.broadcast %add3A_477 : i32 to vector<16xi32>
    %add3A_479 = arith.addi %mul3A_425, %add3A_478 : vector<16xi32>
    %gather3A_480 = tpu.vector_load_idx %arg7[%add3A_428, %add3A_479] : memref<128x128xf32, #tpu.memory_space<vmem>>[vector<16xi32>, vector<16xi32>], vector<16xf32>,
    %broadcast_in_dim3A_481 = arith.constant 8 : i32
    %broadcast_in_dim3A_482 = vector.broadcast %broadcast_in_dim3A_481 : i32 to vector<16xi32>
    tpu.vector_store_idx %arg8[%add3A_428, %broadcast_in_dim3A_482], %gather3A_480 : memref<128x16xf32, #tpu.memory_space<vmem>>[vector<16xi32>, vector<16xi32>], vector<16xf32>,
    %add3A_483 = arith.constant 9 : i32
    %add3A_484 = vector.broadcast %add3A_483 : i32 to vector<16xi32>
    %add3A_485 = arith.addi %mul3A_425, %add3A_484 : vector<16xi32>
    %gather3A_486 = tpu.vector_load_idx %arg7[%add3A_428, %add3A_485] : memref<128x128xf32, #tpu.memory_space<vmem>>[vector<16xi32>, vector<16xi32>], vector<16xf32>,
    %broadcast_in_dim3A_487 = arith.constant 9 : i32
    %broadcast_in_dim3A_488 = vector.broadcast %broadcast_in_dim3A_487 : i32 to vector<16xi32>
    tpu.vector_store_idx %arg8[%add3A_428, %broadcast_in_dim3A_488], %gather3A_486 : memref<128x16xf32, #tpu.memory_space<vmem>>[vector<16xi32>, vector<16xi32>], vector<16xf32>,
    %add3A_489 = arith.constant 10 : i32
    %add3A_490 = vector.broadcast %add3A_489 : i32 to vector<16xi32>
    %add3A_491 = arith.addi %mul3A_425, %add3A_490 : vector<16xi32>
    %gather3A_492 = tpu.vector_load_idx %arg7[%add3A_428, %add3A_491] : memref<128x128xf32, #tpu.memory_space<vmem>>[vector<16xi32>, vector<16xi32>], vector<16xf32>,
    %broadcast_in_dim3A_493 = arith.constant 10 : i32
    %broadcast_in_dim3A_494 = vector.broadcast %broadcast_in_dim3A_493 : i32 to vector<16xi32>
    tpu.vector_store_idx %arg8[%add3A_428, %broadcast_in_dim3A_494], %gather3A_492 : memref<128x16xf32, #tpu.memory_space<vmem>>[vector<16xi32>, vector<16xi32>], vector<16xf32>,
    %add3A_495 = arith.constant 11 : i32
    %add3A_496 = vector.broadcast %add3A_495 : i32 to vector<16xi32>
    %add3A_497 = arith.addi %mul3A_425, %add3A_496 : vector<16xi32>
    %gather3A_498 = tpu.vector_load_idx %arg7[%add3A_428, %add3A_497] : memref<128x128xf32, #tpu.memory_space<vmem>>[vector<16xi32>, vector<16xi32>], vector<16xf32>,
    %broadcast_in_dim3A_499 = arith.constant 11 : i32
    %broadcast_in_dim3A_500 = vector.broadcast %broadcast_in_dim3A_499 : i32 to vector<16xi32>
    tpu.vector_store_idx %arg8[%add3A_428, %broadcast_in_dim3A_500], %gather3A_498 : memref<128x16xf32, #tpu.memory_space<vmem>>[vector<16xi32>, vector<16xi32>], vector<16xf32>,
    %add3A_501 = arith.constant 12 : i32
    %add3A_502 = vector.broadcast %add3A_501 : i32 to vector<16xi32>
    %add3A_503 = arith.addi %mul3A_425, %add3A_502 : vector<16xi32>
    %gather3A_504 = tpu.vector_load_idx %arg7[%add3A_428, %add3A_503] : memref<128x128xf32, #tpu.memory_space<vmem>>[vector<16xi32>, vector<16xi32>], vector<16xf32>,
    %broadcast_in_dim3A_505 = arith.constant 12 : i32
    %broadcast_in_dim3A_506 = vector.broadcast %broadcast_in_dim3A_505 : i32 to vector<16xi32>
    tpu.vector_store_idx %arg8[%add3A_428, %broadcast_in_dim3A_506], %gather3A_504 : memref<128x16xf32, #tpu.memory_space<vmem>>[vector<16xi32>, vector<16xi32>], vector<16xf32>,
    %add3A_507 = arith.constant 13 : i32
    %add3A_508 = vector.broadcast %add3A_507 : i32 to vector<16xi32>
    %add3A_509 = arith.addi %mul3A_425, %add3A_508 : vector<16xi32>
    %gather3A_510 = tpu.vector_load_idx %arg7[%add3A_428, %add3A_509] : memref<128x128xf32, #tpu.memory_space<vmem>>[vector<16xi32>, vector<16xi32>], vector<16xf32>,
    %broadcast_in_dim3A_511 = arith.constant 13 : i32
    %broadcast_in_dim3A_512 = vector.broadcast %broadcast_in_dim3A_511 : i32 to vector<16xi32>
    tpu.vector_store_idx %arg8[%add3A_428, %broadcast_in_dim3A_512], %gather3A_510 : memref<128x16xf32, #tpu.memory_space<vmem>>[vector<16xi32>, vector<16xi32>], vector<16xf32>,
    %add3A_513 = arith.constant 14 : i32
    %add3A_514 = vector.broadcast %add3A_513 : i32 to vector<16xi32>
    %add3A_515 = arith.addi %mul3A_425, %add3A_514 : vector<16xi32>
    %gather3A_516 = tpu.vector_load_idx %arg7[%add3A_428, %add3A_515] : memref<128x128xf32, #tpu.memory_space<vmem>>[vector<16xi32>, vector<16xi32>], vector<16xf32>,
    %broadcast_in_dim3A_517 = arith.constant 14 : i32
    %broadcast_in_dim3A_518 = vector.broadcast %broadcast_in_dim3A_517 : i32 to vector<16xi32>
    tpu.vector_store_idx %arg8[%add3A_428, %broadcast_in_dim3A_518], %gather3A_516 : memref<128x16xf32, #tpu.memory_space<vmem>>[vector<16xi32>, vector<16xi32>], vector<16xf32>,
    %add3A_519 = arith.constant 15 : i32
    %add3A_520 = vector.broadcast %add3A_519 : i32 to vector<16xi32>
    %add3A_521 = arith.addi %mul3A_425, %add3A_520 : vector<16xi32>
    %gather3A_522 = tpu.vector_load_idx %arg7[%add3A_428, %add3A_521] : memref<128x128xf32, #tpu.memory_space<vmem>>[vector<16xi32>, vector<16xi32>], vector<16xf32>,
    %broadcast_in_dim3A_523 = arith.constant 15 : i32
    %broadcast_in_dim3A_524 = vector.broadcast %broadcast_in_dim3A_523 : i32 to vector<16xi32>
    tpu.vector_store_idx %arg8[%add3A_428, %broadcast_in_dim3A_524], %gather3A_522 : memref<128x16xf32, #tpu.memory_space<vmem>>[vector<16xi32>, vector<16xi32>], vector<16xf32>,
    %get3A_525 = arith.constant 32 : index
    %get3A_526 = tpu.vector_load %arg5[%get3A_525] {strides = array<i32>} : memref<128xi32, #tpu.memory_space<vmem>>, vector<16xi32>,
    %jit3A_527 = arith.constant 8 : i32
    %eq3A_528 = arith.constant 0 : i32
    %eq3A_529 = arith.cmpi eq, %jit3A_527, %eq3A_528 : i32
    %jit3A_530 = arith.constant 1 : i32
    %select_n3A_531 = arith.select %eq3A_529, %jit3A_530, %jit3A_527 : i32
    %rem3A_532 = vector.broadcast %select_n3A_531 : i32 to vector<16xi32>
    %rem3A_533 = arith.remsi %get3A_526, %rem3A_532 : vector<16xi32>
    %ne3A_534 = arith.constant 0 : i32
    %ne3A_535 = vector.broadcast %ne3A_534 : i32 to vector<16xi32>
    %ne3A_536 = arith.cmpi ne, %rem3A_533, %ne3A_535 : vector<16xi32>
    %lt3A_537 = arith.constant 0 : i32
    %lt3A_538 = vector.broadcast %lt3A_537 : i32 to vector<16xi32>
    %lt3A_539 = arith.cmpi slt, %rem3A_533, %lt3A_538 : vector<16xi32>
    %lt3A_540 = arith.constant 0 : i32
    %lt3A_541 = arith.cmpi slt, %select_n3A_531, %lt3A_540 : i32
    %ne3A_542 = vector.broadcast %lt3A_541 : i1 to vector<16xi1>
    %ne3A_543 = vector.broadcast %ne3A_542 : vector<16xi1> to vector<16xi1>
    %ne3A_544 = arith.xori %lt3A_539, %ne3A_543 : vector<16xi1>
    %and3A_545 = arith.andi %ne3A_544, %ne3A_536 : vector<16xi1>
    %add3A_546 = vector.broadcast %select_n3A_531 : i32 to vector<16xi32>
    %add3A_547 = arith.addi %rem3A_533, %add3A_546 : vector<16xi32>
    %select_n3A_548 = arith.select %and3A_545, %add3A_547, %rem3A_533 : vector<16xi1>, vector<16xi32>
    %mul3A_549 = arith.constant 16 : i32
    %mul3A_550 = vector.broadcast %mul3A_549 : i32 to vector<16xi32>
    %mul3A_551 = arith.muli %select_n3A_548, %mul3A_550 : vector<16xi32>
    %add3A_552 = arith.constant 32 : i32
    %add3A_553 = vector.broadcast %add3A_552 : i32 to vector<16xi32>
    %add3A_554 = arith.addi %iota3A, %add3A_553 : vector<16xi32>
    %add3A_555 = arith.constant 0 : i32
    %add3A_556 = vector.broadcast %add3A_555 : i32 to vector<16xi32>
    %add3A_557 = arith.addi %mul3A_551, %add3A_556 : vector<16xi32>
    %gather3A_558 = tpu.vector_load_idx %arg7[%add3A_554, %add3A_557] : memref<128x128xf32, #tpu.memory_space<vmem>>[vector<16xi32>, vector<16xi32>], vector<16xf32>,
    %broadcast_in_dim3A_559 = arith.constant 0 : i32
    %broadcast_in_dim3A_560 = vector.broadcast %broadcast_in_dim3A_559 : i32 to vector<16xi32>
    tpu.vector_store_idx %arg8[%add3A_554, %broadcast_in_dim3A_560], %gather3A_558 : memref<128x16xf32, #tpu.memory_space<vmem>>[vector<16xi32>, vector<16xi32>], vector<16xf32>,
    %add3A_561 = arith.constant 1 : i32
    %add3A_562 = vector.broadcast %add3A_561 : i32 to vector<16xi32>
    %add3A_563 = arith.addi %mul3A_551, %add3A_562 : vector<16xi32>
    %gather3A_564 = tpu.vector_load_idx %arg7[%add3A_554, %add3A_563] : memref<128x128xf32, #tpu.memory_space<vmem>>[vector<16xi32>, vector<16xi32>], vector<16xf32>,
    %broadcast_in_dim3A_565 = arith.constant 1 : i32
    %broadcast_in_dim3A_566 = vector.broadcast %broadcast_in_dim3A_565 : i32 to vector<16xi32>
    tpu.vector_store_idx %arg8[%add3A_554, %broadcast_in_dim3A_566], %gather3A_564 : memref<128x16xf32, #tpu.memory_space<vmem>>[vector<16xi32>, vector<16xi32>], vector<16xf32>,
    %add3A_567 = arith.constant 2 : i32
    %add3A_568 = vector.broadcast %add3A_567 : i32 to vector<16xi32>
    %add3A_569 = arith.addi %mul3A_551, %add3A_568 : vector<16xi32>
    %gather3A_570 = tpu.vector_load_idx %arg7[%add3A_554, %add3A_569] : memref<128x128xf32, #tpu.memory_space<vmem>>[vector<16xi32>, vector<16xi32>], vector<16xf32>,
    %broadcast_in_dim3A_571 = arith.constant 2 : i32
    %broadcast_in_dim3A_572 = vector.broadcast %broadcast_in_dim3A_571 : i32 to vector<16xi32>
    tpu.vector_store_idx %arg8[%add3A_554, %broadcast_in_dim3A_572], %gather3A_570 : memref<128x16xf32, #tpu.memory_space<vmem>>[vector<16xi32>, vector<16xi32>], vector<16xf32>,
    %add3A_573 = arith.constant 3 : i32
    %add3A_574 = vector.broadcast %add3A_573 : i32 to vector<16xi32>
    %add3A_575 = arith.addi %mul3A_551, %add3A_574 : vector<16xi32>
    %gather3A_576 = tpu.vector_load_idx %arg7[%add3A_554, %add3A_575] : memref<128x128xf32, #tpu.memory_space<vmem>>[vector<16xi32>, vector<16xi32>], vector<16xf32>,
    %broadcast_in_dim3A_577 = arith.constant 3 : i32
    %broadcast_in_dim3A_578 = vector.broadcast %broadcast_in_dim3A_577 : i32 to vector<16xi32>
    tpu.vector_store_idx %arg8[%add3A_554, %broadcast_in_dim3A_578], %gather3A_576 : memref<128x16xf32, #tpu.memory_space<vmem>>[vector<16xi32>, vector<16xi32>], vector<16xf32>,
    %add3A_579 = arith.constant 4 : i32
    %add3A_580 = vector.broadcast %add3A_579 : i32 to vector<16xi32>
    %add3A_581 = arith.addi %mul3A_551, %add3A_580 : vector<16xi32>
    %gather3A_582 = tpu.vector_load_idx %arg7[%add3A_554, %add3A_581] : memref<128x128xf32, #tpu.memory_space<vmem>>[vector<16xi32>, vector<16xi32>], vector<16xf32>,
    %broadcast_in_dim3A_583 = arith.constant 4 : i32
    %broadcast_in_dim3A_584 = vector.broadcast %broadcast_in_dim3A_583 : i32 to vector<16xi32>
    tpu.vector_store_idx %arg8[%add3A_554, %broadcast_in_dim3A_584], %gather3A_582 : memref<128x16xf32, #tpu.memory_space<vmem>>[vector<16xi32>, vector<16xi32>], vector<16xf32>,
    %add3A_585 = arith.constant 5 : i32
    %add3A_586 = vector.broadcast %add3A_585 : i32 to vector<16xi32>
    %add3A_587 = arith.addi %mul3A_551, %add3A_586 : vector<16xi32>
    %gather3A_588 = tpu.vector_load_idx %arg7[%add3A_554, %add3A_587] : memref<128x128xf32, #tpu.memory_space<vmem>>[vector<16xi32>, vector<16xi32>], vector<16xf32>,
    %broadcast_in_dim3A_589 = arith.constant 5 : i32
    %broadcast_in_dim3A_590 = vector.broadcast %broadcast_in_dim3A_589 : i32 to vector<16xi32>
    tpu.vector_store_idx %arg8[%add3A_554, %broadcast_in_dim3A_590], %gather3A_588 : memref<128x16xf32, #tpu.memory_space<vmem>>[vector<16xi32>, vector<16xi32>], vector<16xf32>,
    %add3A_591 = arith.constant 6 : i32
    %add3A_592 = vector.broadcast %add3A_591 : i32 to vector<16xi32>
    %add3A_593 = arith.addi %mul3A_551, %add3A_592 : vector<16xi32>
    %gather3A_594 = tpu.vector_load_idx %arg7[%add3A_554, %add3A_593] : memref<128x128xf32, #tpu.memory_space<vmem>>[vector<16xi32>, vector<16xi32>], vector<16xf32>,
    %broadcast_in_dim3A_595 = arith.constant 6 : i32
    %broadcast_in_dim3A_596 = vector.broadcast %broadcast_in_dim3A_595 : i32 to vector<16xi32>
    tpu.vector_store_idx %arg8[%add3A_554, %broadcast_in_dim3A_596], %gather3A_594 : memref<128x16xf32, #tpu.memory_space<vmem>>[vector<16xi32>, vector<16xi32>], vector<16xf32>,
    %add3A_597 = arith.constant 7 : i32
    %add3A_598 = vector.broadcast %add3A_597 : i32 to vector<16xi32>
    %add3A_599 = arith.addi %mul3A_551, %add3A_598 : vector<16xi32>
    %gather3A_600 = tpu.vector_load_idx %arg7[%add3A_554, %add3A_599] : memref<128x128xf32, #tpu.memory_space<vmem>>[vector<16xi32>, vector<16xi32>], vector<16xf32>,
    %broadcast_in_dim3A_601 = arith.constant 7 : i32
    %broadcast_in_dim3A_602 = vector.broadcast %broadcast_in_dim3A_601 : i32 to vector<16xi32>
    tpu.vector_store_idx %arg8[%add3A_554, %broadcast_in_dim3A_602], %gather3A_600 : memref<128x16xf32, #tpu.memory_space<vmem>>[vector<16xi32>, vector<16xi32>], vector<16xf32>,
    %add3A_603 = arith.constant 8 : i32
    %add3A_604 = vector.broadcast %add3A_603 : i32 to vector<16xi32>
    %add3A_605 = arith.addi %mul3A_551, %add3A_604 : vector<16xi32>
    %gather3A_606 = tpu.vector_load_idx %arg7[%add3A_554, %add3A_605] : memref<128x128xf32, #tpu.memory_space<vmem>>[vector<16xi32>, vector<16xi32>], vector<16xf32>,
    %broadcast_in_dim3A_607 = arith.constant 8 : i32
    %broadcast_in_dim3A_608 = vector.broadcast %broadcast_in_dim3A_607 : i32 to vector<16xi32>
    tpu.vector_store_idx %arg8[%add3A_554, %broadcast_in_dim3A_608], %gather3A_606 : memref<128x16xf32, #tpu.memory_space<vmem>>[vector<16xi32>, vector<16xi32>], vector<16xf32>,
    %add3A_609 = arith.constant 9 : i32
    %add3A_610 = vector.broadcast %add3A_609 : i32 to vector<16xi32>
    %add3A_611 = arith.addi %mul3A_551, %add3A_610 : vector<16xi32>
    %gather3A_612 = tpu.vector_load_idx %arg7[%add3A_554, %add3A_611] : memref<128x128xf32, #tpu.memory_space<vmem>>[vector<16xi32>, vector<16xi32>], vector<16xf32>,
    %broadcast_in_dim3A_613 = arith.constant 9 : i32
    %broadcast_in_dim3A_614 = vector.broadcast %broadcast_in_dim3A_613 : i32 to vector<16xi32>
    tpu.vector_store_idx %arg8[%add3A_554, %broadcast_in_dim3A_614], %gather3A_612 : memref<128x16xf32, #tpu.memory_space<vmem>>[vector<16xi32>, vector<16xi32>], vector<16xf32>,
    %add3A_615 = arith.constant 10 : i32
    %add3A_616 = vector.broadcast %add3A_615 : i32 to vector<16xi32>
    %add3A_617 = arith.addi %mul3A_551, %add3A_616 : vector<16xi32>
    %gather3A_618 = tpu.vector_load_idx %arg7[%add3A_554, %add3A_617] : memref<128x128xf32, #tpu.memory_space<vmem>>[vector<16xi32>, vector<16xi32>], vector<16xf32>,
    %broadcast_in_dim3A_619 = arith.constant 10 : i32
    %broadcast_in_dim3A_620 = vector.broadcast %broadcast_in_dim3A_619 : i32 to vector<16xi32>
    tpu.vector_store_idx %arg8[%add3A_554, %broadcast_in_dim3A_620], %gather3A_618 : memref<128x16xf32, #tpu.memory_space<vmem>>[vector<16xi32>, vector<16xi32>], vector<16xf32>,
    %add3A_621 = arith.constant 11 : i32
    %add3A_622 = vector.broadcast %add3A_621 : i32 to vector<16xi32>
    %add3A_623 = arith.addi %mul3A_551, %add3A_622 : vector<16xi32>
    %gather3A_624 = tpu.vector_load_idx %arg7[%add3A_554, %add3A_623] : memref<128x128xf32, #tpu.memory_space<vmem>>[vector<16xi32>, vector<16xi32>], vector<16xf32>,
    %broadcast_in_dim3A_625 = arith.constant 11 : i32
    %broadcast_in_dim3A_626 = vector.broadcast %broadcast_in_dim3A_625 : i32 to vector<16xi32>
    tpu.vector_store_idx %arg8[%add3A_554, %broadcast_in_dim3A_626], %gather3A_624 : memref<128x16xf32, #tpu.memory_space<vmem>>[vector<16xi32>, vector<16xi32>], vector<16xf32>,
    %add3A_627 = arith.constant 12 : i32
    %add3A_628 = vector.broadcast %add3A_627 : i32 to vector<16xi32>
    %add3A_629 = arith.addi %mul3A_551, %add3A_628 : vector<16xi32>
    %gather3A_630 = tpu.vector_load_idx %arg7[%add3A_554, %add3A_629] : memref<128x128xf32, #tpu.memory_space<vmem>>[vector<16xi32>, vector<16xi32>], vector<16xf32>,
    %broadcast_in_dim3A_631 = arith.constant 12 : i32
    %broadcast_in_dim3A_632 = vector.broadcast %broadcast_in_dim3A_631 : i32 to vector<16xi32>
    tpu.vector_store_idx %arg8[%add3A_554, %broadcast_in_dim3A_632], %gather3A_630 : memref<128x16xf32, #tpu.memory_space<vmem>>[vector<16xi32>, vector<16xi32>], vector<16xf32>,
    %add3A_633 = arith.constant 13 : i32
    %add3A_634 = vector.broadcast %add3A_633 : i32 to vector<16xi32>
    %add3A_635 = arith.addi %mul3A_551, %add3A_634 : vector<16xi32>
    %gather3A_636 = tpu.vector_load_idx %arg7[%add3A_554, %add3A_635] : memref<128x128xf32, #tpu.memory_space<vmem>>[vector<16xi32>, vector<16xi32>], vector<16xf32>,
    %broadcast_in_dim3A_637 = arith.constant 13 : i32
    %broadcast_in_dim3A_638 = vector.broadcast %broadcast_in_dim3A_637 : i32 to vector<16xi32>
    tpu.vector_store_idx %arg8[%add3A_554, %broadcast_in_dim3A_638], %gather3A_636 : memref<128x16xf32, #tpu.memory_space<vmem>>[vector<16xi32>, vector<16xi32>], vector<16xf32>,
    %add3A_639 = arith.constant 14 : i32
    %add3A_640 = vector.broadcast %add3A_639 : i32 to vector<16xi32>
    %add3A_641 = arith.addi %mul3A_551, %add3A_640 : vector<16xi32>
    %gather3A_642 = tpu.vector_load_idx %arg7[%add3A_554, %add3A_641] : memref<128x128xf32, #tpu.memory_space<vmem>>[vector<16xi32>, vector<16xi32>], vector<16xf32>,
    %broadcast_in_dim3A_643 = arith.constant 14 : i32
    %broadcast_in_dim3A_644 = vector.broadcast %broadcast_in_dim3A_643 : i32 to vector<16xi32>
    tpu.vector_store_idx %arg8[%add3A_554, %broadcast_in_dim3A_644], %gather3A_642 : memref<128x16xf32, #tpu.memory_space<vmem>>[vector<16xi32>, vector<16xi32>], vector<16xf32>,
    %add3A_645 = arith.constant 15 : i32
    %add3A_646 = vector.broadcast %add3A_645 : i32 to vector<16xi32>
    %add3A_647 = arith.addi %mul3A_551, %add3A_646 : vector<16xi32>
    %gather3A_648 = tpu.vector_load_idx %arg7[%add3A_554, %add3A_647] : memref<128x128xf32, #tpu.memory_space<vmem>>[vector<16xi32>, vector<16xi32>], vector<16xf32>,
    %broadcast_in_dim3A_649 = arith.constant 15 : i32
    %broadcast_in_dim3A_650 = vector.broadcast %broadcast_in_dim3A_649 : i32 to vector<16xi32>
    tpu.vector_store_idx %arg8[%add3A_554, %broadcast_in_dim3A_650], %gather3A_648 : memref<128x16xf32, #tpu.memory_space<vmem>>[vector<16xi32>, vector<16xi32>], vector<16xf32>,
    %get3A_651 = arith.constant 48 : index
    %get3A_652 = tpu.vector_load %arg5[%get3A_651] {strides = array<i32>} : memref<128xi32, #tpu.memory_space<vmem>>, vector<16xi32>,
    %jit3A_653 = arith.constant 8 : i32
    %eq3A_654 = arith.constant 0 : i32
    %eq3A_655 = arith.cmpi eq, %jit3A_653, %eq3A_654 : i32
    %jit3A_656 = arith.constant 1 : i32
    %select_n3A_657 = arith.select %eq3A_655, %jit3A_656, %jit3A_653 : i32
    %rem3A_658 = vector.broadcast %select_n3A_657 : i32 to vector<16xi32>
    %rem3A_659 = arith.remsi %get3A_652, %rem3A_658 : vector<16xi32>
    %ne3A_660 = arith.constant 0 : i32
    %ne3A_661 = vector.broadcast %ne3A_660 : i32 to vector<16xi32>
    %ne3A_662 = arith.cmpi ne, %rem3A_659, %ne3A_661 : vector<16xi32>
    %lt3A_663 = arith.constant 0 : i32
    %lt3A_664 = vector.broadcast %lt3A_663 : i32 to vector<16xi32>
    %lt3A_665 = arith.cmpi slt, %rem3A_659, %lt3A_664 : vector<16xi32>
    %lt3A_666 = arith.constant 0 : i32
    %lt3A_667 = arith.cmpi slt, %select_n3A_657, %lt3A_666 : i32
    %ne3A_668 = vector.broadcast %lt3A_667 : i1 to vector<16xi1>
    %ne3A_669 = vector.broadcast %ne3A_668 : vector<16xi1> to vector<16xi1>
    %ne3A_670 = arith.xori %lt3A_665, %ne3A_669 : vector<16xi1>
    %and3A_671 = arith.andi %ne3A_670, %ne3A_662 : vector<16xi1>
    %add3A_672 = vector.broadcast %select_n3A_657 : i32 to vector<16xi32>
    %add3A_673 = arith.addi %rem3A_659, %add3A_672 : vector<16xi32>
    %select_n3A_674 = arith.select %and3A_671, %add3A_673, %rem3A_659 : vector<16xi1>, vector<16xi32>
    %mul3A_675 = arith.constant 16 : i32
    %mul3A_676 = vector.broadcast %mul3A_675 : i32 to vector<16xi32>
    %mul3A_677 = arith.muli %select_n3A_674, %mul3A_676 : vector<16xi32>
    %add3A_678 = arith.constant 48 : i32
    %add3A_679 = vector.broadcast %add3A_678 : i32 to vector<16xi32>
    %add3A_680 = arith.addi %iota3A, %add3A_679 : vector<16xi32>
    %add3A_681 = arith.constant 0 : i32
    %add3A_682 = vector.broadcast %add3A_681 : i32 to vector<16xi32>
    %add3A_683 = arith.addi %mul3A_677, %add3A_682 : vector<16xi32>
    %gather3A_684 = tpu.vector_load_idx %arg7[%add3A_680, %add3A_683] : memref<128x128xf32, #tpu.memory_space<vmem>>[vector<16xi32>, vector<16xi32>], vector<16xf32>,
    %broadcast_in_dim3A_685 = arith.constant 0 : i32
    %broadcast_in_dim3A_686 = vector.broadcast %broadcast_in_dim3A_685 : i32 to vector<16xi32>
    tpu.vector_store_idx %arg8[%add3A_680, %broadcast_in_dim3A_686], %gather3A_684 : memref<128x16xf32, #tpu.memory_space<vmem>>[vector<16xi32>, vector<16xi32>], vector<16xf32>,
    %add3A_687 = arith.constant 1 : i32
    %add3A_688 = vector.broadcast %add3A_687 : i32 to vector<16xi32>
    %add3A_689 = arith.addi %mul3A_677, %add3A_688 : vector<16xi32>
    %gather3A_690 = tpu.vector_load_idx %arg7[%add3A_680, %add3A_689] : memref<128x128xf32, #tpu.memory_space<vmem>>[vector<16xi32>, vector<16xi32>], vector<16xf32>,
    %broadcast_in_dim3A_691 = arith.constant 1 : i32
    %broadcast_in_dim3A_692 = vector.broadcast %broadcast_in_dim3A_691 : i32 to vector<16xi32>
    tpu.vector_store_idx %arg8[%add3A_680, %broadcast_in_dim3A_692], %gather3A_690 : memref<128x16xf32, #tpu.memory_space<vmem>>[vector<16xi32>, vector<16xi32>], vector<16xf32>,
    %add3A_693 = arith.constant 2 : i32
    %add3A_694 = vector.broadcast %add3A_693 : i32 to vector<16xi32>
    %add3A_695 = arith.addi %mul3A_677, %add3A_694 : vector<16xi32>
    %gather3A_696 = tpu.vector_load_idx %arg7[%add3A_680, %add3A_695] : memref<128x128xf32, #tpu.memory_space<vmem>>[vector<16xi32>, vector<16xi32>], vector<16xf32>,
    %broadcast_in_dim3A_697 = arith.constant 2 : i32
    %broadcast_in_dim3A_698 = vector.broadcast %broadcast_in_dim3A_697 : i32 to vector<16xi32>
    tpu.vector_store_idx %arg8[%add3A_680, %broadcast_in_dim3A_698], %gather3A_696 : memref<128x16xf32, #tpu.memory_space<vmem>>[vector<16xi32>, vector<16xi32>], vector<16xf32>,
    %add3A_699 = arith.constant 3 : i32
    %add3A_700 = vector.broadcast %add3A_699 : i32 to vector<16xi32>
    %add3A_701 = arith.addi %mul3A_677, %add3A_700 : vector<16xi32>
    %gather3A_702 = tpu.vector_load_idx %arg7[%add3A_680, %add3A_701] : memref<128x128xf32, #tpu.memory_space<vmem>>[vector<16xi32>, vector<16xi32>], vector<16xf32>,
    %broadcast_in_dim3A_703 = arith.constant 3 : i32
    %broadcast_in_dim3A_704 = vector.broadcast %broadcast_in_dim3A_703 : i32 to vector<16xi32>
    tpu.vector_store_idx %arg8[%add3A_680, %broadcast_in_dim3A_704], %gather3A_702 : memref<128x16xf32, #tpu.memory_space<vmem>>[vector<16xi32>, vector<16xi32>], vector<16xf32>,
    %add3A_705 = arith.constant 4 : i32
    %add3A_706 = vector.broadcast %add3A_705 : i32 to vector<16xi32>
    %add3A_707 = arith.addi %mul3A_677, %add3A_706 : vector<16xi32>
    %gather3A_708 = tpu.vector_load_idx %arg7[%add3A_680, %add3A_707] : memref<128x128xf32, #tpu.memory_space<vmem>>[vector<16xi32>, vector<16xi32>], vector<16xf32>,
    %broadcast_in_dim3A_709 = arith.constant 4 : i32
    %broadcast_in_dim3A_710 = vector.broadcast %broadcast_in_dim3A_709 : i32 to vector<16xi32>
    tpu.vector_store_idx %arg8[%add3A_680, %broadcast_in_dim3A_710], %gather3A_708 : memref<128x16xf32, #tpu.memory_space<vmem>>[vector<16xi32>, vector<16xi32>], vector<16xf32>,
    %add3A_711 = arith.constant 5 : i32
    %add3A_712 = vector.broadcast %add3A_711 : i32 to vector<16xi32>
    %add3A_713 = arith.addi %mul3A_677, %add3A_712 : vector<16xi32>
    %gather3A_714 = tpu.vector_load_idx %arg7[%add3A_680, %add3A_713] : memref<128x128xf32, #tpu.memory_space<vmem>>[vector<16xi32>, vector<16xi32>], vector<16xf32>,
    %broadcast_in_dim3A_715 = arith.constant 5 : i32
    %broadcast_in_dim3A_716 = vector.broadcast %broadcast_in_dim3A_715 : i32 to vector<16xi32>
    tpu.vector_store_idx %arg8[%add3A_680, %broadcast_in_dim3A_716], %gather3A_714 : memref<128x16xf32, #tpu.memory_space<vmem>>[vector<16xi32>, vector<16xi32>], vector<16xf32>,
    %add3A_717 = arith.constant 6 : i32
    %add3A_718 = vector.broadcast %add3A_717 : i32 to vector<16xi32>
    %add3A_719 = arith.addi %mul3A_677, %add3A_718 : vector<16xi32>
    %gather3A_720 = tpu.vector_load_idx %arg7[%add3A_680, %add3A_719] : memref<128x128xf32, #tpu.memory_space<vmem>>[vector<16xi32>, vector<16xi32>], vector<16xf32>,
    %broadcast_in_dim3A_721 = arith.constant 6 : i32
    %broadcast_in_dim3A_722 = vector.broadcast %broadcast_in_dim3A_721 : i32 to vector<16xi32>
    tpu.vector_store_idx %arg8[%add3A_680, %broadcast_in_dim3A_722], %gather3A_720 : memref<128x16xf32, #tpu.memory_space<vmem>>[vector<16xi32>, vector<16xi32>], vector<16xf32>,
    %add3A_723 = arith.constant 7 : i32
    %add3A_724 = vector.broadcast %add3A_723 : i32 to vector<16xi32>
    %add3A_725 = arith.addi %mul3A_677, %add3A_724 : vector<16xi32>
    %gather3A_726 = tpu.vector_load_idx %arg7[%add3A_680, %add3A_725] : memref<128x128xf32, #tpu.memory_space<vmem>>[vector<16xi32>, vector<16xi32>], vector<16xf32>,
    %broadcast_in_dim3A_727 = arith.constant 7 : i32
    %broadcast_in_dim3A_728 = vector.broadcast %broadcast_in_dim3A_727 : i32 to vector<16xi32>
    tpu.vector_store_idx %arg8[%add3A_680, %broadcast_in_dim3A_728], %gather3A_726 : memref<128x16xf32, #tpu.memory_space<vmem>>[vector<16xi32>, vector<16xi32>], vector<16xf32>,
    %add3A_729 = arith.constant 8 : i32
    %add3A_730 = vector.broadcast %add3A_729 : i32 to vector<16xi32>
    %add3A_731 = arith.addi %mul3A_677, %add3A_730 : vector<16xi32>
    %gather3A_732 = tpu.vector_load_idx %arg7[%add3A_680, %add3A_731] : memref<128x128xf32, #tpu.memory_space<vmem>>[vector<16xi32>, vector<16xi32>], vector<16xf32>,
    %broadcast_in_dim3A_733 = arith.constant 8 : i32
    %broadcast_in_dim3A_734 = vector.broadcast %broadcast_in_dim3A_733 : i32 to vector<16xi32>
    tpu.vector_store_idx %arg8[%add3A_680, %broadcast_in_dim3A_734], %gather3A_732 : memref<128x16xf32, #tpu.memory_space<vmem>>[vector<16xi32>, vector<16xi32>], vector<16xf32>,
    %add3A_735 = arith.constant 9 : i32
    %add3A_736 = vector.broadcast %add3A_735 : i32 to vector<16xi32>
    %add3A_737 = arith.addi %mul3A_677, %add3A_736 : vector<16xi32>
    %gather3A_738 = tpu.vector_load_idx %arg7[%add3A_680, %add3A_737] : memref<128x128xf32, #tpu.memory_space<vmem>>[vector<16xi32>, vector<16xi32>], vector<16xf32>,
    %broadcast_in_dim3A_739 = arith.constant 9 : i32
    %broadcast_in_dim3A_740 = vector.broadcast %broadcast_in_dim3A_739 : i32 to vector<16xi32>
    tpu.vector_store_idx %arg8[%add3A_680, %broadcast_in_dim3A_740], %gather3A_738 : memref<128x16xf32, #tpu.memory_space<vmem>>[vector<16xi32>, vector<16xi32>], vector<16xf32>,
    %add3A_741 = arith.constant 10 : i32
    %add3A_742 = vector.broadcast %add3A_741 : i32 to vector<16xi32>
    %add3A_743 = arith.addi %mul3A_677, %add3A_742 : vector<16xi32>
    %gather3A_744 = tpu.vector_load_idx %arg7[%add3A_680, %add3A_743] : memref<128x128xf32, #tpu.memory_space<vmem>>[vector<16xi32>, vector<16xi32>], vector<16xf32>,
    %broadcast_in_dim3A_745 = arith.constant 10 : i32
    %broadcast_in_dim3A_746 = vector.broadcast %broadcast_in_dim3A_745 : i32 to vector<16xi32>
    tpu.vector_store_idx %arg8[%add3A_680, %broadcast_in_dim3A_746], %gather3A_744 : memref<128x16xf32, #tpu.memory_space<vmem>>[vector<16xi32>, vector<16xi32>], vector<16xf32>,
    %add3A_747 = arith.constant 11 : i32
    %add3A_748 = vector.broadcast %add3A_747 : i32 to vector<16xi32>
    %add3A_749 = arith.addi %mul3A_677, %add3A_748 : vector<16xi32>
    %gather3A_750 = tpu.vector_load_idx %arg7[%add3A_680, %add3A_749] : memref<128x128xf32, #tpu.memory_space<vmem>>[vector<16xi32>, vector<16xi32>], vector<16xf32>,
    %broadcast_in_dim3A_751 = arith.constant 11 : i32
    %broadcast_in_dim3A_752 = vector.broadcast %broadcast_in_dim3A_751 : i32 to vector<16xi32>
    tpu.vector_store_idx %arg8[%add3A_680, %broadcast_in_dim3A_752], %gather3A_750 : memref<128x16xf32, #tpu.memory_space<vmem>>[vector<16xi32>, vector<16xi32>], vector<16xf32>,
    %add3A_753 = arith.constant 12 : i32
    %add3A_754 = vector.broadcast %add3A_753 : i32 to vector<16xi32>
    %add3A_755 = arith.addi %mul3A_677, %add3A_754 : vector<16xi32>
    %gather3A_756 = tpu.vector_load_idx %arg7[%add3A_680, %add3A_755] : memref<128x128xf32, #tpu.memory_space<vmem>>[vector<16xi32>, vector<16xi32>], vector<16xf32>,
    %broadcast_in_dim3A_757 = arith.constant 12 : i32
    %broadcast_in_dim3A_758 = vector.broadcast %broadcast_in_dim3A_757 : i32 to vector<16xi32>
    tpu.vector_store_idx %arg8[%add3A_680, %broadcast_in_dim3A_758], %gather3A_756 : memref<128x16xf32, #tpu.memory_space<vmem>>[vector<16xi32>, vector<16xi32>], vector<16xf32>,
    %add3A_759 = arith.constant 13 : i32
    %add3A_760 = vector.broadcast %add3A_759 : i32 to vector<16xi32>
    %add3A_761 = arith.addi %mul3A_677, %add3A_760 : vector<16xi32>
    %gather3A_762 = tpu.vector_load_idx %arg7[%add3A_680, %add3A_761] : memref<128x128xf32, #tpu.memory_space<vmem>>[vector<16xi32>, vector<16xi32>], vector<16xf32>,
    %broadcast_in_dim3A_763 = arith.constant 13 : i32
    %broadcast_in_dim3A_764 = vector.broadcast %broadcast_in_dim3A_763 : i32 to vector<16xi32>
    tpu.vector_store_idx %arg8[%add3A_680, %broadcast_in_dim3A_764], %gather3A_762 : memref<128x16xf32, #tpu.memory_space<vmem>>[vector<16xi32>, vector<16xi32>], vector<16xf32>,
    %add3A_765 = arith.constant 14 : i32
    %add3A_766 = vector.broadcast %add3A_765 : i32 to vector<16xi32>
    %add3A_767 = arith.addi %mul3A_677, %add3A_766 : vector<16xi32>
    %gather3A_768 = tpu.vector_load_idx %arg7[%add3A_680, %add3A_767] : memref<128x128xf32, #tpu.memory_space<vmem>>[vector<16xi32>, vector<16xi32>], vector<16xf32>,
    %broadcast_in_dim3A_769 = arith.constant 14 : i32
    %broadcast_in_dim3A_770 = vector.broadcast %broadcast_in_dim3A_769 : i32 to vector<16xi32>
    tpu.vector_store_idx %arg8[%add3A_680, %broadcast_in_dim3A_770], %gather3A_768 : memref<128x16xf32, #tpu.memory_space<vmem>>[vector<16xi32>, vector<16xi32>], vector<16xf32>,
    %add3A_771 = arith.constant 15 : i32
    %add3A_772 = vector.broadcast %add3A_771 : i32 to vector<16xi32>
    %add3A_773 = arith.addi %mul3A_677, %add3A_772 : vector<16xi32>
    %gather3A_774 = tpu.vector_load_idx %arg7[%add3A_680, %add3A_773] : memref<128x128xf32, #tpu.memory_space<vmem>>[vector<16xi32>, vector<16xi32>], vector<16xf32>,
    %broadcast_in_dim3A_775 = arith.constant 15 : i32
    %broadcast_in_dim3A_776 = vector.broadcast %broadcast_in_dim3A_775 : i32 to vector<16xi32>
    tpu.vector_store_idx %arg8[%add3A_680, %broadcast_in_dim3A_776], %gather3A_774 : memref<128x16xf32, #tpu.memory_space<vmem>>[vector<16xi32>, vector<16xi32>], vector<16xf32>,
    %get3A_777 = arith.constant 64 : index
    %get3A_778 = tpu.vector_load %arg5[%get3A_777] {strides = array<i32>} : memref<128xi32, #tpu.memory_space<vmem>>, vector<16xi32>,
    %jit3A_779 = arith.constant 8 : i32
    %eq3A_780 = arith.constant 0 : i32
    %eq3A_781 = arith.cmpi eq, %jit3A_779, %eq3A_780 : i32
    %jit3A_782 = arith.constant 1 : i32
    %select_n3A_783 = arith.select %eq3A_781, %jit3A_782, %jit3A_779 : i32
    %rem3A_784 = vector.broadcast %select_n3A_783 : i32 to vector<16xi32>
    %rem3A_785 = arith.remsi %get3A_778, %rem3A_784 : vector<16xi32>
    %ne3A_786 = arith.constant 0 : i32
    %ne3A_787 = vector.broadcast %ne3A_786 : i32 to vector<16xi32>
    %ne3A_788 = arith.cmpi ne, %rem3A_785, %ne3A_787 : vector<16xi32>
    %lt3A_789 = arith.constant 0 : i32
    %lt3A_790 = vector.broadcast %lt3A_789 : i32 to vector<16xi32>
    %lt3A_791 = arith.cmpi slt, %rem3A_785, %lt3A_790 : vector<16xi32>
    %lt3A_792 = arith.constant 0 : i32
    %lt3A_793 = arith.cmpi slt, %select_n3A_783, %lt3A_792 : i32
    %ne3A_794 = vector.broadcast %lt3A_793 : i1 to vector<16xi1>
    %ne3A_795 = vector.broadcast %ne3A_794 : vector<16xi1> to vector<16xi1>
    %ne3A_796 = arith.xori %lt3A_791, %ne3A_795 : vector<16xi1>
    %and3A_797 = arith.andi %ne3A_796, %ne3A_788 : vector<16xi1>
    %add3A_798 = vector.broadcast %select_n3A_783 : i32 to vector<16xi32>
    %add3A_799 = arith.addi %rem3A_785, %add3A_798 : vector<16xi32>
    %select_n3A_800 = arith.select %and3A_797, %add3A_799, %rem3A_785 : vector<16xi1>, vector<16xi32>
    %mul3A_801 = arith.constant 16 : i32
    %mul3A_802 = vector.broadcast %mul3A_801 : i32 to vector<16xi32>
    %mul3A_803 = arith.muli %select_n3A_800, %mul3A_802 : vector<16xi32>
    %add3A_804 = arith.constant 64 : i32
    %add3A_805 = vector.broadcast %add3A_804 : i32 to vector<16xi32>
    %add3A_806 = arith.addi %iota3A, %add3A_805 : vector<16xi32>
    %add3A_807 = arith.constant 0 : i32
    %add3A_808 = vector.broadcast %add3A_807 : i32 to vector<16xi32>
    %add3A_809 = arith.addi %mul3A_803, %add3A_808 : vector<16xi32>
    %gather3A_810 = tpu.vector_load_idx %arg7[%add3A_806, %add3A_809] : memref<128x128xf32, #tpu.memory_space<vmem>>[vector<16xi32>, vector<16xi32>], vector<16xf32>,
    %broadcast_in_dim3A_811 = arith.constant 0 : i32
    %broadcast_in_dim3A_812 = vector.broadcast %broadcast_in_dim3A_811 : i32 to vector<16xi32>
    tpu.vector_store_idx %arg8[%add3A_806, %broadcast_in_dim3A_812], %gather3A_810 : memref<128x16xf32, #tpu.memory_space<vmem>>[vector<16xi32>, vector<16xi32>], vector<16xf32>,
    %add3A_813 = arith.constant 1 : i32
    %add3A_814 = vector.broadcast %add3A_813 : i32 to vector<16xi32>
    %add3A_815 = arith.addi %mul3A_803, %add3A_814 : vector<16xi32>
    %gather3A_816 = tpu.vector_load_idx %arg7[%add3A_806, %add3A_815] : memref<128x128xf32, #tpu.memory_space<vmem>>[vector<16xi32>, vector<16xi32>], vector<16xf32>,
    %broadcast_in_dim3A_817 = arith.constant 1 : i32
    %broadcast_in_dim3A_818 = vector.broadcast %broadcast_in_dim3A_817 : i32 to vector<16xi32>
    tpu.vector_store_idx %arg8[%add3A_806, %broadcast_in_dim3A_818], %gather3A_816 : memref<128x16xf32, #tpu.memory_space<vmem>>[vector<16xi32>, vector<16xi32>], vector<16xf32>,
    %add3A_819 = arith.constant 2 : i32
    %add3A_820 = vector.broadcast %add3A_819 : i32 to vector<16xi32>
    %add3A_821 = arith.addi %mul3A_803, %add3A_820 : vector<16xi32>
    %gather3A_822 = tpu.vector_load_idx %arg7[%add3A_806, %add3A_821] : memref<128x128xf32, #tpu.memory_space<vmem>>[vector<16xi32>, vector<16xi32>], vector<16xf32>,
    %broadcast_in_dim3A_823 = arith.constant 2 : i32
    %broadcast_in_dim3A_824 = vector.broadcast %broadcast_in_dim3A_823 : i32 to vector<16xi32>
    tpu.vector_store_idx %arg8[%add3A_806, %broadcast_in_dim3A_824], %gather3A_822 : memref<128x16xf32, #tpu.memory_space<vmem>>[vector<16xi32>, vector<16xi32>], vector<16xf32>,
    %add3A_825 = arith.constant 3 : i32
    %add3A_826 = vector.broadcast %add3A_825 : i32 to vector<16xi32>
    %add3A_827 = arith.addi %mul3A_803, %add3A_826 : vector<16xi32>
    %gather3A_828 = tpu.vector_load_idx %arg7[%add3A_806, %add3A_827] : memref<128x128xf32, #tpu.memory_space<vmem>>[vector<16xi32>, vector<16xi32>], vector<16xf32>,
    %broadcast_in_dim3A_829 = arith.constant 3 : i32
    %broadcast_in_dim3A_830 = vector.broadcast %broadcast_in_dim3A_829 : i32 to vector<16xi32>
    tpu.vector_store_idx %arg8[%add3A_806, %broadcast_in_dim3A_830], %gather3A_828 : memref<128x16xf32, #tpu.memory_space<vmem>>[vector<16xi32>, vector<16xi32>], vector<16xf32>,
    %add3A_831 = arith.constant 4 : i32
    %add3A_832 = vector.broadcast %add3A_831 : i32 to vector<16xi32>
    %add3A_833 = arith.addi %mul3A_803, %add3A_832 : vector<16xi32>
    %gather3A_834 = tpu.vector_load_idx %arg7[%add3A_806, %add3A_833] : memref<128x128xf32, #tpu.memory_space<vmem>>[vector<16xi32>, vector<16xi32>], vector<16xf32>,
    %broadcast_in_dim3A_835 = arith.constant 4 : i32
    %broadcast_in_dim3A_836 = vector.broadcast %broadcast_in_dim3A_835 : i32 to vector<16xi32>
    tpu.vector_store_idx %arg8[%add3A_806, %broadcast_in_dim3A_836], %gather3A_834 : memref<128x16xf32, #tpu.memory_space<vmem>>[vector<16xi32>, vector<16xi32>], vector<16xf32>,
    %add3A_837 = arith.constant 5 : i32
    %add3A_838 = vector.broadcast %add3A_837 : i32 to vector<16xi32>
    %add3A_839 = arith.addi %mul3A_803, %add3A_838 : vector<16xi32>
    %gather3A_840 = tpu.vector_load_idx %arg7[%add3A_806, %add3A_839] : memref<128x128xf32, #tpu.memory_space<vmem>>[vector<16xi32>, vector<16xi32>], vector<16xf32>,
    %broadcast_in_dim3A_841 = arith.constant 5 : i32
    %broadcast_in_dim3A_842 = vector.broadcast %broadcast_in_dim3A_841 : i32 to vector<16xi32>
    tpu.vector_store_idx %arg8[%add3A_806, %broadcast_in_dim3A_842], %gather3A_840 : memref<128x16xf32, #tpu.memory_space<vmem>>[vector<16xi32>, vector<16xi32>], vector<16xf32>,
    %add3A_843 = arith.constant 6 : i32
    %add3A_844 = vector.broadcast %add3A_843 : i32 to vector<16xi32>
    %add3A_845 = arith.addi %mul3A_803, %add3A_844 : vector<16xi32>
    %gather3A_846 = tpu.vector_load_idx %arg7[%add3A_806, %add3A_845] : memref<128x128xf32, #tpu.memory_space<vmem>>[vector<16xi32>, vector<16xi32>], vector<16xf32>,
    %broadcast_in_dim3A_847 = arith.constant 6 : i32
    %broadcast_in_dim3A_848 = vector.broadcast %broadcast_in_dim3A_847 : i32 to vector<16xi32>
    tpu.vector_store_idx %arg8[%add3A_806, %broadcast_in_dim3A_848], %gather3A_846 : memref<128x16xf32, #tpu.memory_space<vmem>>[vector<16xi32>, vector<16xi32>], vector<16xf32>,
    %add3A_849 = arith.constant 7 : i32
    %add3A_850 = vector.broadcast %add3A_849 : i32 to vector<16xi32>
    %add3A_851 = arith.addi %mul3A_803, %add3A_850 : vector<16xi32>
    %gather3A_852 = tpu.vector_load_idx %arg7[%add3A_806, %add3A_851] : memref<128x128xf32, #tpu.memory_space<vmem>>[vector<16xi32>, vector<16xi32>], vector<16xf32>,
    %broadcast_in_dim3A_853 = arith.constant 7 : i32
    %broadcast_in_dim3A_854 = vector.broadcast %broadcast_in_dim3A_853 : i32 to vector<16xi32>
    tpu.vector_store_idx %arg8[%add3A_806, %broadcast_in_dim3A_854], %gather3A_852 : memref<128x16xf32, #tpu.memory_space<vmem>>[vector<16xi32>, vector<16xi32>], vector<16xf32>,
    %add3A_855 = arith.constant 8 : i32
    %add3A_856 = vector.broadcast %add3A_855 : i32 to vector<16xi32>
    %add3A_857 = arith.addi %mul3A_803, %add3A_856 : vector<16xi32>
    %gather3A_858 = tpu.vector_load_idx %arg7[%add3A_806, %add3A_857] : memref<128x128xf32, #tpu.memory_space<vmem>>[vector<16xi32>, vector<16xi32>], vector<16xf32>,
    %broadcast_in_dim3A_859 = arith.constant 8 : i32
    %broadcast_in_dim3A_860 = vector.broadcast %broadcast_in_dim3A_859 : i32 to vector<16xi32>
    tpu.vector_store_idx %arg8[%add3A_806, %broadcast_in_dim3A_860], %gather3A_858 : memref<128x16xf32, #tpu.memory_space<vmem>>[vector<16xi32>, vector<16xi32>], vector<16xf32>,
    %add3A_861 = arith.constant 9 : i32
    %add3A_862 = vector.broadcast %add3A_861 : i32 to vector<16xi32>
    %add3A_863 = arith.addi %mul3A_803, %add3A_862 : vector<16xi32>
    %gather3A_864 = tpu.vector_load_idx %arg7[%add3A_806, %add3A_863] : memref<128x128xf32, #tpu.memory_space<vmem>>[vector<16xi32>, vector<16xi32>], vector<16xf32>,
    %broadcast_in_dim3A_865 = arith.constant 9 : i32
    %broadcast_in_dim3A_866 = vector.broadcast %broadcast_in_dim3A_865 : i32 to vector<16xi32>
    tpu.vector_store_idx %arg8[%add3A_806, %broadcast_in_dim3A_866], %gather3A_864 : memref<128x16xf32, #tpu.memory_space<vmem>>[vector<16xi32>, vector<16xi32>], vector<16xf32>,
    %add3A_867 = arith.constant 10 : i32
    %add3A_868 = vector.broadcast %add3A_867 : i32 to vector<16xi32>
    %add3A_869 = arith.addi %mul3A_803, %add3A_868 : vector<16xi32>
    %gather3A_870 = tpu.vector_load_idx %arg7[%add3A_806, %add3A_869] : memref<128x128xf32, #tpu.memory_space<vmem>>[vector<16xi32>, vector<16xi32>], vector<16xf32>,
    %broadcast_in_dim3A_871 = arith.constant 10 : i32
    %broadcast_in_dim3A_872 = vector.broadcast %broadcast_in_dim3A_871 : i32 to vector<16xi32>
    tpu.vector_store_idx %arg8[%add3A_806, %broadcast_in_dim3A_872], %gather3A_870 : memref<128x16xf32, #tpu.memory_space<vmem>>[vector<16xi32>, vector<16xi32>], vector<16xf32>,
    %add3A_873 = arith.constant 11 : i32
    %add3A_874 = vector.broadcast %add3A_873 : i32 to vector<16xi32>
    %add3A_875 = arith.addi %mul3A_803, %add3A_874 : vector<16xi32>
    %gather3A_876 = tpu.vector_load_idx %arg7[%add3A_806, %add3A_875] : memref<128x128xf32, #tpu.memory_space<vmem>>[vector<16xi32>, vector<16xi32>], vector<16xf32>,
    %broadcast_in_dim3A_877 = arith.constant 11 : i32
    %broadcast_in_dim3A_878 = vector.broadcast %broadcast_in_dim3A_877 : i32 to vector<16xi32>
    tpu.vector_store_idx %arg8[%add3A_806, %broadcast_in_dim3A_878], %gather3A_876 : memref<128x16xf32, #tpu.memory_space<vmem>>[vector<16xi32>, vector<16xi32>], vector<16xf32>,
    %add3A_879 = arith.constant 12 : i32
    %add3A_880 = vector.broadcast %add3A_879 : i32 to vector<16xi32>
    %add3A_881 = arith.addi %mul3A_803, %add3A_880 : vector<16xi32>
    %gather3A_882 = tpu.vector_load_idx %arg7[%add3A_806, %add3A_881] : memref<128x128xf32, #tpu.memory_space<vmem>>[vector<16xi32>, vector<16xi32>], vector<16xf32>,
    %broadcast_in_dim3A_883 = arith.constant 12 : i32
    %broadcast_in_dim3A_884 = vector.broadcast %broadcast_in_dim3A_883 : i32 to vector<16xi32>
    tpu.vector_store_idx %arg8[%add3A_806, %broadcast_in_dim3A_884], %gather3A_882 : memref<128x16xf32, #tpu.memory_space<vmem>>[vector<16xi32>, vector<16xi32>], vector<16xf32>,
    %add3A_885 = arith.constant 13 : i32
    %add3A_886 = vector.broadcast %add3A_885 : i32 to vector<16xi32>
    %add3A_887 = arith.addi %mul3A_803, %add3A_886 : vector<16xi32>
    %gather3A_888 = tpu.vector_load_idx %arg7[%add3A_806, %add3A_887] : memref<128x128xf32, #tpu.memory_space<vmem>>[vector<16xi32>, vector<16xi32>], vector<16xf32>,
    %broadcast_in_dim3A_889 = arith.constant 13 : i32
    %broadcast_in_dim3A_890 = vector.broadcast %broadcast_in_dim3A_889 : i32 to vector<16xi32>
    tpu.vector_store_idx %arg8[%add3A_806, %broadcast_in_dim3A_890], %gather3A_888 : memref<128x16xf32, #tpu.memory_space<vmem>>[vector<16xi32>, vector<16xi32>], vector<16xf32>,
    %add3A_891 = arith.constant 14 : i32
    %add3A_892 = vector.broadcast %add3A_891 : i32 to vector<16xi32>
    %add3A_893 = arith.addi %mul3A_803, %add3A_892 : vector<16xi32>
    %gather3A_894 = tpu.vector_load_idx %arg7[%add3A_806, %add3A_893] : memref<128x128xf32, #tpu.memory_space<vmem>>[vector<16xi32>, vector<16xi32>], vector<16xf32>,
    %broadcast_in_dim3A_895 = arith.constant 14 : i32
    %broadcast_in_dim3A_896 = vector.broadcast %broadcast_in_dim3A_895 : i32 to vector<16xi32>
    tpu.vector_store_idx %arg8[%add3A_806, %broadcast_in_dim3A_896], %gather3A_894 : memref<128x16xf32, #tpu.memory_space<vmem>>[vector<16xi32>, vector<16xi32>], vector<16xf32>,
    %add3A_897 = arith.constant 15 : i32
    %add3A_898 = vector.broadcast %add3A_897 : i32 to vector<16xi32>
    %add3A_899 = arith.addi %mul3A_803, %add3A_898 : vector<16xi32>
    %gather3A_900 = tpu.vector_load_idx %arg7[%add3A_806, %add3A_899] : memref<128x128xf32, #tpu.memory_space<vmem>>[vector<16xi32>, vector<16xi32>], vector<16xf32>,
    %broadcast_in_dim3A_901 = arith.constant 15 : i32
    %broadcast_in_dim3A_902 = vector.broadcast %broadcast_in_dim3A_901 : i32 to vector<16xi32>
    tpu.vector_store_idx %arg8[%add3A_806, %broadcast_in_dim3A_902], %gather3A_900 : memref<128x16xf32, #tpu.memory_space<vmem>>[vector<16xi32>, vector<16xi32>], vector<16xf32>,
    %get3A_903 = arith.constant 80 : index
    %get3A_904 = tpu.vector_load %arg5[%get3A_903] {strides = array<i32>} : memref<128xi32, #tpu.memory_space<vmem>>, vector<16xi32>,
    %jit3A_905 = arith.constant 8 : i32
    %eq3A_906 = arith.constant 0 : i32
    %eq3A_907 = arith.cmpi eq, %jit3A_905, %eq3A_906 : i32
    %jit3A_908 = arith.constant 1 : i32
    %select_n3A_909 = arith.select %eq3A_907, %jit3A_908, %jit3A_905 : i32
    %rem3A_910 = vector.broadcast %select_n3A_909 : i32 to vector<16xi32>
    %rem3A_911 = arith.remsi %get3A_904, %rem3A_910 : vector<16xi32>
    %ne3A_912 = arith.constant 0 : i32
    %ne3A_913 = vector.broadcast %ne3A_912 : i32 to vector<16xi32>
    %ne3A_914 = arith.cmpi ne, %rem3A_911, %ne3A_913 : vector<16xi32>
    %lt3A_915 = arith.constant 0 : i32
    %lt3A_916 = vector.broadcast %lt3A_915 : i32 to vector<16xi32>
    %lt3A_917 = arith.cmpi slt, %rem3A_911, %lt3A_916 : vector<16xi32>
    %lt3A_918 = arith.constant 0 : i32
    %lt3A_919 = arith.cmpi slt, %select_n3A_909, %lt3A_918 : i32
    %ne3A_920 = vector.broadcast %lt3A_919 : i1 to vector<16xi1>
    %ne3A_921 = vector.broadcast %ne3A_920 : vector<16xi1> to vector<16xi1>
    %ne3A_922 = arith.xori %lt3A_917, %ne3A_921 : vector<16xi1>
    %and3A_923 = arith.andi %ne3A_922, %ne3A_914 : vector<16xi1>
    %add3A_924 = vector.broadcast %select_n3A_909 : i32 to vector<16xi32>
    %add3A_925 = arith.addi %rem3A_911, %add3A_924 : vector<16xi32>
    %select_n3A_926 = arith.select %and3A_923, %add3A_925, %rem3A_911 : vector<16xi1>, vector<16xi32>
    %mul3A_927 = arith.constant 16 : i32
    %mul3A_928 = vector.broadcast %mul3A_927 : i32 to vector<16xi32>
    %mul3A_929 = arith.muli %select_n3A_926, %mul3A_928 : vector<16xi32>
    %add3A_930 = arith.constant 80 : i32
    %add3A_931 = vector.broadcast %add3A_930 : i32 to vector<16xi32>
    %add3A_932 = arith.addi %iota3A, %add3A_931 : vector<16xi32>
    %add3A_933 = arith.constant 0 : i32
    %add3A_934 = vector.broadcast %add3A_933 : i32 to vector<16xi32>
    %add3A_935 = arith.addi %mul3A_929, %add3A_934 : vector<16xi32>
    %gather3A_936 = tpu.vector_load_idx %arg7[%add3A_932, %add3A_935] : memref<128x128xf32, #tpu.memory_space<vmem>>[vector<16xi32>, vector<16xi32>], vector<16xf32>,
    %broadcast_in_dim3A_937 = arith.constant 0 : i32
    %broadcast_in_dim3A_938 = vector.broadcast %broadcast_in_dim3A_937 : i32 to vector<16xi32>
    tpu.vector_store_idx %arg8[%add3A_932, %broadcast_in_dim3A_938], %gather3A_936 : memref<128x16xf32, #tpu.memory_space<vmem>>[vector<16xi32>, vector<16xi32>], vector<16xf32>,
    %add3A_939 = arith.constant 1 : i32
    %add3A_940 = vector.broadcast %add3A_939 : i32 to vector<16xi32>
    %add3A_941 = arith.addi %mul3A_929, %add3A_940 : vector<16xi32>
    %gather3A_942 = tpu.vector_load_idx %arg7[%add3A_932, %add3A_941] : memref<128x128xf32, #tpu.memory_space<vmem>>[vector<16xi32>, vector<16xi32>], vector<16xf32>,
    %broadcast_in_dim3A_943 = arith.constant 1 : i32
    %broadcast_in_dim3A_944 = vector.broadcast %broadcast_in_dim3A_943 : i32 to vector<16xi32>
    tpu.vector_store_idx %arg8[%add3A_932, %broadcast_in_dim3A_944], %gather3A_942 : memref<128x16xf32, #tpu.memory_space<vmem>>[vector<16xi32>, vector<16xi32>], vector<16xf32>,
    %add3A_945 = arith.constant 2 : i32
    %add3A_946 = vector.broadcast %add3A_945 : i32 to vector<16xi32>
    %add3A_947 = arith.addi %mul3A_929, %add3A_946 : vector<16xi32>
    %gather3A_948 = tpu.vector_load_idx %arg7[%add3A_932, %add3A_947] : memref<128x128xf32, #tpu.memory_space<vmem>>[vector<16xi32>, vector<16xi32>], vector<16xf32>,
    %broadcast_in_dim3A_949 = arith.constant 2 : i32
    %broadcast_in_dim3A_950 = vector.broadcast %broadcast_in_dim3A_949 : i32 to vector<16xi32>
    tpu.vector_store_idx %arg8[%add3A_932, %broadcast_in_dim3A_950], %gather3A_948 : memref<128x16xf32, #tpu.memory_space<vmem>>[vector<16xi32>, vector<16xi32>], vector<16xf32>,
    %add3A_951 = arith.constant 3 : i32
    %add3A_952 = vector.broadcast %add3A_951 : i32 to vector<16xi32>
    %add3A_953 = arith.addi %mul3A_929, %add3A_952 : vector<16xi32>
    %gather3A_954 = tpu.vector_load_idx %arg7[%add3A_932, %add3A_953] : memref<128x128xf32, #tpu.memory_space<vmem>>[vector<16xi32>, vector<16xi32>], vector<16xf32>,
    %broadcast_in_dim3A_955 = arith.constant 3 : i32
    %broadcast_in_dim3A_956 = vector.broadcast %broadcast_in_dim3A_955 : i32 to vector<16xi32>
    tpu.vector_store_idx %arg8[%add3A_932, %broadcast_in_dim3A_956], %gather3A_954 : memref<128x16xf32, #tpu.memory_space<vmem>>[vector<16xi32>, vector<16xi32>], vector<16xf32>,
    %add3A_957 = arith.constant 4 : i32
    %add3A_958 = vector.broadcast %add3A_957 : i32 to vector<16xi32>
    %add3A_959 = arith.addi %mul3A_929, %add3A_958 : vector<16xi32>
    %gather3A_960 = tpu.vector_load_idx %arg7[%add3A_932, %add3A_959] : memref<128x128xf32, #tpu.memory_space<vmem>>[vector<16xi32>, vector<16xi32>], vector<16xf32>,
    %broadcast_in_dim3A_961 = arith.constant 4 : i32
    %broadcast_in_dim3A_962 = vector.broadcast %broadcast_in_dim3A_961 : i32 to vector<16xi32>
    tpu.vector_store_idx %arg8[%add3A_932, %broadcast_in_dim3A_962], %gather3A_960 : memref<128x16xf32, #tpu.memory_space<vmem>>[vector<16xi32>, vector<16xi32>], vector<16xf32>,
    %add3A_963 = arith.constant 5 : i32
    %add3A_964 = vector.broadcast %add3A_963 : i32 to vector<16xi32>
    %add3A_965 = arith.addi %mul3A_929, %add3A_964 : vector<16xi32>
    %gather3A_966 = tpu.vector_load_idx %arg7[%add3A_932, %add3A_965] : memref<128x128xf32, #tpu.memory_space<vmem>>[vector<16xi32>, vector<16xi32>], vector<16xf32>,
    %broadcast_in_dim3A_967 = arith.constant 5 : i32
    %broadcast_in_dim3A_968 = vector.broadcast %broadcast_in_dim3A_967 : i32 to vector<16xi32>
    tpu.vector_store_idx %arg8[%add3A_932, %broadcast_in_dim3A_968], %gather3A_966 : memref<128x16xf32, #tpu.memory_space<vmem>>[vector<16xi32>, vector<16xi32>], vector<16xf32>,
    %add3A_969 = arith.constant 6 : i32
    %add3A_970 = vector.broadcast %add3A_969 : i32 to vector<16xi32>
    %add3A_971 = arith.addi %mul3A_929, %add3A_970 : vector<16xi32>
    %gather3A_972 = tpu.vector_load_idx %arg7[%add3A_932, %add3A_971] : memref<128x128xf32, #tpu.memory_space<vmem>>[vector<16xi32>, vector<16xi32>], vector<16xf32>,
    %broadcast_in_dim3A_973 = arith.constant 6 : i32
    %broadcast_in_dim3A_974 = vector.broadcast %broadcast_in_dim3A_973 : i32 to vector<16xi32>
    tpu.vector_store_idx %arg8[%add3A_932, %broadcast_in_dim3A_974], %gather3A_972 : memref<128x16xf32, #tpu.memory_space<vmem>>[vector<16xi32>, vector<16xi32>], vector<16xf32>,
    %add3A_975 = arith.constant 7 : i32
    %add3A_976 = vector.broadcast %add3A_975 : i32 to vector<16xi32>
    %add3A_977 = arith.addi %mul3A_929, %add3A_976 : vector<16xi32>
    %gather3A_978 = tpu.vector_load_idx %arg7[%add3A_932, %add3A_977] : memref<128x128xf32, #tpu.memory_space<vmem>>[vector<16xi32>, vector<16xi32>], vector<16xf32>,
    %broadcast_in_dim3A_979 = arith.constant 7 : i32
    %broadcast_in_dim3A_980 = vector.broadcast %broadcast_in_dim3A_979 : i32 to vector<16xi32>
    tpu.vector_store_idx %arg8[%add3A_932, %broadcast_in_dim3A_980], %gather3A_978 : memref<128x16xf32, #tpu.memory_space<vmem>>[vector<16xi32>, vector<16xi32>], vector<16xf32>,
    %add3A_981 = arith.constant 8 : i32
    %add3A_982 = vector.broadcast %add3A_981 : i32 to vector<16xi32>
    %add3A_983 = arith.addi %mul3A_929, %add3A_982 : vector<16xi32>
    %gather3A_984 = tpu.vector_load_idx %arg7[%add3A_932, %add3A_983] : memref<128x128xf32, #tpu.memory_space<vmem>>[vector<16xi32>, vector<16xi32>], vector<16xf32>,
    %broadcast_in_dim3A_985 = arith.constant 8 : i32
    %broadcast_in_dim3A_986 = vector.broadcast %broadcast_in_dim3A_985 : i32 to vector<16xi32>
    tpu.vector_store_idx %arg8[%add3A_932, %broadcast_in_dim3A_986], %gather3A_984 : memref<128x16xf32, #tpu.memory_space<vmem>>[vector<16xi32>, vector<16xi32>], vector<16xf32>,
    %add3A_987 = arith.constant 9 : i32
    %add3A_988 = vector.broadcast %add3A_987 : i32 to vector<16xi32>
    %add3A_989 = arith.addi %mul3A_929, %add3A_988 : vector<16xi32>
    %gather3A_990 = tpu.vector_load_idx %arg7[%add3A_932, %add3A_989] : memref<128x128xf32, #tpu.memory_space<vmem>>[vector<16xi32>, vector<16xi32>], vector<16xf32>,
    %broadcast_in_dim3A_991 = arith.constant 9 : i32
    %broadcast_in_dim3A_992 = vector.broadcast %broadcast_in_dim3A_991 : i32 to vector<16xi32>
    tpu.vector_store_idx %arg8[%add3A_932, %broadcast_in_dim3A_992], %gather3A_990 : memref<128x16xf32, #tpu.memory_space<vmem>>[vector<16xi32>, vector<16xi32>], vector<16xf32>,
    %add3A_993 = arith.constant 10 : i32
    %add3A_994 = vector.broadcast %add3A_993 : i32 to vector<16xi32>
    %add3A_995 = arith.addi %mul3A_929, %add3A_994 : vector<16xi32>
    %gather3A_996 = tpu.vector_load_idx %arg7[%add3A_932, %add3A_995] : memref<128x128xf32, #tpu.memory_space<vmem>>[vector<16xi32>, vector<16xi32>], vector<16xf32>,
    %broadcast_in_dim3A_997 = arith.constant 10 : i32
    %broadcast_in_dim3A_998 = vector.broadcast %broadcast_in_dim3A_997 : i32 to vector<16xi32>
    tpu.vector_store_idx %arg8[%add3A_932, %broadcast_in_dim3A_998], %gather3A_996 : memref<128x16xf32, #tpu.memory_space<vmem>>[vector<16xi32>, vector<16xi32>], vector<16xf32>,
    %add3A_999 = arith.constant 11 : i32
    %add3A_1000 = vector.broadcast %add3A_999 : i32 to vector<16xi32>
    %add3A_1001 = arith.addi %mul3A_929, %add3A_1000 : vector<16xi32>
    %gather3A_1002 = tpu.vector_load_idx %arg7[%add3A_932, %add3A_1001] : memref<128x128xf32, #tpu.memory_space<vmem>>[vector<16xi32>, vector<16xi32>], vector<16xf32>,
    %broadcast_in_dim3A_1003 = arith.constant 11 : i32
    %broadcast_in_dim3A_1004 = vector.broadcast %broadcast_in_dim3A_1003 : i32 to vector<16xi32>
    tpu.vector_store_idx %arg8[%add3A_932, %broadcast_in_dim3A_1004], %gather3A_1002 : memref<128x16xf32, #tpu.memory_space<vmem>>[vector<16xi32>, vector<16xi32>], vector<16xf32>,
    %add3A_1005 = arith.constant 12 : i32
    %add3A_1006 = vector.broadcast %add3A_1005 : i32 to vector<16xi32>
    %add3A_1007 = arith.addi %mul3A_929, %add3A_1006 : vector<16xi32>
    %gather3A_1008 = tpu.vector_load_idx %arg7[%add3A_932, %add3A_1007] : memref<128x128xf32, #tpu.memory_space<vmem>>[vector<16xi32>, vector<16xi32>], vector<16xf32>,
    %broadcast_in_dim3A_1009 = arith.constant 12 : i32
    %broadcast_in_dim3A_1010 = vector.broadcast %broadcast_in_dim3A_1009 : i32 to vector<16xi32>
    tpu.vector_store_idx %arg8[%add3A_932, %broadcast_in_dim3A_1010], %gather3A_1008 : memref<128x16xf32, #tpu.memory_space<vmem>>[vector<16xi32>, vector<16xi32>], vector<16xf32>,
    %add3A_1011 = arith.constant 13 : i32
    %add3A_1012 = vector.broadcast %add3A_1011 : i32 to vector<16xi32>
    %add3A_1013 = arith.addi %mul3A_929, %add3A_1012 : vector<16xi32>
    %gather3A_1014 = tpu.vector_load_idx %arg7[%add3A_932, %add3A_1013] : memref<128x128xf32, #tpu.memory_space<vmem>>[vector<16xi32>, vector<16xi32>], vector<16xf32>,
    %broadcast_in_dim3A_1015 = arith.constant 13 : i32
    %broadcast_in_dim3A_1016 = vector.broadcast %broadcast_in_dim3A_1015 : i32 to vector<16xi32>
    tpu.vector_store_idx %arg8[%add3A_932, %broadcast_in_dim3A_1016], %gather3A_1014 : memref<128x16xf32, #tpu.memory_space<vmem>>[vector<16xi32>, vector<16xi32>], vector<16xf32>,
    %add3A_1017 = arith.constant 14 : i32
    %add3A_1018 = vector.broadcast %add3A_1017 : i32 to vector<16xi32>
    %add3A_1019 = arith.addi %mul3A_929, %add3A_1018 : vector<16xi32>
    %gather3A_1020 = tpu.vector_load_idx %arg7[%add3A_932, %add3A_1019] : memref<128x128xf32, #tpu.memory_space<vmem>>[vector<16xi32>, vector<16xi32>], vector<16xf32>,
    %broadcast_in_dim3A_1021 = arith.constant 14 : i32
    %broadcast_in_dim3A_1022 = vector.broadcast %broadcast_in_dim3A_1021 : i32 to vector<16xi32>
    tpu.vector_store_idx %arg8[%add3A_932, %broadcast_in_dim3A_1022], %gather3A_1020 : memref<128x16xf32, #tpu.memory_space<vmem>>[vector<16xi32>, vector<16xi32>], vector<16xf32>,
    %add3A_1023 = arith.constant 15 : i32
    %add3A_1024 = vector.broadcast %add3A_1023 : i32 to vector<16xi32>
    %add3A_1025 = arith.addi %mul3A_929, %add3A_1024 : vector<16xi32>
    %gather3A_1026 = tpu.vector_load_idx %arg7[%add3A_932, %add3A_1025] : memref<128x128xf32, #tpu.memory_space<vmem>>[vector<16xi32>, vector<16xi32>], vector<16xf32>,
    %broadcast_in_dim3A_1027 = arith.constant 15 : i32
    %broadcast_in_dim3A_1028 = vector.broadcast %broadcast_in_dim3A_1027 : i32 to vector<16xi32>
    tpu.vector_store_idx %arg8[%add3A_932, %broadcast_in_dim3A_1028], %gather3A_1026 : memref<128x16xf32, #tpu.memory_space<vmem>>[vector<16xi32>, vector<16xi32>], vector<16xf32>,
    %get3A_1029 = arith.constant 96 : index
    %get3A_1030 = tpu.vector_load %arg5[%get3A_1029] {strides = array<i32>} : memref<128xi32, #tpu.memory_space<vmem>>, vector<16xi32>,
    %jit3A_1031 = arith.constant 8 : i32
    %eq3A_1032 = arith.constant 0 : i32
    %eq3A_1033 = arith.cmpi eq, %jit3A_1031, %eq3A_1032 : i32
    %jit3A_1034 = arith.constant 1 : i32
    %select_n3A_1035 = arith.select %eq3A_1033, %jit3A_1034, %jit3A_1031 : i32
    %rem3A_1036 = vector.broadcast %select_n3A_1035 : i32 to vector<16xi32>
    %rem3A_1037 = arith.remsi %get3A_1030, %rem3A_1036 : vector<16xi32>
    %ne3A_1038 = arith.constant 0 : i32
    %ne3A_1039 = vector.broadcast %ne3A_1038 : i32 to vector<16xi32>
    %ne3A_1040 = arith.cmpi ne, %rem3A_1037, %ne3A_1039 : vector<16xi32>
    %lt3A_1041 = arith.constant 0 : i32
    %lt3A_1042 = vector.broadcast %lt3A_1041 : i32 to vector<16xi32>
    %lt3A_1043 = arith.cmpi slt, %rem3A_1037, %lt3A_1042 : vector<16xi32>
    %lt3A_1044 = arith.constant 0 : i32
    %lt3A_1045 = arith.cmpi slt, %select_n3A_1035, %lt3A_1044 : i32
    %ne3A_1046 = vector.broadcast %lt3A_1045 : i1 to vector<16xi1>
    %ne3A_1047 = vector.broadcast %ne3A_1046 : vector<16xi1> to vector<16xi1>
    %ne3A_1048 = arith.xori %lt3A_1043, %ne3A_1047 : vector<16xi1>
    %and3A_1049 = arith.andi %ne3A_1048, %ne3A_1040 : vector<16xi1>
    %add3A_1050 = vector.broadcast %select_n3A_1035 : i32 to vector<16xi32>
    %add3A_1051 = arith.addi %rem3A_1037, %add3A_1050 : vector<16xi32>
    %select_n3A_1052 = arith.select %and3A_1049, %add3A_1051, %rem3A_1037 : vector<16xi1>, vector<16xi32>
    %mul3A_1053 = arith.constant 16 : i32
    %mul3A_1054 = vector.broadcast %mul3A_1053 : i32 to vector<16xi32>
    %mul3A_1055 = arith.muli %select_n3A_1052, %mul3A_1054 : vector<16xi32>
    %add3A_1056 = arith.constant 96 : i32
    %add3A_1057 = vector.broadcast %add3A_1056 : i32 to vector<16xi32>
    %add3A_1058 = arith.addi %iota3A, %add3A_1057 : vector<16xi32>
    %add3A_1059 = arith.constant 0 : i32
    %add3A_1060 = vector.broadcast %add3A_1059 : i32 to vector<16xi32>
    %add3A_1061 = arith.addi %mul3A_1055, %add3A_1060 : vector<16xi32>
    %gather3A_1062 = tpu.vector_load_idx %arg7[%add3A_1058, %add3A_1061] : memref<128x128xf32, #tpu.memory_space<vmem>>[vector<16xi32>, vector<16xi32>], vector<16xf32>,
    %broadcast_in_dim3A_1063 = arith.constant 0 : i32
    %broadcast_in_dim3A_1064 = vector.broadcast %broadcast_in_dim3A_1063 : i32 to vector<16xi32>
    tpu.vector_store_idx %arg8[%add3A_1058, %broadcast_in_dim3A_1064], %gather3A_1062 : memref<128x16xf32, #tpu.memory_space<vmem>>[vector<16xi32>, vector<16xi32>], vector<16xf32>,
    %add3A_1065 = arith.constant 1 : i32
    %add3A_1066 = vector.broadcast %add3A_1065 : i32 to vector<16xi32>
    %add3A_1067 = arith.addi %mul3A_1055, %add3A_1066 : vector<16xi32>
    %gather3A_1068 = tpu.vector_load_idx %arg7[%add3A_1058, %add3A_1067] : memref<128x128xf32, #tpu.memory_space<vmem>>[vector<16xi32>, vector<16xi32>], vector<16xf32>,
    %broadcast_in_dim3A_1069 = arith.constant 1 : i32
    %broadcast_in_dim3A_1070 = vector.broadcast %broadcast_in_dim3A_1069 : i32 to vector<16xi32>
    tpu.vector_store_idx %arg8[%add3A_1058, %broadcast_in_dim3A_1070], %gather3A_1068 : memref<128x16xf32, #tpu.memory_space<vmem>>[vector<16xi32>, vector<16xi32>], vector<16xf32>,
    %add3A_1071 = arith.constant 2 : i32
    %add3A_1072 = vector.broadcast %add3A_1071 : i32 to vector<16xi32>
    %add3A_1073 = arith.addi %mul3A_1055, %add3A_1072 : vector<16xi32>
    %gather3A_1074 = tpu.vector_load_idx %arg7[%add3A_1058, %add3A_1073] : memref<128x128xf32, #tpu.memory_space<vmem>>[vector<16xi32>, vector<16xi32>], vector<16xf32>,
    %broadcast_in_dim3A_1075 = arith.constant 2 : i32
    %broadcast_in_dim3A_1076 = vector.broadcast %broadcast_in_dim3A_1075 : i32 to vector<16xi32>
    tpu.vector_store_idx %arg8[%add3A_1058, %broadcast_in_dim3A_1076], %gather3A_1074 : memref<128x16xf32, #tpu.memory_space<vmem>>[vector<16xi32>, vector<16xi32>], vector<16xf32>,
    %add3A_1077 = arith.constant 3 : i32
    %add3A_1078 = vector.broadcast %add3A_1077 : i32 to vector<16xi32>
    %add3A_1079 = arith.addi %mul3A_1055, %add3A_1078 : vector<16xi32>
    %gather3A_1080 = tpu.vector_load_idx %arg7[%add3A_1058, %add3A_1079] : memref<128x128xf32, #tpu.memory_space<vmem>>[vector<16xi32>, vector<16xi32>], vector<16xf32>,
    %broadcast_in_dim3A_1081 = arith.constant 3 : i32
    %broadcast_in_dim3A_1082 = vector.broadcast %broadcast_in_dim3A_1081 : i32 to vector<16xi32>
    tpu.vector_store_idx %arg8[%add3A_1058, %broadcast_in_dim3A_1082], %gather3A_1080 : memref<128x16xf32, #tpu.memory_space<vmem>>[vector<16xi32>, vector<16xi32>], vector<16xf32>,
    %add3A_1083 = arith.constant 4 : i32
    %add3A_1084 = vector.broadcast %add3A_1083 : i32 to vector<16xi32>
    %add3A_1085 = arith.addi %mul3A_1055, %add3A_1084 : vector<16xi32>
    %gather3A_1086 = tpu.vector_load_idx %arg7[%add3A_1058, %add3A_1085] : memref<128x128xf32, #tpu.memory_space<vmem>>[vector<16xi32>, vector<16xi32>], vector<16xf32>,
    %broadcast_in_dim3A_1087 = arith.constant 4 : i32
    %broadcast_in_dim3A_1088 = vector.broadcast %broadcast_in_dim3A_1087 : i32 to vector<16xi32>
    tpu.vector_store_idx %arg8[%add3A_1058, %broadcast_in_dim3A_1088], %gather3A_1086 : memref<128x16xf32, #tpu.memory_space<vmem>>[vector<16xi32>, vector<16xi32>], vector<16xf32>,
    %add3A_1089 = arith.constant 5 : i32
    %add3A_1090 = vector.broadcast %add3A_1089 : i32 to vector<16xi32>
    %add3A_1091 = arith.addi %mul3A_1055, %add3A_1090 : vector<16xi32>
    %gather3A_1092 = tpu.vector_load_idx %arg7[%add3A_1058, %add3A_1091] : memref<128x128xf32, #tpu.memory_space<vmem>>[vector<16xi32>, vector<16xi32>], vector<16xf32>,
    %broadcast_in_dim3A_1093 = arith.constant 5 : i32
    %broadcast_in_dim3A_1094 = vector.broadcast %broadcast_in_dim3A_1093 : i32 to vector<16xi32>
    tpu.vector_store_idx %arg8[%add3A_1058, %broadcast_in_dim3A_1094], %gather3A_1092 : memref<128x16xf32, #tpu.memory_space<vmem>>[vector<16xi32>, vector<16xi32>], vector<16xf32>,
    %add3A_1095 = arith.constant 6 : i32
    %add3A_1096 = vector.broadcast %add3A_1095 : i32 to vector<16xi32>
    %add3A_1097 = arith.addi %mul3A_1055, %add3A_1096 : vector<16xi32>
    %gather3A_1098 = tpu.vector_load_idx %arg7[%add3A_1058, %add3A_1097] : memref<128x128xf32, #tpu.memory_space<vmem>>[vector<16xi32>, vector<16xi32>], vector<16xf32>,
    %broadcast_in_dim3A_1099 = arith.constant 6 : i32
    %broadcast_in_dim3A_1100 = vector.broadcast %broadcast_in_dim3A_1099 : i32 to vector<16xi32>
    tpu.vector_store_idx %arg8[%add3A_1058, %broadcast_in_dim3A_1100], %gather3A_1098 : memref<128x16xf32, #tpu.memory_space<vmem>>[vector<16xi32>, vector<16xi32>], vector<16xf32>,
    %add3A_1101 = arith.constant 7 : i32
    %add3A_1102 = vector.broadcast %add3A_1101 : i32 to vector<16xi32>
    %add3A_1103 = arith.addi %mul3A_1055, %add3A_1102 : vector<16xi32>
    %gather3A_1104 = tpu.vector_load_idx %arg7[%add3A_1058, %add3A_1103] : memref<128x128xf32, #tpu.memory_space<vmem>>[vector<16xi32>, vector<16xi32>], vector<16xf32>,
    %broadcast_in_dim3A_1105 = arith.constant 7 : i32
    %broadcast_in_dim3A_1106 = vector.broadcast %broadcast_in_dim3A_1105 : i32 to vector<16xi32>
    tpu.vector_store_idx %arg8[%add3A_1058, %broadcast_in_dim3A_1106], %gather3A_1104 : memref<128x16xf32, #tpu.memory_space<vmem>>[vector<16xi32>, vector<16xi32>], vector<16xf32>,
    %add3A_1107 = arith.constant 8 : i32
    %add3A_1108 = vector.broadcast %add3A_1107 : i32 to vector<16xi32>
    %add3A_1109 = arith.addi %mul3A_1055, %add3A_1108 : vector<16xi32>
    %gather3A_1110 = tpu.vector_load_idx %arg7[%add3A_1058, %add3A_1109] : memref<128x128xf32, #tpu.memory_space<vmem>>[vector<16xi32>, vector<16xi32>], vector<16xf32>,
    %broadcast_in_dim3A_1111 = arith.constant 8 : i32
    %broadcast_in_dim3A_1112 = vector.broadcast %broadcast_in_dim3A_1111 : i32 to vector<16xi32>
    tpu.vector_store_idx %arg8[%add3A_1058, %broadcast_in_dim3A_1112], %gather3A_1110 : memref<128x16xf32, #tpu.memory_space<vmem>>[vector<16xi32>, vector<16xi32>], vector<16xf32>,
    %add3A_1113 = arith.constant 9 : i32
    %add3A_1114 = vector.broadcast %add3A_1113 : i32 to vector<16xi32>
    %add3A_1115 = arith.addi %mul3A_1055, %add3A_1114 : vector<16xi32>
    %gather3A_1116 = tpu.vector_load_idx %arg7[%add3A_1058, %add3A_1115] : memref<128x128xf32, #tpu.memory_space<vmem>>[vector<16xi32>, vector<16xi32>], vector<16xf32>,
    %broadcast_in_dim3A_1117 = arith.constant 9 : i32
    %broadcast_in_dim3A_1118 = vector.broadcast %broadcast_in_dim3A_1117 : i32 to vector<16xi32>
    tpu.vector_store_idx %arg8[%add3A_1058, %broadcast_in_dim3A_1118], %gather3A_1116 : memref<128x16xf32, #tpu.memory_space<vmem>>[vector<16xi32>, vector<16xi32>], vector<16xf32>,
    %add3A_1119 = arith.constant 10 : i32
    %add3A_1120 = vector.broadcast %add3A_1119 : i32 to vector<16xi32>
    %add3A_1121 = arith.addi %mul3A_1055, %add3A_1120 : vector<16xi32>
    %gather3A_1122 = tpu.vector_load_idx %arg7[%add3A_1058, %add3A_1121] : memref<128x128xf32, #tpu.memory_space<vmem>>[vector<16xi32>, vector<16xi32>], vector<16xf32>,
    %broadcast_in_dim3A_1123 = arith.constant 10 : i32
    %broadcast_in_dim3A_1124 = vector.broadcast %broadcast_in_dim3A_1123 : i32 to vector<16xi32>
    tpu.vector_store_idx %arg8[%add3A_1058, %broadcast_in_dim3A_1124], %gather3A_1122 : memref<128x16xf32, #tpu.memory_space<vmem>>[vector<16xi32>, vector<16xi32>], vector<16xf32>,
    %add3A_1125 = arith.constant 11 : i32
    %add3A_1126 = vector.broadcast %add3A_1125 : i32 to vector<16xi32>
    %add3A_1127 = arith.addi %mul3A_1055, %add3A_1126 : vector<16xi32>
    %gather3A_1128 = tpu.vector_load_idx %arg7[%add3A_1058, %add3A_1127] : memref<128x128xf32, #tpu.memory_space<vmem>>[vector<16xi32>, vector<16xi32>], vector<16xf32>,
    %broadcast_in_dim3A_1129 = arith.constant 11 : i32
    %broadcast_in_dim3A_1130 = vector.broadcast %broadcast_in_dim3A_1129 : i32 to vector<16xi32>
    tpu.vector_store_idx %arg8[%add3A_1058, %broadcast_in_dim3A_1130], %gather3A_1128 : memref<128x16xf32, #tpu.memory_space<vmem>>[vector<16xi32>, vector<16xi32>], vector<16xf32>,
    %add3A_1131 = arith.constant 12 : i32
    %add3A_1132 = vector.broadcast %add3A_1131 : i32 to vector<16xi32>
    %add3A_1133 = arith.addi %mul3A_1055, %add3A_1132 : vector<16xi32>
    %gather3A_1134 = tpu.vector_load_idx %arg7[%add3A_1058, %add3A_1133] : memref<128x128xf32, #tpu.memory_space<vmem>>[vector<16xi32>, vector<16xi32>], vector<16xf32>,
    %broadcast_in_dim3A_1135 = arith.constant 12 : i32
    %broadcast_in_dim3A_1136 = vector.broadcast %broadcast_in_dim3A_1135 : i32 to vector<16xi32>
    tpu.vector_store_idx %arg8[%add3A_1058, %broadcast_in_dim3A_1136], %gather3A_1134 : memref<128x16xf32, #tpu.memory_space<vmem>>[vector<16xi32>, vector<16xi32>], vector<16xf32>,
    %add3A_1137 = arith.constant 13 : i32
    %add3A_1138 = vector.broadcast %add3A_1137 : i32 to vector<16xi32>
    %add3A_1139 = arith.addi %mul3A_1055, %add3A_1138 : vector<16xi32>
    %gather3A_1140 = tpu.vector_load_idx %arg7[%add3A_1058, %add3A_1139] : memref<128x128xf32, #tpu.memory_space<vmem>>[vector<16xi32>, vector<16xi32>], vector<16xf32>,
    %broadcast_in_dim3A_1141 = arith.constant 13 : i32
    %broadcast_in_dim3A_1142 = vector.broadcast %broadcast_in_dim3A_1141 : i32 to vector<16xi32>
    tpu.vector_store_idx %arg8[%add3A_1058, %broadcast_in_dim3A_1142], %gather3A_1140 : memref<128x16xf32, #tpu.memory_space<vmem>>[vector<16xi32>, vector<16xi32>], vector<16xf32>,
    %add3A_1143 = arith.constant 14 : i32
    %add3A_1144 = vector.broadcast %add3A_1143 : i32 to vector<16xi32>
    %add3A_1145 = arith.addi %mul3A_1055, %add3A_1144 : vector<16xi32>
    %gather3A_1146 = tpu.vector_load_idx %arg7[%add3A_1058, %add3A_1145] : memref<128x128xf32, #tpu.memory_space<vmem>>[vector<16xi32>, vector<16xi32>], vector<16xf32>,
    %broadcast_in_dim3A_1147 = arith.constant 14 : i32
    %broadcast_in_dim3A_1148 = vector.broadcast %broadcast_in_dim3A_1147 : i32 to vector<16xi32>
    tpu.vector_store_idx %arg8[%add3A_1058, %broadcast_in_dim3A_1148], %gather3A_1146 : memref<128x16xf32, #tpu.memory_space<vmem>>[vector<16xi32>, vector<16xi32>], vector<16xf32>,
    %add3A_1149 = arith.constant 15 : i32
    %add3A_1150 = vector.broadcast %add3A_1149 : i32 to vector<16xi32>
    %add3A_1151 = arith.addi %mul3A_1055, %add3A_1150 : vector<16xi32>
    %gather3A_1152 = tpu.vector_load_idx %arg7[%add3A_1058, %add3A_1151] : memref<128x128xf32, #tpu.memory_space<vmem>>[vector<16xi32>, vector<16xi32>], vector<16xf32>,
    %broadcast_in_dim3A_1153 = arith.constant 15 : i32
    %broadcast_in_dim3A_1154 = vector.broadcast %broadcast_in_dim3A_1153 : i32 to vector<16xi32>
    tpu.vector_store_idx %arg8[%add3A_1058, %broadcast_in_dim3A_1154], %gather3A_1152 : memref<128x16xf32, #tpu.memory_space<vmem>>[vector<16xi32>, vector<16xi32>], vector<16xf32>,
    %get3A_1155 = arith.constant 112 : index
    %get3A_1156 = tpu.vector_load %arg5[%get3A_1155] {strides = array<i32>} : memref<128xi32, #tpu.memory_space<vmem>>, vector<16xi32>,
    %jit3A_1157 = arith.constant 8 : i32
    %eq3A_1158 = arith.constant 0 : i32
    %eq3A_1159 = arith.cmpi eq, %jit3A_1157, %eq3A_1158 : i32
    %jit3A_1160 = arith.constant 1 : i32
    %select_n3A_1161 = arith.select %eq3A_1159, %jit3A_1160, %jit3A_1157 : i32
    %rem3A_1162 = vector.broadcast %select_n3A_1161 : i32 to vector<16xi32>
    %rem3A_1163 = arith.remsi %get3A_1156, %rem3A_1162 : vector<16xi32>
    %ne3A_1164 = arith.constant 0 : i32
    %ne3A_1165 = vector.broadcast %ne3A_1164 : i32 to vector<16xi32>
    %ne3A_1166 = arith.cmpi ne, %rem3A_1163, %ne3A_1165 : vector<16xi32>
    %lt3A_1167 = arith.constant 0 : i32
    %lt3A_1168 = vector.broadcast %lt3A_1167 : i32 to vector<16xi32>
    %lt3A_1169 = arith.cmpi slt, %rem3A_1163, %lt3A_1168 : vector<16xi32>
    %lt3A_1170 = arith.constant 0 : i32
    %lt3A_1171 = arith.cmpi slt, %select_n3A_1161, %lt3A_1170 : i32
    %ne3A_1172 = vector.broadcast %lt3A_1171 : i1 to vector<16xi1>
    %ne3A_1173 = vector.broadcast %ne3A_1172 : vector<16xi1> to vector<16xi1>
    %ne3A_1174 = arith.xori %lt3A_1169, %ne3A_1173 : vector<16xi1>
    %and3A_1175 = arith.andi %ne3A_1174, %ne3A_1166 : vector<16xi1>
    %add3A_1176 = vector.broadcast %select_n3A_1161 : i32 to vector<16xi32>
    %add3A_1177 = arith.addi %rem3A_1163, %add3A_1176 : vector<16xi32>
    %select_n3A_1178 = arith.select %and3A_1175, %add3A_1177, %rem3A_1163 : vector<16xi1>, vector<16xi32>
    %mul3A_1179 = arith.constant 16 : i32
    %mul3A_1180 = vector.broadcast %mul3A_1179 : i32 to vector<16xi32>
    %mul3A_1181 = arith.muli %select_n3A_1178, %mul3A_1180 : vector<16xi32>
    %add3A_1182 = arith.constant 112 : i32
    %add3A_1183 = vector.broadcast %add3A_1182 : i32 to vector<16xi32>
    %add3A_1184 = arith.addi %iota3A, %add3A_1183 : vector<16xi32>
    %add3A_1185 = arith.constant 0 : i32
    %add3A_1186 = vector.broadcast %add3A_1185 : i32 to vector<16xi32>
    %add3A_1187 = arith.addi %mul3A_1181, %add3A_1186 : vector<16xi32>
    %gather3A_1188 = tpu.vector_load_idx %arg7[%add3A_1184, %add3A_1187] : memref<128x128xf32, #tpu.memory_space<vmem>>[vector<16xi32>, vector<16xi32>], vector<16xf32>,
    %broadcast_in_dim3A_1189 = arith.constant 0 : i32
    %broadcast_in_dim3A_1190 = vector.broadcast %broadcast_in_dim3A_1189 : i32 to vector<16xi32>
    tpu.vector_store_idx %arg8[%add3A_1184, %broadcast_in_dim3A_1190], %gather3A_1188 : memref<128x16xf32, #tpu.memory_space<vmem>>[vector<16xi32>, vector<16xi32>], vector<16xf32>,
    %add3A_1191 = arith.constant 1 : i32
    %add3A_1192 = vector.broadcast %add3A_1191 : i32 to vector<16xi32>
    %add3A_1193 = arith.addi %mul3A_1181, %add3A_1192 : vector<16xi32>
    %gather3A_1194 = tpu.vector_load_idx %arg7[%add3A_1184, %add3A_1193] : memref<128x128xf32, #tpu.memory_space<vmem>>[vector<16xi32>, vector<16xi32>], vector<16xf32>,
    %broadcast_in_dim3A_1195 = arith.constant 1 : i32
    %broadcast_in_dim3A_1196 = vector.broadcast %broadcast_in_dim3A_1195 : i32 to vector<16xi32>
    tpu.vector_store_idx %arg8[%add3A_1184, %broadcast_in_dim3A_1196], %gather3A_1194 : memref<128x16xf32, #tpu.memory_space<vmem>>[vector<16xi32>, vector<16xi32>], vector<16xf32>,
    %add3A_1197 = arith.constant 2 : i32
    %add3A_1198 = vector.broadcast %add3A_1197 : i32 to vector<16xi32>
    %add3A_1199 = arith.addi %mul3A_1181, %add3A_1198 : vector<16xi32>
    %gather3A_1200 = tpu.vector_load_idx %arg7[%add3A_1184, %add3A_1199] : memref<128x128xf32, #tpu.memory_space<vmem>>[vector<16xi32>, vector<16xi32>], vector<16xf32>,
    %broadcast_in_dim3A_1201 = arith.constant 2 : i32
    %broadcast_in_dim3A_1202 = vector.broadcast %broadcast_in_dim3A_1201 : i32 to vector<16xi32>
    tpu.vector_store_idx %arg8[%add3A_1184, %broadcast_in_dim3A_1202], %gather3A_1200 : memref<128x16xf32, #tpu.memory_space<vmem>>[vector<16xi32>, vector<16xi32>], vector<16xf32>,
    %add3A_1203 = arith.constant 3 : i32
    %add3A_1204 = vector.broadcast %add3A_1203 : i32 to vector<16xi32>
    %add3A_1205 = arith.addi %mul3A_1181, %add3A_1204 : vector<16xi32>
    %gather3A_1206 = tpu.vector_load_idx %arg7[%add3A_1184, %add3A_1205] : memref<128x128xf32, #tpu.memory_space<vmem>>[vector<16xi32>, vector<16xi32>], vector<16xf32>,
    %broadcast_in_dim3A_1207 = arith.constant 3 : i32
    %broadcast_in_dim3A_1208 = vector.broadcast %broadcast_in_dim3A_1207 : i32 to vector<16xi32>
    tpu.vector_store_idx %arg8[%add3A_1184, %broadcast_in_dim3A_1208], %gather3A_1206 : memref<128x16xf32, #tpu.memory_space<vmem>>[vector<16xi32>, vector<16xi32>], vector<16xf32>,
    %add3A_1209 = arith.constant 4 : i32
    %add3A_1210 = vector.broadcast %add3A_1209 : i32 to vector<16xi32>
    %add3A_1211 = arith.addi %mul3A_1181, %add3A_1210 : vector<16xi32>
    %gather3A_1212 = tpu.vector_load_idx %arg7[%add3A_1184, %add3A_1211] : memref<128x128xf32, #tpu.memory_space<vmem>>[vector<16xi32>, vector<16xi32>], vector<16xf32>,
    %broadcast_in_dim3A_1213 = arith.constant 4 : i32
    %broadcast_in_dim3A_1214 = vector.broadcast %broadcast_in_dim3A_1213 : i32 to vector<16xi32>
    tpu.vector_store_idx %arg8[%add3A_1184, %broadcast_in_dim3A_1214], %gather3A_1212 : memref<128x16xf32, #tpu.memory_space<vmem>>[vector<16xi32>, vector<16xi32>], vector<16xf32>,
    %add3A_1215 = arith.constant 5 : i32
    %add3A_1216 = vector.broadcast %add3A_1215 : i32 to vector<16xi32>
    %add3A_1217 = arith.addi %mul3A_1181, %add3A_1216 : vector<16xi32>
    %gather3A_1218 = tpu.vector_load_idx %arg7[%add3A_1184, %add3A_1217] : memref<128x128xf32, #tpu.memory_space<vmem>>[vector<16xi32>, vector<16xi32>], vector<16xf32>,
    %broadcast_in_dim3A_1219 = arith.constant 5 : i32
    %broadcast_in_dim3A_1220 = vector.broadcast %broadcast_in_dim3A_1219 : i32 to vector<16xi32>
    tpu.vector_store_idx %arg8[%add3A_1184, %broadcast_in_dim3A_1220], %gather3A_1218 : memref<128x16xf32, #tpu.memory_space<vmem>>[vector<16xi32>, vector<16xi32>], vector<16xf32>,
    %add3A_1221 = arith.constant 6 : i32
    %add3A_1222 = vector.broadcast %add3A_1221 : i32 to vector<16xi32>
    %add3A_1223 = arith.addi %mul3A_1181, %add3A_1222 : vector<16xi32>
    %gather3A_1224 = tpu.vector_load_idx %arg7[%add3A_1184, %add3A_1223] : memref<128x128xf32, #tpu.memory_space<vmem>>[vector<16xi32>, vector<16xi32>], vector<16xf32>,
    %broadcast_in_dim3A_1225 = arith.constant 6 : i32
    %broadcast_in_dim3A_1226 = vector.broadcast %broadcast_in_dim3A_1225 : i32 to vector<16xi32>
    tpu.vector_store_idx %arg8[%add3A_1184, %broadcast_in_dim3A_1226], %gather3A_1224 : memref<128x16xf32, #tpu.memory_space<vmem>>[vector<16xi32>, vector<16xi32>], vector<16xf32>,
    %add3A_1227 = arith.constant 7 : i32
    %add3A_1228 = vector.broadcast %add3A_1227 : i32 to vector<16xi32>
    %add3A_1229 = arith.addi %mul3A_1181, %add3A_1228 : vector<16xi32>
    %gather3A_1230 = tpu.vector_load_idx %arg7[%add3A_1184, %add3A_1229] : memref<128x128xf32, #tpu.memory_space<vmem>>[vector<16xi32>, vector<16xi32>], vector<16xf32>,
    %broadcast_in_dim3A_1231 = arith.constant 7 : i32
    %broadcast_in_dim3A_1232 = vector.broadcast %broadcast_in_dim3A_1231 : i32 to vector<16xi32>
    tpu.vector_store_idx %arg8[%add3A_1184, %broadcast_in_dim3A_1232], %gather3A_1230 : memref<128x16xf32, #tpu.memory_space<vmem>>[vector<16xi32>, vector<16xi32>], vector<16xf32>,
    %add3A_1233 = arith.constant 8 : i32
    %add3A_1234 = vector.broadcast %add3A_1233 : i32 to vector<16xi32>
    %add3A_1235 = arith.addi %mul3A_1181, %add3A_1234 : vector<16xi32>
    %gather3A_1236 = tpu.vector_load_idx %arg7[%add3A_1184, %add3A_1235] : memref<128x128xf32, #tpu.memory_space<vmem>>[vector<16xi32>, vector<16xi32>], vector<16xf32>,
    %broadcast_in_dim3A_1237 = arith.constant 8 : i32
    %broadcast_in_dim3A_1238 = vector.broadcast %broadcast_in_dim3A_1237 : i32 to vector<16xi32>
    tpu.vector_store_idx %arg8[%add3A_1184, %broadcast_in_dim3A_1238], %gather3A_1236 : memref<128x16xf32, #tpu.memory_space<vmem>>[vector<16xi32>, vector<16xi32>], vector<16xf32>,
    %add3A_1239 = arith.constant 9 : i32
    %add3A_1240 = vector.broadcast %add3A_1239 : i32 to vector<16xi32>
    %add3A_1241 = arith.addi %mul3A_1181, %add3A_1240 : vector<16xi32>
    %gather3A_1242 = tpu.vector_load_idx %arg7[%add3A_1184, %add3A_1241] : memref<128x128xf32, #tpu.memory_space<vmem>>[vector<16xi32>, vector<16xi32>], vector<16xf32>,
    %broadcast_in_dim3A_1243 = arith.constant 9 : i32
    %broadcast_in_dim3A_1244 = vector.broadcast %broadcast_in_dim3A_1243 : i32 to vector<16xi32>
    tpu.vector_store_idx %arg8[%add3A_1184, %broadcast_in_dim3A_1244], %gather3A_1242 : memref<128x16xf32, #tpu.memory_space<vmem>>[vector<16xi32>, vector<16xi32>], vector<16xf32>,
    %add3A_1245 = arith.constant 10 : i32
    %add3A_1246 = vector.broadcast %add3A_1245 : i32 to vector<16xi32>
    %add3A_1247 = arith.addi %mul3A_1181, %add3A_1246 : vector<16xi32>
    %gather3A_1248 = tpu.vector_load_idx %arg7[%add3A_1184, %add3A_1247] : memref<128x128xf32, #tpu.memory_space<vmem>>[vector<16xi32>, vector<16xi32>], vector<16xf32>,
    %broadcast_in_dim3A_1249 = arith.constant 10 : i32
    %broadcast_in_dim3A_1250 = vector.broadcast %broadcast_in_dim3A_1249 : i32 to vector<16xi32>
    tpu.vector_store_idx %arg8[%add3A_1184, %broadcast_in_dim3A_1250], %gather3A_1248 : memref<128x16xf32, #tpu.memory_space<vmem>>[vector<16xi32>, vector<16xi32>], vector<16xf32>,
    %add3A_1251 = arith.constant 11 : i32
    %add3A_1252 = vector.broadcast %add3A_1251 : i32 to vector<16xi32>
    %add3A_1253 = arith.addi %mul3A_1181, %add3A_1252 : vector<16xi32>
    %gather3A_1254 = tpu.vector_load_idx %arg7[%add3A_1184, %add3A_1253] : memref<128x128xf32, #tpu.memory_space<vmem>>[vector<16xi32>, vector<16xi32>], vector<16xf32>,
    %broadcast_in_dim3A_1255 = arith.constant 11 : i32
    %broadcast_in_dim3A_1256 = vector.broadcast %broadcast_in_dim3A_1255 : i32 to vector<16xi32>
    tpu.vector_store_idx %arg8[%add3A_1184, %broadcast_in_dim3A_1256], %gather3A_1254 : memref<128x16xf32, #tpu.memory_space<vmem>>[vector<16xi32>, vector<16xi32>], vector<16xf32>,
    %add3A_1257 = arith.constant 12 : i32
    %add3A_1258 = vector.broadcast %add3A_1257 : i32 to vector<16xi32>
    %add3A_1259 = arith.addi %mul3A_1181, %add3A_1258 : vector<16xi32>
    %gather3A_1260 = tpu.vector_load_idx %arg7[%add3A_1184, %add3A_1259] : memref<128x128xf32, #tpu.memory_space<vmem>>[vector<16xi32>, vector<16xi32>], vector<16xf32>,
    %broadcast_in_dim3A_1261 = arith.constant 12 : i32
    %broadcast_in_dim3A_1262 = vector.broadcast %broadcast_in_dim3A_1261 : i32 to vector<16xi32>
    tpu.vector_store_idx %arg8[%add3A_1184, %broadcast_in_dim3A_1262], %gather3A_1260 : memref<128x16xf32, #tpu.memory_space<vmem>>[vector<16xi32>, vector<16xi32>], vector<16xf32>,
    %add3A_1263 = arith.constant 13 : i32
    %add3A_1264 = vector.broadcast %add3A_1263 : i32 to vector<16xi32>
    %add3A_1265 = arith.addi %mul3A_1181, %add3A_1264 : vector<16xi32>
    %gather3A_1266 = tpu.vector_load_idx %arg7[%add3A_1184, %add3A_1265] : memref<128x128xf32, #tpu.memory_space<vmem>>[vector<16xi32>, vector<16xi32>], vector<16xf32>,
    %broadcast_in_dim3A_1267 = arith.constant 13 : i32
    %broadcast_in_dim3A_1268 = vector.broadcast %broadcast_in_dim3A_1267 : i32 to vector<16xi32>
    tpu.vector_store_idx %arg8[%add3A_1184, %broadcast_in_dim3A_1268], %gather3A_1266 : memref<128x16xf32, #tpu.memory_space<vmem>>[vector<16xi32>, vector<16xi32>], vector<16xf32>,
    %add3A_1269 = arith.constant 14 : i32
    %add3A_1270 = vector.broadcast %add3A_1269 : i32 to vector<16xi32>
    %add3A_1271 = arith.addi %mul3A_1181, %add3A_1270 : vector<16xi32>
    %gather3A_1272 = tpu.vector_load_idx %arg7[%add3A_1184, %add3A_1271] : memref<128x128xf32, #tpu.memory_space<vmem>>[vector<16xi32>, vector<16xi32>], vector<16xf32>,
    %broadcast_in_dim3A_1273 = arith.constant 14 : i32
    %broadcast_in_dim3A_1274 = vector.broadcast %broadcast_in_dim3A_1273 : i32 to vector<16xi32>
    tpu.vector_store_idx %arg8[%add3A_1184, %broadcast_in_dim3A_1274], %gather3A_1272 : memref<128x16xf32, #tpu.memory_space<vmem>>[vector<16xi32>, vector<16xi32>], vector<16xf32>,
    %add3A_1275 = arith.constant 15 : i32
    %add3A_1276 = vector.broadcast %add3A_1275 : i32 to vector<16xi32>
    %add3A_1277 = arith.addi %mul3A_1181, %add3A_1276 : vector<16xi32>
    %gather3A_1278 = tpu.vector_load_idx %arg7[%add3A_1184, %add3A_1277] : memref<128x128xf32, #tpu.memory_space<vmem>>[vector<16xi32>, vector<16xi32>], vector<16xf32>,
    %broadcast_in_dim3A_1279 = arith.constant 15 : i32
    %broadcast_in_dim3A_1280 = vector.broadcast %broadcast_in_dim3A_1279 : i32 to vector<16xi32>
    tpu.vector_store_idx %arg8[%add3A_1184, %broadcast_in_dim3A_1280], %gather3A_1278 : memref<128x16xf32, #tpu.memory_space<vmem>>[vector<16xi32>, vector<16xi32>], vector<16xf32>,
    "tpu.region"() ({
      %run_scoped3A = tpu.sem_alloc : memref<!tpu.dma_semaphore, #tpu.memory_space<semaphore_mem>>
      %dma_start3A_1281 = arith.constant 0 : i32
      %dma_start3A_1282 = tpu.memref_slice %arg4[%mul3A_2, %dma_start3A_1281] : memref<4096x16xf32, #tpu.memory_space<hbm>> -> memref<128x16xf32, #tpu.memory_space<hbm>>
      %dma_start3A_1283 = arith.constant 0 : i32
      %dma_start3A_1284 = tpu.memref_slice %arg4[%mul3A_2, %dma_start3A_1283] : memref<4096x16xf32, #tpu.memory_space<hbm>> -> memref<128x16xf32, #tpu.memory_space<hbm>>
      tpu.enqueue_dma source(%arg8 : memref<128x16xf32, #tpu.memory_space<vmem>>) target(%dma_start3A_1284 : memref<128x16xf32, #tpu.memory_space<hbm>>) target_semaphore(%run_scoped3A : memref<!tpu.dma_semaphore, #tpu.memory_space<semaphore_mem>>)
      %dma_wait3A_1285 = arith.constant 0 : i32
      %dma_wait3A_1286 = tpu.memref_slice %arg4[%mul3A_2, %dma_wait3A_1285] : memref<4096x16xf32, #tpu.memory_space<hbm>> -> memref<128x16xf32, #tpu.memory_space<hbm>>
      %dma_wait3A_1287 = arith.constant 0 : i32
      %dma_wait3A_1288 = tpu.memref_slice %arg4[%mul3A_2, %dma_wait3A_1287] : memref<4096x16xf32, #tpu.memory_space<hbm>> -> memref<128x16xf32, #tpu.memory_space<hbm>>
      tpu.wait_dma2 semaphore(%run_scoped3A : memref<!tpu.dma_semaphore, #tpu.memory_space<semaphore_mem>>) src(%arg8 : memref<128x16xf32, #tpu.memory_space<vmem>>) dst(%dma_wait3A_1288 : memref<128x16xf32, #tpu.memory_space<hbm>>)
      tpu.yield
    }) : () -> ()
    return
  }
}

module attributes {stable_mosaic.version = 14 : i64} {
  func.func @_tables_body(%arg0: i32, %arg1: memref<1024x512xf32, #tpu.memory_space<vmem>>, %arg2: memref<1024x512xf32, #tpu.memory_space<vmem>>, %arg3: memref<4096x16xf32, #tpu.memory_space<vmem>>, %arg4: memref<512x128xf32, #tpu.memory_space<vmem>>, %arg5: memref<1x128xf32, #tpu.memory_space<vmem>>, %arg6: memref<128x1024xf32, #tpu.memory_space<vmem>>, %arg7: memref<1024x128xf32, #tpu.memory_space<vmem>>, %arg8: memref<16x1xf32, #tpu.memory_space<vmem>>, %arg9: memref<1x1xf32, #tpu.memory_space<vmem>>, %arg10: memref<1024x128xf32, #tpu.memory_space<vmem>>, %arg11: memref<1024x128xf32, #tpu.memory_space<vmem>>, %arg12: memref<4096x1xf32, #tpu.memory_space<vmem>>) attributes {dimension_semantics = [#tpu.dimension_semantics<arbitrary>], iteration_bounds = array<i64: 8>, scalar_prefetch = 0 : i64, scratch_operands = 0 : i64, tpu.core_type = #tpu.core_type<tc>, window_params = [{transform_indices = @transform_0, window_bounds = array<i64: 1024, 512>}, {transform_indices = @transform_1, window_bounds = array<i64: 1024, 512>}, {pipeline_mode = #tpu.pipeline_mode<synchronous>, transform_indices = @transform_2, window_bounds = array<i64: 4096, 16>}, {pipeline_mode = #tpu.pipeline_mode<synchronous>, transform_indices = @transform_3, window_bounds = array<i64: 512, 128>}, {pipeline_mode = #tpu.pipeline_mode<synchronous>, transform_indices = @transform_4, window_bounds = array<i64: 1, 128>}, {pipeline_mode = #tpu.pipeline_mode<synchronous>, transform_indices = @transform_5, window_bounds = array<i64: 128, 1024>}, {pipeline_mode = #tpu.pipeline_mode<synchronous>, transform_indices = @transform_6, window_bounds = array<i64: 1024, 128>}, {pipeline_mode = #tpu.pipeline_mode<synchronous>, transform_indices = @transform_7, window_bounds = array<i64: 16, 1>}, {pipeline_mode = #tpu.pipeline_mode<synchronous>, transform_indices = @transform_8, window_bounds = array<i64: 1, 1>}, {transform_indices = @transform_9, window_bounds = array<i64: 1024, 128>}, {transform_indices = @transform_10, window_bounds = array<i64: 1024, 128>}, {pipeline_mode = #tpu.pipeline_mode<synchronous>, transform_indices = @transform_11, window_bounds = array<i64: 4096, 1>}]} {
    %get3A = arith.constant 0 : index
    %get3A_0 = arith.constant 0 : index
    %get3A_1 = vector.load %arg1[%get3A, %get3A_0] : memref<1024x512xf32, #tpu.memory_space<vmem>>, vector<1024x512xf32>
    %get3A_2 = arith.constant 0 : index
    %get3A_3 = arith.constant 0 : index
    %get3A_4 = vector.load %arg4[%get3A_2, %get3A_3] : memref<512x128xf32, #tpu.memory_space<vmem>>, vector<512x128xf32>
    %dot_general3A = arith.constant dense<0.000000e+00> : vector<1024x128xf32>
    %dot_general3A_5 = tpu.matmul %get3A_1, %get3A_4, %dot_general3A {dimension_numbers = #tpu.dot_dimension_numbers<[1], [0], [0], [1], [0, 0, 1, 1], [], []>, transpose_lhs_hint = false} : vector<1024x512xf32>, vector<512x128xf32>, vector<1024x128xf32> -> vector<1024x128xf32>
    %get3A_6 = arith.constant 0 : index
    %get3A_7 = arith.constant 0 : index
    %get3A_8 = vector.load %arg5[%get3A_6, %get3A_7] : memref<1x128xf32, #tpu.memory_space<vmem>>, vector<1x128xf32>
    %add3A = vector.broadcast %get3A_8 : vector<1x128xf32> to vector<1024x128xf32>
    %add3A_9 = arith.addf %dot_general3A_5, %add3A : vector<1024x128xf32>
    %max3A = arith.constant 0.000000e+00 : f32
    %max3A_10 = vector.broadcast %max3A : f32 to vector<1024x128xf32>
    %max3A_11 = arith.maximumf %add3A_9, %max3A_10 : vector<1024x128xf32>
    %swap3A = arith.constant 0 : index
    %swap3A_12 = arith.constant 0 : index
    %swap3A_13 = vector.load %arg10[%swap3A, %swap3A_12] : memref<1024x128xf32, #tpu.memory_space<vmem>>, vector<1024x128xf32>
    tpu.vector_store %arg10[%swap3A, %swap3A_12], %max3A_11 {strides = array<i32>} : memref<1024x128xf32, #tpu.memory_space<vmem>>, vector<1024x128xf32>,
    %get3A_14 = arith.constant 0 : index
    %get3A_15 = arith.constant 0 : index
    %get3A_16 = vector.load %arg6[%get3A_14, %get3A_15] : memref<128x1024xf32, #tpu.memory_space<vmem>>, vector<128x1024xf32>
    %get3A_17 = arith.constant 0 : index
    %get3A_18 = arith.constant 0 : index
    %get3A_19 = vector.load %arg7[%get3A_17, %get3A_18] : memref<1024x128xf32, #tpu.memory_space<vmem>>, vector<1024x128xf32>
    %dot_general3A_20 = arith.constant dense<0.000000e+00> : vector<128x128xf32>
    %dot_general3A_21 = tpu.matmul %get3A_16, %get3A_19, %dot_general3A_20 {dimension_numbers = #tpu.dot_dimension_numbers<[1], [0], [0], [1], [0, 0, 1, 1], [], []>, transpose_lhs_hint = false} : vector<128x1024xf32>, vector<1024x128xf32>, vector<128x128xf32> -> vector<128x128xf32>
    %get3A_22 = arith.constant 0 : index
    %get3A_23 = arith.constant 0 : index
    %get3A_24 = vector.load %arg2[%get3A_22, %get3A_23] : memref<1024x512xf32, #tpu.memory_space<vmem>>, vector<1024x512xf32>
    %get3A_25 = arith.constant 0 : index
    %get3A_26 = arith.constant 0 : index
    %get3A_27 = vector.load %arg4[%get3A_25, %get3A_26] : memref<512x128xf32, #tpu.memory_space<vmem>>, vector<512x128xf32>
    %dot_general3A_28 = arith.constant dense<0.000000e+00> : vector<1024x128xf32>
    %dot_general3A_29 = tpu.matmul %get3A_24, %get3A_27, %dot_general3A_28 {dimension_numbers = #tpu.dot_dimension_numbers<[1], [0], [0], [1], [0, 0, 1, 1], [], []>, transpose_lhs_hint = false} : vector<1024x512xf32>, vector<512x128xf32>, vector<1024x128xf32> -> vector<1024x128xf32>
    %get3A_30 = arith.constant 0 : index
    %get3A_31 = arith.constant 0 : index
    %get3A_32 = vector.load %arg5[%get3A_30, %get3A_31] : memref<1x128xf32, #tpu.memory_space<vmem>>, vector<1x128xf32>
    %add3A_33 = vector.broadcast %get3A_32 : vector<1x128xf32> to vector<1024x128xf32>
    %add3A_34 = arith.addf %dot_general3A_29, %add3A_33 : vector<1024x128xf32>
    %max3A_35 = arith.constant 0.000000e+00 : f32
    %max3A_36 = vector.broadcast %max3A_35 : f32 to vector<1024x128xf32>
    %max3A_37 = arith.maximumf %add3A_34, %max3A_36 : vector<1024x128xf32>
    %dot_general3A_38 = arith.constant dense<0.000000e+00> : vector<1024x128xf32>
    %dot_general3A_39 = tpu.matmul %max3A_37, %dot_general3A_21, %dot_general3A_38 {dimension_numbers = #tpu.dot_dimension_numbers<[1], [0], [0], [1], [0, 0, 1, 1], [], []>, transpose_lhs_hint = false} : vector<1024x128xf32>, vector<128x128xf32>, vector<1024x128xf32> -> vector<1024x128xf32>
    %swap3A_40 = arith.constant 0 : index
    %swap3A_41 = arith.constant 0 : index
    %swap3A_42 = vector.load %arg11[%swap3A_40, %swap3A_41] : memref<1024x128xf32, #tpu.memory_space<vmem>>, vector<1024x128xf32>
    tpu.vector_store %arg11[%swap3A_40, %swap3A_41], %dot_general3A_39 {strides = array<i32>} : memref<1024x128xf32, #tpu.memory_space<vmem>>, vector<1024x128xf32>,
    %eq3A = arith.constant 0 : i32
    %eq3A_43 = arith.cmpi eq, %arg0, %eq3A : i32
    %convert_element_type3A = arith.extui %eq3A_43 : i1 to i32
    %cond3A = arith.constant 0 : i32
    %cond3A_44 = arith.cmpi ne, %convert_element_type3A, %cond3A : i32
    scf.if %cond3A_44 {
      %get3A_45 = arith.constant 0 : index
      %get3A_46 = arith.constant 0 : index
      %get3A_47 = vector.load %arg3[%get3A_45, %get3A_46] : memref<4096x16xf32, #tpu.memory_space<vmem>>, vector<4096x16xf32>
      %get3A_48 = arith.constant 0 : index
      %get3A_49 = arith.constant 0 : index
      %get3A_50 = vector.load %arg8[%get3A_48, %get3A_49] : memref<16x1xf32, #tpu.memory_space<vmem>>, vector<16x1xf32>
      %dot_general3A_51 = arith.constant dense<0.000000e+00> : vector<4096x1xf32>
      %dot_general3A_52 = tpu.matmul %get3A_47, %get3A_50, %dot_general3A_51 {dimension_numbers = #tpu.dot_dimension_numbers<[1], [0], [0], [1], [0, 0, 1, 1], [], []>, transpose_lhs_hint = false} : vector<4096x16xf32>, vector<16x1xf32>, vector<4096x1xf32> -> vector<4096x1xf32>
      %get3A_53 = arith.constant 0 : index
      %get3A_54 = arith.constant 0 : index
      %get3A_55 = vector.load %arg9[%get3A_53, %get3A_54] : memref<1x1xf32, #tpu.memory_space<vmem>>, vector<1x1xf32>
      %add3A_56 = vector.broadcast %get3A_55 : vector<1x1xf32> to vector<4096x1xf32>
      %add3A_57 = arith.addf %dot_general3A_52, %add3A_56 : vector<4096x1xf32>
      %swap3A_58 = arith.constant 0 : index
      %swap3A_59 = arith.constant 0 : index
      %swap3A_60 = vector.load %arg12[%swap3A_58, %swap3A_59] : memref<4096x1xf32, #tpu.memory_space<vmem>>, vector<4096x1xf32>
      tpu.vector_store %arg12[%swap3A_58, %swap3A_59], %add3A_57 {strides = array<i32>} : memref<4096x1xf32, #tpu.memory_space<vmem>>, vector<4096x1xf32>,
    } else {
    }
    return
  }
  func.func @transform_0(%arg0: i32) -> (i32, i32) {
    %c0_i32 = arith.constant 0 : i32
    %c0_i32_0 = arith.constant 0 : i32
    return %arg0, %c0_i32 : i32, i32
  }
  func.func @transform_1(%arg0: i32) -> (i32, i32) {
    %c0_i32 = arith.constant 0 : i32
    %c0_i32_0 = arith.constant 0 : i32
    return %arg0, %c0_i32 : i32, i32
  }
  func.func @transform_2(%arg0: i32) -> (i32, i32) {
    %c0_i32 = arith.constant 0 : i32
    %c0_i32_0 = arith.constant 0 : i32
    %c0_i32_1 = arith.constant 0 : i32
    return %c0_i32, %c0_i32_0 : i32, i32
  }
  func.func @transform_3(%arg0: i32) -> (i32, i32) {
    %c0_i32 = arith.constant 0 : i32
    %c0_i32_0 = arith.constant 0 : i32
    %c0_i32_1 = arith.constant 0 : i32
    return %c0_i32, %c0_i32_0 : i32, i32
  }
  func.func @transform_4(%arg0: i32) -> (i32, i32) {
    %c0_i32 = arith.constant 0 : i32
    %c0_i32_0 = arith.constant 0 : i32
    %c0_i32_1 = arith.constant 0 : i32
    return %c0_i32, %c0_i32_0 : i32, i32
  }
  func.func @transform_5(%arg0: i32) -> (i32, i32) {
    %c0_i32 = arith.constant 0 : i32
    %c0_i32_0 = arith.constant 0 : i32
    %c0_i32_1 = arith.constant 0 : i32
    return %c0_i32, %c0_i32_0 : i32, i32
  }
  func.func @transform_6(%arg0: i32) -> (i32, i32) {
    %c0_i32 = arith.constant 0 : i32
    %c0_i32_0 = arith.constant 0 : i32
    %c0_i32_1 = arith.constant 0 : i32
    return %c0_i32, %c0_i32_0 : i32, i32
  }
  func.func @transform_7(%arg0: i32) -> (i32, i32) {
    %c0_i32 = arith.constant 0 : i32
    %c0_i32_0 = arith.constant 0 : i32
    %c0_i32_1 = arith.constant 0 : i32
    return %c0_i32, %c0_i32_0 : i32, i32
  }
  func.func @transform_8(%arg0: i32) -> (i32, i32) {
    %c0_i32 = arith.constant 0 : i32
    %c0_i32_0 = arith.constant 0 : i32
    %c0_i32_1 = arith.constant 0 : i32
    return %c0_i32, %c0_i32_0 : i32, i32
  }
  func.func @transform_9(%arg0: i32) -> (i32, i32) {
    %c0_i32 = arith.constant 0 : i32
    %c0_i32_0 = arith.constant 0 : i32
    return %arg0, %c0_i32 : i32, i32
  }
  func.func @transform_10(%arg0: i32) -> (i32, i32) {
    %c0_i32 = arith.constant 0 : i32
    %c0_i32_0 = arith.constant 0 : i32
    return %arg0, %c0_i32 : i32, i32
  }
  func.func @transform_11(%arg0: i32) -> (i32, i32) {
    %c0_i32 = arith.constant 0 : i32
    %c0_i32_0 = arith.constant 0 : i32
    %c0_i32_1 = arith.constant 0 : i32
    return %c0_i32, %c0_i32_0 : i32, i32
  }
}

</mosaic_0001>

<sc_bundles>
// kernel: kernel.5.cloned.1.call-start
scs
__scs_entry_jumppad:
0x0: {  	(pc) =	sbr.rel $0x88, $3  }
0x1: {  	(tag) =	ssettag $0x0;
	lr =	simm.s32 $0x1  }
0x2: {  	[smem:$0x3F96] =	sst lr;
	_ =	strace $0xD0000000  }
0x3: {  	_ = 	snop  }
0x4: {  	_ = 	snop  }
0x5: {  	_ = 	snop  }
0x6: {  	_ = 	snop  }
0x7: {  	_ = 	snop  }
__scs_overlays_trampoline_lowered:
0x8: {  	[smem:$0x3FA5] =	sst s0  }
0x9: {  	[smem:$0x3FA6] =	sst s1  }
0xa: {  	[smem:$0x3FA7] =	sst s2  }
0xb: {  	[smem:$0x3FA8] =	sst s3  }
0xc: {  	[smem:$0x3FA9] =	sst s4  }
0xd: {  	[smem:$0x3FAA] =	sst s5  }
0xe: {  	[smem:$0x3FAB] =	sst s6  }
0xf: {  	[smem:$0x3FAC] =	sst s7  }
0x10: {  	[smem:$0x3FAD] =	sst s8  }
0x11: {  	[smem:$0x3FAE] =	sst s9;
	s0 =	simm.s32 @!p0 $0x0  }
0x12: {  	s1 =	sld [smem:$0x3F94];
	s0 =	simm.s32 @p0 $0x1  }
0x13: {  	[smem:$0x3FAF] =	sst s0;
	s0 =	simm.s32 @!p1 $0x0  }
0x14: {  	s2 =	sld [smem:$0x3F93];
	s0 =	simm.s32 @p1 $0x1  }
0x15: {  	[smem:$0x3FB0] =	sst s0;
	s0 =	simm.s32 @!p2 $0x0  }
0x16: {  	s3 =	sld [smem:$0x3FDB];
	s0 =	simm.s32 @p2 $0x1  }
0x17: {  	s4 =	simm.s32 $0x1BF5;
	[smem:$0x3FB2] =	sst s0  }
0x18: {  	s0 =	sld [smem:$0x3F95];
	_ =	swait.ge [sflag:s4], $0x0  }
0x19: {  	s7 =	sld [smem:$0x3F96]  }
0x1a: {  	s8 =	sadd.s32 $0xFFFFE003, lr  }
0x1b: {  	s9 =	sadd.s32 $0xFFFFFEF7, lr;
	s5 =	simm.s32 $0xFFFFFFFF;
	p2 =	slt.u32 s8, $0xFFFFF086  }
0x1c: {  	p1 =	slt.u32 s9, $0xF7A;
	s5 =	simm.s32 @!p2 $0x0  }
0x1d: {  	s5 =	simm.s32 @p1 $0x1;
	p0 =	seq.s32 s7, s2  }
0x1e: {  	s7 =	smul.u32 @!p0 $0xF7A, s2;
	p2 =	seq.s32 @!p0 s5, $0x0  }
0x1f: {  	s9 =	smul.u32 $0xF7A, s1;
	s8 =	simm.s32 @!p0 $0x1BF5;
	p2 =	por !p2, p0  }
0x20: {  	[sflag:s8] =	ssyncset.s32 @!p0 $0xFFFFF086;
	s6 =	sadd.s32 @!p0 s3, s7;
	s7 =	simm.s32 @!p0 $0x108  }
0x21: {  	s3 =	sadd.s32 s3, s9;
	s6 =	sadd.s32 @!p0 $0x88, s6;
	s7 =	simm.s32 @p2 $0x1082  }
0x22: {  	[simem:s7], [sflag:s8] =	dma.local @!p0 [hbm:s6], $0xF7A  }
0x23: {  	s9 =	sor.u32 $0xD0000000, s2;
	s6 =	simm.s32 $0x108;
	_ =	swait.ge @!p0 [sflag:s8], $0x0  }
0x24: {  	s3 =	sadd.s32 $0x88, s3;
	s6 =	simm.s32 @!p1 $0x1082;
	[sflag:s4] =	ssyncset.s32 $0xFFFFF086  }
0x25: {  	[simem:s6], [sflag:s4] =	dma.local [hbm:s3], $0xF7A  }
0x26: {  	[smem:$0x3F96] =	sst s1;
	(tag) =	ssettag s2;
	_ =	strace s9  }
0x27: {  	s1 =	sld [smem:$0x3FA6]  }
0x28: {  	s2 =	sld [smem:$0x3FA7]  }
0x29: {  	s4 =	sld [smem:$0x3FA9]  }
0x2a: {  	p0 =	seq.s32 s5, $0x0;
	s5 =	sld [smem:$0x3FAA]  }
0x2b: {  	s6 =	sld [smem:$0x3FAB]  }
0x2c: {  	s7 =	sld [smem:$0x3FAC]  }
0x2d: {  	s3 =	simm.s32 $0x108;
	s8 =	sld [smem:$0x3FAD]  }
0x2e: {  	s3 =	simm.s32 @!p0 $0x1082;
	s9 =	sld [smem:$0x3FAE]  }
0x2f: {  	lr =	sadd.s32 s0, s3;
	s0 =	sld [smem:$0x3FA5]  }
0x30: {  	s3 =	sld [smem:$0x3FA8]  }
0x31: {  	[smem:$0x3FB1] =	sst s10  }
0x32: {  	s10 =	sld [smem:$0x3FAF];
	_ =	sdelay $0x3  }
0x33: {  	p0 =	seq.s32 s10, $0x1;
	s10 =	sld [smem:$0x3FB1];
	_ =	sdelay $0x3  }
0x34: {  	[smem:$0x3FB1] =	sst s10  }
0x35: {  	s10 =	sld [smem:$0x3FB0];
	_ =	sdelay $0x3  }
0x36: {  	p1 =	seq.s32 s10, $0x1;
	s10 =	sld [smem:$0x3FB1];
	_ =	sdelay $0x3  }
0x37: {  	[smem:$0x3FB1] =	sst s10  }
0x38: {  	s10 =	sld [smem:$0x3FB2]  }
0x39: {  	_ = 	snop;
	(pc) =	sbr.ind lr, $3  }
0x3a: {  	_ = 	snop  }
0x3b: {  	_ = 	snop  }
0x3c: {  	p2 =	seq.s32 s10, $0x1;
	s10 =	sld [smem:$0x3FB1]  }
0x3d: {  	_ =	shalt  }
0x3e: {  	_ =	shalt  }
0x3f: {  	_ =	shalt  }
0x40: {  	_ =	shalt  }
0x41: {  	_ =	shalt  }
0x42: {  	_ =	shalt  }
0x43: {  	_ =	shalt  }
0x44: {  	_ =	shalt  }
0x45: {  	_ =	shalt  }
0x46: {  	_ =	shalt  }
0x47: {  	_ =	shalt  }
0x48: {  	_ =	shalt  }
0x49: {  	_ =	shalt  }
0x4a: {  	_ =	shalt  }
0x4b: {  	_ =	shalt  }
0x4c: {  	_ =	shalt  }
0x4d: {  	_ =	shalt  }
0x4e: {  	_ =	shalt  }
0x4f: {  	_ =	shalt  }
0x50: {  	_ =	shalt  }
0x51: {  	_ =	shalt  }
0x52: {  	_ =	shalt  }
0x53: {  	_ =	shalt  }
0x54: {  	_ =	shalt  }
0x55: {  	_ =	shalt  }
0x56: {  	_ =	shalt  }
0x57: {  	_ =	shalt  }
0x58: {  	_ =	shalt  }
0x59: {  	_ =	shalt  }
0x5a: {  	_ =	shalt  }
0x5b: {  	_ =	shalt  }
0x5c: {  	_ =	shalt  }
0x5d: {  	_ =	shalt  }
0x5e: {  	_ =	shalt  }
0x5f: {  	_ =	shalt  }
0x60: {  	_ =	shalt  }
0x61: {  	_ =	shalt  }
0x62: {  	_ =	shalt  }
0x63: {  	_ =	shalt  }
0x64: {  	_ =	shalt  }
0x65: {  	_ =	shalt  }
0x66: {  	_ =	shalt  }
0x67: {  	_ =	shalt  }
0x68: {  	_ =	shalt  }
0x69: {  	_ =	shalt  }
0x6a: {  	_ =	shalt  }
0x6b: {  	_ =	shalt  }
0x6c: {  	_ =	shalt  }
0x6d: {  	_ =	shalt  }
0x6e: {  	_ =	shalt  }
0x6f: {  	_ =	shalt  }
0x70: {  	_ =	shalt  }
0x71: {  	_ =	shalt  }
0x72: {  	_ =	shalt  }
0x73: {  	_ =	shalt  }
0x74: {  	_ =	shalt  }
0x75: {  	_ =	shalt  }
0x76: {  	_ =	shalt  }
0x77: {  	_ =	shalt  }
0x78: {  	_ =	shalt  }
0x79: {  	_ =	shalt  }
0x7a: {  	_ =	shalt  }
0x7b: {  	_ =	shalt  }
0x7c: {  	_ =	shalt  }
0x7d: {  	_ =	shalt  }
0x7e: {  	_ =	shalt  }
0x7f: {  	_ =	shalt  }
0x80: {  	_ =	shalt  }
0x81: {  	_ =	shalt  }
0x82: {  	_ =	shalt  }
0x83: {  	_ =	shalt  }
0x84: {  	_ =	shalt  }
0x85: {  	_ =	shalt  }
0x86: {  	_ =	shalt  }
0x87: {  	_ =	shalt  }
.Lfunc_end0:
.L_simem_size_0:
called_computation_lowered:
.L_overlay_start_0:
0x88: {  	s2 =	sld [smem:$0x3FD9]  }
0x89: {  	s3 =	sld [smem:$0x3FFE];
	_ =	sdelay $0x1  }
0x8a: {  	s1 =	srdreg.scid  }
0x8b: {  	s0 =	sand.u32 $0x1, s1  }
0x8c: {  	s17 =	sshll.u32 s0, $0xA;
	s2 =	sadd.s32 s3, s2  }
0x8d: {  	s2 =	sadd.s32 s2, s17  }
0x8e: {  	[smem:$0x3FBD] =	sst s2  }
0x8f: {  	_ = 	snop  }
0x90: {  	s2 =	sld [smem:$0x3FC7];
	(tm) =	ssettm $0x1  }
0x91: {  	s18 =	sld [smem:$0x3FFB];
	_ =	sdelay $0x3  }
0x92: {  	_ =	strace s18  }
0x93: {  	s3 =	sld [smem:$0x3FFC];
	_ =	sdelay $0x3  }
0x94: {  	_ =	strace s3  }
0x95: {  	s3 =	sld [smem:$0x3FFD];
	_ =	sdelay $0x3  }
0x96: {  	_ =	strace s3  }
0x97: {  	_ =	strace $0x8FFFFFFF  }
0x98: {  	s19 =	sld [smem:$0x3FDB];
	_ =	sdelay $0x1  }
0x99: {  	s4 =	simm.s32 $_scs_section_size  }
0x9a: {  	s5 =	simm.s32 $_size__tile_overlayer_lowered;
	s6 =	simm.s32 $_tile_overlayer_lowered  }
0x9b: {  	s22 =	simm.s32 $0x1BFF;
	s21 =	sshll.u32 s6, $0x1;
	s3 =	sadd.s32 s4, s19  }
0x9c: {  	s7 =	simm.s32 $0x0;
	s20 =	sshll.u32 s5, $0x1;
	s5 =	sadd.s32 s21, s3  }
0x9d: {  	[timem:s7], [sflag:s22] =	dma.local [hbm:s5], s20  }
0x9e: {  	_ =	swait.ge [sflag:s22], s20  }
0x9f: {  	s4 =	ssub.s32 $0x0, s20;
	[sflag:s22] =	ssyncset.done $0x0  }
0xa0: {  	[sflag:s22] =	ssyncadd.s32 s4;
	_ =	sdelay $0x1  }
0xa1: {  	s23 =	simm.s32 $0x1B8B  }
0xa2: {  	_ =	swait.ge [sflag:s23], $0x1  }
0xa3: {  	[sflag:s23] =	ssyncset.done $0x0  }
0xa4: {  	s25 =	simm.s32 $0x1B8E;
	s24 =	sld [smem:$0x3FFE];
	[sflag:s23] =	ssyncadd.s32 $0xFFFFFFFF  }
0xa5: {  	s26 =	simm.s32 $execute0_lowered;
	[smem:$0x3FD2] =	sst s25  }
0xa6: {  	s5 =	sshll.u32 s26, $0x1;
	_ =	strace $0x80000046;
	[dreg:$0x1] =	wrdreg $0xFFFFFFFF  }
0xa7: {  	s28 =	simm.s32 $_size_execute0_lowered;
	s3 =	sadd.s32 s3, s5;
	[dreg:$0x0] =	wrdreg $0x0  }
0xa8: {  	s5 =	sshll.u32 s28, $0x1;
	[dreg:$0x2] =	wrdreg s3  }
0xa9: {  	[dreg:$0x3] =	wrdreg s5  }
0xaa: {  	[dreg:$0x4] =	wrdreg $0xC0  }
0xab: {  	_ =	task [dreg:s7], $0x5FFFF  }
0xac: {  	[dreg:$0x1] =	wrdreg $0xFFFFFFFF  }
0xad: {  	[dreg:$0x0] =	wrdreg $0x60  }
0xae: {  	[dreg:$0x2] =	wrdreg s24  }
0xaf: {  	[dreg:$0x3] =	wrdreg s2  }
0xb0: {  	[dreg:$0x4] =	wrdreg $0x9  }
0xb1: {  	_ =	task.clear_ibuf [dreg:s7], $0x5FFFF;
	_ =	strace $0x90000046  }
0xb2: {  	s29 =	simm.s32 $0x9;
	_ =	strace $0x80000048  }
0xb3: {  	_ =	swait.ge [sflag:s29], $0x1  }
0xb4: {  	[sflag:s29] =	ssyncadd.s32 $0xFFFFFFFF  }
0xb5: {  	_ =	strace $0x90000048  }
0xb6: {  	_ =	sfence  }
0xb7: {  	s30 =	sld [smem:$0x0];
	_ =	sdelay $0x2  }
0xb8: {  	s31 =	sshll.u32 s1, $0xD;
	s1 =	sshrl.u32 s1, $0x2  }
0xb9: {  	s3 =	sand.u32 $0x4000, s31;
	s1 =	sadd.s32 s1, s30  }
0xba: {  	s0 =	sor.u32 s3, s0;
	s1 =	sshll.u32 s1, $0x11  }
0xbb: {  	s0 =	sor.u32 s1, s0  }
0xbc: {  	s0 =	sadd.s32 $0x8F2B, s0  }
0xbd: {  	[sflag:s0] =	ssyncadd.remote.s32 $0x1  }
0xbe: {  	_ =	sfence.sel $0xFFFF  }
0xbf: {  	[dreg:$0x0] =	wrdreg $0xFFFFFFFF;
	(pc) =	sbr.abs _section_cstart, $3  }
0xc0: {  	[dreg:$0x1] =	wrdreg $0xFFFFFFFF  }
0xc1: {  	_ =	task.clear_ibuf [dreg:s7], $0x2FFFF;
	_ =	strace $0x9FFFFFFF  }
0xc2: {  	(tm) =	ssettm $0x7FFFFFFF  }
0xc3: {  	_ =	shalt  }
tec
execute0_lowered:
.L_overlay_start_1:
0x0: {  	(tag) =	ssettag $0x1  }
0x1: {  	v1 =	vlaneseq.u32  }
0x2: {  	v0 =	vmul.u32 $0x80, v1;
	v1 =	vmul.u32 $0x10, v1  }
0x3: {  	v2 =	vimm.s32 $0x0  }
0x4: {  	v3 =	vor.u32 $0x1, v0;
	v12 =	vor.u32 $0x5, v1;
	v13 =	vor.u32 $0x6, v0  }
0x5: {  	v14 =	vor.u32 $0x6, v1;
	v15 =	vor.u32 $0x7, v0;
	v16 =	vor.u32 $0x7, v1  }
0x6: {  	v17 =	vor.u32 $0x8, v0;
	v18 =	vor.u32 $0x8, v1;
	v19 =	vor.u32 $0x9, v0  }
0x7: {  	v20 =	vor.u32 $0x9, v1;
	v21 =	vor.u32 $0xA, v0;
	v22 =	vor.u32 $0xA, v1  }
0x8: {  	v23 =	vor.u32 $0xB, v0;
	v24 =	vor.u32 $0xB, v1;
	v25 =	vor.u32 $0xC, v0  }
0x9: {  	v26 =	vor.u32 $0xC, v1;
	v27 =	vor.u32 $0xD, v0;
	v28 =	vor.u32 $0xD, v1  }
0xa: {  	v29 =	vor.u32 $0xE, v0;
	v30 =	vor.u32 $0xE, v1;
	v31 =	vor.u32 $0xF, v0  }
0xb: {  	v32 =	vor.u32 $0xF, v1;
	v33 =	vor.u32 $0x800, v0;
	v34 =	vor.u32 $0x100, v1  }
0xc: {  	v35 =	vor.u32 $0x801, v0;
	v36 =	vor.u32 $0x101, v1;
	v37 =	vor.u32 $0x802, v0  }
0xd: {  	s4 =	rddreg [dreg:$0x0];
	v38 =	vor.u32 $0x102, v1;
	v39 =	vor.u32 $0x803, v0;
	v40 =	vor.u32 $0x103, v1  }
0xe: {  	s5 =	rddreg [dreg:$0x1];
	v41 =	vor.u32 $0x804, v0;
	v42 =	vor.u32 $0x104, v1;
	[tilespmem:$0x1FF70] =	vst v3;
	v3 =	vor.u32 $0x1, v1  }
0xf: {  	s0 =	rddreg [dreg:$0x2];
	v43 =	vor.u32 $0x805, v0;
	v44 =	vor.u32 $0x105, v1;
	[tilespmem:$0x1FF80] =	vst v3;
	v3 =	vor.u32 $0x2, v0  }
0x10: {  	s3 =	srdreg.scid;
	s2 =	simm.s32 $0x0;
	s1 =	stileid.u32;
	v45 =	vor.u32 $0x806, v0;
	v46 =	vor.u32 $0x106, v1;
	[tilespmem:$0x1FF90] =	vst v3;
	v3 =	vor.u32 $0x2, v1  }
0x11: {  	s9 =	simm.s32 $0x100;
	s10 =	simm.s32 $0x1;
	s6 =	sand.u32 $0x1, s3;
	v47 =	vor.u32 $0x807, v0;
	v48 =	vor.u32 $0x107, v1;
	[tilespmem:$0x1FFA0] =	vst v3;
	v3 =	vor.u32 $0x3, v0  }
0x12: {  	s11 =	simm.s32 $0x4100;
	s30 =	sshll.u32 s1, $0x8;
	s7 =	sshll.u32 s6, $0x7;
	v49 =	vor.u32 $0x808, v0;
	v50 =	vor.u32 $0x108, v1;
	[tilespmem:$0x1FFB0] =	vst v3;
	v3 =	vor.u32 $0x3, v1  }
0x13: {  	[smem:$0x7FF] =	sst s2;
	s6 =	ssub.s32 $0x2, s6;
	s7 =	sor.u32 s7, s30;
	v51 =	vor.u32 $0x809, v0;
	v52 =	vor.u32 $0x109, v1;
	[tilespmem:$0x1FFC0] =	vst v3;
	v3 =	vor.u32 $0x4, v0  }
0x14: {  	s3 =	sadd.s32 $0x2200, s4;
	s31 =	sshrl.u32 s6, $0x1;
	v53 =	vor.u32 $0x80A, v0;
	v54 =	vor.u32 $0x10A, v1;
	s8 =	sshll.u32 s7, $0x1;
	[tilespmem:$0x1FFD0] =	vst v3;
	v3 =	vor.u32 $0x4, v1  }
0x15: {  	v55 =	vor.u32 $0x80B, v0;
	v56 =	vor.u32 $0x10B, v1;
	s7 =	sshrl.u32 s7, $0x3;
	s6 =	ssub.s32 s6, s31;
	s8 =	sadd.s32 s8, s4;
	[tilespmem:$0x1FFE0] =	vst v3;
	v3 =	vor.u32 $0x5, v0  }
0x16: {  	v57 =	vor.u32 $0x80C, v0;
	v58 =	vor.u32 $0x10C, v1;
	v59 =	vor.u32 $0x80D, v0;
	s4 =	sadd.s32 s5, s7;
	s6 =	smax.u32 s6, $0x1;
	s7 =	simm.s32 $0x2;
	[tilespmem:$0x1FFF0] =	vst v3  }
0x17: {  	v60 =	vor.u32 $0x10D, v1;
	v61 =	vor.u32 $0x80E, v0;
	v62 =	vor.u32 $0x10E, v1;
	s5 =	sadd.s32 $0x42200, s8;
	s8 =	simm.s32 $0x80;
	_ =	strace $0x80000047  }
.LBB2_1:
0x18: {  	[tilespmem:s2], [sflag:$0x2] =	stream.linear.gather [hbm4b:s4+s2], $0x80, $0x38;
	[tilespmem:$0x4900] =	vst v63  }
0x19: {  	_ =	swait.ge [sflag:s7], $0x80  }
0x1a: {  	[sflag:s7] =	ssyncset.done $0x0  }
0x1b: {  	[sflag:s7] =	ssyncadd.s32 $0xFFFFFF80  }
0x1c: {  	v63 =	vld [tilespmem:$0x0]  }
0x1d: {  	v3 =	vld [tilespmem:$0x10];
	_ =	sdelay $0x3  }
0x1e: {  	v4 =	vshra.s32 v63, $0x1F;
	v5 =	vand.u32 $0x7, v63;
	vm0 =	vlt.s32 v63, $0x1  }
0x1f: {  	v11 =	vshra.s32 v3, $0x1F;
	v6 =	vand.u32 $0x7, v3;
	vm13 =	vlt.s32 v3, $0x1  }
0x20: {  	v4 =	vshrl.u32 v4, $0x1D;
	vm1 =	vne.s32 v5, $0x0;
	v5 =	vld [tilespmem:$0x20];
	vm2 =	vne.s32 v6, $0x0  }
0x21: {  	v6 =	vld [tilespmem:$0x30];
	v4 =	vadd.s32 v4, v63;
	vm0 =	vmand vm0, vm1;
	v63 =	vshrl.u32 v11, $0x1D  }
0x22: {  	vm14 =	vmand vm13, vm2;
	v4 =	vshra.s32 v4, $0x3;
	v3 =	vadd.s32 v63, v3  }
0x23: {  	v7 =	vsel vm0, $0xFFFFFFFF, v2;
	v9 =	vsel vm14, $0xFFFFFFFF, v2;
	v63 =	vld [tilespmem:$0x40];
	v3 =	vshra.s32 v3, $0x3  }
0x24: {  	v4 =	vadd.s32 v7, v4;
	v3 =	vadd.s32 v9, v3  }
0x25: {  	v10 =	vshra.s32 v5, $0x1F;
	v11 =	vand.u32 $0x7, v5;
	vm15 =	vlt.s32 v5, $0x1  }
0x26: {  	vm5 =	vlt.s32 v6, $0x1;
	v7 =	vshrl.u32 v10, $0x1D;
	vm4 =	vne.s32 v11, $0x0  }
0x27: {  	v5 =	vadd.s32 v7, v5;
	vm0 =	vmand vm15, vm4;
	v7 =	vshra.s32 v6, $0x1F  }
0x28: {  	v11 =	vld [tilespmem:$0x70];
	v9 =	vand.u32 $0x7, v63;
	vm7 =	vlt.s32 v63, $0x1;
	v5 =	vshra.s32 v5, $0x3  }
0x29: {  	v8 =	vsel vm0, $0xFFFFFFFF, v2;
	v7 =	vshrl.u32 v7, $0x1D;
	vm8 =	vne.s32 v9, $0x0  }
0x2a: {  	v5 =	vadd.s32 v8, v5;
	v7 =	vadd.s32 v7, v6;
	v8 =	vand.u32 $0x7, v6  }
0x2b: {  	v9 =	vld [tilespmem:$0x60];
	vm9 =	vmand vm7, vm8;
	vm6 =	vne.s32 v8, $0x0;
	v8 =	vshra.s32 v63, $0x1F  }
0x2c: {  	v6 =	vld [tilespmem:$0x50];
	v7 =	vshra.s32 v7, $0x3;
	vm0 =	vmand vm5, vm6;
	v8 =	vshrl.u32 v8, $0x1D  }
0x2d: {  	[tilespmem:$0x90] =	vst v3;
	v3 =	vand.u32 $0x7, v11;
	vm3 =	vlt.s32 v11, $0x1;
	v10 =	vsel vm0, $0xFFFFFFFF, v2  }
0x2e: {  	v8 =	vadd.s32 v8, v63;
	v63 =	vsel vm9, $0xFFFFFFFF, v2;
	vm14 =	vne.s32 v3, $0x0  }
0x2f: {  	v3 =	vshra.s32 v11, $0x1F;
	v7 =	vadd.s32 v10, v7;
	v8 =	vshra.s32 v8, $0x3  }
0x30: {  	vm12 =	vlt.s32 v9, $0x1;
	vm15 =	vmand vm3, vm14;
	v3 =	vshrl.u32 v3, $0x1D  }
0x31: {  	v8 =	vadd.s32 v63, v8;
	v10 =	vshra.s32 v6, $0x1F;
	v63 =	vand.u32 $0x7, v6  }
0x32: {  	vm10 =	vlt.s32 v6, $0x1;
	v10 =	vshrl.u32 v10, $0x1D;
	vm11 =	vne.s32 v63, $0x0  }
0x33: {  	v3 =	vadd.s32 v3, v11;
	v6 =	vadd.s32 v10, v6;
	vm0 =	vmand vm10, vm11  }
0x34: {  	[tilespmem:$0x80] =	vst v4;
	v11 =	vsel vm15, $0xFFFFFFFF, v2;
	v6 =	vshra.s32 v6, $0x3;
	v63 =	vsel vm0, $0xFFFFFFFF, v2  }
0x35: {  	[tilespmem:$0xA0] =	vst v5;
	v10 =	vshra.s32 v9, $0x1F;
	v4 =	vadd.s32 v63, v6;
	v63 =	vand.u32 $0x7, v9  }
0x36: {  	[tilespmem:$0xB0] =	vst v7;
	v3 =	vshra.s32 v3, $0x3;
	v10 =	vshrl.u32 v10, $0x1D;
	vm13 =	vne.s32 v63, $0x0  }
0x37: {  	[tilespmem:$0xC0] =	vst v8;
	v3 =	vadd.s32 v11, v3;
	v6 =	vadd.s32 v10, v9;
	vm0 =	vmand vm12, vm13  }
0x38: {  	[tilespmem:$0xF0] =	vst v3;
	v63 =	vshra.s32 v6, $0x3;
	v9 =	vsel vm0, $0xFFFFFFFF, v2  }
0x39: {  	[tilespmem:$0xD0] =	vst v4;
	v10 =	vadd.s32 v9, v63  }
0x3a: {  	[tilespmem:$0xE0] =	vst v10  }
0x3b: {  	[tilespmem:s9], [sflag:$0x1] =	stream.indirect.gather [hbm4b:s3+s8], $0x80, s8, s8, $0xb8;
	[tilespmem:$0x4900] =	vst v63  }
0x3c: {  	_ =	swait.ge [sflag:s10], $0x4000  }
0x3d: {  	[sflag:s10] =	ssyncset.done $0x0  }
0x3e: {  	[sflag:s10] =	ssyncadd.s32 $0xFFFFC000  }
0x3f: {  	v3 =	vld [tilespmem:$0x0];
	_ =	sdelay $0x4  }
0x40: {  	v3 =	vshll.u32 v3, $0x4  }
0x41: {  	v3 =	vand.u32 $0x70, v3  }
0x42: {  	v63 =	vor.u32 v0, v3  }
0x43: {  	v8 =	vld [tilespmem:$0x1FF70];
	_ =	sdelay $0x3  }
0x44: {  	v4 =	vld.idx.msk [tilespmem:v63+s9+$0x0], $0xffff  }
0x45: {  	v5 =	vor.u32 v8, v3  }
0x46: {  	v9 =	vld [tilespmem:$0x1FF90]  }
0x47: {  	v10 =	vld [tilespmem:$0x1FF80];
	_ =	sdelay $0x1  }
0x48: {  	[tilespmem:v1+s11+$0x0] =	vst.idx.msk $0xffff, v4  }
0x49: {  	v4 =	vld.idx.msk [tilespmem:v5+s9+$0x0], $0xffff  }
0x4a: {  	v5 =	vor.u32 v9, v3  }
0x4b: {  	v11 =	vld [tilespmem:$0x1FFB0]  }
0x4c: {  	v63 =	vld [tilespmem:$0x1FFA0];
	_ =	sdelay $0x1  }
0x4d: {  	[tilespmem:v10+s11+$0x0] =	vst.idx.msk $0xffff, v4  }
0x4e: {  	v4 =	vld.idx.msk [tilespmem:v5+s9+$0x0], $0xffff  }
0x4f: {  	v5 =	vor.u32 v11, v3  }
0x50: {  	v9 =	vld [tilespmem:$0x1FFD0]  }
0x51: {  	v10 =	vld [tilespmem:$0x1FFC0];
	_ =	sdelay $0x1  }
0x52: {  	[tilespmem:v63+s11+$0x0] =	vst.idx.msk $0xffff, v4  }
0x53: {  	v4 =	vld.idx.msk [tilespmem:v5+s9+$0x0], $0xffff  }
0x54: {  	v5 =	vor.u32 v9, v3  }
0x55: {  	v11 =	vld [tilespmem:$0x1FFF0]  }
0x56: {  	v63 =	vld [tilespmem:$0x1FFE0];
	_ =	sdelay $0x1  }
0x57: {  	[tilespmem:v10+s11+$0x0] =	vst.idx.msk $0xffff, v4  }
0x58: {  	v4 =	vld.idx.msk [tilespmem:v5+s9+$0x0], $0xffff  }
0x59: {  	v5 =	vor.u32 v11, v3;
	_ =	sdelay $0x3  }
0x5a: {  	[tilespmem:v63+s11+$0x0] =	vst.idx.msk $0xffff, v4  }
0x5b: {  	v4 =	vld.idx.msk [tilespmem:v5+s9+$0x0], $0xffff  }
0x5c: {  	v9 =	vor.u32 v13, v3;
	_ =	sdelay $0x3  }
0x5d: {  	[tilespmem:v12+s11+$0x0] =	vst.idx.msk $0xffff, v4  }
0x5e: {  	v4 =	vld.idx.msk [tilespmem:v9+s9+$0x0], $0xffff  }
0x5f: {  	v10 =	vor.u32 v15, v3;
	_ =	sdelay $0x3  }
0x60: {  	[tilespmem:v14+s11+$0x0] =	vst.idx.msk $0xffff, v4  }
0x61: {  	v4 =	vld.idx.msk [tilespmem:v10+s9+$0x0], $0xffff  }
0x62: {  	v11 =	vor.u32 v17, v3;
	_ =	sdelay $0x3  }
0x63: {  	[tilespmem:v16+s11+$0x0] =	vst.idx.msk $0xffff, v4  }
0x64: {  	v4 =	vld.idx.msk [tilespmem:v11+s9+$0x0], $0xffff  }
0x65: {  	v63 =	vor.u32 v19, v3;
	_ =	sdelay $0x3  }
0x66: {  	[tilespmem:v18+s11+$0x0] =	vst.idx.msk $0xffff, v4  }
0x67: {  	v4 =	vld.idx.msk [tilespmem:v63+s9+$0x0], $0xffff  }
0x68: {  	v8 =	vor.u32 v21, v3;
	_ =	sdelay $0x3  }
0x69: {  	[tilespmem:v20+s11+$0x0] =	vst.idx.msk $0xffff, v4  }
0x6a: {  	v4 =	vld.idx.msk [tilespmem:v8+s9+$0x0], $0xffff  }
0x6b: {  	v9 =	vor.u32 v23, v3;
	_ =	sdelay $0x3  }
0x6c: {  	[tilespmem:v22+s11+$0x0] =	vst.idx.msk $0xffff, v4  }
0x6d: {  	v4 =	vld.idx.msk [tilespmem:v9+s9+$0x0], $0xffff  }
0x6e: {  	v10 =	vor.u32 v25, v3;
	_ =	sdelay $0x3  }
0x6f: {  	[tilespmem:v24+s11+$0x0] =	vst.idx.msk $0xffff, v4  }
0x70: {  	v4 =	vld.idx.msk [tilespmem:v10+s9+$0x0], $0xffff  }
0x71: {  	v11 =	vor.u32 v27, v3;
	_ =	sdelay $0x3  }
0x72: {  	[tilespmem:v26+s11+$0x0] =	vst.idx.msk $0xffff, v4  }
0x73: {  	v4 =	vld.idx.msk [tilespmem:v11+s9+$0x0], $0xffff  }
0x74: {  	v63 =	vor.u32 v29, v3;
	_ =	sdelay $0x3  }
0x75: {  	[tilespmem:v28+s11+$0x0] =	vst.idx.msk $0xffff, v4  }
0x76: {  	v4 =	vld.idx.msk [tilespmem:v63+s9+$0x0], $0xffff  }
0x77: {  	v3 =	vor.u32 v31, v3;
	_ =	sdelay $0x3  }
0x78: {  	[tilespmem:v30+s11+$0x0] =	vst.idx.msk $0xffff, v4  }
0x79: {  	v3 =	vld.idx.msk [tilespmem:v3+s9+$0x0], $0xffff;
	_ =	sdelay $0x4  }
0x7a: {  	[tilespmem:v32+s11+$0x0] =	vst.idx.msk $0xffff, v3  }
0x7b: {  	v3 =	vld [tilespmem:$0x10];
	_ =	sdelay $0x4  }
0x7c: {  	v3 =	vshll.u32 v3, $0x4  }
0x7d: {  	v3 =	vand.u32 $0x70, v3  }
0x7e: {  	v8 =	vor.u32 v33, v3;
	_ =	sdelay $0x4  }
0x7f: {  	v4 =	vld.idx.msk [tilespmem:v8+s9+$0x0], $0xffff  }
0x80: {  	v9 =	vor.u32 v35, v3;
	_ =	sdelay $0x3  }
0x81: {  	[tilespmem:v34+s11+$0x0] =	vst.idx.msk $0xffff, v4  }
0x82: {  	v4 =	vld.idx.msk [tilespmem:v9+s9+$0x0], $0xffff  }
0x83: {  	v10 =	vor.u32 v37, v3;
	_ =	sdelay $0x3  }
0x84: {  	[tilespmem:v36+s11+$0x0] =	vst.idx.msk $0xffff, v4  }
0x85: {  	v4 =	vld.idx.msk [tilespmem:v10+s9+$0x0], $0xffff  }
0x86: {  	v11 =	vor.u32 v39, v3;
	_ =	sdelay $0x3  }
0x87: {  	[tilespmem:v38+s11+$0x0] =	vst.idx.msk $0xffff, v4  }
0x88: {  	v4 =	vld.idx.msk [tilespmem:v11+s9+$0x0], $0xffff  }
0x89: {  	v63 =	vor.u32 v41, v3;
	_ =	sdelay $0x3  }
0x8a: {  	[tilespmem:v40+s11+$0x0] =	vst.idx.msk $0xffff, v4  }
0x8b: {  	v4 =	vld.idx.msk [tilespmem:v63+s9+$0x0], $0xffff  }
0x8c: {  	v8 =	vor.u32 v43, v3;
	_ =	sdelay $0x3  }
0x8d: {  	[tilespmem:v42+s11+$0x0] =	vst.idx.msk $0xffff, v4  }
0x8e: {  	v4 =	vld.idx.msk [tilespmem:v8+s9+$0x0], $0xffff  }
0x8f: {  	v9 =	vor.u32 v45, v3;
	_ =	sdelay $0x3  }
0x90: {  	[tilespmem:v44+s11+$0x0] =	vst.idx.msk $0xffff, v4  }
0x91: {  	v4 =	vld.idx.msk [tilespmem:v9+s9+$0x0], $0xffff  }
0x92: {  	v10 =	vor.u32 v47, v3;
	_ =	sdelay $0x3  }
0x93: {  	[tilespmem:v46+s11+$0x0] =	vst.idx.msk $0xffff, v4  }
0x94: {  	v4 =	vld.idx.msk [tilespmem:v10+s9+$0x0], $0xffff  }
0x95: {  	v11 =	vor.u32 v49, v3;
	_ =	sdelay $0x3  }
0x96: {  	[tilespmem:v48+s11+$0x0] =	vst.idx.msk $0xffff, v4  }
0x97: {  	v4 =	vld.idx.msk [tilespmem:v11+s9+$0x0], $0xffff  }
0x98: {  	v63 =	vor.u32 v51, v3;
	_ =	sdelay $0x3  }
0x99: {  	[tilespmem:v50+s11+$0x0] =	vst.idx.msk $0xffff, v4  }
0x9a: {  	v4 =	vld.idx.msk [tilespmem:v63+s9+$0x0], $0xffff  }
0x9b: {  	v8 =	vor.u32 v53, v3;
	_ =	sdelay $0x3  }
0x9c: {  	[tilespmem:v52+s11+$0x0] =	vst.idx.msk $0xffff, v4  }
0x9d: {  	v4 =	vld.idx.msk [tilespmem:v8+s9+$0x0], $0xffff  }
0x9e: {  	v9 =	vor.u32 v55, v3;
	_ =	sdelay $0x3  }
0x9f: {  	[tilespmem:v54+s11+$0x0] =	vst.idx.msk $0xffff, v4  }
0xa0: {  	v4 =	vld.idx.msk [tilespmem:v9+s9+$0x0], $0xffff  }
0xa1: {  	v10 =	vor.u32 v57, v3;
	_ =	sdelay $0x3  }
0xa2: {  	[tilespmem:v56+s11+$0x0] =	vst.idx.msk $0xffff, v4  }
0xa3: {  	v4 =	vld.idx.msk [tilespmem:v10+s9+$0x0], $0xffff  }
0xa4: {  	v11 =	vor.u32 v59, v3;
	_ =	sdelay $0x3  }
0xa5: {  	[tilespmem:v58+s11+$0x0] =	vst.idx.msk $0xffff, v4  }
0xa6: {  	v4 =	vld.idx.msk [tilespmem:v11+s9+$0x0], $0xffff  }
0xa7: {  	v63 =	vor.u32 v61, v3;
	_ =	sdelay $0x3  }
0xa8: {  	[tilespmem:v60+s11+$0x0] =	vst.idx.msk $0xffff, v4  }
0xa9: {  	v8 =	vor.u32 $0x80F, v0;
	v4 =	vld.idx.msk [tilespmem:v63+s9+$0x0], $0xffff  }
0xaa: {  	v3 =	vor.u32 v8, v3;
	_ =	sdelay $0x3  }
0xab: {  	[tilespmem:v62+s11+$0x0] =	vst.idx.msk $0xffff, v4  }
0xac: {  	v9 =	vor.u32 $0x10F, v1;
	v3 =	vld.idx.msk [tilespmem:v3+s9+$0x0], $0xffff;
	_ =	sdelay $0x4  }
0xad: {  	[tilespmem:v9+s11+$0x0] =	vst.idx.msk $0xffff, v3  }
0xae: {  	v3 =	vld [tilespmem:$0x20];
	_ =	sdelay $0x4  }
0xaf: {  	v3 =	vshll.u32 v3, $0x4  }
0xb0: {  	v10 =	vor.u32 $0x1000, v0;
	v3 =	vand.u32 $0x70, v3  }
0xb1: {  	v4 =	vor.u32 v10, v3;
	_ =	sdelay $0x4  }
0xb2: {  	v11 =	vor.u32 $0x200, v1;
	v63 =	vor.u32 $0x1001, v0;
	v4 =	vld.idx.msk [tilespmem:v4+s9+$0x0], $0xffff  }
0xb3: {  	v6 =	vor.u32 v63, v3;
	_ =	sdelay $0x3  }
0xb4: {  	[tilespmem:v11+s11+$0x0] =	vst.idx.msk $0xffff, v4  }
0xb5: {  	v9 =	vor.u32 $0x201, v1;
	v10 =	vor.u32 $0x1002, v0;
	v4 =	vld.idx.msk [tilespmem:v6+s9+$0x0], $0xffff  }
0xb6: {  	v6 =	vor.u32 v10, v3;
	_ =	sdelay $0x3  }
0xb7: {  	[tilespmem:v9+s11+$0x0] =	vst.idx.msk $0xffff, v4  }
0xb8: {  	v63 =	vor.u32 $0x1003, v0;
	v11 =	vor.u32 $0x202, v1;
	v4 =	vld.idx.msk [tilespmem:v6+s9+$0x0], $0xffff  }
0xb9: {  	v6 =	vor.u32 v63, v3;
	_ =	sdelay $0x3  }
0xba: {  	[tilespmem:v11+s11+$0x0] =	vst.idx.msk $0xffff, v4  }
0xbb: {  	v10 =	vor.u32 $0x1004, v0;
	v9 =	vor.u32 $0x203, v1;
	v4 =	vld.idx.msk [tilespmem:v6+s9+$0x0], $0xffff  }
0xbc: {  	v6 =	vor.u32 v10, v3;
	_ =	sdelay $0x3  }
0xbd: {  	[tilespmem:v9+s11+$0x0] =	vst.idx.msk $0xffff, v4  }
0xbe: {  	v63 =	vor.u32 $0x1005, v0;
	v11 =	vor.u32 $0x204, v1;
	v4 =	vld.idx.msk [tilespmem:v6+s9+$0x0], $0xffff  }
0xbf: {  	v6 =	vor.u32 v63, v3;
	_ =	sdelay $0x3  }
0xc0: {  	[tilespmem:v11+s11+$0x0] =	vst.idx.msk $0xffff, v4  }
0xc1: {  	v10 =	vor.u32 $0x1006, v0;
	v9 =	vor.u32 $0x205, v1;
	v4 =	vld.idx.msk [tilespmem:v6+s9+$0x0], $0xffff  }
0xc2: {  	v6 =	vor.u32 v10, v3;
	_ =	sdelay $0x3  }
0xc3: {  	[tilespmem:v9+s11+$0x0] =	vst.idx.msk $0xffff, v4  }
0xc4: {  	v63 =	vor.u32 $0x1007, v0;
	v11 =	vor.u32 $0x206, v1;
	v4 =	vld.idx.msk [tilespmem:v6+s9+$0x0], $0xffff  }
0xc5: {  	v6 =	vor.u32 v63, v3;
	_ =	sdelay $0x3  }
0xc6: {  	[tilespmem:v11+s11+$0x0] =	vst.idx.msk $0xffff, v4  }
0xc7: {  	v10 =	vor.u32 $0x1008, v0;
	v9 =	vor.u32 $0x207, v1;
	v4 =	vld.idx.msk [tilespmem:v6+s9+$0x0], $0xffff  }
0xc8: {  	v6 =	vor.u32 v10, v3;
	_ =	sdelay $0x3  }
0xc9: {  	[tilespmem:v9+s11+$0x0] =	vst.idx.msk $0xffff, v4  }
0xca: {  	v63 =	vor.u32 $0x1009, v0;
	v11 =	vor.u32 $0x208, v1;
	v4 =	vld.idx.msk [tilespmem:v6+s9+$0x0], $0xffff  }
0xcb: {  	v6 =	vor.u32 v63, v3;
	_ =	sdelay $0x3  }
0xcc: {  	[tilespmem:v11+s11+$0x0] =	vst.idx.msk $0xffff, v4  }
0xcd: {  	v10 =	vor.u32 $0x100A, v0;
	v9 =	vor.u32 $0x209, v1;
	v4 =	vld.idx.msk [tilespmem:v6+s9+$0x0], $0xffff  }
0xce: {  	v6 =	vor.u32 v10, v3;
	_ =	sdelay $0x3  }
0xcf: {  	[tilespmem:v9+s11+$0x0] =	vst.idx.msk $0xffff, v4  }
0xd0: {  	v63 =	vor.u32 $0x100B, v0;
	v11 =	vor.u32 $0x20A, v1;
	v4 =	vld.idx.msk [tilespmem:v6+s9+$0x0], $0xffff  }
0xd1: {  	v6 =	vor.u32 v63, v3;
	_ =	sdelay $0x3  }
0xd2: {  	[tilespmem:v11+s11+$0x0] =	vst.idx.msk $0xffff, v4  }
0xd3: {  	v10 =	vor.u32 $0x100C, v0;
	v9 =	vor.u32 $0x20B, v1;
	v4 =	vld.idx.msk [tilespmem:v6+s9+$0x0], $0xffff  }
0xd4: {  	v6 =	vor.u32 v10, v3;
	_ =	sdelay $0x3  }
0xd5: {  	[tilespmem:v9+s11+$0x0] =	vst.idx.msk $0xffff, v4  }
0xd6: {  	v63 =	vor.u32 $0x100D, v0;
	v11 =	vor.u32 $0x20C, v1;
	v4 =	vld.idx.msk [tilespmem:v6+s9+$0x0], $0xffff  }
0xd7: {  	v6 =	vor.u32 v63, v3;
	_ =	sdelay $0x3  }
0xd8: {  	[tilespmem:v11+s11+$0x0] =	vst.idx.msk $0xffff, v4  }
0xd9: {  	v10 =	vor.u32 $0x100E, v0;
	v9 =	vor.u32 $0x20D, v1;
	v4 =	vld.idx.msk [tilespmem:v6+s9+$0x0], $0xffff  }
0xda: {  	v6 =	vor.u32 v10, v3;
	_ =	sdelay $0x3  }
0xdb: {  	[tilespmem:v9+s11+$0x0] =	vst.idx.msk $0xffff, v4  }
0xdc: {  	v63 =	vor.u32 $0x100F, v0;
	v11 =	vor.u32 $0x20E, v1;
	v4 =	vld.idx.msk [tilespmem:v6+s9+$0x0], $0xffff  }
0xdd: {  	v3 =	vor.u32 v63, v3;
	_ =	sdelay $0x3  }
0xde: {  	[tilespmem:v11+s11+$0x0] =	vst.idx.msk $0xffff, v4  }
0xdf: {  	v9 =	vor.u32 $0x20F, v1;
	v3 =	vld.idx.msk [tilespmem:v3+s9+$0x0], $0xffff;
	_ =	sdelay $0x4  }
0xe0: {  	[tilespmem:v9+s11+$0x0] =	vst.idx.msk $0xffff, v3  }
0xe1: {  	v3 =	vld [tilespmem:$0x30];
	_ =	sdelay $0x4  }
0xe2: {  	v3 =	vshll.u32 v3, $0x4  }
0xe3: {  	v10 =	vor.u32 $0x1800, v0;
	v3 =	vand.u32 $0x70, v3  }
0xe4: {  	v4 =	vor.u32 v10, v3;
	_ =	sdelay $0x4  }
0xe5: {  	v63 =	vor.u32 $0x1801, v0;
	v11 =	vor.u32 $0x300, v1;
	v4 =	vld.idx.msk [tilespmem:v4+s9+$0x0], $0xffff  }
0xe6: {  	v6 =	vor.u32 v63, v3;
	_ =	sdelay $0x3  }
0xe7: {  	[tilespmem:v11+s11+$0x0] =	vst.idx.msk $0xffff, v4  }
0xe8: {  	v9 =	vor.u32 $0x301, v1;
	v10 =	vor.u32 $0x1802, v0;
	v4 =	vld.idx.msk [tilespmem:v6+s9+$0x0], $0xffff  }
0xe9: {  	v6 =	vor.u32 v10, v3;
	_ =	sdelay $0x3  }
0xea: {  	[tilespmem:v9+s11+$0x0] =	vst.idx.msk $0xffff, v4  }
0xeb: {  	v63 =	vor.u32 $0x1803, v0;
	v11 =	vor.u32 $0x302, v1;
	v4 =	vld.idx.msk [tilespmem:v6+s9+$0x0], $0xffff  }
0xec: {  	v6 =	vor.u32 v63, v3;
	_ =	sdelay $0x3  }
0xed: {  	[tilespmem:v11+s11+$0x0] =	vst.idx.msk $0xffff, v4  }
0xee: {  	v10 =	vor.u32 $0x1804, v0;
	v9 =	vor.u32 $0x303, v1;
	v4 =	vld.idx.msk [tilespmem:v6+s9+$0x0], $0xffff  }
0xef: {  	v6 =	vor.u32 v10, v3;
	_ =	sdelay $0x3  }
0xf0: {  	[tilespmem:v9+s11+$0x0] =	vst.idx.msk $0xffff, v4  }
0xf1: {  	v63 =	vor.u32 $0x1805, v0;
	v11 =	vor.u32 $0x304, v1;
	v4 =	vld.idx.msk [tilespmem:v6+s9+$0x0], $0xffff  }
0xf2: {  	v6 =	vor.u32 v63, v3;
	_ =	sdelay $0x3  }
0xf3: {  	[tilespmem:v11+s11+$0x0] =	vst.idx.msk $0xffff, v4  }
0xf4: {  	v10 =	vor.u32 $0x1806, v0;
	v9 =	vor.u32 $0x305, v1;
	v4 =	vld.idx.msk [tilespmem:v6+s9+$0x0], $0xffff  }
0xf5: {  	v6 =	vor.u32 v10, v3;
	_ =	sdelay $0x3  }
0xf6: {  	[tilespmem:v9+s11+$0x0] =	vst.idx.msk $0xffff, v4  }
0xf7: {  	v63 =	vor.u32 $0x1807, v0;
	v11 =	vor.u32 $0x306, v1;
	v4 =	vld.idx.msk [tilespmem:v6+s9+$0x0], $0xffff  }
0xf8: {  	v6 =	vor.u32 v63, v3;
	_ =	sdelay $0x3  }
0xf9: {  	[tilespmem:v11+s11+$0x0] =	vst.idx.msk $0xffff, v4  }
0xfa: {  	v10 =	vor.u32 $0x1808, v0;
	v9 =	vor.u32 $0x307, v1;
	v4 =	vld.idx.msk [tilespmem:v6+s9+$0x0], $0xffff  }
0xfb: {  	v6 =	vor.u32 v10, v3;
	_ =	sdelay $0x3  }
0xfc: {  	[tilespmem:v9+s11+$0x0] =	vst.idx.msk $0xffff, v4  }
0xfd: {  	v63 =	vor.u32 $0x1809, v0;
	v11 =	vor.u32 $0x308, v1;
	v4 =	vld.idx.msk [tilespmem:v6+s9+$0x0], $0xffff  }
0xfe: {  	v6 =	vor.u32 v63, v3;
	_ =	sdelay $0x3  }
0xff: {  	[tilespmem:v11+s11+$0x0] =	vst.idx.msk $0xffff, v4  }
0x100: {  	v10 =	vor.u32 $0x180A, v0;
	v9 =	vor.u32 $0x309, v1;
	v4 =	vld.idx.msk [tilespmem:v6+s9+$0x0], $0xffff  }
0x101: {  	v6 =	vor.u32 v10, v3;
	_ =	sdelay $0x3  }
0x102: {  	[tilespmem:v9+s11+$0x0] =	vst.idx.msk $0xffff, v4  }
0x103: {  	v63 =	vor.u32 $0x180B, v0;
	v11 =	vor.u32 $0x30A, v1;
	v4 =	vld.idx.msk [tilespmem:v6+s9+$0x0], $0xffff  }
0x104: {  	v6 =	vor.u32 v63, v3;
	_ =	sdelay $0x3  }
0x105: {  	[tilespmem:v11+s11+$0x0] =	vst.idx.msk $0xffff, v4  }
0x106: {  	v10 =	vor.u32 $0x180C, v0;
	v9 =	vor.u32 $0x30B, v1;
	v4 =	vld.idx.msk [tilespmem:v6+s9+$0x0], $0xffff  }
0x107: {  	v6 =	vor.u32 v10, v3;
	_ =	sdelay $0x3  }
0x108: {  	[tilespmem:v9+s11+$0x0] =	vst.idx.msk $0xffff, v4  }
0x109: {  	v63 =	vor.u32 $0x180D, v0;
	v11 =	vor.u32 $0x30C, v1;
	v4 =	vld.idx.msk [tilespmem:v6+s9+$0x0], $0xffff  }
0x10a: {  	v6 =	vor.u32 v63, v3;
	_ =	sdelay $0x3  }
0x10b: {  	[tilespmem:v11+s11+$0x0] =	vst.idx.msk $0xffff, v4  }
0x10c: {  	v10 =	vor.u32 $0x180E, v0;
	v9 =	vor.u32 $0x30D, v1;
	v4 =	vld.idx.msk [tilespmem:v6+s9+$0x0], $0xffff  }
0x10d: {  	v6 =	vor.u32 v10, v3;
	_ =	sdelay $0x3  }
0x10e: {  	[tilespmem:v9+s11+$0x0] =	vst.idx.msk $0xffff, v4  }
0x10f: {  	v63 =	vor.u32 $0x180F, v0;
	v11 =	vor.u32 $0x30E, v1;
	v4 =	vld.idx.msk [tilespmem:v6+s9+$0x0], $0xffff  }
0x110: {  	v3 =	vor.u32 v63, v3;
	_ =	sdelay $0x3  }
0x111: {  	[tilespmem:v11+s11+$0x0] =	vst.idx.msk $0xffff, v4  }
0x112: {  	v9 =	vor.u32 $0x30F, v1;
	v3 =	vld.idx.msk [tilespmem:v3+s9+$0x0], $0xffff;
	_ =	sdelay $0x4  }
0x113: {  	[tilespmem:v9+s11+$0x0] =	vst.idx.msk $0xffff, v3  }
0x114: {  	v3 =	vld [tilespmem:$0x40];
	_ =	sdelay $0x4  }
0x115: {  	v3 =	vshll.u32 v3, $0x4  }
0x116: {  	v10 =	vor.u32 $0x2000, v0;
	v3 =	vand.u32 $0x70, v3  }
0x117: {  	v4 =	vor.u32 v10, v3;
	_ =	sdelay $0x4  }
0x118: {  	v63 =	vor.u32 $0x2001, v0;
	v11 =	vor.u32 $0x400, v1;
	v4 =	vld.idx.msk [tilespmem:v4+s9+$0x0], $0xffff  }
0x119: {  	v6 =	vor.u32 v63, v3;
	_ =	sdelay $0x3  }
0x11a: {  	[tilespmem:v11+s11+$0x0] =	vst.idx.msk $0xffff, v4  }
0x11b: {  	v9 =	vor.u32 $0x401, v1;
	v10 =	vor.u32 $0x2002, v0;
	v4 =	vld.idx.msk [tilespmem:v6+s9+$0x0], $0xffff  }
0x11c: {  	v6 =	vor.u32 v10, v3;
	_ =	sdelay $0x3  }
0x11d: {  	[tilespmem:v9+s11+$0x0] =	vst.idx.msk $0xffff, v4  }
0x11e: {  	v63 =	vor.u32 $0x2003, v0;
	v11 =	vor.u32 $0x402, v1;
	v4 =	vld.idx.msk [tilespmem:v6+s9+$0x0], $0xffff  }
0x11f: {  	v6 =	vor.u32 v63, v3;
	_ =	sdelay $0x3  }
0x120: {  	[tilespmem:v11+s11+$0x0] =	vst.idx.msk $0xffff, v4  }
0x121: {  	v10 =	vor.u32 $0x2004, v0;
	v9 =	vor.u32 $0x403, v1;
	v4 =	vld.idx.msk [tilespmem:v6+s9+$0x0], $0xffff  }
0x122: {  	v6 =	vor.u32 v10, v3;
	_ =	sdelay $0x3  }
0x123: {  	[tilespmem:v9+s11+$0x0] =	vst.idx.msk $0xffff, v4  }
0x124: {  	v63 =	vor.u32 $0x2005, v0;
	v11 =	vor.u32 $0x404, v1;
	v4 =	vld.idx.msk [tilespmem:v6+s9+$0x0], $0xffff  }
0x125: {  	v6 =	vor.u32 v63, v3;
	_ =	sdelay $0x3  }
0x126: {  	[tilespmem:v11+s11+$0x0] =	vst.idx.msk $0xffff, v4  }
0x127: {  	v10 =	vor.u32 $0x2006, v0;
	v9 =	vor.u32 $0x405, v1;
	v4 =	vld.idx.msk [tilespmem:v6+s9+$0x0], $0xffff  }
0x128: {  	v6 =	vor.u32 v10, v3;
	_ =	sdelay $0x3  }
0x129: {  	[tilespmem:v9+s11+$0x0] =	vst.idx.msk $0xffff, v4  }
0x12a: {  	v63 =	vor.u32 $0x2007, v0;
	v11 =	vor.u32 $0x406, v1;
	v4 =	vld.idx.msk [tilespmem:v6+s9+$0x0], $0xffff  }
0x12b: {  	v6 =	vor.u32 v63, v3;
	_ =	sdelay $0x3  }
0x12c: {  	[tilespmem:v11+s11+$0x0] =	vst.idx.msk $0xffff, v4  }
0x12d: {  	v10 =	vor.u32 $0x2008, v0;
	v9 =	vor.u32 $0x407, v1;
	v4 =	vld.idx.msk [tilespmem:v6+s9+$0x0], $0xffff  }
0x12e: {  	v6 =	vor.u32 v10, v3;
	_ =	sdelay $0x3  }
0x12f: {  	[tilespmem:v9+s11+$0x0] =	vst.idx.msk $0xffff, v4  }
0x130: {  	v63 =	vor.u32 $0x2009, v0;
	v11 =	vor.u32 $0x408, v1;
	v4 =	vld.idx.msk [tilespmem:v6+s9+$0x0], $0xffff  }
0x131: {  	v6 =	vor.u32 v63, v3;
	_ =	sdelay $0x3  }
0x132: {  	[tilespmem:v11+s11+$0x0] =	vst.idx.msk $0xffff, v4  }
0x133: {  	v10 =	vor.u32 $0x200A, v0;
	v9 =	vor.u32 $0x409, v1;
	v4 =	vld.idx.msk [tilespmem:v6+s9+$0x0], $0xffff  }
0x134: {  	v6 =	vor.u32 v10, v3;
	_ =	sdelay $0x3  }
0x135: {  	[tilespmem:v9+s11+$0x0] =	vst.idx.msk $0xffff, v4  }
0x136: {  	v63 =	vor.u32 $0x200B, v0;
	v11 =	vor.u32 $0x40A, v1;
	v4 =	vld.idx.msk [tilespmem:v6+s9+$0x0], $0xffff  }
0x137: {  	v6 =	vor.u32 v63, v3;
	_ =	sdelay $0x3  }
0x138: {  	[tilespmem:v11+s11+$0x0] =	vst.idx.msk $0xffff, v4  }
0x139: {  	v10 =	vor.u32 $0x200C, v0;
	v9 =	vor.u32 $0x40B, v1;
	v4 =	vld.idx.msk [tilespmem:v6+s9+$0x0], $0xffff  }
0x13a: {  	v6 =	vor.u32 v10, v3;
	_ =	sdelay $0x3  }
0x13b: {  	[tilespmem:v9+s11+$0x0] =	vst.idx.msk $0xffff, v4  }
0x13c: {  	v63 =	vor.u32 $0x200D, v0;
	v11 =	vor.u32 $0x40C, v1;
	v4 =	vld.idx.msk [tilespmem:v6+s9+$0x0], $0xffff  }
0x13d: {  	v6 =	vor.u32 v63, v3;
	_ =	sdelay $0x3  }
0x13e: {  	[tilespmem:v11+s11+$0x0] =	vst.idx.msk $0xffff, v4  }
0x13f: {  	v10 =	vor.u32 $0x200E, v0;
	v9 =	vor.u32 $0x40D, v1;
	v4 =	vld.idx.msk [tilespmem:v6+s9+$0x0], $0xffff  }
0x140: {  	v6 =	vor.u32 v10, v3;
	_ =	sdelay $0x3  }
0x141: {  	[tilespmem:v9+s11+$0x0] =	vst.idx.msk $0xffff, v4  }
0x142: {  	v63 =	vor.u32 $0x200F, v0;
	v11 =	vor.u32 $0x40E, v1;
	v4 =	vld.idx.msk [tilespmem:v6+s9+$0x0], $0xffff  }
0x143: {  	v3 =	vor.u32 v63, v3;
	_ =	sdelay $0x3  }
0x144: {  	[tilespmem:v11+s11+$0x0] =	vst.idx.msk $0xffff, v4  }
0x145: {  	v9 =	vor.u32 $0x40F, v1;
	v3 =	vld.idx.msk [tilespmem:v3+s9+$0x0], $0xffff;
	_ =	sdelay $0x4  }
0x146: {  	[tilespmem:v9+s11+$0x0] =	vst.idx.msk $0xffff, v3  }
0x147: {  	v3 =	vld [tilespmem:$0x50];
	_ =	sdelay $0x4  }
0x148: {  	v3 =	vshll.u32 v3, $0x4  }
0x149: {  	v10 =	vor.u32 $0x2800, v0;
	v3 =	vand.u32 $0x70, v3  }
0x14a: {  	v4 =	vor.u32 v10, v3;
	_ =	sdelay $0x4  }
0x14b: {  	v63 =	vor.u32 $0x2801, v0;
	v11 =	vor.u32 $0x500, v1;
	v4 =	vld.idx.msk [tilespmem:v4+s9+$0x0], $0xffff  }
0x14c: {  	v6 =	vor.u32 v63, v3;
	_ =	sdelay $0x3  }
0x14d: {  	[tilespmem:v11+s11+$0x0] =	vst.idx.msk $0xffff, v4  }
0x14e: {  	v9 =	vor.u32 $0x501, v1;
	v10 =	vor.u32 $0x2802, v0;
	v4 =	vld.idx.msk [tilespmem:v6+s9+$0x0], $0xffff  }
0x14f: {  	v6 =	vor.u32 v10, v3;
	_ =	sdelay $0x3  }
0x150: {  	[tilespmem:v9+s11+$0x0] =	vst.idx.msk $0xffff, v4  }
0x151: {  	v63 =	vor.u32 $0x2803, v0;
	v11 =	vor.u32 $0x502, v1;
	v4 =	vld.idx.msk [tilespmem:v6+s9+$0x0], $0xffff  }
0x152: {  	v6 =	vor.u32 v63, v3;
	_ =	sdelay $0x3  }
0x153: {  	[tilespmem:v11+s11+$0x0] =	vst.idx.msk $0xffff, v4  }
0x154: {  	v10 =	vor.u32 $0x2804, v0;
	v9 =	vor.u32 $0x503, v1;
	v4 =	vld.idx.msk [tilespmem:v6+s9+$0x0], $0xffff  }
0x155: {  	v6 =	vor.u32 v10, v3;
	_ =	sdelay $0x3  }
0x156: {  	[tilespmem:v9+s11+$0x0] =	vst.idx.msk $0xffff, v4  }
0x157: {  	v63 =	vor.u32 $0x2805, v0;
	v11 =	vor.u32 $0x504, v1;
	v4 =	vld.idx.msk [tilespmem:v6+s9+$0x0], $0xffff  }
0x158: {  	v6 =	vor.u32 v63, v3;
	_ =	sdelay $0x3  }
0x159: {  	[tilespmem:v11+s11+$0x0] =	vst.idx.msk $0xffff, v4  }
0x15a: {  	v10 =	vor.u32 $0x2806, v0;
	v9 =	vor.u32 $0x505, v1;
	v4 =	vld.idx.msk [tilespmem:v6+s9+$0x0], $0xffff  }
0x15b: {  	v6 =	vor.u32 v10, v3;
	_ =	sdelay $0x3  }
0x15c: {  	[tilespmem:v9+s11+$0x0] =	vst.idx.msk $0xffff, v4  }
0x15d: {  	v63 =	vor.u32 $0x2807, v0;
	v11 =	vor.u32 $0x506, v1;
	v4 =	vld.idx.msk [tilespmem:v6+s9+$0x0], $0xffff  }
0x15e: {  	v6 =	vor.u32 v63, v3;
	_ =	sdelay $0x3  }
0x15f: {  	[tilespmem:v11+s11+$0x0] =	vst.idx.msk $0xffff, v4  }
0x160: {  	v10 =	vor.u32 $0x2808, v0;
	v9 =	vor.u32 $0x507, v1;
	v4 =	vld.idx.msk [tilespmem:v6+s9+$0x0], $0xffff  }
0x161: {  	v6 =	vor.u32 v10, v3;
	_ =	sdelay $0x3  }
0x162: {  	[tilespmem:v9+s11+$0x0] =	vst.idx.msk $0xffff, v4  }
0x163: {  	v63 =	vor.u32 $0x2809, v0;
	v11 =	vor.u32 $0x508, v1;
	v4 =	vld.idx.msk [tilespmem:v6+s9+$0x0], $0xffff  }
0x164: {  	v6 =	vor.u32 v63, v3;
	_ =	sdelay $0x3  }
0x165: {  	[tilespmem:v11+s11+$0x0] =	vst.idx.msk $0xffff, v4  }
0x166: {  	v10 =	vor.u32 $0x280A, v0;
	v9 =	vor.u32 $0x509, v1;
	v4 =	vld.idx.msk [tilespmem:v6+s9+$0x0], $0xffff  }
0x167: {  	v6 =	vor.u32 v10, v3;
	_ =	sdelay $0x3  }
0x168: {  	[tilespmem:v9+s11+$0x0] =	vst.idx.msk $0xffff, v4  }
0x169: {  	v63 =	vor.u32 $0x280B, v0;
	v11 =	vor.u32 $0x50A, v1;
	v4 =	vld.idx.msk [tilespmem:v6+s9+$0x0], $0xffff  }
0x16a: {  	v6 =	vor.u32 v63, v3;
	_ =	sdelay $0x3  }
0x16b: {  	[tilespmem:v11+s11+$0x0] =	vst.idx.msk $0xffff, v4  }
0x16c: {  	v10 =	vor.u32 $0x280C, v0;
	v9 =	vor.u32 $0x50B, v1;
	v4 =	vld.idx.msk [tilespmem:v6+s9+$0x0], $0xffff  }
0x16d: {  	v6 =	vor.u32 v10, v3;
	_ =	sdelay $0x3  }
0x16e: {  	[tilespmem:v9+s11+$0x0] =	vst.idx.msk $0xffff, v4  }
0x16f: {  	v63 =	vor.u32 $0x280D, v0;
	v11 =	vor.u32 $0x50C, v1;
	v4 =	vld.idx.msk [tilespmem:v6+s9+$0x0], $0xffff  }
0x170: {  	v6 =	vor.u32 v63, v3;
	_ =	sdelay $0x3  }
0x171: {  	[tilespmem:v11+s11+$0x0] =	vst.idx.msk $0xffff, v4  }
0x172: {  	v10 =	vor.u32 $0x280E, v0;
	v9 =	vor.u32 $0x50D, v1;
	v4 =	vld.idx.msk [tilespmem:v6+s9+$0x0], $0xffff  }
0x173: {  	v6 =	vor.u32 v10, v3;
	_ =	sdelay $0x3  }
0x174: {  	[tilespmem:v9+s11+$0x0] =	vst.idx.msk $0xffff, v4  }
0x175: {  	v63 =	vor.u32 $0x280F, v0;
	v11 =	vor.u32 $0x50E, v1;
	v4 =	vld.idx.msk [tilespmem:v6+s9+$0x0], $0xffff  }
0x176: {  	v3 =	vor.u32 v63, v3;
	_ =	sdelay $0x3  }
0x177: {  	[tilespmem:v11+s11+$0x0] =	vst.idx.msk $0xffff, v4  }
0x178: {  	v9 =	vor.u32 $0x50F, v1;
	v3 =	vld.idx.msk [tilespmem:v3+s9+$0x0], $0xffff;
	_ =	sdelay $0x4  }
0x179: {  	[tilespmem:v9+s11+$0x0] =	vst.idx.msk $0xffff, v3  }
0x17a: {  	v3 =	vld [tilespmem:$0x60];
	_ =	sdelay $0x4  }
0x17b: {  	v3 =	vshll.u32 v3, $0x4  }
0x17c: {  	v10 =	vor.u32 $0x3000, v0;
	v3 =	vand.u32 $0x70, v3  }
0x17d: {  	v4 =	vor.u32 v10, v3;
	_ =	sdelay $0x4  }
0x17e: {  	v63 =	vor.u32 $0x3001, v0;
	v11 =	vor.u32 $0x600, v1;
	v4 =	vld.idx.msk [tilespmem:v4+s9+$0x0], $0xffff  }
0x17f: {  	v6 =	vor.u32 v63, v3;
	_ =	sdelay $0x3  }
0x180: {  	[tilespmem:v11+s11+$0x0] =	vst.idx.msk $0xffff, v4  }
0x181: {  	v9 =	vor.u32 $0x601, v1;
	v10 =	vor.u32 $0x3002, v0;
	v4 =	vld.idx.msk [tilespmem:v6+s9+$0x0], $0xffff  }
0x182: {  	v6 =	vor.u32 v10, v3;
	_ =	sdelay $0x3  }
0x183: {  	[tilespmem:v9+s11+$0x0] =	vst.idx.msk $0xffff, v4  }
0x184: {  	v63 =	vor.u32 $0x3003, v0;
	v11 =	vor.u32 $0x602, v1;
	v4 =	vld.idx.msk [tilespmem:v6+s9+$0x0], $0xffff  }
0x185: {  	v6 =	vor.u32 v63, v3;
	_ =	sdelay $0x3  }
0x186: {  	[tilespmem:v11+s11+$0x0] =	vst.idx.msk $0xffff, v4  }
0x187: {  	v10 =	vor.u32 $0x3004, v0;
	v9 =	vor.u32 $0x603, v1;
	v4 =	vld.idx.msk [tilespmem:v6+s9+$0x0], $0xffff  }
0x188: {  	v6 =	vor.u32 v10, v3;
	_ =	sdelay $0x3  }
0x189: {  	[tilespmem:v9+s11+$0x0] =	vst.idx.msk $0xffff, v4  }
0x18a: {  	v63 =	vor.u32 $0x3005, v0;
	v11 =	vor.u32 $0x604, v1;
	v4 =	vld.idx.msk [tilespmem:v6+s9+$0x0], $0xffff  }
0x18b: {  	v6 =	vor.u32 v63, v3;
	_ =	sdelay $0x3  }
0x18c: {  	[tilespmem:v11+s11+$0x0] =	vst.idx.msk $0xffff, v4  }
0x18d: {  	v10 =	vor.u32 $0x3006, v0;
	v9 =	vor.u32 $0x605, v1;
	v4 =	vld.idx.msk [tilespmem:v6+s9+$0x0], $0xffff  }
0x18e: {  	v6 =	vor.u32 v10, v3;
	_ =	sdelay $0x3  }
0x18f: {  	[tilespmem:v9+s11+$0x0] =	vst.idx.msk $0xffff, v4  }
0x190: {  	v63 =	vor.u32 $0x3007, v0;
	v11 =	vor.u32 $0x606, v1;
	v4 =	vld.idx.msk [tilespmem:v6+s9+$0x0], $0xffff  }
0x191: {  	v6 =	vor.u32 v63, v3;
	_ =	sdelay $0x3  }
0x192: {  	[tilespmem:v11+s11+$0x0] =	vst.idx.msk $0xffff, v4  }
0x193: {  	v10 =	vor.u32 $0x3008, v0;
	v9 =	vor.u32 $0x607, v1;
	v4 =	vld.idx.msk [tilespmem:v6+s9+$0x0], $0xffff  }
0x194: {  	v6 =	vor.u32 v10, v3;
	_ =	sdelay $0x3  }
0x195: {  	[tilespmem:v9+s11+$0x0] =	vst.idx.msk $0xffff, v4  }
0x196: {  	v63 =	vor.u32 $0x3009, v0;
	v11 =	vor.u32 $0x608, v1;
	v4 =	vld.idx.msk [tilespmem:v6+s9+$0x0], $0xffff  }
0x197: {  	v6 =	vor.u32 v63, v3;
	_ =	sdelay $0x3  }
0x198: {  	[tilespmem:v11+s11+$0x0] =	vst.idx.msk $0xffff, v4  }
0x199: {  	v10 =	vor.u32 $0x300A, v0;
	v9 =	vor.u32 $0x609, v1;
	v4 =	vld.idx.msk [tilespmem:v6+s9+$0x0], $0xffff  }
0x19a: {  	v6 =	vor.u32 v10, v3;
	_ =	sdelay $0x3  }
0x19b: {  	[tilespmem:v9+s11+$0x0] =	vst.idx.msk $0xffff, v4  }
0x19c: {  	v63 =	vor.u32 $0x300B, v0;
	v11 =	vor.u32 $0x60A, v1;
	v4 =	vld.idx.msk [tilespmem:v6+s9+$0x0], $0xffff  }
0x19d: {  	v6 =	vor.u32 v63, v3;
	_ =	sdelay $0x3  }
0x19e: {  	[tilespmem:v11+s11+$0x0] =	vst.idx.msk $0xffff, v4  }
0x19f: {  	v10 =	vor.u32 $0x300C, v0;
	v9 =	vor.u32 $0x60B, v1;
	v4 =	vld.idx.msk [tilespmem:v6+s9+$0x0], $0xffff  }
0x1a0: {  	v6 =	vor.u32 v10, v3;
	_ =	sdelay $0x3  }
0x1a1: {  	[tilespmem:v9+s11+$0x0] =	vst.idx.msk $0xffff, v4  }
0x1a2: {  	v63 =	vor.u32 $0x300D, v0;
	v11 =	vor.u32 $0x60C, v1;
	v4 =	vld.idx.msk [tilespmem:v6+s9+$0x0], $0xffff  }
0x1a3: {  	v6 =	vor.u32 v63, v3;
	_ =	sdelay $0x3  }
0x1a4: {  	[tilespmem:v11+s11+$0x0] =	vst.idx.msk $0xffff, v4  }
0x1a5: {  	v10 =	vor.u32 $0x300E, v0;
	v9 =	vor.u32 $0x60D, v1;
	v4 =	vld.idx.msk [tilespmem:v6+s9+$0x0], $0xffff  }
0x1a6: {  	v6 =	vor.u32 v10, v3;
	_ =	sdelay $0x3  }
0x1a7: {  	[tilespmem:v9+s11+$0x0] =	vst.idx.msk $0xffff, v4  }
0x1a8: {  	v63 =	vor.u32 $0x300F, v0;
	v11 =	vor.u32 $0x60E, v1;
	v4 =	vld.idx.msk [tilespmem:v6+s9+$0x0], $0xffff  }
0x1a9: {  	v3 =	vor.u32 v63, v3;
	_ =	sdelay $0x3  }
0x1aa: {  	[tilespmem:v11+s11+$0x0] =	vst.idx.msk $0xffff, v4  }
0x1ab: {  	v8 =	vor.u32 $0x60F, v1;
	v3 =	vld.idx.msk [tilespmem:v3+s9+$0x0], $0xffff;
	_ =	sdelay $0x4  }
0x1ac: {  	[tilespmem:v8+s11+$0x0] =	vst.idx.msk $0xffff, v3  }
0x1ad: {  	v3 =	vld [tilespmem:$0x70];
	_ =	sdelay $0x4  }
0x1ae: {  	v3 =	vshll.u32 v3, $0x4  }
0x1af: {  	v9 =	vor.u32 $0x3800, v0;
	v3 =	vand.u32 $0x70, v3  }
0x1b0: {  	v4 =	vor.u32 v9, v3;
	_ =	sdelay $0x4  }
0x1b1: {  	v10 =	vor.u32 $0x700, v1;
	v11 =	vor.u32 $0x3801, v0;
	v4 =	vld.idx.msk [tilespmem:v4+s9+$0x0], $0xffff  }
0x1b2: {  	v6 =	vor.u32 v11, v3;
	_ =	sdelay $0x3  }
0x1b3: {  	[tilespmem:v10+s11+$0x0] =	vst.idx.msk $0xffff, v4  }
0x1b4: {  	v63 =	vor.u32 $0x701, v1;
	v9 =	vor.u32 $0x3802, v0;
	v4 =	vld.idx.msk [tilespmem:v6+s9+$0x0], $0xffff  }
0x1b5: {  	v6 =	vor.u32 v9, v3;
	_ =	sdelay $0x3  }
0x1b6: {  	[tilespmem:v63+s11+$0x0] =	vst.idx.msk $0xffff, v4  }
0x1b7: {  	v11 =	vor.u32 $0x3803, v0;
	v10 =	vor.u32 $0x702, v1;
	v4 =	vld.idx.msk [tilespmem:v6+s9+$0x0], $0xffff  }
0x1b8: {  	v6 =	vor.u32 v11, v3;
	_ =	sdelay $0x3  }
0x1b9: {  	[tilespmem:v10+s11+$0x0] =	vst.idx.msk $0xffff, v4  }
0x1ba: {  	v9 =	vor.u32 $0x3804, v0;
	v63 =	vor.u32 $0x703, v1;
	v4 =	vld.idx.msk [tilespmem:v6+s9+$0x0], $0xffff  }
0x1bb: {  	v6 =	vor.u32 v9, v3;
	_ =	sdelay $0x3  }
0x1bc: {  	[tilespmem:v63+s11+$0x0] =	vst.idx.msk $0xffff, v4  }
0x1bd: {  	v11 =	vor.u32 $0x3805, v0;
	v10 =	vor.u32 $0x704, v1;
	v4 =	vld.idx.msk [tilespmem:v6+s9+$0x0], $0xffff  }
0x1be: {  	v6 =	vor.u32 v11, v3;
	_ =	sdelay $0x3  }
0x1bf: {  	[tilespmem:v10+s11+$0x0] =	vst.idx.msk $0xffff, v4  }
0x1c0: {  	v9 =	vor.u32 $0x3806, v0;
	v63 =	vor.u32 $0x705, v1;
	v4 =	vld.idx.msk [tilespmem:v6+s9+$0x0], $0xffff  }
0x1c1: {  	v6 =	vor.u32 v9, v3;
	_ =	sdelay $0x3  }
0x1c2: {  	[tilespmem:v63+s11+$0x0] =	vst.idx.msk $0xffff, v4  }
0x1c3: {  	v11 =	vor.u32 $0x3807, v0;
	v10 =	vor.u32 $0x706, v1;
	v4 =	vld.idx.msk [tilespmem:v6+s9+$0x0], $0xffff  }
0x1c4: {  	v6 =	vor.u32 v11, v3;
	_ =	sdelay $0x3  }
0x1c5: {  	[tilespmem:v10+s11+$0x0] =	vst.idx.msk $0xffff, v4  }
0x1c6: {  	v9 =	vor.u32 $0x3808, v0;
	v63 =	vor.u32 $0x707, v1;
	v4 =	vld.idx.msk [tilespmem:v6+s9+$0x0], $0xffff  }
0x1c7: {  	v6 =	vor.u32 v9, v3;
	_ =	sdelay $0x3  }
0x1c8: {  	[tilespmem:v63+s11+$0x0] =	vst.idx.msk $0xffff, v4  }
0x1c9: {  	v11 =	vor.u32 $0x3809, v0;
	v10 =	vor.u32 $0x708, v1;
	v4 =	vld.idx.msk [tilespmem:v6+s9+$0x0], $0xffff  }
0x1ca: {  	v6 =	vor.u32 v11, v3;
	_ =	sdelay $0x3  }
0x1cb: {  	[tilespmem:v10+s11+$0x0] =	vst.idx.msk $0xffff, v4  }
0x1cc: {  	v9 =	vor.u32 $0x380A, v0;
	v63 =	vor.u32 $0x709, v1;
	v4 =	vld.idx.msk [tilespmem:v6+s9+$0x0], $0xffff  }
0x1cd: {  	v6 =	vor.u32 v9, v3;
	_ =	sdelay $0x3  }
0x1ce: {  	[tilespmem:v63+s11+$0x0] =	vst.idx.msk $0xffff, v4  }
0x1cf: {  	v11 =	vor.u32 $0x380B, v0;
	v10 =	vor.u32 $0x70A, v1;
	v4 =	vld.idx.msk [tilespmem:v6+s9+$0x0], $0xffff  }
0x1d0: {  	v6 =	vor.u32 v11, v3;
	_ =	sdelay $0x3  }
0x1d1: {  	[tilespmem:v10+s11+$0x0] =	vst.idx.msk $0xffff, v4  }
0x1d2: {  	v9 =	vor.u32 $0x380C, v0;
	v63 =	vor.u32 $0x70B, v1;
	v4 =	vld.idx.msk [tilespmem:v6+s9+$0x0], $0xffff  }
0x1d3: {  	v6 =	vor.u32 v9, v3;
	_ =	sdelay $0x3  }
0x1d4: {  	[tilespmem:v63+s11+$0x0] =	vst.idx.msk $0xffff, v4  }
0x1d5: {  	v11 =	vor.u32 $0x380D, v0;
	v10 =	vor.u32 $0x70C, v1;
	v4 =	vld.idx.msk [tilespmem:v6+s9+$0x0], $0xffff  }
0x1d6: {  	v6 =	vor.u32 v11, v3;
	_ =	sdelay $0x3  }
0x1d7: {  	[tilespmem:v10+s11+$0x0] =	vst.idx.msk $0xffff, v4  }
0x1d8: {  	v9 =	vor.u32 $0x380E, v0;
	v63 =	vor.u32 $0x70D, v1;
	v4 =	vld.idx.msk [tilespmem:v6+s9+$0x0], $0xffff  }
0x1d9: {  	v6 =	vor.u32 v9, v3;
	_ =	sdelay $0x3  }
0x1da: {  	[tilespmem:v63+s11+$0x0] =	vst.idx.msk $0xffff, v4  }
0x1db: {  	v11 =	vor.u32 $0x380F, v0;
	v10 =	vor.u32 $0x70E, v1;
	v4 =	vld.idx.msk [tilespmem:v6+s9+$0x0], $0xffff  }
0x1dc: {  	v3 =	vor.u32 v11, v3;
	_ =	sdelay $0x3  }
0x1dd: {  	[tilespmem:v10+s11+$0x0] =	vst.idx.msk $0xffff, v4  }
0x1de: {  	v63 =	vor.u32 $0x70F, v1;
	v3 =	vld.idx.msk [tilespmem:v3+s9+$0x0], $0xffff;
	_ =	sdelay $0x3  }
0x1df: {  	p0 =	sne.s32 s6, $0x1  }
.Ltmp0:
0x1e0: {  	[tilespmem:v63+s11+$0x0] =	vst.idx.msk $0xffff, v3;
	(pc) =	sbr.rel @p0 .LBB2_1-.Ltmp0, $4  }
0x1e1: {  	[hbm4b:s5+s2] =	stream.linear.scatter [tilespmem:s11], [sflag:$0x2], $0x800, $0x38;
	[tilespmem:$0x4900] =	vst v63  }
0x1e2: {  	_ =	swait.ge [sflag:s7], $0x800  }
0x1e3: {  	[sflag:s7] =	ssyncset.done $0x0  }
0x1e4: {  	s6 =	sadd.s32 $0xFFFFFFFF, s6;
	[sflag:s7] =	ssyncadd.s32 $0xFFFFF800  }
0x1e5: {  	_ =	sfence.sel $0x180000  }
0x1e6: {  	[bflag:$0x0] =	sbarrier.arrive $0xFFFF  }
0x1e7: {  	p0 =	sne.s32 s1, $0x0;
	_ =	strace $0x90000047  }
0x1e8: {  	s0 =	sadd.s32 @!p0 $0x100000, s0;
	[bflag:$0x2] =	sbarrier.arrive $0xFFFF  }
0x1e9: {  	[sflag:s0] =	ssyncadd.tile.s32 @!p0 $0x1;
	_ =	shalt  }
.Lfunc_end2:
_tile_overlayer_lowered:
.L_overlay_start_2:
0x1ea: {  	(tag) =	ssettag $0x2  }
0x1eb: {  	s0 =	rddreg [dreg:$0x0];
	s2 =	stileid.u32  }
0x1ec: {  	s1 =	rddreg [dreg:$0x1];
	p0 =	sne.s32 s2, $0x0  }
0x1ed: {  	s3 =	rddreg [dreg:$0x2];
	[bflag:$0x3] =	sbarrier.arrive $0xFFFF;
	s2 =	simm.s32 @!p0 $0x1C02  }
0x1ee: {  	[timem:s3], [sflag:s2] =	dma.local @!p0 [hbm:s0], s1  }
0x1ef: {  	s0 =	simm.s32 @!p0 $0x2  }
0x1f0: {  	_ =	swait.ge @!p0 [sflag:s0], s1  }
0x1f1: {  	s1 =	ssub.s32 @!p0 $0x0, s1;
	[sflag:s0] =	ssyncset.done @!p0 $0x0  }
0x1f2: {  	[sflag:s0] =	ssyncadd.s32 @!p0 s1  }
0x1f3: {  	[bflag:$0x3] =	sbarrier.arrive $0xFFFF  }
0x1f4: {  	_ =	shalt  }

// kernel: kernel.8.cloned.1.call-start
scs
__scs_entry_jumppad:
0x0: {  	(pc) =	sbr.rel $0x88, $3  }
0x1: {  	(tag) =	ssettag $0x0;
	lr =	simm.s32 $0x1  }
0x2: {  	[smem:$0x3F96] =	sst lr;
	_ =	strace $0xD0000000  }
0x3: {  	_ = 	snop  }
0x4: {  	_ = 	snop  }
0x5: {  	_ = 	snop  }
0x6: {  	_ = 	snop  }
0x7: {  	_ = 	snop  }
__scs_overlays_trampoline_lowered:
0x8: {  	[smem:$0x3FA5] =	sst s0  }
0x9: {  	[smem:$0x3FA6] =	sst s1  }
0xa: {  	[smem:$0x3FA7] =	sst s2  }
0xb: {  	[smem:$0x3FA8] =	sst s3  }
0xc: {  	[smem:$0x3FA9] =	sst s4  }
0xd: {  	[smem:$0x3FAA] =	sst s5  }
0xe: {  	[smem:$0x3FAB] =	sst s6  }
0xf: {  	[smem:$0x3FAC] =	sst s7  }
0x10: {  	[smem:$0x3FAD] =	sst s8  }
0x11: {  	[smem:$0x3FAE] =	sst s9;
	s0 =	simm.s32 @!p0 $0x0  }
0x12: {  	s1 =	sld [smem:$0x3F94];
	s0 =	simm.s32 @p0 $0x1  }
0x13: {  	[smem:$0x3FAF] =	sst s0;
	s0 =	simm.s32 @!p1 $0x0  }
0x14: {  	s2 =	sld [smem:$0x3F93];
	s0 =	simm.s32 @p1 $0x1  }
0x15: {  	[smem:$0x3FB0] =	sst s0;
	s0 =	simm.s32 @!p2 $0x0  }
0x16: {  	s3 =	sld [smem:$0x3FDB];
	s0 =	simm.s32 @p2 $0x1  }
0x17: {  	s4 =	simm.s32 $0x1BF5;
	[smem:$0x3FB2] =	sst s0  }
0x18: {  	s0 =	sld [smem:$0x3F95];
	_ =	swait.ge [sflag:s4], $0x0  }
0x19: {  	s7 =	sld [smem:$0x3F96]  }
0x1a: {  	s8 =	sadd.s32 $0xFFFFE003, lr  }
0x1b: {  	s9 =	sadd.s32 $0xFFFFFEF7, lr;
	s5 =	simm.s32 $0xFFFFFFFF;
	p2 =	slt.u32 s8, $0xFFFFF086  }
0x1c: {  	p1 =	slt.u32 s9, $0xF7A;
	s5 =	simm.s32 @!p2 $0x0  }
0x1d: {  	s5 =	simm.s32 @p1 $0x1;
	p0 =	seq.s32 s7, s2  }
0x1e: {  	s7 =	smul.u32 @!p0 $0xF7A, s2;
	p2 =	seq.s32 @!p0 s5, $0x0  }
0x1f: {  	s9 =	smul.u32 $0xF7A, s1;
	s8 =	simm.s32 @!p0 $0x1BF5;
	p2 =	por !p2, p0  }
0x20: {  	[sflag:s8] =	ssyncset.s32 @!p0 $0xFFFFF086;
	s6 =	sadd.s32 @!p0 s3, s7;
	s7 =	simm.s32 @!p0 $0x108  }
0x21: {  	s3 =	sadd.s32 s3, s9;
	s6 =	sadd.s32 @!p0 $0x88, s6;
	s7 =	simm.s32 @p2 $0x1082  }
0x22: {  	[simem:s7], [sflag:s8] =	dma.local @!p0 [hbm:s6], $0xF7A  }
0x23: {  	s9 =	sor.u32 $0xD0000000, s2;
	s6 =	simm.s32 $0x108;
	_ =	swait.ge @!p0 [sflag:s8], $0x0  }
0x24: {  	s3 =	sadd.s32 $0x88, s3;
	s6 =	simm.s32 @!p1 $0x1082;
	[sflag:s4] =	ssyncset.s32 $0xFFFFF086  }
0x25: {  	[simem:s6], [sflag:s4] =	dma.local [hbm:s3], $0xF7A  }
0x26: {  	[smem:$0x3F96] =	sst s1;
	(tag) =	ssettag s2;
	_ =	strace s9  }
0x27: {  	s1 =	sld [smem:$0x3FA6]  }
0x28: {  	s2 =	sld [smem:$0x3FA7]  }
0x29: {  	s4 =	sld [smem:$0x3FA9]  }
0x2a: {  	p0 =	seq.s32 s5, $0x0;
	s5 =	sld [smem:$0x3FAA]  }
0x2b: {  	s6 =	sld [smem:$0x3FAB]  }
0x2c: {  	s7 =	sld [smem:$0x3FAC]  }
0x2d: {  	s3 =	simm.s32 $0x108;
	s8 =	sld [smem:$0x3FAD]  }
0x2e: {  	s3 =	simm.s32 @!p0 $0x1082;
	s9 =	sld [smem:$0x3FAE]  }
0x2f: {  	lr =	sadd.s32 s0, s3;
	s0 =	sld [smem:$0x3FA5]  }
0x30: {  	s3 =	sld [smem:$0x3FA8]  }
0x31: {  	[smem:$0x3FB1] =	sst s10  }
0x32: {  	s10 =	sld [smem:$0x3FAF];
	_ =	sdelay $0x3  }
0x33: {  	p0 =	seq.s32 s10, $0x1;
	s10 =	sld [smem:$0x3FB1];
	_ =	sdelay $0x3  }
0x34: {  	[smem:$0x3FB1] =	sst s10  }
0x35: {  	s10 =	sld [smem:$0x3FB0];
	_ =	sdelay $0x3  }
0x36: {  	p1 =	seq.s32 s10, $0x1;
	s10 =	sld [smem:$0x3FB1];
	_ =	sdelay $0x3  }
0x37: {  	[smem:$0x3FB1] =	sst s10  }
0x38: {  	s10 =	sld [smem:$0x3FB2]  }
0x39: {  	_ = 	snop;
	(pc) =	sbr.ind lr, $3  }
0x3a: {  	_ = 	snop  }
0x3b: {  	_ = 	snop  }
0x3c: {  	p2 =	seq.s32 s10, $0x1;
	s10 =	sld [smem:$0x3FB1]  }
0x3d: {  	_ =	shalt  }
0x3e: {  	_ =	shalt  }
0x3f: {  	_ =	shalt  }
0x40: {  	_ =	shalt  }
0x41: {  	_ =	shalt  }
0x42: {  	_ =	shalt  }
0x43: {  	_ =	shalt  }
0x44: {  	_ =	shalt  }
0x45: {  	_ =	shalt  }
0x46: {  	_ =	shalt  }
0x47: {  	_ =	shalt  }
0x48: {  	_ =	shalt  }
0x49: {  	_ =	shalt  }
0x4a: {  	_ =	shalt  }
0x4b: {  	_ =	shalt  }
0x4c: {  	_ =	shalt  }
0x4d: {  	_ =	shalt  }
0x4e: {  	_ =	shalt  }
0x4f: {  	_ =	shalt  }
0x50: {  	_ =	shalt  }
0x51: {  	_ =	shalt  }
0x52: {  	_ =	shalt  }
0x53: {  	_ =	shalt  }
0x54: {  	_ =	shalt  }
0x55: {  	_ =	shalt  }
0x56: {  	_ =	shalt  }
0x57: {  	_ =	shalt  }
0x58: {  	_ =	shalt  }
0x59: {  	_ =	shalt  }
0x5a: {  	_ =	shalt  }
0x5b: {  	_ =	shalt  }
0x5c: {  	_ =	shalt  }
0x5d: {  	_ =	shalt  }
0x5e: {  	_ =	shalt  }
0x5f: {  	_ =	shalt  }
0x60: {  	_ =	shalt  }
0x61: {  	_ =	shalt  }
0x62: {  	_ =	shalt  }
0x63: {  	_ =	shalt  }
0x64: {  	_ =	shalt  }
0x65: {  	_ =	shalt  }
0x66: {  	_ =	shalt  }
0x67: {  	_ =	shalt  }
0x68: {  	_ =	shalt  }
0x69: {  	_ =	shalt  }
0x6a: {  	_ =	shalt  }
0x6b: {  	_ =	shalt  }
0x6c: {  	_ =	shalt  }
0x6d: {  	_ =	shalt  }
0x6e: {  	_ =	shalt  }
0x6f: {  	_ =	shalt  }
0x70: {  	_ =	shalt  }
0x71: {  	_ =	shalt  }
0x72: {  	_ =	shalt  }
0x73: {  	_ =	shalt  }
0x74: {  	_ =	shalt  }
0x75: {  	_ =	shalt  }
0x76: {  	_ =	shalt  }
0x77: {  	_ =	shalt  }
0x78: {  	_ =	shalt  }
0x79: {  	_ =	shalt  }
0x7a: {  	_ =	shalt  }
0x7b: {  	_ =	shalt  }
0x7c: {  	_ =	shalt  }
0x7d: {  	_ =	shalt  }
0x7e: {  	_ =	shalt  }
0x7f: {  	_ =	shalt  }
0x80: {  	_ =	shalt  }
0x81: {  	_ =	shalt  }
0x82: {  	_ =	shalt  }
0x83: {  	_ =	shalt  }
0x84: {  	_ =	shalt  }
0x85: {  	_ =	shalt  }
0x86: {  	_ =	shalt  }
0x87: {  	_ =	shalt  }
.Lfunc_end0:
.L_simem_size_0:
called_computation.1_lowered:
.L_overlay_start_0:
0x88: {  	s2 =	sld [smem:$0x3FD9]  }
0x89: {  	s3 =	sld [smem:$0x3FFE];
	_ =	sdelay $0x1  }
0x8a: {  	s1 =	srdreg.scid  }
0x8b: {  	s0 =	sand.u32 $0x1, s1  }
0x8c: {  	s17 =	sshll.u32 s0, $0xA;
	s2 =	sadd.s32 s3, s2  }
0x8d: {  	s2 =	sadd.s32 s2, s17  }
0x8e: {  	[smem:$0x3FBD] =	sst s2  }
0x8f: {  	_ = 	snop  }
0x90: {  	s2 =	sld [smem:$0x3FC6]  }
0x91: {  	s18 =	sld [smem:$0x3FC5]  }
0x92: {  	s4 =	sld [smem:$0x3FD0];
	(tm) =	ssettm $0x1  }
0x93: {  	s5 =	sld [smem:$0x3FFB];
	_ =	sdelay $0x3  }
0x94: {  	_ =	strace s5  }
0x95: {  	s5 =	sld [smem:$0x3FFC];
	_ =	sdelay $0x3  }
0x96: {  	_ =	strace s5  }
0x97: {  	s5 =	sld [smem:$0x3FFD];
	_ =	sdelay $0x3  }
0x98: {  	_ =	strace s5  }
0x99: {  	_ =	strace $0x8FFFFFFF  }
0x9a: {  	s19 =	sld [smem:$0x3FDB];
	_ =	sdelay $0x1  }
0x9b: {  	s6 =	simm.s32 $_scs_section_size  }
0x9c: {  	s7 =	simm.s32 $_size__tile_overlayer_lowered;
	s8 =	simm.s32 $_tile_overlayer_lowered  }
0x9d: {  	s22 =	simm.s32 $0x1BFF;
	s21 =	sshll.u32 s8, $0x1;
	s5 =	sadd.s32 s6, s19  }
0x9e: {  	s9 =	simm.s32 $0x0;
	s20 =	sshll.u32 s7, $0x1;
	s7 =	sadd.s32 s21, s5  }
0x9f: {  	[timem:s9], [sflag:s22] =	dma.local [hbm:s7], s20  }
0xa0: {  	_ =	swait.ge [sflag:s22], s20  }
0xa1: {  	s6 =	ssub.s32 $0x0, s20;
	[sflag:s22] =	ssyncset.done $0x0  }
0xa2: {  	[sflag:s22] =	ssyncadd.s32 s6;
	_ =	sdelay $0x1  }
0xa3: {  	s23 =	simm.s32 $0x1B8B  }
0xa4: {  	_ =	swait.ge [sflag:s23], $0x1  }
0xa5: {  	[sflag:s23] =	ssyncset.done $0x0  }
0xa6: {  	s25 =	simm.s32 $0x1B8E;
	s24 =	sld [smem:$0x3FFE];
	[sflag:s23] =	ssyncadd.s32 $0xFFFFFFFF  }
0xa7: {  	s26 =	simm.s32 $execute0_lowered;
	[smem:$0x3FD2] =	sst s25  }
0xa8: {  	s7 =	sshll.u32 s26, $0x1;
	_ =	strace $0x80000049;
	[dreg:$0x1] =	wrdreg $0xFFFFFFFF  }
0xa9: {  	s28 =	simm.s32 $_size_execute0_lowered;
	s5 =	sadd.s32 s5, s7;
	[dreg:$0x0] =	wrdreg $0x0  }
0xaa: {  	s7 =	sshll.u32 s28, $0x1;
	[dreg:$0x2] =	wrdreg s5  }
0xab: {  	[dreg:$0x3] =	wrdreg s7  }
0xac: {  	[dreg:$0x4] =	wrdreg $0xC0  }
0xad: {  	_ =	task [dreg:s9], $0x5FFFF  }
0xae: {  	[dreg:$0x1] =	wrdreg $0xFFFFFFFF  }
0xaf: {  	[dreg:$0x0] =	wrdreg $0x60  }
0xb0: {  	[dreg:$0x2] =	wrdreg s24  }
0xb1: {  	[dreg:$0x3] =	wrdreg s2  }
0xb2: {  	[dreg:$0x4] =	wrdreg s18  }
0xb3: {  	[dreg:$0x5] =	wrdreg s4  }
0xb4: {  	[dreg:$0x6] =	wrdreg $0x9  }
0xb5: {  	_ =	task.clear_ibuf [dreg:s9], $0x7FFFF;
	_ =	strace $0x90000049  }
0xb6: {  	s29 =	simm.s32 $0x9;
	_ =	strace $0x8000004B  }
0xb7: {  	_ =	swait.ge [sflag:s29], $0x1  }
0xb8: {  	[sflag:s29] =	ssyncadd.s32 $0xFFFFFFFF  }
0xb9: {  	_ =	strace $0x9000004B  }
0xba: {  	_ =	sfence  }
0xbb: {  	s30 =	sld [smem:$0x0];
	_ =	sdelay $0x2  }
0xbc: {  	s31 =	sshll.u32 s1, $0xD;
	s1 =	sshrl.u32 s1, $0x2  }
0xbd: {  	s3 =	sand.u32 $0x4000, s31;
	s1 =	sadd.s32 s1, s30  }
0xbe: {  	s0 =	sor.u32 s3, s0;
	s1 =	sshll.u32 s1, $0x11  }
0xbf: {  	s0 =	sor.u32 s1, s0  }
0xc0: {  	s0 =	sadd.s32 $0x8F2B, s0  }
0xc1: {  	[sflag:s0] =	ssyncadd.remote.s32 $0x1  }
0xc2: {  	_ =	sfence.sel $0xFFFF  }
0xc3: {  	[dreg:$0x0] =	wrdreg $0xFFFFFFFF;
	(pc) =	sbr.abs _section_cstart, $3  }
0xc4: {  	[dreg:$0x1] =	wrdreg $0xFFFFFFFF  }
0xc5: {  	_ =	task.clear_ibuf [dreg:s9], $0x2FFFF;
	_ =	strace $0x9FFFFFFF  }
0xc6: {  	(tm) =	ssettm $0x7FFFFFFF  }
0xc7: {  	_ =	shalt  }
tec
execute0_lowered:
.L_overlay_start_1:
0x0: {  	(tag) =	ssettag $0x1  }
0x1: {  	s5 =	rddreg [dreg:$0x0]  }
0x2: {  	s6 =	rddreg [dreg:$0x1]  }
0x3: {  	s7 =	rddreg [dreg:$0x2]  }
0x4: {  	s8 =	rddreg [dreg:$0x3]  }
0x5: {  	s0 =	rddreg [dreg:$0x4]  }
0x6: {  	s1 =	simm.s32 $0x0;
	s2 =	srdreg.scid;
	s13 =	simm.s32 $0x100  }
0x7: {  	v0 =	vlaneseq.u32;
	s14 =	simm.s32 $0x3000;
	s15 =	simm.s32 $0x5000;
	s16 =	simm.s32 $0x7000  }
0x8: {  	s17 =	simm.s32 $0x0;
	[smem:$0x7FF] =	sst s1;
	s3 =	sadd.s32 $0x22200, s5;
	v0 =	vmul.u32 $0x10, v0  }
0x9: {  	s9 =	sand.u32 $0x1, s2;
	s4 =	sadd.s32 $0x42200, s5;
	s2 =	stileid.u32  }
0xa: {  	s5 =	sadd.s32 $0x44200, s5;
	_ =	strace $0x8000004A;
	s10 =	ssub.s32 $0x2, s9;
	v1 =	vor.u32 $0xF00, v0;
	v2 =	vor.u32 $0xE00, v0;
	v3 =	vor.u32 $0xD00, v0  }
0xb: {  	s12 =	sshll.u32 s2, $0xA;
	s9 =	sshll.u32 s9, $0x9;
	s11 =	sshrl.u32 s10, $0x1;
	v4 =	vor.u32 $0xC00, v0;
	v5 =	vor.u32 $0xB00, v0;
	v6 =	vor.u32 $0xA00, v0  }
0xc: {  	s9 =	sor.u32 s9, s12;
	v7 =	vor.u32 $0x900, v0;
	v8 =	vor.u32 $0x800, v0;
	v9 =	vor.u32 $0x700, v0;
	s12 =	simm.s32 $0x2000;
	s10 =	ssub.s32 s10, s11  }
0xd: {  	v10 =	vor.u32 $0x600, v0;
	v11 =	vor.u32 $0x500, v0;
	v12 =	vor.u32 $0x400, v0;
	s6 =	sadd.s32 s6, s9;
	s7 =	sadd.s32 s7, s9;
	s8 =	sadd.s32 s8, s9  }
0xe: {  	v13 =	vor.u32 $0x300, v0;
	v14 =	vor.u32 $0x200, v0;
	v15 =	vor.u32 $0x100, v0;
	s11 =	simm.s32 $0x5;
	s9 =	smax.u32 s10, $0x1;
	s10 =	simm.s32 $0x1000  }
.LBB2_1:
0xf: {  	[tilespmem:s10], [sflag:$0x5] =	stream.linear.gather [hbm4b:s6+s1], $0x1000, $0x38;
	[tilespmem:$0x8000] =	vst v63  }
0x10: {  	_ =	swait.ge [sflag:s11], $0x1000  }
0x11: {  	[sflag:s11] =	ssyncset.done $0x0  }
0x12: {  	[sflag:s11] =	ssyncadd.s32 $0xFFFFF000  }
0x13: {  	[tilespmem:s12], [sflag:$0x5] =	stream.linear.gather [hbm4b:s7+s1], $0x1000, $0x38;
	[tilespmem:$0x8000] =	vst v63  }
0x14: {  	_ =	swait.ge [sflag:s11], $0x1000  }
0x15: {  	[sflag:s11] =	ssyncset.done $0x0  }
0x16: {  	[sflag:s11] =	ssyncadd.s32 $0xFFFFF000  }
0x17: {  	[tilespmem:s14], [sflag:$0x1] =	stream.indirect.gather [hbm4b:s3+s13], $0x10, s10, s13, $0xb8;
	[tilespmem:$0x8000] =	vst v63  }
0x18: {  	_ = 	snop  }
0x19: {  	[tilespmem:s15], [sflag:$0x3] =	stream.indirect.gather [hbm4b:s4+s13], $0x10, s12, s13, $0xb8;
	[tilespmem:$0x8000] =	vst v63  }
0x1a: {  	_ = 	snop  }
0x1b: {  	[tilespmem:s1], [sflag:$0x5] =	stream.linear.gather [hbm4b:s5+s1], $0x1000, $0x38;
	[tilespmem:$0x8000] =	vst v63  }
0x1c: {  	_ =	swait.ge [sflag:s11], $0x1000  }
0x1d: {  	[sflag:s11] =	ssyncset.done $0x0  }
0x1e: {  	s18 =	simm.s32 $0x0;
	s19 =	simm.s32 $0x0;
	[sflag:s11] =	ssyncadd.s32 $0xFFFFF000  }
.LBB2_2:
0x1f: {  	s21 =	sand.u32 $0x1, s19;
	p0 =	seq.s32 s18, $0x3C00  }
0x20: {  	s20 =	sxor.u32 @!p0 $0x1, s21;
	s24 =	sshra.s32 @!p0 s18, $0x2  }
0x21: {  	s28 =	simm.s32 @!p0 $0x100;
	s29 =	sadd.s32 $0x1, s21;
	s22 =	sshll.u32 @!p0 s20, $0xC  }
0x22: {  	s25 =	sadd.s32 @!p0 $0x1100, s24;
	s26 =	sadd.s32 @!p0 $0x1, s20;
	s23 =	sadd.s32 @!p0 $0x3000, s22  }
0x23: {  	[tilespmem:s23], [sflag:s26] =	stream.indirect.gather @!p0 [hbm4b:s3+s28], $0x10, s25, s28, $0xb8;
	[tilespmem:$0x8000] =	vst v63  }
0x24: {  	s20 =	sadd.s32 @!p0 $0x3, s20;
	s22 =	sadd.s32 @!p0 $0x5000, s22;
	s23 =	sadd.s32 @!p0 $0x2100, s24  }
0x25: {  	[tilespmem:s22], [sflag:s20] =	stream.indirect.gather @!p0 [hbm4b:s4+s28], $0x10, s23, s28, $0xb8;
	[tilespmem:$0x8000] =	vst v63  }
0x26: {  	_ =	swait.ge [sflag:s29], $0x1000  }
0x27: {  	[sflag:s29] =	ssyncset.done $0x0  }
0x28: {  	s30 =	sadd.s32 $0x3, s21;
	s21 =	sshll.u32 s21, $0x8;
	[sflag:s29] =	ssyncadd.s32 $0xFFFFF000  }
0x29: {  	v16 =	vmov s21;
	_ =	swait.ge [sflag:s30], $0x1000  }
0x2a: {  	v16 =	vshll.u32 v16, $0x4;
	[sflag:s30] =	ssyncset.done $0x0  }
0x2b: {  	s31 =	sshra.s32 s18, $0x2;
	v18 =	vor.u32 v0, v16;
	[sflag:s30] =	ssyncadd.s32 $0xFFFFF000  }
0x2c: {  	v17 =	vld [tilespmem:s31+$0x2000]  }
0x2d: {  	v19 =	vor.u32 $0x1, v18;
	_ =	sdelay $0x2  }
0x2e: {  	v20 =	vor.u32 $0x2, v18;
	v21 =	vld.idx.msk [tilespmem:v18+s14+$0x0], $0xffff  }
0x2f: {  	v22 =	vld.idx.msk [tilespmem:v18+s15+$0x0], $0xffff  }
0x30: {  	v23 =	vor.u32 $0x3, v18;
	v24 =	vld.idx.msk [tilespmem:v19+s14+$0x0], $0xffff  }
0x31: {  	v19 =	vld.idx.msk [tilespmem:v19+s15+$0x0], $0xffff  }
0x32: {  	v25 =	vor.u32 $0x4, v18;
	v17 =	vld.idx.msk [tilespmem:v17+s1+$0x0], $0xffff  }
0x33: {  	v26 =	vld.idx.msk [tilespmem:v20+s14+$0x0], $0xffff  }
0x34: {  	v27 =	vor.u32 $0x5, v18;
	v20 =	vld.idx.msk [tilespmem:v20+s15+$0x0], $0xffff  }
0x35: {  	v54 =	vld.idx.msk [tilespmem:v23+s14+$0x0], $0xffff;
	v21 =	vmul.f32 v22, v21  }
0x36: {  	v28 =	vor.u32 $0x6, v18;
	v23 =	vld.idx.msk [tilespmem:v23+s15+$0x0], $0xffff  }
0x37: {  	v55 =	vld.idx.msk [tilespmem:v25+s14+$0x0], $0xffff;
	v19 =	vmul.f32 v19, v24;
	v17 =	vadd.f32 v21, v17  }
0x38: {  	v57 =	vor.u32 $0x7, v18;
	v56 =	vld.idx.msk [tilespmem:v25+s15+$0x0], $0xffff  }
0x39: {  	v59 =	vld.idx.msk [tilespmem:v27+s14+$0x0], $0xffff;
	v58 =	vmul.f32 v20, v26;
	v17 =	vadd.f32 v19, v17  }
0x3a: {  	v61 =	vor.u32 $0x8, v18;
	v60 =	vld.idx.msk [tilespmem:v27+s15+$0x0], $0xffff  }
0x3b: {  	v63 =	vld.idx.msk [tilespmem:v28+s14+$0x0], $0xffff;
	v62 =	vmul.f32 v23, v54;
	v17 =	vadd.f32 v58, v17  }
0x3c: {  	v33 =	vor.u32 $0x9, v18;
	v32 =	vld.idx.msk [tilespmem:v28+s15+$0x0], $0xffff  }
0x3d: {  	v35 =	vld.idx.msk [tilespmem:v57+s14+$0x0], $0xffff;
	v34 =	vmul.f32 v56, v55;
	v17 =	vadd.f32 v62, v17  }
0x3e: {  	v37 =	vor.u32 $0xA, v18;
	v36 =	vld.idx.msk [tilespmem:v57+s15+$0x0], $0xffff  }
0x3f: {  	v39 =	vld.idx.msk [tilespmem:v61+s14+$0x0], $0xffff;
	v38 =	vmul.f32 v60, v59;
	v17 =	vadd.f32 v34, v17  }
0x40: {  	v41 =	vor.u32 $0xB, v18;
	v40 =	vld.idx.msk [tilespmem:v61+s15+$0x0], $0xffff  }
0x41: {  	v43 =	vld.idx.msk [tilespmem:v33+s14+$0x0], $0xffff;
	v42 =	vmul.f32 v32, v63;
	v17 =	vadd.f32 v38, v17  }
0x42: {  	v45 =	vor.u32 $0xC, v18;
	v44 =	vld.idx.msk [tilespmem:v33+s15+$0x0], $0xffff  }
0x43: {  	v47 =	vld.idx.msk [tilespmem:v37+s14+$0x0], $0xffff;
	v46 =	vmul.f32 v36, v35;
	v17 =	vadd.f32 v42, v17  }
0x44: {  	v49 =	vor.u32 $0xD, v18;
	v48 =	vld.idx.msk [tilespmem:v37+s15+$0x0], $0xffff  }
0x45: {  	v51 =	vld.idx.msk [tilespmem:v41+s14+$0x0], $0xffff;
	v50 =	vmul.f32 v40, v39;
	v17 =	vadd.f32 v46, v17  }
0x46: {  	v53 =	vor.u32 $0xE, v18;
	v52 =	vld.idx.msk [tilespmem:v41+s15+$0x0], $0xffff  }
0x47: {  	v54 =	vmul.f32 v44, v43;
	v55 =	vld.idx.msk [tilespmem:v45+s14+$0x0], $0xffff;
	v17 =	vadd.f32 v50, v17  }
0x48: {  	v18 =	vor.u32 $0xF, v18;
	v56 =	vld.idx.msk [tilespmem:v45+s15+$0x0], $0xffff  }
0x49: {  	v57 =	vmul.f32 v48, v47;
	v59 =	vld.idx.msk [tilespmem:v49+s15+$0x0], $0xffff;
	v17 =	vadd.f32 v54, v17  }
0x4a: {  	v58 =	vld.idx.msk [tilespmem:v49+s14+$0x0], $0xffff  }
0x4b: {  	v61 =	vld.idx.msk [tilespmem:v53+s14+$0x0], $0xffff;
	v60 =	vmul.f32 v52, v51;
	v17 =	vadd.f32 v57, v17  }
0x4c: {  	v62 =	vld.idx.msk [tilespmem:v53+s15+$0x0], $0xffff  }
0x4d: {  	v26 =	vld.idx.msk [tilespmem:v18+s14+$0x0], $0xffff;
	v63 =	vmul.f32 v56, v55;
	v17 =	vadd.f32 v60, v17  }
0x4e: {  	v18 =	vld.idx.msk [tilespmem:v18+s15+$0x0], $0xffff  }
0x4f: {  	v27 =	vmul.f32 v59, v58;
	v17 =	vadd.f32 v63, v17  }
0x50: {  	v28 =	vld [tilespmem:s31+$0x2010]  }
0x51: {  	v29 =	vmul.f32 v62, v61;
	v17 =	vadd.f32 v27, v17;
	_ =	sdelay $0x1  }
0x52: {  	v18 =	vmul.f32 v18, v26;
	v17 =	vadd.f32 v29, v17  }
0x53: {  	v19 =	vor.u32 v15, v16  }
0x54: {  	v17 =	vadd.f32 v18, v17  }
0x55: {  	v30 =	vor.u32 $0x1, v19  }
0x56: {  	[tilespmem:s31+$0x7000] =	vst v17  }
0x57: {  	v31 =	vor.u32 $0x2, v19;
	v17 =	vld.idx.msk [tilespmem:v28+s1+$0x0], $0xffff  }
0x58: {  	v32 =	vld.idx.msk [tilespmem:v19+s14+$0x0], $0xffff  }
0x59: {  	v34 =	vor.u32 $0x3, v19;
	v33 =	vld.idx.msk [tilespmem:v19+s15+$0x0], $0xffff  }
0x5a: {  	v35 =	vld.idx.msk [tilespmem:v30+s14+$0x0], $0xffff  }
0x5b: {  	v36 =	vor.u32 $0x4, v19;
	v18 =	vld.idx.msk [tilespmem:v30+s15+$0x0], $0xffff  }
0x5c: {  	v37 =	vld.idx.msk [tilespmem:v31+s14+$0x0], $0xffff  }
0x5d: {  	v38 =	vor.u32 $0x5, v19;
	v20 =	vld.idx.msk [tilespmem:v31+s15+$0x0], $0xffff  }
0x5e: {  	v39 =	vld.idx.msk [tilespmem:v34+s14+$0x0], $0xffff;
	v21 =	vmul.f32 v33, v32  }
0x5f: {  	v40 =	vor.u32 $0x6, v19;
	v23 =	vld.idx.msk [tilespmem:v34+s15+$0x0], $0xffff  }
0x60: {  	v41 =	vld.idx.msk [tilespmem:v36+s14+$0x0], $0xffff;
	v18 =	vmul.f32 v18, v35;
	v17 =	vadd.f32 v21, v17  }
0x61: {  	v43 =	vor.u32 $0x7, v19;
	v42 =	vld.idx.msk [tilespmem:v36+s15+$0x0], $0xffff  }
0x62: {  	v45 =	vld.idx.msk [tilespmem:v38+s14+$0x0], $0xffff;
	v44 =	vmul.f32 v20, v37;
	v17 =	vadd.f32 v18, v17  }
0x63: {  	v47 =	vor.u32 $0x8, v19;
	v46 =	vld.idx.msk [tilespmem:v38+s15+$0x0], $0xffff  }
0x64: {  	v49 =	vld.idx.msk [tilespmem:v40+s14+$0x0], $0xffff;
	v48 =	vmul.f32 v23, v39;
	v17 =	vadd.f32 v44, v17  }
0x65: {  	v51 =	vor.u32 $0x9, v19;
	v50 =	vld.idx.msk [tilespmem:v40+s15+$0x0], $0xffff  }
0x66: {  	v53 =	vld.idx.msk [tilespmem:v43+s14+$0x0], $0xffff;
	v52 =	vmul.f32 v42, v41;
	v17 =	vadd.f32 v48, v17  }
0x67: {  	v55 =	vor.u32 $0xA, v19;
	v54 =	vld.idx.msk [tilespmem:v43+s15+$0x0], $0xffff  }
0x68: {  	v57 =	vld.idx.msk [tilespmem:v47+s14+$0x0], $0xffff;
	v56 =	vmul.f32 v46, v45;
	v17 =	vadd.f32 v52, v17  }
0x69: {  	v59 =	vor.u32 $0xB, v19;
	v58 =	vld.idx.msk [tilespmem:v47+s15+$0x0], $0xffff  }
0x6a: {  	v61 =	vld.idx.msk [tilespmem:v51+s14+$0x0], $0xffff;
	v60 =	vmul.f32 v50, v49;
	v17 =	vadd.f32 v56, v17  }
0x6b: {  	v63 =	vor.u32 $0xC, v19;
	v62 =	vld.idx.msk [tilespmem:v51+s15+$0x0], $0xffff  }
0x6c: {  	v31 =	vld.idx.msk [tilespmem:v55+s14+$0x0], $0xffff;
	v30 =	vmul.f32 v54, v53;
	v17 =	vadd.f32 v60, v17  }
0x6d: {  	v32 =	vld.idx.msk [tilespmem:v55+s15+$0x0], $0xffff;
	v33 =	vor.u32 $0xD, v19  }
0x6e: {  	v34 =	vmul.f32 v58, v57;
	v35 =	vld.idx.msk [tilespmem:v59+s14+$0x0], $0xffff;
	v17 =	vadd.f32 v30, v17  }
0x6f: {  	v36 =	vld.idx.msk [tilespmem:v59+s15+$0x0], $0xffff;
	v37 =	vor.u32 $0xE, v19  }
0x70: {  	v38 =	vmul.f32 v62, v61;
	v39 =	vld.idx.msk [tilespmem:v63+s14+$0x0], $0xffff;
	v17 =	vadd.f32 v34, v17  }
0x71: {  	v40 =	vld.idx.msk [tilespmem:v63+s15+$0x0], $0xffff;
	v19 =	vor.u32 $0xF, v19  }
0x72: {  	v41 =	vmul.f32 v32, v31;
	v42 =	vld.idx.msk [tilespmem:v33+s14+$0x0], $0xffff;
	v17 =	vadd.f32 v38, v17  }
0x73: {  	v43 =	vld.idx.msk [tilespmem:v33+s15+$0x0], $0xffff  }
0x74: {  	v45 =	vld.idx.msk [tilespmem:v37+s14+$0x0], $0xffff;
	v44 =	vmul.f32 v36, v35;
	v17 =	vadd.f32 v41, v17  }
0x75: {  	v46 =	vld.idx.msk [tilespmem:v37+s15+$0x0], $0xffff  }
0x76: {  	v47 =	vmul.f32 v40, v39;
	v48 =	vld.idx.msk [tilespmem:v19+s14+$0x0], $0xffff;
	v17 =	vadd.f32 v44, v17  }
0x77: {  	v19 =	vld.idx.msk [tilespmem:v19+s15+$0x0], $0xffff  }
0x78: {  	v49 =	vmul.f32 v43, v42;
	v17 =	vadd.f32 v47, v17  }
0x79: {  	v50 =	vld [tilespmem:s31+$0x2020]  }
0x7a: {  	v51 =	vmul.f32 v46, v45;
	v17 =	vadd.f32 v49, v17;
	_ =	sdelay $0x1  }
0x7b: {  	v52 =	vmul.f32 v19, v48;
	v17 =	vadd.f32 v51, v17  }
0x7c: {  	v19 =	vor.u32 v14, v16  }
0x7d: {  	v17 =	vadd.f32 v52, v17  }
0x7e: {  	v53 =	vor.u32 $0x1, v19  }
0x7f: {  	[tilespmem:s31+$0x7010] =	vst v17  }
0x80: {  	v54 =	vor.u32 $0x2, v19;
	v17 =	vld.idx.msk [tilespmem:v50+s1+$0x0], $0xffff  }
0x81: {  	v55 =	vld.idx.msk [tilespmem:v19+s14+$0x0], $0xffff  }
0x82: {  	v57 =	vor.u32 $0x3, v19;
	v56 =	vld.idx.msk [tilespmem:v19+s15+$0x0], $0xffff  }
0x83: {  	v58 =	vld.idx.msk [tilespmem:v53+s14+$0x0], $0xffff  }
0x84: {  	v59 =	vor.u32 $0x4, v19;
	v18 =	vld.idx.msk [tilespmem:v53+s15+$0x0], $0xffff  }
0x85: {  	v60 =	vld.idx.msk [tilespmem:v54+s14+$0x0], $0xffff  }
0x86: {  	v61 =	vor.u32 $0x5, v19;
	v20 =	vld.idx.msk [tilespmem:v54+s15+$0x0], $0xffff  }
0x87: {  	v62 =	vld.idx.msk [tilespmem:v57+s14+$0x0], $0xffff;
	v21 =	vmul.f32 v56, v55  }
0x88: {  	v63 =	vor.u32 $0x6, v19;
	v23 =	vld.idx.msk [tilespmem:v57+s15+$0x0], $0xffff  }
0x89: {  	v32 =	vld.idx.msk [tilespmem:v59+s14+$0x0], $0xffff;
	v18 =	vmul.f32 v18, v58;
	v17 =	vadd.f32 v21, v17  }
0x8a: {  	v34 =	vor.u32 $0x7, v19;
	v33 =	vld.idx.msk [tilespmem:v59+s15+$0x0], $0xffff  }
0x8b: {  	v36 =	vld.idx.msk [tilespmem:v61+s14+$0x0], $0xffff;
	v35 =	vmul.f32 v20, v60;
	v17 =	vadd.f32 v18, v17  }
0x8c: {  	v38 =	vor.u32 $0x8, v19;
	v37 =	vld.idx.msk [tilespmem:v61+s15+$0x0], $0xffff  }
0x8d: {  	v40 =	vld.idx.msk [tilespmem:v63+s14+$0x0], $0xffff;
	v39 =	vmul.f32 v23, v62;
	v17 =	vadd.f32 v35, v17  }
0x8e: {  	v42 =	vor.u32 $0x9, v19;
	v41 =	vld.idx.msk [tilespmem:v63+s15+$0x0], $0xffff  }
0x8f: {  	v44 =	vld.idx.msk [tilespmem:v34+s14+$0x0], $0xffff;
	v43 =	vmul.f32 v33, v32;
	v17 =	vadd.f32 v39, v17  }
0x90: {  	v46 =	vor.u32 $0xA, v19;
	v45 =	vld.idx.msk [tilespmem:v34+s15+$0x0], $0xffff  }
0x91: {  	v48 =	vld.idx.msk [tilespmem:v38+s14+$0x0], $0xffff;
	v47 =	vmul.f32 v37, v36;
	v17 =	vadd.f32 v43, v17  }
0x92: {  	v49 =	vld.idx.msk [tilespmem:v38+s15+$0x0], $0xffff;
	v50 =	vor.u32 $0xB, v19  }
0x93: {  	v52 =	vld.idx.msk [tilespmem:v42+s14+$0x0], $0xffff;
	v51 =	vmul.f32 v41, v40;
	v17 =	vadd.f32 v47, v17  }
0x94: {  	v53 =	vld.idx.msk [tilespmem:v42+s15+$0x0], $0xffff;
	v54 =	vor.u32 $0xC, v19  }
0x95: {  	v57 =	vld.idx.msk [tilespmem:v46+s15+$0x0], $0xffff;
	v55 =	vmul.f32 v45, v44;
	v17 =	vadd.f32 v51, v17  }
0x96: {  	v56 =	vld.idx.msk [tilespmem:v46+s14+$0x0], $0xffff;
	v58 =	vor.u32 $0xD, v19  }
0x97: {  	v59 =	vmul.f32 v49, v48;
	v60 =	vld.idx.msk [tilespmem:v50+s14+$0x0], $0xffff;
	v17 =	vadd.f32 v55, v17  }
0x98: {  	v61 =	vld.idx.msk [tilespmem:v50+s15+$0x0], $0xffff;
	v62 =	vor.u32 $0xE, v19  }
0x99: {  	v63 =	vmul.f32 v53, v52;
	v29 =	vld.idx.msk [tilespmem:v54+s14+$0x0], $0xffff;
	v17 =	vadd.f32 v59, v17  }
0x9a: {  	v30 =	vld.idx.msk [tilespmem:v54+s15+$0x0], $0xffff;
	v19 =	vor.u32 $0xF, v19  }
0x9b: {  	v31 =	vmul.f32 v57, v56;
	v32 =	vld.idx.msk [tilespmem:v58+s14+$0x0], $0xffff;
	v17 =	vadd.f32 v63, v17  }
0x9c: {  	v33 =	vld.idx.msk [tilespmem:v58+s15+$0x0], $0xffff  }
0x9d: {  	v34 =	vmul.f32 v61, v60;
	v36 =	vld.idx.msk [tilespmem:v62+s15+$0x0], $0xffff;
	v17 =	vadd.f32 v31, v17  }
0x9e: {  	v35 =	vld.idx.msk [tilespmem:v62+s14+$0x0], $0xffff  }
0x9f: {  	v37 =	vmul.f32 v30, v29;
	v38 =	vld.idx.msk [tilespmem:v19+s14+$0x0], $0xffff;
	v17 =	vadd.f32 v34, v17  }
0xa0: {  	v19 =	vld.idx.msk [tilespmem:v19+s15+$0x0], $0xffff  }
0xa1: {  	v39 =	vmul.f32 v33, v32;
	v17 =	vadd.f32 v37, v17  }
0xa2: {  	v40 =	vld [tilespmem:s31+$0x2030]  }
0xa3: {  	v41 =	vmul.f32 v36, v35;
	v17 =	vadd.f32 v39, v17;
	_ =	sdelay $0x1  }
0xa4: {  	v42 =	vmul.f32 v19, v38;
	v17 =	vadd.f32 v41, v17  }
0xa5: {  	v19 =	vor.u32 v13, v16  }
0xa6: {  	v17 =	vadd.f32 v42, v17  }
0xa7: {  	v43 =	vor.u32 $0x1, v19  }
0xa8: {  	[tilespmem:s31+$0x7020] =	vst v17  }
0xa9: {  	v44 =	vor.u32 $0x2, v19;
	v17 =	vld.idx.msk [tilespmem:v40+s1+$0x0], $0xffff  }
0xaa: {  	v45 =	vld.idx.msk [tilespmem:v19+s14+$0x0], $0xffff  }
0xab: {  	v47 =	vor.u32 $0x3, v19;
	v46 =	vld.idx.msk [tilespmem:v19+s15+$0x0], $0xffff  }
0xac: {  	v48 =	vld.idx.msk [tilespmem:v43+s14+$0x0], $0xffff  }
0xad: {  	v49 =	vor.u32 $0x4, v19;
	v18 =	vld.idx.msk [tilespmem:v43+s15+$0x0], $0xffff  }
0xae: {  	v50 =	vld.idx.msk [tilespmem:v44+s14+$0x0], $0xffff  }
0xaf: {  	v51 =	vor.u32 $0x5, v19;
	v20 =	vld.idx.msk [tilespmem:v44+s15+$0x0], $0xffff  }
0xb0: {  	v52 =	vld.idx.msk [tilespmem:v47+s14+$0x0], $0xffff;
	v21 =	vmul.f32 v46, v45  }
0xb1: {  	v53 =	vor.u32 $0x6, v19;
	v23 =	vld.idx.msk [tilespmem:v47+s15+$0x0], $0xffff  }
0xb2: {  	v54 =	vld.idx.msk [tilespmem:v49+s14+$0x0], $0xffff;
	v18 =	vmul.f32 v18, v48;
	v17 =	vadd.f32 v21, v17  }
0xb3: {  	v56 =	vor.u32 $0x7, v19;
	v55 =	vld.idx.msk [tilespmem:v49+s15+$0x0], $0xffff  }
0xb4: {  	v58 =	vld.idx.msk [tilespmem:v51+s14+$0x0], $0xffff;
	v57 =	vmul.f32 v20, v50;
	v17 =	vadd.f32 v18, v17  }
0xb5: {  	v60 =	vor.u32 $0x8, v19;
	v59 =	vld.idx.msk [tilespmem:v51+s15+$0x0], $0xffff  }
0xb6: {  	v62 =	vld.idx.msk [tilespmem:v53+s14+$0x0], $0xffff;
	v61 =	vmul.f32 v23, v52;
	v17 =	vadd.f32 v57, v17  }
0xb7: {  	v32 =	vor.u32 $0x9, v19;
	v63 =	vld.idx.msk [tilespmem:v53+s15+$0x0], $0xffff  }
0xb8: {  	v34 =	vld.idx.msk [tilespmem:v56+s14+$0x0], $0xffff;
	v33 =	vmul.f32 v55, v54;
	v17 =	vadd.f32 v61, v17  }
0xb9: {  	v36 =	vor.u32 $0xA, v19;
	v35 =	vld.idx.msk [tilespmem:v56+s15+$0x0], $0xffff  }
0xba: {  	v38 =	vld.idx.msk [tilespmem:v60+s14+$0x0], $0xffff;
	v37 =	vmul.f32 v59, v58;
	v17 =	vadd.f32 v33, v17  }
0xbb: {  	v39 =	vld.idx.msk [tilespmem:v60+s15+$0x0], $0xffff;
	v40 =	vor.u32 $0xB, v19  }
0xbc: {  	v42 =	vld.idx.msk [tilespmem:v32+s14+$0x0], $0xffff;
	v41 =	vmul.f32 v63, v62;
	v17 =	vadd.f32 v37, v17  }
0xbd: {  	v43 =	vld.idx.msk [tilespmem:v32+s15+$0x0], $0xffff;
	v44 =	vor.u32 $0xC, v19  }
0xbe: {  	v47 =	vld.idx.msk [tilespmem:v36+s15+$0x0], $0xffff;
	v45 =	vmul.f32 v35, v34;
	v17 =	vadd.f32 v41, v17  }
0xbf: {  	v46 =	vld.idx.msk [tilespmem:v36+s14+$0x0], $0xffff;
	v48 =	vor.u32 $0xD, v19  }
0xc0: {  	v49 =	vmul.f32 v39, v38;
	v50 =	vld.idx.msk [tilespmem:v40+s14+$0x0], $0xffff;
	v17 =	vadd.f32 v45, v17  }
0xc1: {  	v51 =	vld.idx.msk [tilespmem:v40+s15+$0x0], $0xffff;
	v52 =	vor.u32 $0xE, v19  }
0xc2: {  	v53 =	vmul.f32 v43, v42;
	v54 =	vld.idx.msk [tilespmem:v44+s14+$0x0], $0xffff;
	v17 =	vadd.f32 v49, v17  }
0xc3: {  	v55 =	vld.idx.msk [tilespmem:v44+s15+$0x0], $0xffff;
	v19 =	vor.u32 $0xF, v19  }
0xc4: {  	v56 =	vmul.f32 v47, v46;
	v58 =	vld.idx.msk [tilespmem:v48+s15+$0x0], $0xffff;
	v17 =	vadd.f32 v53, v17  }
0xc5: {  	v57 =	vld.idx.msk [tilespmem:v48+s14+$0x0], $0xffff  }
0xc6: {  	v59 =	vmul.f32 v51, v50;
	v60 =	vld.idx.msk [tilespmem:v52+s14+$0x0], $0xffff;
	v17 =	vadd.f32 v56, v17  }
0xc7: {  	v61 =	vld.idx.msk [tilespmem:v52+s15+$0x0], $0xffff  }
0xc8: {  	v62 =	vmul.f32 v55, v54;
	v63 =	vld.idx.msk [tilespmem:v19+s14+$0x0], $0xffff;
	v17 =	vadd.f32 v59, v17  }
0xc9: {  	v19 =	vld.idx.msk [tilespmem:v19+s15+$0x0], $0xffff  }
0xca: {  	v26 =	vmul.f32 v58, v57;
	v17 =	vadd.f32 v62, v17  }
0xcb: {  	v27 =	vld [tilespmem:s31+$0x2040]  }
0xcc: {  	v28 =	vmul.f32 v61, v60;
	v17 =	vadd.f32 v26, v17;
	_ =	sdelay $0x1  }
0xcd: {  	v29 =	vmul.f32 v19, v63;
	v17 =	vadd.f32 v28, v17  }
0xce: {  	v19 =	vor.u32 v12, v16  }
0xcf: {  	v17 =	vadd.f32 v29, v17  }
0xd0: {  	v30 =	vor.u32 $0x1, v19  }
0xd1: {  	[tilespmem:s31+$0x7030] =	vst v17  }
0xd2: {  	v31 =	vor.u32 $0x2, v19;
	v17 =	vld.idx.msk [tilespmem:v27+s1+$0x0], $0xffff  }
0xd3: {  	v32 =	vld.idx.msk [tilespmem:v19+s14+$0x0], $0xffff  }
0xd4: {  	v34 =	vor.u32 $0x3, v19;
	v33 =	vld.idx.msk [tilespmem:v19+s15+$0x0], $0xffff  }
0xd5: {  	v35 =	vld.idx.msk [tilespmem:v30+s14+$0x0], $0xffff  }
0xd6: {  	v36 =	vor.u32 $0x4, v19;
	v18 =	vld.idx.msk [tilespmem:v30+s15+$0x0], $0xffff  }
0xd7: {  	v37 =	vld.idx.msk [tilespmem:v31+s14+$0x0], $0xffff  }
0xd8: {  	v38 =	vor.u32 $0x5, v19;
	v20 =	vld.idx.msk [tilespmem:v31+s15+$0x0], $0xffff  }
0xd9: {  	v39 =	vld.idx.msk [tilespmem:v34+s14+$0x0], $0xffff;
	v21 =	vmul.f32 v33, v32  }
0xda: {  	v40 =	vor.u32 $0x6, v19;
	v23 =	vld.idx.msk [tilespmem:v34+s15+$0x0], $0xffff  }
0xdb: {  	v41 =	vld.idx.msk [tilespmem:v36+s14+$0x0], $0xffff;
	v18 =	vmul.f32 v18, v35;
	v17 =	vadd.f32 v21, v17  }
0xdc: {  	v43 =	vor.u32 $0x7, v19;
	v42 =	vld.idx.msk [tilespmem:v36+s15+$0x0], $0xffff  }
0xdd: {  	v45 =	vld.idx.msk [tilespmem:v38+s14+$0x0], $0xffff;
	v44 =	vmul.f32 v20, v37;
	v17 =	vadd.f32 v18, v17  }
0xde: {  	v47 =	vor.u32 $0x8, v19;
	v46 =	vld.idx.msk [tilespmem:v38+s15+$0x0], $0xffff  }
0xdf: {  	v49 =	vld.idx.msk [tilespmem:v40+s14+$0x0], $0xffff;
	v48 =	vmul.f32 v23, v39;
	v17 =	vadd.f32 v44, v17  }
0xe0: {  	v51 =	vor.u32 $0x9, v19;
	v50 =	vld.idx.msk [tilespmem:v40+s15+$0x0], $0xffff  }
0xe1: {  	v53 =	vld.idx.msk [tilespmem:v43+s14+$0x0], $0xffff;
	v52 =	vmul.f32 v42, v41;
	v17 =	vadd.f32 v48, v17  }
0xe2: {  	v55 =	vor.u32 $0xA, v19;
	v54 =	vld.idx.msk [tilespmem:v43+s15+$0x0], $0xffff  }
0xe3: {  	v57 =	vld.idx.msk [tilespmem:v47+s14+$0x0], $0xffff;
	v56 =	vmul.f32 v46, v45;
	v17 =	vadd.f32 v52, v17  }
0xe4: {  	v59 =	vor.u32 $0xB, v19;
	v58 =	vld.idx.msk [tilespmem:v47+s15+$0x0], $0xffff  }
0xe5: {  	v61 =	vld.idx.msk [tilespmem:v51+s14+$0x0], $0xffff;
	v60 =	vmul.f32 v50, v49;
	v17 =	vadd.f32 v56, v17  }
0xe6: {  	v63 =	vor.u32 $0xC, v19;
	v62 =	vld.idx.msk [tilespmem:v51+s15+$0x0], $0xffff  }
0xe7: {  	v31 =	vld.idx.msk [tilespmem:v55+s14+$0x0], $0xffff;
	v30 =	vmul.f32 v54, v53;
	v17 =	vadd.f32 v60, v17  }
0xe8: {  	v32 =	vld.idx.msk [tilespmem:v55+s15+$0x0], $0xffff;
	v33 =	vor.u32 $0xD, v19  }
0xe9: {  	v36 =	vld.idx.msk [tilespmem:v59+s15+$0x0], $0xffff;
	v34 =	vmul.f32 v58, v57;
	v17 =	vadd.f32 v30, v17  }
0xea: {  	v35 =	vld.idx.msk [tilespmem:v59+s14+$0x0], $0xffff;
	v37 =	vor.u32 $0xE, v19  }
0xeb: {  	v40 =	vld.idx.msk [tilespmem:v63+s15+$0x0], $0xffff;
	v38 =	vmul.f32 v62, v61;
	v17 =	vadd.f32 v34, v17  }
0xec: {  	v39 =	vld.idx.msk [tilespmem:v63+s14+$0x0], $0xffff;
	v19 =	vor.u32 $0xF, v19  }
0xed: {  	v41 =	vmul.f32 v32, v31;
	v42 =	vld.idx.msk [tilespmem:v33+s14+$0x0], $0xffff;
	v17 =	vadd.f32 v38, v17  }
0xee: {  	v43 =	vld.idx.msk [tilespmem:v33+s15+$0x0], $0xffff  }
0xef: {  	v45 =	vld.idx.msk [tilespmem:v37+s14+$0x0], $0xffff;
	v44 =	vmul.f32 v36, v35;
	v17 =	vadd.f32 v41, v17  }
0xf0: {  	v46 =	vld.idx.msk [tilespmem:v37+s15+$0x0], $0xffff  }
0xf1: {  	v47 =	vmul.f32 v40, v39;
	v48 =	vld.idx.msk [tilespmem:v19+s14+$0x0], $0xffff;
	v17 =	vadd.f32 v44, v17  }
0xf2: {  	v19 =	vld.idx.msk [tilespmem:v19+s15+$0x0], $0xffff  }
0xf3: {  	v49 =	vmul.f32 v43, v42;
	v17 =	vadd.f32 v47, v17  }
0xf4: {  	v50 =	vld [tilespmem:s31+$0x2050]  }
0xf5: {  	v51 =	vmul.f32 v46, v45;
	v17 =	vadd.f32 v49, v17;
	_ =	sdelay $0x1  }
0xf6: {  	v52 =	vmul.f32 v19, v48;
	v17 =	vadd.f32 v51, v17  }
0xf7: {  	v19 =	vor.u32 v11, v16  }
0xf8: {  	v17 =	vadd.f32 v52, v17  }
0xf9: {  	v53 =	vor.u32 $0x1, v19  }
0xfa: {  	[tilespmem:s31+$0x7040] =	vst v17  }
0xfb: {  	v54 =	vor.u32 $0x2, v19;
	v17 =	vld.idx.msk [tilespmem:v50+s1+$0x0], $0xffff  }
0xfc: {  	v55 =	vld.idx.msk [tilespmem:v19+s14+$0x0], $0xffff  }
0xfd: {  	v57 =	vor.u32 $0x3, v19;
	v56 =	vld.idx.msk [tilespmem:v19+s15+$0x0], $0xffff  }
0xfe: {  	v58 =	vld.idx.msk [tilespmem:v53+s14+$0x0], $0xffff  }
0xff: {  	v59 =	vor.u32 $0x4, v19;
	v18 =	vld.idx.msk [tilespmem:v53+s15+$0x0], $0xffff  }
0x100: {  	v60 =	vld.idx.msk [tilespmem:v54+s14+$0x0], $0xffff  }
0x101: {  	v61 =	vor.u32 $0x5, v19;
	v20 =	vld.idx.msk [tilespmem:v54+s15+$0x0], $0xffff  }
0x102: {  	v62 =	vld.idx.msk [tilespmem:v57+s14+$0x0], $0xffff;
	v21 =	vmul.f32 v56, v55  }
0x103: {  	v63 =	vor.u32 $0x6, v19;
	v23 =	vld.idx.msk [tilespmem:v57+s15+$0x0], $0xffff  }
0x104: {  	v32 =	vld.idx.msk [tilespmem:v59+s14+$0x0], $0xffff;
	v18 =	vmul.f32 v18, v58;
	v17 =	vadd.f32 v21, v17  }
0x105: {  	v34 =	vor.u32 $0x7, v19;
	v33 =	vld.idx.msk [tilespmem:v59+s15+$0x0], $0xffff  }
0x106: {  	v36 =	vld.idx.msk [tilespmem:v61+s14+$0x0], $0xffff;
	v35 =	vmul.f32 v20, v60;
	v17 =	vadd.f32 v18, v17  }
0x107: {  	v38 =	vor.u32 $0x8, v19;
	v37 =	vld.idx.msk [tilespmem:v61+s15+$0x0], $0xffff  }
0x108: {  	v40 =	vld.idx.msk [tilespmem:v63+s14+$0x0], $0xffff;
	v39 =	vmul.f32 v23, v62;
	v17 =	vadd.f32 v35, v17  }
0x109: {  	v42 =	vor.u32 $0x9, v19;
	v41 =	vld.idx.msk [tilespmem:v63+s15+$0x0], $0xffff  }
0x10a: {  	v44 =	vld.idx.msk [tilespmem:v34+s14+$0x0], $0xffff;
	v43 =	vmul.f32 v33, v32;
	v17 =	vadd.f32 v39, v17  }
0x10b: {  	v46 =	vor.u32 $0xA, v19;
	v45 =	vld.idx.msk [tilespmem:v34+s15+$0x0], $0xffff  }
0x10c: {  	v48 =	vld.idx.msk [tilespmem:v38+s14+$0x0], $0xffff;
	v47 =	vmul.f32 v37, v36;
	v17 =	vadd.f32 v43, v17  }
0x10d: {  	v49 =	vld.idx.msk [tilespmem:v38+s15+$0x0], $0xffff;
	v50 =	vor.u32 $0xB, v19  }
0x10e: {  	v52 =	vld.idx.msk [tilespmem:v42+s14+$0x0], $0xffff;
	v51 =	vmul.f32 v41, v40;
	v17 =	vadd.f32 v47, v17  }
0x10f: {  	v53 =	vld.idx.msk [tilespmem:v42+s15+$0x0], $0xffff;
	v54 =	vor.u32 $0xC, v19  }
0x110: {  	v57 =	vld.idx.msk [tilespmem:v46+s15+$0x0], $0xffff;
	v55 =	vmul.f32 v45, v44;
	v17 =	vadd.f32 v51, v17  }
0x111: {  	v56 =	vld.idx.msk [tilespmem:v46+s14+$0x0], $0xffff;
	v58 =	vor.u32 $0xD, v19  }
0x112: {  	v59 =	vmul.f32 v49, v48;
	v60 =	vld.idx.msk [tilespmem:v50+s14+$0x0], $0xffff;
	v17 =	vadd.f32 v55, v17  }
0x113: {  	v61 =	vld.idx.msk [tilespmem:v50+s15+$0x0], $0xffff;
	v62 =	vor.u32 $0xE, v19  }
0x114: {  	v63 =	vmul.f32 v53, v52;
	v29 =	vld.idx.msk [tilespmem:v54+s14+$0x0], $0xffff;
	v17 =	vadd.f32 v59, v17  }
0x115: {  	v30 =	vld.idx.msk [tilespmem:v54+s15+$0x0], $0xffff;
	v19 =	vor.u32 $0xF, v19  }
0x116: {  	v31 =	vmul.f32 v57, v56;
	v32 =	vld.idx.msk [tilespmem:v58+s14+$0x0], $0xffff;
	v17 =	vadd.f32 v63, v17  }
0x117: {  	v33 =	vld.idx.msk [tilespmem:v58+s15+$0x0], $0xffff  }
0x118: {  	v34 =	vmul.f32 v61, v60;
	v36 =	vld.idx.msk [tilespmem:v62+s15+$0x0], $0xffff;
	v17 =	vadd.f32 v31, v17  }
0x119: {  	v35 =	vld.idx.msk [tilespmem:v62+s14+$0x0], $0xffff  }
0x11a: {  	v37 =	vmul.f32 v30, v29;
	v38 =	vld.idx.msk [tilespmem:v19+s14+$0x0], $0xffff;
	v17 =	vadd.f32 v34, v17  }
0x11b: {  	v19 =	vld.idx.msk [tilespmem:v19+s15+$0x0], $0xffff  }
0x11c: {  	v39 =	vmul.f32 v33, v32;
	v17 =	vadd.f32 v37, v17  }
0x11d: {  	v40 =	vld [tilespmem:s31+$0x2060]  }
0x11e: {  	v41 =	vmul.f32 v36, v35;
	v17 =	vadd.f32 v39, v17;
	_ =	sdelay $0x1  }
0x11f: {  	v42 =	vmul.f32 v19, v38;
	v17 =	vadd.f32 v41, v17  }
0x120: {  	v19 =	vor.u32 v10, v16  }
0x121: {  	v17 =	vadd.f32 v42, v17  }
0x122: {  	v43 =	vor.u32 $0x1, v19  }
0x123: {  	[tilespmem:s31+$0x7050] =	vst v17  }
0x124: {  	v44 =	vor.u32 $0x2, v19;
	v17 =	vld.idx.msk [tilespmem:v40+s1+$0x0], $0xffff  }
0x125: {  	v45 =	vld.idx.msk [tilespmem:v19+s14+$0x0], $0xffff  }
0x126: {  	v47 =	vor.u32 $0x3, v19;
	v46 =	vld.idx.msk [tilespmem:v19+s15+$0x0], $0xffff  }
0x127: {  	v48 =	vld.idx.msk [tilespmem:v43+s14+$0x0], $0xffff  }
0x128: {  	v49 =	vor.u32 $0x4, v19;
	v18 =	vld.idx.msk [tilespmem:v43+s15+$0x0], $0xffff  }
0x129: {  	v50 =	vld.idx.msk [tilespmem:v44+s14+$0x0], $0xffff  }
0x12a: {  	v51 =	vor.u32 $0x5, v19;
	v20 =	vld.idx.msk [tilespmem:v44+s15+$0x0], $0xffff  }
0x12b: {  	v52 =	vld.idx.msk [tilespmem:v47+s14+$0x0], $0xffff;
	v21 =	vmul.f32 v46, v45  }
0x12c: {  	v53 =	vor.u32 $0x6, v19;
	v23 =	vld.idx.msk [tilespmem:v47+s15+$0x0], $0xffff  }
0x12d: {  	v54 =	vld.idx.msk [tilespmem:v49+s14+$0x0], $0xffff;
	v18 =	vmul.f32 v18, v48;
	v17 =	vadd.f32 v21, v17  }
0x12e: {  	v56 =	vor.u32 $0x7, v19;
	v55 =	vld.idx.msk [tilespmem:v49+s15+$0x0], $0xffff  }
0x12f: {  	v58 =	vld.idx.msk [tilespmem:v51+s14+$0x0], $0xffff;
	v57 =	vmul.f32 v20, v50;
	v17 =	vadd.f32 v18, v17  }
0x130: {  	v60 =	vor.u32 $0x8, v19;
	v59 =	vld.idx.msk [tilespmem:v51+s15+$0x0], $0xffff  }
0x131: {  	v62 =	vld.idx.msk [tilespmem:v53+s14+$0x0], $0xffff;
	v61 =	vmul.f32 v23, v52;
	v17 =	vadd.f32 v57, v17  }
0x132: {  	v32 =	vor.u32 $0x9, v19;
	v63 =	vld.idx.msk [tilespmem:v53+s15+$0x0], $0xffff  }
0x133: {  	v34 =	vld.idx.msk [tilespmem:v56+s14+$0x0], $0xffff;
	v33 =	vmul.f32 v55, v54;
	v17 =	vadd.f32 v61, v17  }
0x134: {  	v36 =	vor.u32 $0xA, v19;
	v35 =	vld.idx.msk [tilespmem:v56+s15+$0x0], $0xffff  }
0x135: {  	v38 =	vld.idx.msk [tilespmem:v60+s14+$0x0], $0xffff;
	v37 =	vmul.f32 v59, v58;
	v17 =	vadd.f32 v33, v17  }
0x136: {  	v39 =	vld.idx.msk [tilespmem:v60+s15+$0x0], $0xffff;
	v40 =	vor.u32 $0xB, v19  }
0x137: {  	v42 =	vld.idx.msk [tilespmem:v32+s14+$0x0], $0xffff;
	v41 =	vmul.f32 v63, v62;
	v17 =	vadd.f32 v37, v17  }
0x138: {  	v43 =	vld.idx.msk [tilespmem:v32+s15+$0x0], $0xffff;
	v44 =	vor.u32 $0xC, v19  }
0x139: {  	v47 =	vld.idx.msk [tilespmem:v36+s15+$0x0], $0xffff;
	v45 =	vmul.f32 v35, v34;
	v17 =	vadd.f32 v41, v17  }
0x13a: {  	v46 =	vld.idx.msk [tilespmem:v36+s14+$0x0], $0xffff;
	v48 =	vor.u32 $0xD, v19  }
0x13b: {  	v49 =	vmul.f32 v39, v38;
	v50 =	vld.idx.msk [tilespmem:v40+s14+$0x0], $0xffff;
	v17 =	vadd.f32 v45, v17  }
0x13c: {  	v51 =	vld.idx.msk [tilespmem:v40+s15+$0x0], $0xffff;
	v52 =	vor.u32 $0xE, v19  }
0x13d: {  	v53 =	vmul.f32 v43, v42;
	v54 =	vld.idx.msk [tilespmem:v44+s14+$0x0], $0xffff;
	v17 =	vadd.f32 v49, v17  }
0x13e: {  	v55 =	vld.idx.msk [tilespmem:v44+s15+$0x0], $0xffff;
	v19 =	vor.u32 $0xF, v19  }
0x13f: {  	v56 =	vmul.f32 v47, v46;
	v58 =	vld.idx.msk [tilespmem:v48+s15+$0x0], $0xffff;
	v17 =	vadd.f32 v53, v17  }
0x140: {  	v57 =	vld.idx.msk [tilespmem:v48+s14+$0x0], $0xffff  }
0x141: {  	v59 =	vmul.f32 v51, v50;
	v60 =	vld.idx.msk [tilespmem:v52+s14+$0x0], $0xffff;
	v17 =	vadd.f32 v56, v17  }
0x142: {  	v61 =	vld.idx.msk [tilespmem:v52+s15+$0x0], $0xffff  }
0x143: {  	v62 =	vmul.f32 v55, v54;
	v63 =	vld.idx.msk [tilespmem:v19+s14+$0x0], $0xffff;
	v17 =	vadd.f32 v59, v17  }
0x144: {  	v19 =	vld.idx.msk [tilespmem:v19+s15+$0x0], $0xffff  }
0x145: {  	v26 =	vmul.f32 v58, v57;
	v17 =	vadd.f32 v62, v17  }
0x146: {  	v27 =	vld [tilespmem:s31+$0x2070]  }
0x147: {  	v28 =	vmul.f32 v61, v60;
	v17 =	vadd.f32 v26, v17;
	_ =	sdelay $0x1  }
0x148: {  	v29 =	vmul.f32 v19, v63;
	v17 =	vadd.f32 v28, v17  }
0x149: {  	v19 =	vor.u32 v9, v16  }
0x14a: {  	v17 =	vadd.f32 v29, v17  }
0x14b: {  	v30 =	vor.u32 $0x1, v19  }
0x14c: {  	[tilespmem:s31+$0x7060] =	vst v17  }
0x14d: {  	v31 =	vor.u32 $0x2, v19;
	v17 =	vld.idx.msk [tilespmem:v27+s1+$0x0], $0xffff  }
0x14e: {  	v32 =	vld.idx.msk [tilespmem:v19+s14+$0x0], $0xffff  }
0x14f: {  	v34 =	vor.u32 $0x3, v19;
	v33 =	vld.idx.msk [tilespmem:v19+s15+$0x0], $0xffff  }
0x150: {  	v35 =	vld.idx.msk [tilespmem:v30+s14+$0x0], $0xffff  }
0x151: {  	v36 =	vor.u32 $0x4, v19;
	v18 =	vld.idx.msk [tilespmem:v30+s15+$0x0], $0xffff  }
0x152: {  	v37 =	vld.idx.msk [tilespmem:v31+s14+$0x0], $0xffff  }
0x153: {  	v38 =	vor.u32 $0x5, v19;
	v20 =	vld.idx.msk [tilespmem:v31+s15+$0x0], $0xffff  }
0x154: {  	v39 =	vld.idx.msk [tilespmem:v34+s14+$0x0], $0xffff;
	v21 =	vmul.f32 v33, v32  }
0x155: {  	v40 =	vor.u32 $0x6, v19;
	v23 =	vld.idx.msk [tilespmem:v34+s15+$0x0], $0xffff  }
0x156: {  	v41 =	vld.idx.msk [tilespmem:v36+s14+$0x0], $0xffff;
	v18 =	vmul.f32 v18, v35;
	v17 =	vadd.f32 v21, v17  }
0x157: {  	v43 =	vor.u32 $0x7, v19;
	v42 =	vld.idx.msk [tilespmem:v36+s15+$0x0], $0xffff  }
0x158: {  	v45 =	vld.idx.msk [tilespmem:v38+s14+$0x0], $0xffff;
	v44 =	vmul.f32 v20, v37;
	v17 =	vadd.f32 v18, v17  }
0x159: {  	v47 =	vor.u32 $0x8, v19;
	v46 =	vld.idx.msk [tilespmem:v38+s15+$0x0], $0xffff  }
0x15a: {  	v49 =	vld.idx.msk [tilespmem:v40+s14+$0x0], $0xffff;
	v48 =	vmul.f32 v23, v39;
	v17 =	vadd.f32 v44, v17  }
0x15b: {  	v51 =	vor.u32 $0x9, v19;
	v50 =	vld.idx.msk [tilespmem:v40+s15+$0x0], $0xffff  }
0x15c: {  	v53 =	vld.idx.msk [tilespmem:v43+s14+$0x0], $0xffff;
	v52 =	vmul.f32 v42, v41;
	v17 =	vadd.f32 v48, v17  }
0x15d: {  	v55 =	vor.u32 $0xA, v19;
	v54 =	vld.idx.msk [tilespmem:v43+s15+$0x0], $0xffff  }
0x15e: {  	v57 =	vld.idx.msk [tilespmem:v47+s14+$0x0], $0xffff;
	v56 =	vmul.f32 v46, v45;
	v17 =	vadd.f32 v52, v17  }
0x15f: {  	v59 =	vor.u32 $0xB, v19;
	v58 =	vld.idx.msk [tilespmem:v47+s15+$0x0], $0xffff  }
0x160: {  	v61 =	vld.idx.msk [tilespmem:v51+s14+$0x0], $0xffff;
	v60 =	vmul.f32 v50, v49;
	v17 =	vadd.f32 v56, v17  }
0x161: {  	v63 =	vor.u32 $0xC, v19;
	v62 =	vld.idx.msk [tilespmem:v51+s15+$0x0], $0xffff  }
0x162: {  	v31 =	vld.idx.msk [tilespmem:v55+s14+$0x0], $0xffff;
	v30 =	vmul.f32 v54, v53;
	v17 =	vadd.f32 v60, v17  }
0x163: {  	v32 =	vld.idx.msk [tilespmem:v55+s15+$0x0], $0xffff;
	v33 =	vor.u32 $0xD, v19  }
0x164: {  	v36 =	vld.idx.msk [tilespmem:v59+s15+$0x0], $0xffff;
	v34 =	vmul.f32 v58, v57;
	v17 =	vadd.f32 v30, v17  }
0x165: {  	v35 =	vld.idx.msk [tilespmem:v59+s14+$0x0], $0xffff;
	v37 =	vor.u32 $0xE, v19  }
0x166: {  	v40 =	vld.idx.msk [tilespmem:v63+s15+$0x0], $0xffff;
	v38 =	vmul.f32 v62, v61;
	v17 =	vadd.f32 v34, v17  }
0x167: {  	v39 =	vld.idx.msk [tilespmem:v63+s14+$0x0], $0xffff;
	v19 =	vor.u32 $0xF, v19  }
0x168: {  	v41 =	vmul.f32 v32, v31;
	v42 =	vld.idx.msk [tilespmem:v33+s14+$0x0], $0xffff;
	v17 =	vadd.f32 v38, v17  }
0x169: {  	v43 =	vld.idx.msk [tilespmem:v33+s15+$0x0], $0xffff  }
0x16a: {  	v45 =	vld.idx.msk [tilespmem:v37+s14+$0x0], $0xffff;
	v44 =	vmul.f32 v36, v35;
	v17 =	vadd.f32 v41, v17  }
0x16b: {  	v46 =	vld.idx.msk [tilespmem:v37+s15+$0x0], $0xffff  }
0x16c: {  	v47 =	vmul.f32 v40, v39;
	v48 =	vld.idx.msk [tilespmem:v19+s14+$0x0], $0xffff;
	v17 =	vadd.f32 v44, v17  }
0x16d: {  	v19 =	vld.idx.msk [tilespmem:v19+s15+$0x0], $0xffff  }
0x16e: {  	v49 =	vmul.f32 v43, v42;
	v17 =	vadd.f32 v47, v17  }
0x16f: {  	v50 =	vld [tilespmem:s31+$0x2080]  }
0x170: {  	v51 =	vmul.f32 v46, v45;
	v17 =	vadd.f32 v49, v17;
	_ =	sdelay $0x1  }
0x171: {  	v52 =	vmul.f32 v19, v48;
	v17 =	vadd.f32 v51, v17  }
0x172: {  	v19 =	vor.u32 v8, v16  }
0x173: {  	v17 =	vadd.f32 v52, v17  }
0x174: {  	v53 =	vor.u32 $0x1, v19  }
0x175: {  	[tilespmem:s31+$0x7070] =	vst v17  }
0x176: {  	v54 =	vor.u32 $0x2, v19;
	v17 =	vld.idx.msk [tilespmem:v50+s1+$0x0], $0xffff  }
0x177: {  	v55 =	vld.idx.msk [tilespmem:v19+s14+$0x0], $0xffff  }
0x178: {  	v57 =	vor.u32 $0x3, v19;
	v56 =	vld.idx.msk [tilespmem:v19+s15+$0x0], $0xffff  }
0x179: {  	v58 =	vld.idx.msk [tilespmem:v53+s14+$0x0], $0xffff  }
0x17a: {  	v59 =	vor.u32 $0x4, v19;
	v18 =	vld.idx.msk [tilespmem:v53+s15+$0x0], $0xffff  }
0x17b: {  	v60 =	vld.idx.msk [tilespmem:v54+s14+$0x0], $0xffff  }
0x17c: {  	v61 =	vor.u32 $0x5, v19;
	v20 =	vld.idx.msk [tilespmem:v54+s15+$0x0], $0xffff  }
0x17d: {  	v62 =	vld.idx.msk [tilespmem:v57+s14+$0x0], $0xffff;
	v21 =	vmul.f32 v56, v55  }
0x17e: {  	v63 =	vor.u32 $0x6, v19;
	v23 =	vld.idx.msk [tilespmem:v57+s15+$0x0], $0xffff  }
0x17f: {  	v32 =	vld.idx.msk [tilespmem:v59+s14+$0x0], $0xffff;
	v18 =	vmul.f32 v18, v58;
	v17 =	vadd.f32 v21, v17  }
0x180: {  	v34 =	vor.u32 $0x7, v19;
	v33 =	vld.idx.msk [tilespmem:v59+s15+$0x0], $0xffff  }
0x181: {  	v36 =	vld.idx.msk [tilespmem:v61+s14+$0x0], $0xffff;
	v35 =	vmul.f32 v20, v60;
	v17 =	vadd.f32 v18, v17  }
0x182: {  	v38 =	vor.u32 $0x8, v19;
	v37 =	vld.idx.msk [tilespmem:v61+s15+$0x0], $0xffff  }
0x183: {  	v40 =	vld.idx.msk [tilespmem:v63+s14+$0x0], $0xffff;
	v39 =	vmul.f32 v23, v62;
	v17 =	vadd.f32 v35, v17  }
0x184: {  	v42 =	vor.u32 $0x9, v19;
	v41 =	vld.idx.msk [tilespmem:v63+s15+$0x0], $0xffff  }
0x185: {  	v44 =	vld.idx.msk [tilespmem:v34+s14+$0x0], $0xffff;
	v43 =	vmul.f32 v33, v32;
	v17 =	vadd.f32 v39, v17  }
0x186: {  	v46 =	vor.u32 $0xA, v19;
	v45 =	vld.idx.msk [tilespmem:v34+s15+$0x0], $0xffff  }
0x187: {  	v48 =	vld.idx.msk [tilespmem:v38+s14+$0x0], $0xffff;
	v47 =	vmul.f32 v37, v36;
	v17 =	vadd.f32 v43, v17  }
0x188: {  	v49 =	vld.idx.msk [tilespmem:v38+s15+$0x0], $0xffff;
	v50 =	vor.u32 $0xB, v19  }
0x189: {  	v52 =	vld.idx.msk [tilespmem:v42+s14+$0x0], $0xffff;
	v51 =	vmul.f32 v41, v40;
	v17 =	vadd.f32 v47, v17  }
0x18a: {  	v53 =	vld.idx.msk [tilespmem:v42+s15+$0x0], $0xffff;
	v54 =	vor.u32 $0xC, v19  }
0x18b: {  	v57 =	vld.idx.msk [tilespmem:v46+s15+$0x0], $0xffff;
	v55 =	vmul.f32 v45, v44;
	v17 =	vadd.f32 v51, v17  }
0x18c: {  	v56 =	vld.idx.msk [tilespmem:v46+s14+$0x0], $0xffff;
	v58 =	vor.u32 $0xD, v19  }
0x18d: {  	v59 =	vmul.f32 v49, v48;
	v60 =	vld.idx.msk [tilespmem:v50+s14+$0x0], $0xffff;
	v17 =	vadd.f32 v55, v17  }
0x18e: {  	v61 =	vld.idx.msk [tilespmem:v50+s15+$0x0], $0xffff;
	v62 =	vor.u32 $0xE, v19  }
0x18f: {  	v63 =	vmul.f32 v53, v52;
	v29 =	vld.idx.msk [tilespmem:v54+s14+$0x0], $0xffff;
	v17 =	vadd.f32 v59, v17  }
0x190: {  	v30 =	vld.idx.msk [tilespmem:v54+s15+$0x0], $0xffff;
	v19 =	vor.u32 $0xF, v19  }
0x191: {  	v31 =	vmul.f32 v57, v56;
	v32 =	vld.idx.msk [tilespmem:v58+s14+$0x0], $0xffff;
	v17 =	vadd.f32 v63, v17  }
0x192: {  	v33 =	vld.idx.msk [tilespmem:v58+s15+$0x0], $0xffff  }
0x193: {  	v34 =	vmul.f32 v61, v60;
	v36 =	vld.idx.msk [tilespmem:v62+s15+$0x0], $0xffff;
	v17 =	vadd.f32 v31, v17  }
0x194: {  	v35 =	vld.idx.msk [tilespmem:v62+s14+$0x0], $0xffff  }
0x195: {  	v37 =	vmul.f32 v30, v29;
	v38 =	vld.idx.msk [tilespmem:v19+s14+$0x0], $0xffff;
	v17 =	vadd.f32 v34, v17  }
0x196: {  	v19 =	vld.idx.msk [tilespmem:v19+s15+$0x0], $0xffff  }
0x197: {  	v39 =	vmul.f32 v33, v32;
	v17 =	vadd.f32 v37, v17  }
0x198: {  	v40 =	vld [tilespmem:s31+$0x2090]  }
0x199: {  	v41 =	vmul.f32 v36, v35;
	v17 =	vadd.f32 v39, v17;
	_ =	sdelay $0x1  }
0x19a: {  	v42 =	vmul.f32 v19, v38;
	v17 =	vadd.f32 v41, v17  }
0x19b: {  	v19 =	vor.u32 v7, v16  }
0x19c: {  	v17 =	vadd.f32 v42, v17  }
0x19d: {  	v43 =	vor.u32 $0x1, v19  }
0x19e: {  	[tilespmem:s31+$0x7080] =	vst v17  }
0x19f: {  	v44 =	vor.u32 $0x2, v19;
	v17 =	vld.idx.msk [tilespmem:v40+s1+$0x0], $0xffff  }
0x1a0: {  	v45 =	vld.idx.msk [tilespmem:v19+s14+$0x0], $0xffff  }
0x1a1: {  	v47 =	vor.u32 $0x3, v19;
	v46 =	vld.idx.msk [tilespmem:v19+s15+$0x0], $0xffff  }
0x1a2: {  	v48 =	vld.idx.msk [tilespmem:v43+s14+$0x0], $0xffff  }
0x1a3: {  	v49 =	vor.u32 $0x4, v19;
	v18 =	vld.idx.msk [tilespmem:v43+s15+$0x0], $0xffff  }
0x1a4: {  	v50 =	vld.idx.msk [tilespmem:v44+s14+$0x0], $0xffff  }
0x1a5: {  	v51 =	vor.u32 $0x5, v19;
	v20 =	vld.idx.msk [tilespmem:v44+s15+$0x0], $0xffff  }
0x1a6: {  	v52 =	vld.idx.msk [tilespmem:v47+s14+$0x0], $0xffff;
	v21 =	vmul.f32 v46, v45  }
0x1a7: {  	v53 =	vor.u32 $0x6, v19;
	v23 =	vld.idx.msk [tilespmem:v47+s15+$0x0], $0xffff  }
0x1a8: {  	v54 =	vld.idx.msk [tilespmem:v49+s14+$0x0], $0xffff;
	v18 =	vmul.f32 v18, v48;
	v17 =	vadd.f32 v21, v17  }
0x1a9: {  	v56 =	vor.u32 $0x7, v19;
	v55 =	vld.idx.msk [tilespmem:v49+s15+$0x0], $0xffff  }
0x1aa: {  	v58 =	vld.idx.msk [tilespmem:v51+s14+$0x0], $0xffff;
	v57 =	vmul.f32 v20, v50;
	v17 =	vadd.f32 v18, v17  }
0x1ab: {  	v60 =	vor.u32 $0x8, v19;
	v59 =	vld.idx.msk [tilespmem:v51+s15+$0x0], $0xffff  }
0x1ac: {  	v62 =	vld.idx.msk [tilespmem:v53+s14+$0x0], $0xffff;
	v61 =	vmul.f32 v23, v52;
	v17 =	vadd.f32 v57, v17  }
0x1ad: {  	v32 =	vor.u32 $0x9, v19;
	v63 =	vld.idx.msk [tilespmem:v53+s15+$0x0], $0xffff  }
0x1ae: {  	v34 =	vld.idx.msk [tilespmem:v56+s14+$0x0], $0xffff;
	v33 =	vmul.f32 v55, v54;
	v17 =	vadd.f32 v61, v17  }
0x1af: {  	v36 =	vor.u32 $0xA, v19;
	v35 =	vld.idx.msk [tilespmem:v56+s15+$0x0], $0xffff  }
0x1b0: {  	v38 =	vld.idx.msk [tilespmem:v60+s14+$0x0], $0xffff;
	v37 =	vmul.f32 v59, v58;
	v17 =	vadd.f32 v33, v17  }
0x1b1: {  	v39 =	vld.idx.msk [tilespmem:v60+s15+$0x0], $0xffff;
	v40 =	vor.u32 $0xB, v19  }
0x1b2: {  	v42 =	vld.idx.msk [tilespmem:v32+s14+$0x0], $0xffff;
	v41 =	vmul.f32 v63, v62;
	v17 =	vadd.f32 v37, v17  }
0x1b3: {  	v43 =	vld.idx.msk [tilespmem:v32+s15+$0x0], $0xffff;
	v44 =	vor.u32 $0xC, v19  }
0x1b4: {  	v47 =	vld.idx.msk [tilespmem:v36+s15+$0x0], $0xffff;
	v45 =	vmul.f32 v35, v34;
	v17 =	vadd.f32 v41, v17  }
0x1b5: {  	v46 =	vld.idx.msk [tilespmem:v36+s14+$0x0], $0xffff;
	v48 =	vor.u32 $0xD, v19  }
0x1b6: {  	v49 =	vmul.f32 v39, v38;
	v50 =	vld.idx.msk [tilespmem:v40+s14+$0x0], $0xffff;
	v17 =	vadd.f32 v45, v17  }
0x1b7: {  	v51 =	vld.idx.msk [tilespmem:v40+s15+$0x0], $0xffff;
	v52 =	vor.u32 $0xE, v19  }
0x1b8: {  	v53 =	vmul.f32 v43, v42;
	v54 =	vld.idx.msk [tilespmem:v44+s14+$0x0], $0xffff;
	v17 =	vadd.f32 v49, v17  }
0x1b9: {  	v55 =	vld.idx.msk [tilespmem:v44+s15+$0x0], $0xffff;
	v19 =	vor.u32 $0xF, v19  }
0x1ba: {  	v56 =	vmul.f32 v47, v46;
	v58 =	vld.idx.msk [tilespmem:v48+s15+$0x0], $0xffff;
	v17 =	vadd.f32 v53, v17  }
0x1bb: {  	v57 =	vld.idx.msk [tilespmem:v48+s14+$0x0], $0xffff  }
0x1bc: {  	v59 =	vmul.f32 v51, v50;
	v60 =	vld.idx.msk [tilespmem:v52+s14+$0x0], $0xffff;
	v17 =	vadd.f32 v56, v17  }
0x1bd: {  	v61 =	vld.idx.msk [tilespmem:v52+s15+$0x0], $0xffff  }
0x1be: {  	v62 =	vmul.f32 v55, v54;
	v63 =	vld.idx.msk [tilespmem:v19+s14+$0x0], $0xffff;
	v17 =	vadd.f32 v59, v17  }
0x1bf: {  	v19 =	vld.idx.msk [tilespmem:v19+s15+$0x0], $0xffff  }
0x1c0: {  	v26 =	vmul.f32 v58, v57;
	v17 =	vadd.f32 v62, v17  }
0x1c1: {  	v27 =	vld [tilespmem:s31+$0x20A0]  }
0x1c2: {  	v28 =	vmul.f32 v61, v60;
	v17 =	vadd.f32 v26, v17;
	_ =	sdelay $0x1  }
0x1c3: {  	v29 =	vmul.f32 v19, v63;
	v17 =	vadd.f32 v28, v17  }
0x1c4: {  	v19 =	vor.u32 v6, v16  }
0x1c5: {  	v17 =	vadd.f32 v29, v17  }
0x1c6: {  	v30 =	vor.u32 $0x1, v19  }
0x1c7: {  	[tilespmem:s31+$0x7090] =	vst v17  }
0x1c8: {  	v31 =	vor.u32 $0x2, v19;
	v17 =	vld.idx.msk [tilespmem:v27+s1+$0x0], $0xffff  }
0x1c9: {  	v32 =	vld.idx.msk [tilespmem:v19+s14+$0x0], $0xffff  }
0x1ca: {  	v34 =	vor.u32 $0x3, v19;
	v33 =	vld.idx.msk [tilespmem:v19+s15+$0x0], $0xffff  }
0x1cb: {  	v35 =	vld.idx.msk [tilespmem:v30+s14+$0x0], $0xffff  }
0x1cc: {  	v36 =	vor.u32 $0x4, v19;
	v18 =	vld.idx.msk [tilespmem:v30+s15+$0x0], $0xffff  }
0x1cd: {  	v37 =	vld.idx.msk [tilespmem:v31+s14+$0x0], $0xffff  }
0x1ce: {  	v38 =	vor.u32 $0x5, v19;
	v20 =	vld.idx.msk [tilespmem:v31+s15+$0x0], $0xffff  }
0x1cf: {  	v39 =	vld.idx.msk [tilespmem:v34+s14+$0x0], $0xffff;
	v21 =	vmul.f32 v33, v32  }
0x1d0: {  	v40 =	vor.u32 $0x6, v19;
	v23 =	vld.idx.msk [tilespmem:v34+s15+$0x0], $0xffff  }
0x1d1: {  	v41 =	vld.idx.msk [tilespmem:v36+s14+$0x0], $0xffff;
	v18 =	vmul.f32 v18, v35;
	v17 =	vadd.f32 v21, v17  }
0x1d2: {  	v43 =	vor.u32 $0x7, v19;
	v42 =	vld.idx.msk [tilespmem:v36+s15+$0x0], $0xffff  }
0x1d3: {  	v45 =	vld.idx.msk [tilespmem:v38+s14+$0x0], $0xffff;
	v44 =	vmul.f32 v20, v37;
	v17 =	vadd.f32 v18, v17  }
0x1d4: {  	v47 =	vor.u32 $0x8, v19;
	v46 =	vld.idx.msk [tilespmem:v38+s15+$0x0], $0xffff  }
0x1d5: {  	v49 =	vld.idx.msk [tilespmem:v40+s14+$0x0], $0xffff;
	v48 =	vmul.f32 v23, v39;
	v17 =	vadd.f32 v44, v17  }
0x1d6: {  	v51 =	vor.u32 $0x9, v19;
	v50 =	vld.idx.msk [tilespmem:v40+s15+$0x0], $0xffff  }
0x1d7: {  	v53 =	vld.idx.msk [tilespmem:v43+s14+$0x0], $0xffff;
	v52 =	vmul.f32 v42, v41;
	v17 =	vadd.f32 v48, v17  }
0x1d8: {  	v55 =	vor.u32 $0xA, v19;
	v54 =	vld.idx.msk [tilespmem:v43+s15+$0x0], $0xffff  }
0x1d9: {  	v57 =	vld.idx.msk [tilespmem:v47+s14+$0x0], $0xffff;
	v56 =	vmul.f32 v46, v45;
	v17 =	vadd.f32 v52, v17  }
0x1da: {  	v59 =	vor.u32 $0xB, v19;
	v58 =	vld.idx.msk [tilespmem:v47+s15+$0x0], $0xffff  }
0x1db: {  	v61 =	vld.idx.msk [tilespmem:v51+s14+$0x0], $0xffff;
	v60 =	vmul.f32 v50, v49;
	v17 =	vadd.f32 v56, v17  }
0x1dc: {  	v63 =	vor.u32 $0xC, v19;
	v62 =	vld.idx.msk [tilespmem:v51+s15+$0x0], $0xffff  }
0x1dd: {  	v31 =	vld.idx.msk [tilespmem:v55+s14+$0x0], $0xffff;
	v30 =	vmul.f32 v54, v53;
	v17 =	vadd.f32 v60, v17  }
0x1de: {  	v32 =	vld.idx.msk [tilespmem:v55+s15+$0x0], $0xffff;
	v33 =	vor.u32 $0xD, v19  }
0x1df: {  	v36 =	vld.idx.msk [tilespmem:v59+s15+$0x0], $0xffff;
	v34 =	vmul.f32 v58, v57;
	v17 =	vadd.f32 v30, v17  }
0x1e0: {  	v35 =	vld.idx.msk [tilespmem:v59+s14+$0x0], $0xffff;
	v37 =	vor.u32 $0xE, v19  }
0x1e1: {  	v40 =	vld.idx.msk [tilespmem:v63+s15+$0x0], $0xffff;
	v38 =	vmul.f32 v62, v61;
	v17 =	vadd.f32 v34, v17  }
0x1e2: {  	v39 =	vld.idx.msk [tilespmem:v63+s14+$0x0], $0xffff;
	v19 =	vor.u32 $0xF, v19  }
0x1e3: {  	v41 =	vmul.f32 v32, v31;
	v42 =	vld.idx.msk [tilespmem:v33+s14+$0x0], $0xffff;
	v17 =	vadd.f32 v38, v17  }
0x1e4: {  	v43 =	vld.idx.msk [tilespmem:v33+s15+$0x0], $0xffff  }
0x1e5: {  	v45 =	vld.idx.msk [tilespmem:v37+s14+$0x0], $0xffff;
	v44 =	vmul.f32 v36, v35;
	v17 =	vadd.f32 v41, v17  }
0x1e6: {  	v46 =	vld.idx.msk [tilespmem:v37+s15+$0x0], $0xffff  }
0x1e7: {  	v47 =	vmul.f32 v40, v39;
	v48 =	vld.idx.msk [tilespmem:v19+s14+$0x0], $0xffff;
	v17 =	vadd.f32 v44, v17  }
0x1e8: {  	v19 =	vld.idx.msk [tilespmem:v19+s15+$0x0], $0xffff  }
0x1e9: {  	v49 =	vmul.f32 v43, v42;
	v17 =	vadd.f32 v47, v17  }
0x1ea: {  	v50 =	vld [tilespmem:s31+$0x20B0]  }
0x1eb: {  	v51 =	vmul.f32 v46, v45;
	v17 =	vadd.f32 v49, v17;
	_ =	sdelay $0x1  }
0x1ec: {  	v52 =	vmul.f32 v19, v48;
	v17 =	vadd.f32 v51, v17  }
0x1ed: {  	v19 =	vor.u32 v5, v16  }
0x1ee: {  	v17 =	vadd.f32 v52, v17  }
0x1ef: {  	v53 =	vor.u32 $0x1, v19  }
0x1f0: {  	[tilespmem:s31+$0x70A0] =	vst v17  }
0x1f1: {  	v54 =	vor.u32 $0x2, v19;
	v17 =	vld.idx.msk [tilespmem:v50+s1+$0x0], $0xffff  }
0x1f2: {  	v55 =	vld.idx.msk [tilespmem:v19+s14+$0x0], $0xffff  }
0x1f3: {  	v57 =	vor.u32 $0x3, v19;
	v56 =	vld.idx.msk [tilespmem:v19+s15+$0x0], $0xffff  }
0x1f4: {  	v58 =	vld.idx.msk [tilespmem:v53+s14+$0x0], $0xffff  }
0x1f5: {  	v59 =	vor.u32 $0x4, v19;
	v18 =	vld.idx.msk [tilespmem:v53+s15+$0x0], $0xffff  }
0x1f6: {  	v60 =	vld.idx.msk [tilespmem:v54+s14+$0x0], $0xffff  }
0x1f7: {  	v61 =	vor.u32 $0x5, v19;
	v20 =	vld.idx.msk [tilespmem:v54+s15+$0x0], $0xffff  }
0x1f8: {  	v62 =	vld.idx.msk [tilespmem:v57+s14+$0x0], $0xffff;
	v21 =	vmul.f32 v56, v55  }
0x1f9: {  	v63 =	vor.u32 $0x6, v19;
	v23 =	vld.idx.msk [tilespmem:v57+s15+$0x0], $0xffff  }
0x1fa: {  	v32 =	vld.idx.msk [tilespmem:v59+s14+$0x0], $0xffff;
	v18 =	vmul.f32 v18, v58;
	v17 =	vadd.f32 v21, v17  }
0x1fb: {  	v34 =	vor.u32 $0x7, v19;
	v33 =	vld.idx.msk [tilespmem:v59+s15+$0x0], $0xffff  }
0x1fc: {  	v36 =	vld.idx.msk [tilespmem:v61+s14+$0x0], $0xffff;
	v35 =	vmul.f32 v20, v60;
	v17 =	vadd.f32 v18, v17  }
0x1fd: {  	v38 =	vor.u32 $0x8, v19;
	v37 =	vld.idx.msk [tilespmem:v61+s15+$0x0], $0xffff  }
0x1fe: {  	v40 =	vld.idx.msk [tilespmem:v63+s14+$0x0], $0xffff;
	v39 =	vmul.f32 v23, v62;
	v17 =	vadd.f32 v35, v17  }
0x1ff: {  	v42 =	vor.u32 $0x9, v19;
	v41 =	vld.idx.msk [tilespmem:v63+s15+$0x0], $0xffff  }
0x200: {  	v44 =	vld.idx.msk [tilespmem:v34+s14+$0x0], $0xffff;
	v43 =	vmul.f32 v33, v32;
	v17 =	vadd.f32 v39, v17  }
0x201: {  	v46 =	vor.u32 $0xA, v19;
	v45 =	vld.idx.msk [tilespmem:v34+s15+$0x0], $0xffff  }
0x202: {  	v48 =	vld.idx.msk [tilespmem:v38+s14+$0x0], $0xffff;
	v47 =	vmul.f32 v37, v36;
	v17 =	vadd.f32 v43, v17  }
0x203: {  	v49 =	vld.idx.msk [tilespmem:v38+s15+$0x0], $0xffff;
	v50 =	vor.u32 $0xB, v19  }
0x204: {  	v52 =	vld.idx.msk [tilespmem:v42+s14+$0x0], $0xffff;
	v51 =	vmul.f32 v41, v40;
	v17 =	vadd.f32 v47, v17  }
0x205: {  	v53 =	vld.idx.msk [tilespmem:v42+s15+$0x0], $0xffff;
	v54 =	vor.u32 $0xC, v19  }
0x206: {  	v57 =	vld.idx.msk [tilespmem:v46+s15+$0x0], $0xffff;
	v55 =	vmul.f32 v45, v44;
	v17 =	vadd.f32 v51, v17  }
0x207: {  	v56 =	vld.idx.msk [tilespmem:v46+s14+$0x0], $0xffff;
	v58 =	vor.u32 $0xD, v19  }
0x208: {  	v59 =	vmul.f32 v49, v48;
	v60 =	vld.idx.msk [tilespmem:v50+s14+$0x0], $0xffff;
	v17 =	vadd.f32 v55, v17  }
0x209: {  	v61 =	vld.idx.msk [tilespmem:v50+s15+$0x0], $0xffff;
	v62 =	vor.u32 $0xE, v19  }
0x20a: {  	v63 =	vmul.f32 v53, v52;
	v29 =	vld.idx.msk [tilespmem:v54+s14+$0x0], $0xffff;
	v17 =	vadd.f32 v59, v17  }
0x20b: {  	v30 =	vld.idx.msk [tilespmem:v54+s15+$0x0], $0xffff;
	v19 =	vor.u32 $0xF, v19  }
0x20c: {  	v31 =	vmul.f32 v57, v56;
	v32 =	vld.idx.msk [tilespmem:v58+s14+$0x0], $0xffff;
	v17 =	vadd.f32 v63, v17  }
0x20d: {  	v33 =	vld.idx.msk [tilespmem:v58+s15+$0x0], $0xffff  }
0x20e: {  	v34 =	vmul.f32 v61, v60;
	v36 =	vld.idx.msk [tilespmem:v62+s15+$0x0], $0xffff;
	v17 =	vadd.f32 v31, v17  }
0x20f: {  	v35 =	vld.idx.msk [tilespmem:v62+s14+$0x0], $0xffff  }
0x210: {  	v37 =	vmul.f32 v30, v29;
	v38 =	vld.idx.msk [tilespmem:v19+s14+$0x0], $0xffff;
	v17 =	vadd.f32 v34, v17  }
0x211: {  	v19 =	vld.idx.msk [tilespmem:v19+s15+$0x0], $0xffff  }
0x212: {  	v39 =	vmul.f32 v33, v32;
	v17 =	vadd.f32 v37, v17  }
0x213: {  	v40 =	vld [tilespmem:s31+$0x20C0]  }
0x214: {  	v41 =	vmul.f32 v36, v35;
	v17 =	vadd.f32 v39, v17;
	_ =	sdelay $0x1  }
0x215: {  	v42 =	vmul.f32 v19, v38;
	v17 =	vadd.f32 v41, v17  }
0x216: {  	v19 =	vor.u32 v4, v16  }
0x217: {  	v17 =	vadd.f32 v42, v17  }
0x218: {  	v43 =	vor.u32 $0x1, v19  }
0x219: {  	[tilespmem:s31+$0x70B0] =	vst v17  }
0x21a: {  	v44 =	vor.u32 $0x2, v19;
	v17 =	vld.idx.msk [tilespmem:v40+s1+$0x0], $0xffff  }
0x21b: {  	v45 =	vld.idx.msk [tilespmem:v19+s14+$0x0], $0xffff  }
0x21c: {  	v47 =	vor.u32 $0x3, v19;
	v46 =	vld.idx.msk [tilespmem:v19+s15+$0x0], $0xffff  }
0x21d: {  	v48 =	vld.idx.msk [tilespmem:v43+s14+$0x0], $0xffff  }
0x21e: {  	v49 =	vor.u32 $0x4, v19;
	v18 =	vld.idx.msk [tilespmem:v43+s15+$0x0], $0xffff  }
0x21f: {  	v50 =	vld.idx.msk [tilespmem:v44+s14+$0x0], $0xffff  }
0x220: {  	v51 =	vor.u32 $0x5, v19;
	v20 =	vld.idx.msk [tilespmem:v44+s15+$0x0], $0xffff  }
0x221: {  	v52 =	vld.idx.msk [tilespmem:v47+s14+$0x0], $0xffff;
	v21 =	vmul.f32 v46, v45  }
0x222: {  	v53 =	vor.u32 $0x6, v19;
	v23 =	vld.idx.msk [tilespmem:v47+s15+$0x0], $0xffff  }
0x223: {  	v54 =	vld.idx.msk [tilespmem:v49+s14+$0x0], $0xffff;
	v18 =	vmul.f32 v18, v48;
	v17 =	vadd.f32 v21, v17  }
0x224: {  	v56 =	vor.u32 $0x7, v19;
	v55 =	vld.idx.msk [tilespmem:v49+s15+$0x0], $0xffff  }
0x225: {  	v58 =	vld.idx.msk [tilespmem:v51+s14+$0x0], $0xffff;
	v57 =	vmul.f32 v20, v50;
	v17 =	vadd.f32 v18, v17  }
0x226: {  	v60 =	vor.u32 $0x8, v19;
	v59 =	vld.idx.msk [tilespmem:v51+s15+$0x0], $0xffff  }
0x227: {  	v62 =	vld.idx.msk [tilespmem:v53+s14+$0x0], $0xffff;
	v61 =	vmul.f32 v23, v52;
	v17 =	vadd.f32 v57, v17  }
0x228: {  	v32 =	vor.u32 $0x9, v19;
	v63 =	vld.idx.msk [tilespmem:v53+s15+$0x0], $0xffff  }
0x229: {  	v34 =	vld.idx.msk [tilespmem:v56+s14+$0x0], $0xffff;
	v33 =	vmul.f32 v55, v54;
	v17 =	vadd.f32 v61, v17  }
0x22a: {  	v36 =	vor.u32 $0xA, v19;
	v35 =	vld.idx.msk [tilespmem:v56+s15+$0x0], $0xffff  }
0x22b: {  	v38 =	vld.idx.msk [tilespmem:v60+s14+$0x0], $0xffff;
	v37 =	vmul.f32 v59, v58;
	v17 =	vadd.f32 v33, v17  }
0x22c: {  	v39 =	vld.idx.msk [tilespmem:v60+s15+$0x0], $0xffff;
	v40 =	vor.u32 $0xB, v19  }
0x22d: {  	v42 =	vld.idx.msk [tilespmem:v32+s14+$0x0], $0xffff;
	v41 =	vmul.f32 v63, v62;
	v17 =	vadd.f32 v37, v17  }
0x22e: {  	v43 =	vld.idx.msk [tilespmem:v32+s15+$0x0], $0xffff;
	v44 =	vor.u32 $0xC, v19  }
0x22f: {  	v47 =	vld.idx.msk [tilespmem:v36+s15+$0x0], $0xffff;
	v45 =	vmul.f32 v35, v34;
	v17 =	vadd.f32 v41, v17  }
0x230: {  	v46 =	vld.idx.msk [tilespmem:v36+s14+$0x0], $0xffff;
	v48 =	vor.u32 $0xD, v19  }
0x231: {  	v49 =	vmul.f32 v39, v38;
	v50 =	vld.idx.msk [tilespmem:v40+s14+$0x0], $0xffff;
	v17 =	vadd.f32 v45, v17  }
0x232: {  	v51 =	vld.idx.msk [tilespmem:v40+s15+$0x0], $0xffff;
	v52 =	vor.u32 $0xE, v19  }
0x233: {  	v53 =	vmul.f32 v43, v42;
	v54 =	vld.idx.msk [tilespmem:v44+s14+$0x0], $0xffff;
	v17 =	vadd.f32 v49, v17  }
0x234: {  	v55 =	vld.idx.msk [tilespmem:v44+s15+$0x0], $0xffff;
	v19 =	vor.u32 $0xF, v19  }
0x235: {  	v56 =	vmul.f32 v47, v46;
	v58 =	vld.idx.msk [tilespmem:v48+s15+$0x0], $0xffff;
	v17 =	vadd.f32 v53, v17  }
0x236: {  	v57 =	vld.idx.msk [tilespmem:v48+s14+$0x0], $0xffff  }
0x237: {  	v59 =	vmul.f32 v51, v50;
	v60 =	vld.idx.msk [tilespmem:v52+s14+$0x0], $0xffff;
	v17 =	vadd.f32 v56, v17  }
0x238: {  	v61 =	vld.idx.msk [tilespmem:v52+s15+$0x0], $0xffff  }
0x239: {  	v62 =	vmul.f32 v55, v54;
	v63 =	vld.idx.msk [tilespmem:v19+s14+$0x0], $0xffff;
	v17 =	vadd.f32 v59, v17  }
0x23a: {  	v19 =	vld.idx.msk [tilespmem:v19+s15+$0x0], $0xffff  }
0x23b: {  	v26 =	vmul.f32 v58, v57;
	v17 =	vadd.f32 v62, v17  }
0x23c: {  	v27 =	vld [tilespmem:s31+$0x20D0]  }
0x23d: {  	v28 =	vmul.f32 v61, v60;
	v17 =	vadd.f32 v26, v17;
	_ =	sdelay $0x1  }
0x23e: {  	v29 =	vmul.f32 v19, v63;
	v17 =	vadd.f32 v28, v17  }
0x23f: {  	v19 =	vor.u32 v3, v16  }
0x240: {  	v17 =	vadd.f32 v29, v17  }
0x241: {  	v30 =	vor.u32 $0x1, v19  }
0x242: {  	[tilespmem:s31+$0x70C0] =	vst v17  }
0x243: {  	v31 =	vor.u32 $0x2, v19;
	v17 =	vld.idx.msk [tilespmem:v27+s1+$0x0], $0xffff  }
0x244: {  	v32 =	vld.idx.msk [tilespmem:v19+s14+$0x0], $0xffff  }
0x245: {  	v34 =	vor.u32 $0x3, v19;
	v33 =	vld.idx.msk [tilespmem:v19+s15+$0x0], $0xffff  }
0x246: {  	v35 =	vld.idx.msk [tilespmem:v30+s14+$0x0], $0xffff  }
0x247: {  	v36 =	vor.u32 $0x4, v19;
	v18 =	vld.idx.msk [tilespmem:v30+s15+$0x0], $0xffff  }
0x248: {  	v37 =	vld.idx.msk [tilespmem:v31+s14+$0x0], $0xffff  }
0x249: {  	v38 =	vor.u32 $0x5, v19;
	v20 =	vld.idx.msk [tilespmem:v31+s15+$0x0], $0xffff  }
0x24a: {  	v39 =	vld.idx.msk [tilespmem:v34+s14+$0x0], $0xffff;
	v21 =	vmul.f32 v33, v32  }
0x24b: {  	v40 =	vor.u32 $0x6, v19;
	v23 =	vld.idx.msk [tilespmem:v34+s15+$0x0], $0xffff  }
0x24c: {  	v41 =	vld.idx.msk [tilespmem:v36+s14+$0x0], $0xffff;
	v18 =	vmul.f32 v18, v35;
	v17 =	vadd.f32 v21, v17  }
0x24d: {  	v43 =	vor.u32 $0x7, v19;
	v42 =	vld.idx.msk [tilespmem:v36+s15+$0x0], $0xffff  }
0x24e: {  	v45 =	vld.idx.msk [tilespmem:v38+s14+$0x0], $0xffff;
	v44 =	vmul.f32 v20, v37;
	v17 =	vadd.f32 v18, v17  }
0x24f: {  	v47 =	vor.u32 $0x8, v19;
	v46 =	vld.idx.msk [tilespmem:v38+s15+$0x0], $0xffff  }
0x250: {  	v49 =	vld.idx.msk [tilespmem:v40+s14+$0x0], $0xffff;
	v48 =	vmul.f32 v23, v39;
	v17 =	vadd.f32 v44, v17  }
0x251: {  	v51 =	vor.u32 $0x9, v19;
	v50 =	vld.idx.msk [tilespmem:v40+s15+$0x0], $0xffff  }
0x252: {  	v53 =	vld.idx.msk [tilespmem:v43+s14+$0x0], $0xffff;
	v52 =	vmul.f32 v42, v41;
	v17 =	vadd.f32 v48, v17  }
0x253: {  	v55 =	vor.u32 $0xA, v19;
	v54 =	vld.idx.msk [tilespmem:v43+s15+$0x0], $0xffff  }
0x254: {  	v57 =	vld.idx.msk [tilespmem:v47+s14+$0x0], $0xffff;
	v56 =	vmul.f32 v46, v45;
	v17 =	vadd.f32 v52, v17  }
0x255: {  	v59 =	vor.u32 $0xB, v19;
	v58 =	vld.idx.msk [tilespmem:v47+s15+$0x0], $0xffff  }
0x256: {  	v61 =	vld.idx.msk [tilespmem:v51+s14+$0x0], $0xffff;
	v60 =	vmul.f32 v50, v49;
	v17 =	vadd.f32 v56, v17  }
0x257: {  	v63 =	vor.u32 $0xC, v19;
	v62 =	vld.idx.msk [tilespmem:v51+s15+$0x0], $0xffff  }
0x258: {  	v31 =	vld.idx.msk [tilespmem:v55+s14+$0x0], $0xffff;
	v30 =	vmul.f32 v54, v53;
	v17 =	vadd.f32 v60, v17  }
0x259: {  	v32 =	vld.idx.msk [tilespmem:v55+s15+$0x0], $0xffff;
	v33 =	vor.u32 $0xD, v19  }
0x25a: {  	v36 =	vld.idx.msk [tilespmem:v59+s15+$0x0], $0xffff;
	v34 =	vmul.f32 v58, v57;
	v17 =	vadd.f32 v30, v17  }
0x25b: {  	v35 =	vld.idx.msk [tilespmem:v59+s14+$0x0], $0xffff;
	v37 =	vor.u32 $0xE, v19  }
0x25c: {  	v40 =	vld.idx.msk [tilespmem:v63+s15+$0x0], $0xffff;
	v38 =	vmul.f32 v62, v61;
	v17 =	vadd.f32 v34, v17  }
0x25d: {  	v39 =	vld.idx.msk [tilespmem:v63+s14+$0x0], $0xffff;
	v19 =	vor.u32 $0xF, v19  }
0x25e: {  	v41 =	vmul.f32 v32, v31;
	v42 =	vld.idx.msk [tilespmem:v33+s14+$0x0], $0xffff;
	v17 =	vadd.f32 v38, v17  }
0x25f: {  	v43 =	vld.idx.msk [tilespmem:v33+s15+$0x0], $0xffff  }
0x260: {  	v45 =	vld.idx.msk [tilespmem:v37+s14+$0x0], $0xffff;
	v44 =	vmul.f32 v36, v35;
	v17 =	vadd.f32 v41, v17  }
0x261: {  	v46 =	vld.idx.msk [tilespmem:v37+s15+$0x0], $0xffff  }
0x262: {  	v47 =	vmul.f32 v40, v39;
	v48 =	vld.idx.msk [tilespmem:v19+s14+$0x0], $0xffff;
	v17 =	vadd.f32 v44, v17  }
0x263: {  	v19 =	vld.idx.msk [tilespmem:v19+s15+$0x0], $0xffff  }
0x264: {  	v49 =	vmul.f32 v43, v42;
	v17 =	vadd.f32 v47, v17  }
0x265: {  	v50 =	vld [tilespmem:s31+$0x20E0]  }
0x266: {  	v51 =	vmul.f32 v46, v45;
	v17 =	vadd.f32 v49, v17;
	_ =	sdelay $0x1  }
0x267: {  	v52 =	vmul.f32 v19, v48;
	v17 =	vadd.f32 v51, v17  }
0x268: {  	v19 =	vor.u32 v2, v16  }
0x269: {  	v17 =	vadd.f32 v52, v17  }
0x26a: {  	v53 =	vor.u32 $0x1, v19  }
0x26b: {  	[tilespmem:s31+$0x70D0] =	vst v17  }
0x26c: {  	v54 =	vor.u32 $0x2, v19;
	v17 =	vld.idx.msk [tilespmem:v50+s1+$0x0], $0xffff  }
0x26d: {  	v55 =	vld.idx.msk [tilespmem:v19+s14+$0x0], $0xffff  }
0x26e: {  	v57 =	vor.u32 $0x3, v19;
	v56 =	vld.idx.msk [tilespmem:v19+s15+$0x0], $0xffff  }
0x26f: {  	v58 =	vld.idx.msk [tilespmem:v53+s14+$0x0], $0xffff  }
0x270: {  	v59 =	vor.u32 $0x4, v19;
	v18 =	vld.idx.msk [tilespmem:v53+s15+$0x0], $0xffff  }
0x271: {  	v60 =	vld.idx.msk [tilespmem:v54+s14+$0x0], $0xffff  }
0x272: {  	v61 =	vor.u32 $0x5, v19;
	v20 =	vld.idx.msk [tilespmem:v54+s15+$0x0], $0xffff  }
0x273: {  	v62 =	vld.idx.msk [tilespmem:v57+s14+$0x0], $0xffff;
	v21 =	vmul.f32 v56, v55  }
0x274: {  	v63 =	vor.u32 $0x6, v19;
	v23 =	vld.idx.msk [tilespmem:v57+s15+$0x0], $0xffff  }
0x275: {  	v32 =	vld.idx.msk [tilespmem:v59+s14+$0x0], $0xffff;
	v18 =	vmul.f32 v18, v58;
	v17 =	vadd.f32 v21, v17  }
0x276: {  	v34 =	vor.u32 $0x7, v19;
	v33 =	vld.idx.msk [tilespmem:v59+s15+$0x0], $0xffff  }
0x277: {  	v36 =	vld.idx.msk [tilespmem:v61+s14+$0x0], $0xffff;
	v35 =	vmul.f32 v20, v60;
	v17 =	vadd.f32 v18, v17  }
0x278: {  	v38 =	vor.u32 $0x8, v19;
	v37 =	vld.idx.msk [tilespmem:v61+s15+$0x0], $0xffff  }
0x279: {  	v40 =	vld.idx.msk [tilespmem:v63+s14+$0x0], $0xffff;
	v39 =	vmul.f32 v23, v62;
	v17 =	vadd.f32 v35, v17  }
0x27a: {  	v42 =	vor.u32 $0x9, v19;
	v41 =	vld.idx.msk [tilespmem:v63+s15+$0x0], $0xffff  }
0x27b: {  	v44 =	vld.idx.msk [tilespmem:v34+s14+$0x0], $0xffff;
	v43 =	vmul.f32 v33, v32;
	v17 =	vadd.f32 v39, v17  }
0x27c: {  	v46 =	vor.u32 $0xA, v19;
	v45 =	vld.idx.msk [tilespmem:v34+s15+$0x0], $0xffff  }
0x27d: {  	v48 =	vld.idx.msk [tilespmem:v38+s14+$0x0], $0xffff;
	v47 =	vmul.f32 v37, v36;
	v17 =	vadd.f32 v43, v17  }
0x27e: {  	v49 =	vld.idx.msk [tilespmem:v38+s15+$0x0], $0xffff;
	v50 =	vor.u32 $0xB, v19  }
0x27f: {  	v52 =	vld.idx.msk [tilespmem:v42+s14+$0x0], $0xffff;
	v51 =	vmul.f32 v41, v40;
	v17 =	vadd.f32 v47, v17  }
0x280: {  	v53 =	vld.idx.msk [tilespmem:v42+s15+$0x0], $0xffff;
	v54 =	vor.u32 $0xC, v19  }
0x281: {  	v57 =	vld.idx.msk [tilespmem:v46+s15+$0x0], $0xffff;
	v55 =	vmul.f32 v45, v44;
	v17 =	vadd.f32 v51, v17  }
0x282: {  	v56 =	vld.idx.msk [tilespmem:v46+s14+$0x0], $0xffff;
	v58 =	vor.u32 $0xD, v19  }
0x283: {  	v59 =	vmul.f32 v49, v48;
	v60 =	vld.idx.msk [tilespmem:v50+s14+$0x0], $0xffff;
	v17 =	vadd.f32 v55, v17  }
0x284: {  	v61 =	vld.idx.msk [tilespmem:v50+s15+$0x0], $0xffff;
	v62 =	vor.u32 $0xE, v19  }
0x285: {  	v63 =	vmul.f32 v53, v52;
	v29 =	vld.idx.msk [tilespmem:v54+s14+$0x0], $0xffff;
	v17 =	vadd.f32 v59, v17  }
0x286: {  	v30 =	vld.idx.msk [tilespmem:v54+s15+$0x0], $0xffff;
	v19 =	vor.u32 $0xF, v19  }
0x287: {  	v31 =	vmul.f32 v57, v56;
	v32 =	vld.idx.msk [tilespmem:v58+s14+$0x0], $0xffff;
	v17 =	vadd.f32 v63, v17  }
0x288: {  	v33 =	vld.idx.msk [tilespmem:v58+s15+$0x0], $0xffff  }
0x289: {  	v34 =	vmul.f32 v61, v60;
	v36 =	vld.idx.msk [tilespmem:v62+s15+$0x0], $0xffff;
	v17 =	vadd.f32 v31, v17  }
0x28a: {  	v35 =	vld.idx.msk [tilespmem:v62+s14+$0x0], $0xffff  }
0x28b: {  	v37 =	vmul.f32 v30, v29;
	v38 =	vld.idx.msk [tilespmem:v19+s14+$0x0], $0xffff;
	v17 =	vadd.f32 v34, v17  }
0x28c: {  	v19 =	vld.idx.msk [tilespmem:v19+s15+$0x0], $0xffff  }
0x28d: {  	v39 =	vmul.f32 v33, v32;
	v17 =	vadd.f32 v37, v17  }
0x28e: {  	v40 =	vld [tilespmem:s31+$0x20F0]  }
0x28f: {  	v41 =	vmul.f32 v36, v35;
	v17 =	vadd.f32 v39, v17;
	_ =	sdelay $0x1  }
0x290: {  	v42 =	vmul.f32 v19, v38;
	v17 =	vadd.f32 v41, v17  }
0x291: {  	v16 =	vor.u32 v1, v16  }
0x292: {  	v17 =	vadd.f32 v42, v17  }
0x293: {  	v43 =	vor.u32 $0x1, v16  }
0x294: {  	[tilespmem:s31+$0x70E0] =	vst v17  }
0x295: {  	v44 =	vor.u32 $0x2, v16;
	v17 =	vld.idx.msk [tilespmem:v40+s1+$0x0], $0xffff  }
0x296: {  	v45 =	vld.idx.msk [tilespmem:v16+s14+$0x0], $0xffff  }
0x297: {  	v47 =	vor.u32 $0x3, v16;
	v46 =	vld.idx.msk [tilespmem:v16+s15+$0x0], $0xffff  }
0x298: {  	v48 =	vld.idx.msk [tilespmem:v43+s14+$0x0], $0xffff  }
0x299: {  	v49 =	vor.u32 $0x4, v16;
	v18 =	vld.idx.msk [tilespmem:v43+s15+$0x0], $0xffff  }
0x29a: {  	v50 =	vld.idx.msk [tilespmem:v44+s14+$0x0], $0xffff  }
0x29b: {  	v51 =	vor.u32 $0x5, v16;
	v19 =	vld.idx.msk [tilespmem:v44+s15+$0x0], $0xffff  }
0x29c: {  	v52 =	vld.idx.msk [tilespmem:v47+s14+$0x0], $0xffff;
	v20 =	vmul.f32 v46, v45  }
0x29d: {  	v53 =	vor.u32 $0x6, v16;
	v22 =	vld.idx.msk [tilespmem:v47+s15+$0x0], $0xffff  }
0x29e: {  	v54 =	vld.idx.msk [tilespmem:v49+s14+$0x0], $0xffff;
	v18 =	vmul.f32 v18, v48;
	v17 =	vadd.f32 v20, v17  }
0x29f: {  	v56 =	vor.u32 $0x7, v16;
	v55 =	vld.idx.msk [tilespmem:v49+s15+$0x0], $0xffff  }
0x2a0: {  	v58 =	vld.idx.msk [tilespmem:v51+s14+$0x0], $0xffff;
	v57 =	vmul.f32 v19, v50;
	v17 =	vadd.f32 v18, v17  }
0x2a1: {  	v60 =	vor.u32 $0x8, v16;
	v59 =	vld.idx.msk [tilespmem:v51+s15+$0x0], $0xffff  }
0x2a2: {  	v62 =	vld.idx.msk [tilespmem:v53+s14+$0x0], $0xffff;
	v61 =	vmul.f32 v22, v52;
	v17 =	vadd.f32 v57, v17  }
0x2a3: {  	v30 =	vor.u32 $0x9, v16;
	v63 =	vld.idx.msk [tilespmem:v53+s15+$0x0], $0xffff  }
0x2a4: {  	v32 =	vld.idx.msk [tilespmem:v56+s14+$0x0], $0xffff;
	v31 =	vmul.f32 v55, v54;
	v17 =	vadd.f32 v61, v17  }
0x2a5: {  	v34 =	vor.u32 $0xA, v16;
	v33 =	vld.idx.msk [tilespmem:v56+s15+$0x0], $0xffff  }
0x2a6: {  	v36 =	vld.idx.msk [tilespmem:v60+s14+$0x0], $0xffff;
	v35 =	vmul.f32 v59, v58;
	v17 =	vadd.f32 v31, v17  }
0x2a7: {  	v38 =	vor.u32 $0xB, v16;
	v37 =	vld.idx.msk [tilespmem:v60+s15+$0x0], $0xffff  }
0x2a8: {  	v40 =	vld.idx.msk [tilespmem:v30+s14+$0x0], $0xffff;
	v39 =	vmul.f32 v63, v62;
	v17 =	vadd.f32 v35, v17  }
0x2a9: {  	v42 =	vor.u32 $0xC, v16;
	v41 =	vld.idx.msk [tilespmem:v30+s15+$0x0], $0xffff  }
0x2aa: {  	v44 =	vld.idx.msk [tilespmem:v34+s14+$0x0], $0xffff;
	v43 =	vmul.f32 v33, v32;
	v17 =	vadd.f32 v39, v17  }
0x2ab: {  	v45 =	vld.idx.msk [tilespmem:v34+s15+$0x0], $0xffff;
	v46 =	vor.u32 $0xD, v16  }
0x2ac: {  	v49 =	vld.idx.msk [tilespmem:v38+s15+$0x0], $0xffff;
	v47 =	vmul.f32 v37, v36;
	v17 =	vadd.f32 v43, v17  }
0x2ad: {  	v48 =	vld.idx.msk [tilespmem:v38+s14+$0x0], $0xffff;
	v50 =	vor.u32 $0xE, v16  }
0x2ae: {  	v53 =	vld.idx.msk [tilespmem:v42+s15+$0x0], $0xffff;
	v51 =	vmul.f32 v41, v40;
	v17 =	vadd.f32 v47, v17  }
0x2af: {  	v52 =	vld.idx.msk [tilespmem:v42+s14+$0x0], $0xffff;
	v16 =	vor.u32 $0xF, v16  }
0x2b0: {  	v54 =	vmul.f32 v45, v44;
	v55 =	vld.idx.msk [tilespmem:v46+s14+$0x0], $0xffff;
	v17 =	vadd.f32 v51, v17  }
0x2b1: {  	v56 =	vld.idx.msk [tilespmem:v46+s15+$0x0], $0xffff  }
0x2b2: {  	v58 =	vld.idx.msk [tilespmem:v50+s14+$0x0], $0xffff;
	v57 =	vmul.f32 v49, v48;
	v17 =	vadd.f32 v54, v17  }
0x2b3: {  	v59 =	vld.idx.msk [tilespmem:v50+s15+$0x0], $0xffff  }
0x2b4: {  	v60 =	vmul.f32 v53, v52;
	v61 =	vld.idx.msk [tilespmem:v16+s14+$0x0], $0xffff;
	v17 =	vadd.f32 v57, v17  }
0x2b5: {  	v16 =	vld.idx.msk [tilespmem:v16+s15+$0x0], $0xffff  }
0x2b6: {  	v62 =	vmul.f32 v56, v55;
	v17 =	vadd.f32 v60, v17;
	_ =	sdelay $0x1  }
0x2b7: {  	s18 =	sadd.s32 $0x400, s18;
	v63 =	vmul.f32 v59, v58;
	v17 =	vadd.f32 v62, v17  }
0x2b8: {  	p0 =	sne.s32 s18, $0x4000  }
.Ltmp0:
0x2b9: {  	v16 =	vmul.f32 v16, v61;
	v17 =	vadd.f32 v63, v17;
	(pc) =	sbr.rel @p0 .LBB2_2-.Ltmp0, $3  }
0x2ba: {  	_ = 	snop  }
0x2bb: {  	v16 =	vadd.f32 v16, v17;
	_ =	sdelay $0x1  }
0x2bc: {  	s19 =	sadd.s32 $0x1, s19;
	[tilespmem:s31+$0x70F0] =	vst v16  }
0x2bd: {  	s17 =	sadd.s32 $0x1, s17  }
0x2be: {  	p0 =	sne.s32 s17, s9  }
.Ltmp1:
0x2bf: {  	_ = 	snop;
	(pc) =	sbr.rel @p0 .LBB2_1-.Ltmp1, $4  }
0x2c0: {  	[hbm4b:s8+s1] =	stream.linear.scatter [tilespmem:s16], [sflag:$0x5], $0x1000, $0x38;
	[tilespmem:$0x8000] =	vst v63  }
0x2c1: {  	_ =	swait.ge [sflag:s11], $0x1000  }
0x2c2: {  	[sflag:s11] =	ssyncset.done $0x0  }
0x2c3: {  	[sflag:s11] =	ssyncadd.s32 $0xFFFFF000  }
0x2c4: {  	_ =	sfence.sel $0x180000  }
0x2c5: {  	[bflag:$0x0] =	sbarrier.arrive $0xFFFF  }
0x2c6: {  	p0 =	sne.s32 s2, $0x0;
	_ =	strace $0x9000004A  }
0x2c7: {  	s0 =	sadd.s32 @!p0 $0x100000, s0;
	[bflag:$0x2] =	sbarrier.arrive $0xFFFF  }
0x2c8: {  	[sflag:s0] =	ssyncadd.tile.s32 @!p0 $0x1;
	_ =	shalt  }
.Lfunc_end2:
_tile_overlayer_lowered:
.L_overlay_start_2:
0x2c9: {  	(tag) =	ssettag $0x2  }
0x2ca: {  	s0 =	rddreg [dreg:$0x0];
	s2 =	stileid.u32  }
0x2cb: {  	s1 =	rddreg [dreg:$0x1];
	p0 =	sne.s32 s2, $0x0  }
0x2cc: {  	s3 =	rddreg [dreg:$0x2];
	[bflag:$0x3] =	sbarrier.arrive $0xFFFF;
	s2 =	simm.s32 @!p0 $0x1C05  }
0x2cd: {  	[timem:s3], [sflag:s2] =	dma.local @!p0 [hbm:s0], s1  }
0x2ce: {  	s0 =	simm.s32 @!p0 $0x5  }
0x2cf: {  	_ =	swait.ge @!p0 [sflag:s0], s1  }
0x2d0: {  	s1 =	ssub.s32 @!p0 $0x0, s1;
	[sflag:s0] =	ssyncset.done @!p0 $0x0  }
0x2d1: {  	[sflag:s0] =	ssyncadd.s32 @!p0 s1  }
0x2d2: {  	[bflag:$0x3] =	sbarrier.arrive $0xFFFF  }
0x2d3: {  	_ =	shalt  }

</sc_bundles>
